<compile_context>
chip_gen: v7x
topology: tpu7x:2x2x1
jax: 0.10.2.dev20260603
libtpu: 0.0.44.dev20260713+nightly
codegen_flags: <defaults>
</compile_context>

<pallas_src>
import functools

import jax
import jax.numpy as jnp
from jax import lax
from jax.experimental import pallas as pl
from jax.experimental.pallas import tpu as pltpu
from jax.experimental.pallas import tpu_sc as plsc

HIDDEN = 128
N_AA = 20
PEP_LENGTH = 15
MAX_TCR_LEN = 27
TOT_LEN = MAX_TCR_LEN + PEP_LENGTH
VOCAB = N_AA + 1
ENC_DIM = 32 + N_AA
VOC_PAD = 32
ENC_PAD = 128
G4 = 4 * HIDDEN
NB = 8


def _sc_gather(table, idx, n_rows):
    info = plsc.get_sparse_core_info()
    nw = info.num_cores * info.num_subcores
    b_per_w = n_rows // nw
    mesh = plsc.VectorSubcoreMesh(core_axis_name="c", subcore_axis_name="s")

    n_chunks = 2
    chunk = b_per_w // n_chunks

    @functools.partial(
        pl.kernel, mesh=mesh,
        out_type=jax.ShapeDtypeStruct((n_rows, ENC_PAD), jnp.float32),
        scratch_types=[
            pltpu.VMEM((chunk,), jnp.int32),
            pltpu.VMEM((chunk, ENC_PAD), jnp.float32),
            pltpu.SemaphoreType.DMA,
        ],
    )
    def gather_k(table_hbm, idx_hbm, out_hbm, idx_v, rows_v, sem):
        wid = lax.axis_index("s") * info.num_cores + lax.axis_index("c")
        for j in range(n_chunks):
            base = wid * b_per_w + j * chunk
            pltpu.sync_copy(idx_hbm.at[pl.ds(base, chunk)], idx_v)
            pltpu.async_copy(table_hbm.at[idx_v], rows_v, sem).wait()
            pltpu.sync_copy(rows_v, out_hbm.at[pl.ds(base, chunk)])

    return gather_k(table, idx)


def _sig(x):
    return 0.5 + 0.5 * jnp.tanh(0.5 * x)


def _cell(gates, c):
    i = _sig(gates[:, :HIDDEN])
    f = _sig(gates[:, HIDDEN:2 * HIDDEN])
    g = jnp.tanh(gates[:, 2 * HIDDEN:3 * HIDDEN])
    o = _sig(gates[:, 3 * HIDDEN:])
    c_new = f * c + i * g
    h_new = o * jnp.tanh(c_new)
    return h_new, c_new


def _dot(a, b):
    return jnp.dot(a, b, preferred_element_type=jnp.float32)


def _seq_kernel(x_ref, obs_ref,
                wih_pf_ref, wih_pb_ref, wih_tf_ref, wih_tb_ref,
                b_pf_ref, b_pb_ref, b_tf_ref, b_tb_ref,
                whh_pf_ref, whh_pb_ref, whh_tf_ref, whh_tb_ref,
                h0p_ref, c0p_ref, h0t_ref, c0t_ref,
                tcr_out_ref, tcr_hn_ref, pep_emb_ref):
    def wih(wih_ref, b_ref):
        pad = jnp.zeros((ENC_PAD - ENC_DIM - 1, G4), jnp.float32)
        return jnp.concatenate([wih_ref[...].T, b_ref[...], pad], axis=0)

    w_pf = wih(wih_pf_ref, b_pf_ref)
    w_pb = wih(wih_pb_ref, b_pb_ref)
    w_tf = wih(wih_tf_ref, b_tf_ref)
    w_tb = wih(wih_tb_ref, b_tb_ref)

    tcr_tok = obs_ref[:, :MAX_TCR_LEN]
    pep_tok = obs_ref[:, MAX_TCR_LEN:]
    lens_p = jnp.sum((pep_tok != 0).astype(jnp.int32), axis=1,
                     keepdims=True)
    lens_t = jnp.sum((tcr_tok != 0).astype(jnp.int32), axis=1, keepdims=True)

    def cell_step(x_t, wih_d, w, h, c, m):
        g = _dot(x_t, wih_d) + _dot(h, w)
        h_new, c_new = _cell(g, c)
        return jnp.where(m, h_new, h), jnp.where(m, c_new, c), h_new

    wpf, wpb = whh_pf_ref[...].T, whh_pb_ref[...].T
    wtf, wtb = whh_tf_ref[...].T, whh_tb_ref[...].T

    def tcr_step(i, hft, cft, hbt, cbt):
        tb = MAX_TCR_LEN - 1 - i
        mf = i < lens_t
        mb = tb < lens_t
        hft, cft, hf_new = cell_step(x_ref[i], w_tf, wtf, hft, cft, mf)
        hbt, cbt, hb_new = cell_step(x_ref[tb], w_tb, wtb, hbt, cbt, mb)
        tcr_out_ref[:, i, :HIDDEN] = jnp.where(mf, hf_new, 0.0)
        tcr_out_ref[:, tb, HIDDEN:] = jnp.where(mb, hb_new, 0.0)
        return hft, cft, hbt, cbt

    def body_a(i, carry):
        hfp, cfp, hbp, cbp, hft, cft, hbt, cbt = carry
        tb = PEP_LENGTH - 1 - i
        hfp, cfp, _ = cell_step(x_ref[MAX_TCR_LEN + i], w_pf, wpf, hfp, cfp,
                                i < lens_p)
        hbp, cbp, _ = cell_step(x_ref[MAX_TCR_LEN + tb], w_pb, wpb, hbp, cbp,
                                tb < lens_p)
        hft, cft, hbt, cbt = tcr_step(i, hft, cft, hbt, cbt)
        return hfp, cfp, hbp, cbp, hft, cft, hbt, cbt

    h0p, c0p = h0p_ref[...], c0p_ref[...]
    h0t, c0t = h0t_ref[...], c0t_ref[...]
    carry = (h0p, c0p, h0p, c0p, h0t, c0t, h0t, c0t)
    for i in range(PEP_LENGTH):
        carry = body_a(i, carry)
    hfp, _, hbp, _, hft, cft, hbt, cbt = carry
    carry4 = (hft, cft, hbt, cbt)
    for i in range(PEP_LENGTH, MAX_TCR_LEN):
        carry4 = tcr_step(i, *carry4)
    hft, _, hbt, _ = carry4

    pep_emb_ref[:, :HIDDEN] = hfp
    pep_emb_ref[:, HIDDEN:] = hbp
    tcr_hn_ref[0] = hft
    tcr_hn_ref[1] = hbt


@jax.jit
def kernel(obs, emb_table, onehot_dict, pep_Wih_f, pep_Whh_f, pep_b_f,
           pep_Wih_b, pep_Whh_b, pep_b_b, tcr_Wih_f, tcr_Whh_f, tcr_b_f,
           tcr_Wih_b, tcr_Whh_b, tcr_b_b, h0_pep, c0_pep, h0_tcr, c0_tcr):
    B = obs.shape[0]
    Bb = B // NB
    obs = obs.astype(jnp.int32)

    enc = jnp.zeros((VOC_PAD, ENC_PAD), jnp.float32)
    enc = enc.at[:VOCAB, :ENC_DIM].set(
        jnp.concatenate([emb_table, onehot_dict], axis=1))
    enc = enc.at[:VOCAB, ENC_DIM].set(1.0)

    idx_tm = obs.T.reshape(-1)
    x = _sc_gather(enc, idx_tm, TOT_LEN * B)
    x = x.reshape(TOT_LEN, B, ENC_PAD)

    args = (x, obs,
            pep_Wih_f, pep_Wih_b, tcr_Wih_f, tcr_Wih_b,
            pep_b_f.reshape(1, G4), pep_b_b.reshape(1, G4),
            tcr_b_f.reshape(1, G4), tcr_b_b.reshape(1, G4),
            pep_Whh_f, pep_Whh_b, tcr_Whh_f, tcr_Whh_b,
            h0_pep, c0_pep, h0_tcr, c0_tcr)

    full = lambda b: (0, 0)
    bat2 = lambda b: (b, 0)
    in_specs = [
        pl.BlockSpec((TOT_LEN, Bb, ENC_PAD), lambda b: (0, b, 0)),
        pl.BlockSpec((Bb, TOT_LEN), bat2),
        pl.BlockSpec((G4, ENC_DIM), full),
        pl.BlockSpec((G4, ENC_DIM), full),
        pl.BlockSpec((G4, ENC_DIM), full),
        pl.BlockSpec((G4, ENC_DIM), full),
        pl.BlockSpec((1, G4), full),
        pl.BlockSpec((1, G4), full),
        pl.BlockSpec((1, G4), full),
        pl.BlockSpec((1, G4), full),
        pl.BlockSpec((G4, HIDDEN), full),
        pl.BlockSpec((G4, HIDDEN), full),
        pl.BlockSpec((G4, HIDDEN), full),
        pl.BlockSpec((G4, HIDDEN), full),
        pl.BlockSpec((Bb, HIDDEN), bat2),
        pl.BlockSpec((Bb, HIDDEN), bat2),
        pl.BlockSpec((Bb, HIDDEN), bat2),
        pl.BlockSpec((Bb, HIDDEN), bat2),
    ]
    out_specs = [
        pl.BlockSpec((Bb, MAX_TCR_LEN, 2 * HIDDEN), lambda b: (b, 0, 0)),
        pl.BlockSpec((2, Bb, HIDDEN), lambda b: (0, b, 0)),
        pl.BlockSpec((Bb, 2 * HIDDEN), bat2),
    ]
    out_shapes = [
        jax.ShapeDtypeStruct((B, MAX_TCR_LEN, 2 * HIDDEN), jnp.float32),
        jax.ShapeDtypeStruct((2, B, HIDDEN), jnp.float32),
        jax.ShapeDtypeStruct((B, 2 * HIDDEN), jnp.float32),
    ]
    tcr_out, tcr_hn, pep_emb = pl.pallas_call(
        _seq_kernel,
        grid=(NB,),
        in_specs=in_specs,
        out_specs=out_specs,
        out_shape=out_shapes,
        compiler_params=pltpu.CompilerParams(
            dimension_semantics=("arbitrary",)),
    )(*args)
    return tcr_out, tcr_hn, pep_emb

# --- scband reference (transcript-rebuilt; emitter-appended) ---
"""Pipeline reference for scband-seq-embed-609885356108 (READ-ONLY COPY).

The authoritative reference and input builder live on the scoring server;
editing this copy changes nothing except your own understanding.
"""

import jax, jax.numpy as jnp
import numpy as np

HIDDEN = 128
LEARNED_DIM = 32
N_AA = 20
PEP_LENGTH = 15
MAX_TCR_LEN = 27
EMBED_DIM = LEARNED_DIM + N_AA
BATCH = 1024


def _lstm_dir(x, lengths, Wih, Whh, b, h0, c0, reverse):
    B, L, D = x.shape
    t = jnp.arange(L)
    if reverse:
        idx = jnp.clip(lengths[:, None] - 1 - t[None, :], 0, L - 1)
        xs = jnp.take_along_axis(x, idx[:, :, None], axis=1)
    else:
        xs = x
    xs = jnp.transpose(xs, (1, 0, 2))
    mask = t[:, None] < lengths[None, :]

    def step(carry, inp):
        h, c = carry
        xt, mt = inp
        gates = xt @ Wih.T + h @ Whh.T + b
        i, f, g, o = jnp.split(gates, 4, axis=-1)
        i = jax.nn.sigmoid(i)
        f = jax.nn.sigmoid(f)
        g = jnp.tanh(g)
        o = jax.nn.sigmoid(o)
        c_new = f * c + i * g
        h_new = o * jnp.tanh(c_new)
        m = mt[:, None]
        return (jnp.where(m, h_new, h), jnp.where(m, c_new, c)), jnp.where(m, h_new, 0.0)

    (hf, _), ys = jax.lax.scan(step, (h0, c0), (xs, mask))
    ys = jnp.transpose(ys, (1, 0, 2))
    if reverse:
        ys = jnp.take_along_axis(ys, idx[:, :, None], axis=1)
        ys = ys * (t[None, :] < lengths[:, None])[:, :, None].astype(ys.dtype)
    return ys, hf


def _bilstm(x, lengths, Wih_f, Whh_f, b_f, Wih_b, Whh_b, b_b, h0, c0):
    yf, hf = _lstm_dir(x, lengths, Wih_f, Whh_f, b_f, h0, c0, False)
    yb, hb = _lstm_dir(x, lengths, Wih_b, Whh_b, b_b, h0, c0, True)
    return jnp.concatenate([yf, yb], axis=-1), jnp.stack([hf, hb], axis=0)


def _encode(seq, emb_table, onehot_dict):
    return jnp.concatenate([jnp.take(emb_table, seq, axis=0), jnp.take(onehot_dict, seq, axis=0)], axis=-1)


def setup_inputs(seed: int = 0):
    key = jax.random.key(seed)
    ks = jax.random.split(key, 12)
    obs = jax.random.randint(ks[0], (BATCH, MAX_TCR_LEN + PEP_LENGTH), 0, N_AA + 1)
    emb_table = (jax.random.normal(ks[1], (N_AA + 1, LEARNED_DIM), jnp.float32) * 0.1).at[0].set(0.0)
    onehot_dict = jnp.zeros((N_AA + 1, N_AA), jnp.float32).at[jnp.arange(1, N_AA + 1), jnp.arange(N_AA)].set(1.0)
    s = float(1.0 / np.sqrt(HIDDEN))

    def mk(k, din):
        k1, k2, k3 = jax.random.split(k, 3)
        return (jax.random.uniform(k1, (4 * HIDDEN, din), jnp.float32, -s, s),
                jax.random.uniform(k2, (4 * HIDDEN, HIDDEN), jnp.float32, -s, s),
                jax.random.uniform(k3, (4 * HIDDEN,), jnp.float32, -s, s))

    pWf = mk(ks[2], EMBED_DIM)
    pWb = mk(ks[3], EMBED_DIM)
    tWf = mk(ks[4], EMBED_DIM)
    tWb = mk(ks[5], EMBED_DIM)
    h0_pep = jax.random.normal(ks[6], (BATCH, HIDDEN), jnp.float32)
    c0_pep = jax.random.normal(ks[7], (BATCH, HIDDEN), jnp.float32)
    h0_tcr = jax.random.normal(ks[8], (BATCH, HIDDEN), jnp.float32)
    c0_tcr = jax.random.normal(ks[9], (BATCH, HIDDEN), jnp.float32)
    return {"obs": obs, "emb_table": emb_table, "onehot_dict": onehot_dict,
            "pep_Wih_f": pWf[0], "pep_Whh_f": pWf[1], "pep_b_f": pWf[2],
            "pep_Wih_b": pWb[0], "pep_Whh_b": pWb[1], "pep_b_b": pWb[2],
            "tcr_Wih_f": tWf[0], "tcr_Whh_f": tWf[1], "tcr_b_f": tWf[2],
            "tcr_Wih_b": tWb[0], "tcr_Whh_b": tWb[1], "tcr_b_b": tWb[2],
            "h0_pep": h0_pep, "c0_pep": c0_pep, "h0_tcr": h0_tcr, "c0_tcr": c0_tcr}


def reference(obs, emb_table, onehot_dict, pep_Wih_f, pep_Whh_f, pep_b_f, pep_Wih_b, pep_Whh_b, pep_b_b, tcr_Wih_f, tcr_Whh_f, tcr_b_f, tcr_Wih_b, tcr_Whh_b, tcr_b_b, h0_pep, c0_pep, h0_tcr, c0_tcr):
    tcrs = obs[:, :MAX_TCR_LEN]
    peps = obs[:, MAX_TCR_LEN:]
    pep_x = _encode(peps, emb_table, onehot_dict)
    tcr_x = _encode(tcrs, emb_table, onehot_dict)
    pep_len = jnp.sum(peps != 0, axis=1)
    tcr_len = jnp.sum(tcrs != 0, axis=1)
    pep_out, pep_hn = _bilstm(pep_x, pep_len, pep_Wih_f, pep_Whh_f, pep_b_f, pep_Wih_b, pep_Whh_b, pep_b_b, h0_pep, c0_pep)
    pep_emb = jnp.transpose(pep_hn, (1, 0, 2)).reshape(obs.shape[0], -1)
    tcr_out, tcr_hn = _bilstm(tcr_x, tcr_len, tcr_Wih_f, tcr_Whh_f, tcr_b_f, tcr_Wih_b, tcr_Whh_b, tcr_b_b, h0_tcr, c0_tcr)
    return (tcr_out, tcr_hn, pep_emb)

if __name__ == "__main__":
    import jax
    _d = setup_inputs()
    print(jax.jit(kernel)(*tuple(_d.values())))

</pallas_src>

<mosaic_0001>
#map = affine_map<(d0, d1) -> (0, 0)>
#map1 = affine_map<(d0, d1) -> (0)>
module attributes {stable_mosaic.version = 14 : i64} {
  func.func @gather_k(%arg0: i32, %arg1: i32, %arg2: memref<32x128xf32, #tpu.memory_space<hbm>>, %arg3: memref<43008xi32, #tpu.memory_space<hbm>>, %arg4: memref<43008x128xf32, #tpu.memory_space<hbm>>, %arg5: memref<672xi32, #tpu.memory_space<vmem>>, %arg6: memref<672x128xf32, #tpu.memory_space<vmem>>, %arg7: memref<!tpu.dma_semaphore, #tpu.memory_space<semaphore_mem>>) attributes {dimension_semantics = [#tpu.dimension_semantics<core_parallel>, #tpu.dimension_semantics<subcore_parallel>], iteration_bounds = array<i64: 2, 16>, scalar_prefetch = 0 : i64, scratch_operands = 3 : i64, tpu.core_type = #tpu.core_type<sc_vector_subcore>, window_params = [{transform_indices = #map}, {transform_indices = #map1}, {transform_indices = #map}]} {
    %mul3A = arith.constant 2 : i32
    %mul3A_0 = arith.muli %arg1, %mul3A : i32
    %add3A = arith.addi %mul3A_0, %arg0 : i32
    %mul3A_1 = arith.constant 1344 : i32
    %mul3A_2 = arith.muli %add3A, %mul3A_1 : i32
    %add3A_3 = arith.constant 0 : i32
    %add3A_4 = arith.addi %mul3A_2, %add3A_3 : i32
    "tpu.region"() ({
      %run_scoped3A = tpu.sem_alloc : memref<!tpu.dma_semaphore, #tpu.memory_space<semaphore_mem>>
      %dma_start3A_19 = tpu.memref_slice %arg3[%add3A_4] : memref<43008xi32, #tpu.memory_space<hbm>> -> memref<672xi32, #tpu.memory_space<hbm>>
      %dma_start3A_20 = tpu.memref_slice %arg3[%add3A_4] : memref<43008xi32, #tpu.memory_space<hbm>> -> memref<672xi32, #tpu.memory_space<hbm>>
      tpu.enqueue_dma source(%dma_start3A_20 : memref<672xi32, #tpu.memory_space<hbm>>) target(%arg5 : memref<672xi32, #tpu.memory_space<vmem>>) target_semaphore(%run_scoped3A : memref<!tpu.dma_semaphore, #tpu.memory_space<semaphore_mem>>)
      %dma_wait3A_21 = tpu.memref_slice %arg3[%add3A_4] : memref<43008xi32, #tpu.memory_space<hbm>> -> memref<672xi32, #tpu.memory_space<hbm>>
      %dma_wait3A_22 = tpu.memref_slice %arg3[%add3A_4] : memref<43008xi32, #tpu.memory_space<hbm>> -> memref<672xi32, #tpu.memory_space<hbm>>
      tpu.wait_dma2 semaphore(%run_scoped3A : memref<!tpu.dma_semaphore, #tpu.memory_space<semaphore_mem>>) src(%dma_wait3A_22 : memref<672xi32, #tpu.memory_space<hbm>>) dst(%arg5 : memref<672xi32, #tpu.memory_space<vmem>>)
      tpu.yield
    }) : () -> ()
    %dma_start3A = arith.constant 0 : i32
    %dma_start3A_5 = arith.constant 0 : i32
    %dma_start3A_6 = tpu.memref_slice %arg2[%dma_start3A, %dma_start3A_5] : memref<32x128xf32, #tpu.memory_space<hbm>> -> memref<32x128xf32, #tpu.memory_space<hbm>>
    tpu.enqueue_indirect_dma source(%dma_start3A_6 : memref<32x128xf32, #tpu.memory_space<hbm>>) target(%arg6 : memref<672x128xf32, #tpu.memory_space<vmem>>) offsets(%arg5 : memref<672xi32, #tpu.memory_space<vmem>>) semaphore(%arg7 : memref<!tpu.dma_semaphore, #tpu.memory_space<semaphore_mem>>)
    %dma_wait3A = arith.constant 0 : i32
    %dma_wait3A_7 = arith.constant 0 : i32
    %dma_wait3A_8 = tpu.memref_slice %arg2[%dma_wait3A, %dma_wait3A_7] : memref<32x128xf32, #tpu.memory_space<hbm>> -> memref<32x128xf32, #tpu.memory_space<hbm>>
    tpu.wait_indirect_dma semaphore(%arg7 : memref<!tpu.dma_semaphore, #tpu.memory_space<semaphore_mem>>) src(%dma_wait3A_8 : memref<32x128xf32, #tpu.memory_space<hbm>>) dst(%arg6 : memref<672x128xf32, #tpu.memory_space<vmem>>)
    "tpu.region"() ({
      %run_scoped3A = tpu.sem_alloc : memref<!tpu.dma_semaphore, #tpu.memory_space<semaphore_mem>>
      %dma_start3A_19 = arith.constant 0 : i32
      %dma_start3A_20 = tpu.memref_slice %arg4[%add3A_4, %dma_start3A_19] : memref<43008x128xf32, #tpu.memory_space<hbm>> -> memref<672x128xf32, #tpu.memory_space<hbm>>
      %dma_start3A_21 = arith.constant 0 : i32
      %dma_start3A_22 = tpu.memref_slice %arg4[%add3A_4, %dma_start3A_21] : memref<43008x128xf32, #tpu.memory_space<hbm>> -> memref<672x128xf32, #tpu.memory_space<hbm>>
      tpu.enqueue_dma source(%arg6 : memref<672x128xf32, #tpu.memory_space<vmem>>) target(%dma_start3A_22 : memref<672x128xf32, #tpu.memory_space<hbm>>) target_semaphore(%run_scoped3A : memref<!tpu.dma_semaphore, #tpu.memory_space<semaphore_mem>>)
      %dma_wait3A_23 = arith.constant 0 : i32
      %dma_wait3A_24 = tpu.memref_slice %arg4[%add3A_4, %dma_wait3A_23] : memref<43008x128xf32, #tpu.memory_space<hbm>> -> memref<672x128xf32, #tpu.memory_space<hbm>>
      %dma_wait3A_25 = arith.constant 0 : i32
      %dma_wait3A_26 = tpu.memref_slice %arg4[%add3A_4, %dma_wait3A_25] : memref<43008x128xf32, #tpu.memory_space<hbm>> -> memref<672x128xf32, #tpu.memory_space<hbm>>
      tpu.wait_dma2 semaphore(%run_scoped3A : memref<!tpu.dma_semaphore, #tpu.memory_space<semaphore_mem>>) src(%arg6 : memref<672x128xf32, #tpu.memory_space<vmem>>) dst(%dma_wait3A_26 : memref<672x128xf32, #tpu.memory_space<hbm>>)
      tpu.yield
    }) : () -> ()
    %mul3A_9 = arith.constant 1344 : i32
    %mul3A_10 = arith.muli %add3A, %mul3A_9 : i32
    %add3A_11 = arith.constant 672 : i32
    %add3A_12 = arith.addi %mul3A_10, %add3A_11 : i32
    "tpu.region"() ({
      %run_scoped3A = tpu.sem_alloc : memref<!tpu.dma_semaphore, #tpu.memory_space<semaphore_mem>>
      %dma_start3A_19 = tpu.memref_slice %arg3[%add3A_12] : memref<43008xi32, #tpu.memory_space<hbm>> -> memref<672xi32, #tpu.memory_space<hbm>>
      %dma_start3A_20 = tpu.memref_slice %arg3[%add3A_12] : memref<43008xi32, #tpu.memory_space<hbm>> -> memref<672xi32, #tpu.memory_space<hbm>>
      tpu.enqueue_dma source(%dma_start3A_20 : memref<672xi32, #tpu.memory_space<hbm>>) target(%arg5 : memref<672xi32, #tpu.memory_space<vmem>>) target_semaphore(%run_scoped3A : memref<!tpu.dma_semaphore, #tpu.memory_space<semaphore_mem>>)
      %dma_wait3A_21 = tpu.memref_slice %arg3[%add3A_12] : memref<43008xi32, #tpu.memory_space<hbm>> -> memref<672xi32, #tpu.memory_space<hbm>>
      %dma_wait3A_22 = tpu.memref_slice %arg3[%add3A_12] : memref<43008xi32, #tpu.memory_space<hbm>> -> memref<672xi32, #tpu.memory_space<hbm>>
      tpu.wait_dma2 semaphore(%run_scoped3A : memref<!tpu.dma_semaphore, #tpu.memory_space<semaphore_mem>>) src(%dma_wait3A_22 : memref<672xi32, #tpu.memory_space<hbm>>) dst(%arg5 : memref<672xi32, #tpu.memory_space<vmem>>)
      tpu.yield
    }) : () -> ()
    %dma_start3A_13 = arith.constant 0 : i32
    %dma_start3A_14 = arith.constant 0 : i32
    %dma_start3A_15 = tpu.memref_slice %arg2[%dma_start3A_13, %dma_start3A_14] : memref<32x128xf32, #tpu.memory_space<hbm>> -> memref<32x128xf32, #tpu.memory_space<hbm>>
    tpu.enqueue_indirect_dma source(%dma_start3A_15 : memref<32x128xf32, #tpu.memory_space<hbm>>) target(%arg6 : memref<672x128xf32, #tpu.memory_space<vmem>>) offsets(%arg5 : memref<672xi32, #tpu.memory_space<vmem>>) semaphore(%arg7 : memref<!tpu.dma_semaphore, #tpu.memory_space<semaphore_mem>>)
    %dma_wait3A_16 = arith.constant 0 : i32
    %dma_wait3A_17 = arith.constant 0 : i32
    %dma_wait3A_18 = tpu.memref_slice %arg2[%dma_wait3A_16, %dma_wait3A_17] : memref<32x128xf32, #tpu.memory_space<hbm>> -> memref<32x128xf32, #tpu.memory_space<hbm>>
    tpu.wait_indirect_dma semaphore(%arg7 : memref<!tpu.dma_semaphore, #tpu.memory_space<semaphore_mem>>) src(%dma_wait3A_18 : memref<32x128xf32, #tpu.memory_space<hbm>>) dst(%arg6 : memref<672x128xf32, #tpu.memory_space<vmem>>)
    "tpu.region"() ({
      %run_scoped3A = tpu.sem_alloc : memref<!tpu.dma_semaphore, #tpu.memory_space<semaphore_mem>>
      %dma_start3A_19 = arith.constant 0 : i32
      %dma_start3A_20 = tpu.memref_slice %arg4[%add3A_12, %dma_start3A_19] : memref<43008x128xf32, #tpu.memory_space<hbm>> -> memref<672x128xf32, #tpu.memory_space<hbm>>
      %dma_start3A_21 = arith.constant 0 : i32
      %dma_start3A_22 = tpu.memref_slice %arg4[%add3A_12, %dma_start3A_21] : memref<43008x128xf32, #tpu.memory_space<hbm>> -> memref<672x128xf32, #tpu.memory_space<hbm>>
      tpu.enqueue_dma source(%arg6 : memref<672x128xf32, #tpu.memory_space<vmem>>) target(%dma_start3A_22 : memref<672x128xf32, #tpu.memory_space<hbm>>) target_semaphore(%run_scoped3A : memref<!tpu.dma_semaphore, #tpu.memory_space<semaphore_mem>>)
      %dma_wait3A_23 = arith.constant 0 : i32
      %dma_wait3A_24 = tpu.memref_slice %arg4[%add3A_12, %dma_wait3A_23] : memref<43008x128xf32, #tpu.memory_space<hbm>> -> memref<672x128xf32, #tpu.memory_space<hbm>>
      %dma_wait3A_25 = arith.constant 0 : i32
      %dma_wait3A_26 = tpu.memref_slice %arg4[%add3A_12, %dma_wait3A_25] : memref<43008x128xf32, #tpu.memory_space<hbm>> -> memref<672x128xf32, #tpu.memory_space<hbm>>
      tpu.wait_dma2 semaphore(%run_scoped3A : memref<!tpu.dma_semaphore, #tpu.memory_space<semaphore_mem>>) src(%arg6 : memref<672x128xf32, #tpu.memory_space<vmem>>) dst(%dma_wait3A_26 : memref<672x128xf32, #tpu.memory_space<hbm>>)
      tpu.yield
    }) : () -> ()
    return
  }
}

module attributes {stable_mosaic.version = 14 : i64} {
  func.func @_seq_kernel(%arg0: i32, %arg1: memref<42x128x128xf32, #tpu.memory_space<vmem>>, %arg2: memref<128x42xi32, #tpu.memory_space<vmem>>, %arg3: memref<512x52xf32, #tpu.memory_space<vmem>>, %arg4: memref<512x52xf32, #tpu.memory_space<vmem>>, %arg5: memref<512x52xf32, #tpu.memory_space<vmem>>, %arg6: memref<512x52xf32, #tpu.memory_space<vmem>>, %arg7: memref<1x512xf32, #tpu.memory_space<vmem>>, %arg8: memref<1x512xf32, #tpu.memory_space<vmem>>, %arg9: memref<1x512xf32, #tpu.memory_space<vmem>>, %arg10: memref<1x512xf32, #tpu.memory_space<vmem>>, %arg11: memref<512x128xf32, #tpu.memory_space<vmem>>, %arg12: memref<512x128xf32, #tpu.memory_space<vmem>>, %arg13: memref<512x128xf32, #tpu.memory_space<vmem>>, %arg14: memref<512x128xf32, #tpu.memory_space<vmem>>, %arg15: memref<128x128xf32, #tpu.memory_space<vmem>>, %arg16: memref<128x128xf32, #tpu.memory_space<vmem>>, %arg17: memref<128x128xf32, #tpu.memory_space<vmem>>, %arg18: memref<128x128xf32, #tpu.memory_space<vmem>>, %arg19: memref<128x27x256xf32, #tpu.memory_space<vmem>>, %arg20: memref<2x128x128xf32, #tpu.memory_space<vmem>>, %arg21: memref<128x256xf32, #tpu.memory_space<vmem>>) attributes {dimension_semantics = [#tpu.dimension_semantics<arbitrary>], iteration_bounds = array<i64: 8>, scalar_prefetch = 0 : i64, scratch_operands = 0 : i64, tpu.core_type = #tpu.core_type<tc>, window_params = [{transform_indices = @transform_0, window_bounds = array<i64: 42, 128, 128>}, {transform_indices = @transform_1, window_bounds = array<i64: 128, 42>}, {pipeline_mode = #tpu.pipeline_mode<synchronous>, transform_indices = @transform_2, window_bounds = array<i64: 512, 52>}, {pipeline_mode = #tpu.pipeline_mode<synchronous>, transform_indices = @transform_3, window_bounds = array<i64: 512, 52>}, {pipeline_mode = #tpu.pipeline_mode<synchronous>, transform_indices = @transform_4, window_bounds = array<i64: 512, 52>}, {pipeline_mode = #tpu.pipeline_mode<synchronous>, transform_indices = @transform_5, window_bounds = array<i64: 512, 52>}, {pipeline_mode = #tpu.pipeline_mode<synchronous>, transform_indices = @transform_6, window_bounds = array<i64: 1, 512>}, {pipeline_mode = #tpu.pipeline_mode<synchronous>, transform_indices = @transform_7, window_bounds = array<i64: 1, 512>}, {pipeline_mode = #tpu.pipeline_mode<synchronous>, transform_indices = @transform_8, window_bounds = array<i64: 1, 512>}, {pipeline_mode = #tpu.pipeline_mode<synchronous>, transform_indices = @transform_9, window_bounds = array<i64: 1, 512>}, {pipeline_mode = #tpu.pipeline_mode<synchronous>, transform_indices = @transform_10, window_bounds = array<i64: 512, 128>}, {pipeline_mode = #tpu.pipeline_mode<synchronous>, transform_indices = @transform_11, window_bounds = array<i64: 512, 128>}, {pipeline_mode = #tpu.pipeline_mode<synchronous>, transform_indices = @transform_12, window_bounds = array<i64: 512, 128>}, {pipeline_mode = #tpu.pipeline_mode<synchronous>, transform_indices = @transform_13, window_bounds = array<i64: 512, 128>}, {transform_indices = @transform_14, window_bounds = array<i64: 128, 128>}, {transform_indices = @transform_15, window_bounds = array<i64: 128, 128>}, {transform_indices = @transform_16, window_bounds = array<i64: 128, 128>}, {transform_indices = @transform_17, window_bounds = array<i64: 128, 128>}, {transform_indices = @transform_18, window_bounds = array<i64: 128, 27, 256>}, {transform_indices = @transform_19, window_bounds = array<i64: 2, 128, 128>}, {transform_indices = @transform_20, window_bounds = array<i64: 128, 256>}]} {
    %broadcast_in_dim3A = arith.constant 0.000000e+00 : f32
    %broadcast_in_dim3A_0 = vector.broadcast %broadcast_in_dim3A : f32 to vector<75x512xf32>
    %get3A = arith.constant 0 : index
    %get3A_1 = arith.constant 0 : index
    %get3A_2 = vector.load %arg3[%get3A, %get3A_1] : memref<512x52xf32, #tpu.memory_space<vmem>>, vector<512x52xf32>
    %transpose3A = tpu.transpose %get3A_2, [1, 0] : vector<512x52xf32> -> vector<52x512xf32>
    %get3A_3 = arith.constant 0 : index
    %get3A_4 = arith.constant 0 : index
    %get3A_5 = vector.load %arg7[%get3A_3, %get3A_4] : memref<1x512xf32, #tpu.memory_space<vmem>>, vector<1x512xf32>
    %concatenate3A = tpu.concatenate %transpose3A, %get3A_5, %broadcast_in_dim3A_0 in 0 : vector<52x512xf32>, vector<1x512xf32>, vector<75x512xf32> -> vector<128x512xf32>
    %broadcast_in_dim3A_6 = arith.constant 0.000000e+00 : f32
    %broadcast_in_dim3A_7 = vector.broadcast %broadcast_in_dim3A_6 : f32 to vector<75x512xf32>
    %get3A_8 = arith.constant 0 : index
    %get3A_9 = arith.constant 0 : index
    %get3A_10 = vector.load %arg4[%get3A_8, %get3A_9] : memref<512x52xf32, #tpu.memory_space<vmem>>, vector<512x52xf32>
    %transpose3A_11 = tpu.transpose %get3A_10, [1, 0] : vector<512x52xf32> -> vector<52x512xf32>
    %get3A_12 = arith.constant 0 : index
    %get3A_13 = arith.constant 0 : index
    %get3A_14 = vector.load %arg8[%get3A_12, %get3A_13] : memref<1x512xf32, #tpu.memory_space<vmem>>, vector<1x512xf32>
    %concatenate3A_15 = tpu.concatenate %transpose3A_11, %get3A_14, %broadcast_in_dim3A_7 in 0 : vector<52x512xf32>, vector<1x512xf32>, vector<75x512xf32> -> vector<128x512xf32>
    %broadcast_in_dim3A_16 = arith.constant 0.000000e+00 : f32
    %broadcast_in_dim3A_17 = vector.broadcast %broadcast_in_dim3A_16 : f32 to vector<75x512xf32>
    %get3A_18 = arith.constant 0 : index
    %get3A_19 = arith.constant 0 : index
    %get3A_20 = vector.load %arg5[%get3A_18, %get3A_19] : memref<512x52xf32, #tpu.memory_space<vmem>>, vector<512x52xf32>
    %transpose3A_21 = tpu.transpose %get3A_20, [1, 0] : vector<512x52xf32> -> vector<52x512xf32>
    %get3A_22 = arith.constant 0 : index
    %get3A_23 = arith.constant 0 : index
    %get3A_24 = vector.load %arg9[%get3A_22, %get3A_23] : memref<1x512xf32, #tpu.memory_space<vmem>>, vector<1x512xf32>
    %concatenate3A_25 = tpu.concatenate %transpose3A_21, %get3A_24, %broadcast_in_dim3A_17 in 0 : vector<52x512xf32>, vector<1x512xf32>, vector<75x512xf32> -> vector<128x512xf32>
    %broadcast_in_dim3A_26 = arith.constant 0.000000e+00 : f32
    %broadcast_in_dim3A_27 = vector.broadcast %broadcast_in_dim3A_26 : f32 to vector<75x512xf32>
    %get3A_28 = arith.constant 0 : index
    %get3A_29 = arith.constant 0 : index
    %get3A_30 = vector.load %arg6[%get3A_28, %get3A_29] : memref<512x52xf32, #tpu.memory_space<vmem>>, vector<512x52xf32>
    %transpose3A_31 = tpu.transpose %get3A_30, [1, 0] : vector<512x52xf32> -> vector<52x512xf32>
    %get3A_32 = arith.constant 0 : index
    %get3A_33 = arith.constant 0 : index
    %get3A_34 = vector.load %arg10[%get3A_32, %get3A_33] : memref<1x512xf32, #tpu.memory_space<vmem>>, vector<1x512xf32>
    %concatenate3A_35 = tpu.concatenate %transpose3A_31, %get3A_34, %broadcast_in_dim3A_27 in 0 : vector<52x512xf32>, vector<1x512xf32>, vector<75x512xf32> -> vector<128x512xf32>
    %get3A_36 = arith.constant 0 : index
    %get3A_37 = arith.constant 0 : index
    %get3A_38 = vector.load %arg2[%get3A_36, %get3A_37] : memref<128x42xi32, #tpu.memory_space<vmem>>, vector<128x27xi32>
    %get3A_39 = arith.constant 0 : index
    %get3A_40 = arith.constant 27 : index
    %get3A_41 = vector.load %arg2[%get3A_39, %get3A_40] : memref<128x42xi32, #tpu.memory_space<vmem>>, vector<128x15xi32>
    %ne3A = arith.constant 0 : i32
    %ne3A_42 = vector.broadcast %ne3A : i32 to vector<128x15xi32>
    %ne3A_43 = arith.cmpi ne, %get3A_41, %ne3A_42 : vector<128x15xi32>
    %convert_element_type3A = arith.extui %ne3A_43 : vector<128x15xi1> to vector<128x15xi32>
    %reduce_sum3A = arith.constant dense<0> : vector<128xi32>
    %reduce_sum3A_44 = vector.multi_reduction <add>, %convert_element_type3A, %reduce_sum3A [1] : vector<128x15xi32> to vector<128xi32>
    %broadcast_in_dim3A_45 = vector.shape_cast %reduce_sum3A_44 : vector<128xi32> to vector<128x1xi32>
    %ne3A_46 = arith.constant 0 : i32
    %ne3A_47 = vector.broadcast %ne3A_46 : i32 to vector<128x27xi32>
    %ne3A_48 = arith.cmpi ne, %get3A_38, %ne3A_47 : vector<128x27xi32>
    %convert_element_type3A_49 = arith.extui %ne3A_48 : vector<128x27xi1> to vector<128x27xi32>
    %reduce_sum3A_50 = arith.constant dense<0> : vector<128xi32>
    %reduce_sum3A_51 = vector.multi_reduction <add>, %convert_element_type3A_49, %reduce_sum3A_50 [1] : vector<128x27xi32> to vector<128xi32>
    %broadcast_in_dim3A_52 = vector.shape_cast %reduce_sum3A_51 : vector<128xi32> to vector<128x1xi32>
    %get3A_53 = arith.constant 0 : index
    %get3A_54 = arith.constant 0 : index
    %get3A_55 = vector.load %arg11[%get3A_53, %get3A_54] : memref<512x128xf32, #tpu.memory_space<vmem>>, vector<512x128xf32>
    %transpose3A_56 = tpu.transpose %get3A_55, [1, 0] : vector<512x128xf32> -> vector<128x512xf32>
    %get3A_57 = arith.constant 0 : index
    %get3A_58 = arith.constant 0 : index
    %get3A_59 = vector.load %arg12[%get3A_57, %get3A_58] : memref<512x128xf32, #tpu.memory_space<vmem>>, vector<512x128xf32>
    %transpose3A_60 = tpu.transpose %get3A_59, [1, 0] : vector<512x128xf32> -> vector<128x512xf32>
    %get3A_61 = arith.constant 0 : index
    %get3A_62 = arith.constant 0 : index
    %get3A_63 = vector.load %arg13[%get3A_61, %get3A_62] : memref<512x128xf32, #tpu.memory_space<vmem>>, vector<512x128xf32>
    %transpose3A_64 = tpu.transpose %get3A_63, [1, 0] : vector<512x128xf32> -> vector<128x512xf32>
    %get3A_65 = arith.constant 0 : index
    %get3A_66 = arith.constant 0 : index
    %get3A_67 = vector.load %arg14[%get3A_65, %get3A_66] : memref<512x128xf32, #tpu.memory_space<vmem>>, vector<512x128xf32>
    %transpose3A_68 = tpu.transpose %get3A_67, [1, 0] : vector<512x128xf32> -> vector<128x512xf32>
    %get3A_69 = arith.constant 0 : index
    %get3A_70 = arith.constant 0 : index
    %get3A_71 = vector.load %arg15[%get3A_69, %get3A_70] : memref<128x128xf32, #tpu.memory_space<vmem>>, vector<128x128xf32>
    %get3A_72 = arith.constant 0 : index
    %get3A_73 = arith.constant 0 : index
    %get3A_74 = vector.load %arg16[%get3A_72, %get3A_73] : memref<128x128xf32, #tpu.memory_space<vmem>>, vector<128x128xf32>
    %get3A_75 = arith.constant 0 : index
    %get3A_76 = arith.constant 0 : index
    %get3A_77 = vector.load %arg17[%get3A_75, %get3A_76] : memref<128x128xf32, #tpu.memory_space<vmem>>, vector<128x128xf32>
    %get3A_78 = arith.constant 0 : index
    %get3A_79 = arith.constant 0 : index
    %get3A_80 = vector.load %arg18[%get3A_78, %get3A_79] : memref<128x128xf32, #tpu.memory_space<vmem>>, vector<128x128xf32>
    %get3A_81 = arith.constant 27 : index
    %get3A_82 = arith.constant 0 : index
    %get3A_83 = arith.constant 0 : index
    %get3A_84 = vector.load %arg1[%get3A_81, %get3A_82, %get3A_83] : memref<42x128x128xf32, #tpu.memory_space<vmem>>, vector<1x128x128xf32>
    %get3A_85 = vector.shape_cast %get3A_84 : vector<1x128x128xf32> to vector<128x128xf32>
    %gt3A = arith.constant 0 : i32
    %gt3A_86 = vector.broadcast %gt3A : i32 to vector<128x1xi32>
    %gt3A_87 = arith.cmpi sgt, %broadcast_in_dim3A_45, %gt3A_86 : vector<128x1xi32>
    %dot_general3A = arith.constant dense<0.000000e+00> : vector<128x512xf32>
    %dot_general3A_88 = tpu.matmul %get3A_85, %concatenate3A, %dot_general3A {dimension_numbers = #tpu.dot_dimension_numbers<[1], [0], [0], [1], [0, 0, 1, 1], [], []>, transpose_lhs_hint = false} : vector<128x128xf32>, vector<128x512xf32>, vector<128x512xf32> -> vector<128x512xf32>
    %dot_general3A_89 = arith.constant dense<0.000000e+00> : vector<128x512xf32>
    %dot_general3A_90 = tpu.matmul %get3A_71, %transpose3A_56, %dot_general3A_89 {dimension_numbers = #tpu.dot_dimension_numbers<[1], [0], [0], [1], [0, 0, 1, 1], [], []>, transpose_lhs_hint = false} : vector<128x128xf32>, vector<128x512xf32>, vector<128x512xf32> -> vector<128x512xf32>
    %add3A = arith.addf %dot_general3A_88, %dot_general3A_90 : vector<128x512xf32>
    %slice3A = vector.extract_strided_slice %add3A {offsets = [0, 0], sizes = [128, 128], strides = [1, 1]} : vector<128x512xf32> to vector<128x128xf32>
    %mul3A = arith.constant 5.000000e-01 : f32
    %mul3A_91 = vector.broadcast %mul3A : f32 to vector<128x128xf32>
    %mul3A_92 = arith.mulf %mul3A_91, %slice3A : vector<128x128xf32>
    %tanh3A = math.tanh %mul3A_92 : vector<128x128xf32>
    %mul3A_93 = arith.constant 5.000000e-01 : f32
    %mul3A_94 = vector.broadcast %mul3A_93 : f32 to vector<128x128xf32>
    %mul3A_95 = arith.mulf %mul3A_94, %tanh3A : vector<128x128xf32>
    %add3A_96 = arith.constant 5.000000e-01 : f32
    %add3A_97 = vector.broadcast %add3A_96 : f32 to vector<128x128xf32>
    %add3A_98 = arith.addf %add3A_97, %mul3A_95 : vector<128x128xf32>
    %slice3A_99 = vector.extract_strided_slice %add3A {offsets = [0, 128], sizes = [128, 128], strides = [1, 1]} : vector<128x512xf32> to vector<128x128xf32>
    %mul3A_100 = arith.constant 5.000000e-01 : f32
    %mul3A_101 = vector.broadcast %mul3A_100 : f32 to vector<128x128xf32>
    %mul3A_102 = arith.mulf %mul3A_101, %slice3A_99 : vector<128x128xf32>
    %tanh3A_103 = math.tanh %mul3A_102 : vector<128x128xf32>
    %mul3A_104 = arith.constant 5.000000e-01 : f32
    %mul3A_105 = vector.broadcast %mul3A_104 : f32 to vector<128x128xf32>
    %mul3A_106 = arith.mulf %mul3A_105, %tanh3A_103 : vector<128x128xf32>
    %add3A_107 = arith.constant 5.000000e-01 : f32
    %add3A_108 = vector.broadcast %add3A_107 : f32 to vector<128x128xf32>
    %add3A_109 = arith.addf %add3A_108, %mul3A_106 : vector<128x128xf32>
    %slice3A_110 = vector.extract_strided_slice %add3A {offsets = [0, 256], sizes = [128, 128], strides = [1, 1]} : vector<128x512xf32> to vector<128x128xf32>
    %tanh3A_111 = math.tanh %slice3A_110 : vector<128x128xf32>
    %slice3A_112 = vector.extract_strided_slice %add3A {offsets = [0, 384], sizes = [128, 128], strides = [1, 1]} : vector<128x512xf32> to vector<128x128xf32>
    %mul3A_113 = arith.constant 5.000000e-01 : f32
    %mul3A_114 = vector.broadcast %mul3A_113 : f32 to vector<128x128xf32>
    %mul3A_115 = arith.mulf %mul3A_114, %slice3A_112 : vector<128x128xf32>
    %tanh3A_116 = math.tanh %mul3A_115 : vector<128x128xf32>
    %mul3A_117 = arith.constant 5.000000e-01 : f32
    %mul3A_118 = vector.broadcast %mul3A_117 : f32 to vector<128x128xf32>
    %mul3A_119 = arith.mulf %mul3A_118, %tanh3A_116 : vector<128x128xf32>
    %add3A_120 = arith.constant 5.000000e-01 : f32
    %add3A_121 = vector.broadcast %add3A_120 : f32 to vector<128x128xf32>
    %add3A_122 = arith.addf %add3A_121, %mul3A_119 : vector<128x128xf32>
    %mul3A_123 = arith.mulf %add3A_109, %get3A_74 : vector<128x128xf32>
    %mul3A_124 = arith.mulf %add3A_98, %tanh3A_111 : vector<128x128xf32>
    %add3A_125 = arith.addf %mul3A_123, %mul3A_124 : vector<128x128xf32>
    %tanh3A_126 = math.tanh %add3A_125 : vector<128x128xf32>
    %mul3A_127 = arith.mulf %add3A_122, %tanh3A_126 : vector<128x128xf32>
    %broadcast_in_dim3A_128 = vector.shape_cast %gt3A_87 : vector<128x1xi1> to vector<128x1xi1>
    %broadcast_in_dim3A_129 = vector.broadcast %broadcast_in_dim3A_128 : vector<128x1xi1> to vector<128x128xi1>
    %select_n3A = arith.select %broadcast_in_dim3A_129, %mul3A_127, %get3A_71 : vector<128x128xi1>, vector<128x128xf32>
    %broadcast_in_dim3A_130 = vector.shape_cast %gt3A_87 : vector<128x1xi1> to vector<128x1xi1>
    %broadcast_in_dim3A_131 = vector.broadcast %broadcast_in_dim3A_130 : vector<128x1xi1> to vector<128x128xi1>
    %select_n3A_132 = arith.select %broadcast_in_dim3A_131, %add3A_125, %get3A_74 : vector<128x128xi1>, vector<128x128xf32>
    %get3A_133 = arith.constant 41 : index
    %get3A_134 = arith.constant 0 : index
    %get3A_135 = arith.constant 0 : index
    %get3A_136 = vector.load %arg1[%get3A_133, %get3A_134, %get3A_135] : memref<42x128x128xf32, #tpu.memory_space<vmem>>, vector<1x128x128xf32>
    %get3A_137 = vector.shape_cast %get3A_136 : vector<1x128x128xf32> to vector<128x128xf32>
    %gt3A_138 = arith.constant 14 : i32
    %gt3A_139 = vector.broadcast %gt3A_138 : i32 to vector<128x1xi32>
    %gt3A_140 = arith.cmpi sgt, %broadcast_in_dim3A_45, %gt3A_139 : vector<128x1xi32>
    %dot_general3A_141 = arith.constant dense<0.000000e+00> : vector<128x512xf32>
    %dot_general3A_142 = tpu.matmul %get3A_137, %concatenate3A_15, %dot_general3A_141 {dimension_numbers = #tpu.dot_dimension_numbers<[1], [0], [0], [1], [0, 0, 1, 1], [], []>, transpose_lhs_hint = false} : vector<128x128xf32>, vector<128x512xf32>, vector<128x512xf32> -> vector<128x512xf32>
    %dot_general3A_143 = arith.constant dense<0.000000e+00> : vector<128x512xf32>
    %dot_general3A_144 = tpu.matmul %get3A_71, %transpose3A_60, %dot_general3A_143 {dimension_numbers = #tpu.dot_dimension_numbers<[1], [0], [0], [1], [0, 0, 1, 1], [], []>, transpose_lhs_hint = false} : vector<128x128xf32>, vector<128x512xf32>, vector<128x512xf32> -> vector<128x512xf32>
    %add3A_145 = arith.addf %dot_general3A_142, %dot_general3A_144 : vector<128x512xf32>
    %slice3A_146 = vector.extract_strided_slice %add3A_145 {offsets = [0, 0], sizes = [128, 128], strides = [1, 1]} : vector<128x512xf32> to vector<128x128xf32>
    %mul3A_147 = arith.constant 5.000000e-01 : f32
    %mul3A_148 = vector.broadcast %mul3A_147 : f32 to vector<128x128xf32>
    %mul3A_149 = arith.mulf %mul3A_148, %slice3A_146 : vector<128x128xf32>
    %tanh3A_150 = math.tanh %mul3A_149 : vector<128x128xf32>
    %mul3A_151 = arith.constant 5.000000e-01 : f32
    %mul3A_152 = vector.broadcast %mul3A_151 : f32 to vector<128x128xf32>
    %mul3A_153 = arith.mulf %mul3A_152, %tanh3A_150 : vector<128x128xf32>
    %add3A_154 = arith.constant 5.000000e-01 : f32
    %add3A_155 = vector.broadcast %add3A_154 : f32 to vector<128x128xf32>
    %add3A_156 = arith.addf %add3A_155, %mul3A_153 : vector<128x128xf32>
    %slice3A_157 = vector.extract_strided_slice %add3A_145 {offsets = [0, 128], sizes = [128, 128], strides = [1, 1]} : vector<128x512xf32> to vector<128x128xf32>
    %mul3A_158 = arith.constant 5.000000e-01 : f32
    %mul3A_159 = vector.broadcast %mul3A_158 : f32 to vector<128x128xf32>
    %mul3A_160 = arith.mulf %mul3A_159, %slice3A_157 : vector<128x128xf32>
    %tanh3A_161 = math.tanh %mul3A_160 : vector<128x128xf32>
    %mul3A_162 = arith.constant 5.000000e-01 : f32
    %mul3A_163 = vector.broadcast %mul3A_162 : f32 to vector<128x128xf32>
    %mul3A_164 = arith.mulf %mul3A_163, %tanh3A_161 : vector<128x128xf32>
    %add3A_165 = arith.constant 5.000000e-01 : f32
    %add3A_166 = vector.broadcast %add3A_165 : f32 to vector<128x128xf32>
    %add3A_167 = arith.addf %add3A_166, %mul3A_164 : vector<128x128xf32>
    %slice3A_168 = vector.extract_strided_slice %add3A_145 {offsets = [0, 256], sizes = [128, 128], strides = [1, 1]} : vector<128x512xf32> to vector<128x128xf32>
    %tanh3A_169 = math.tanh %slice3A_168 : vector<128x128xf32>
    %slice3A_170 = vector.extract_strided_slice %add3A_145 {offsets = [0, 384], sizes = [128, 128], strides = [1, 1]} : vector<128x512xf32> to vector<128x128xf32>
    %mul3A_171 = arith.constant 5.000000e-01 : f32
    %mul3A_172 = vector.broadcast %mul3A_171 : f32 to vector<128x128xf32>
    %mul3A_173 = arith.mulf %mul3A_172, %slice3A_170 : vector<128x128xf32>
    %tanh3A_174 = math.tanh %mul3A_173 : vector<128x128xf32>
    %mul3A_175 = arith.constant 5.000000e-01 : f32
    %mul3A_176 = vector.broadcast %mul3A_175 : f32 to vector<128x128xf32>
    %mul3A_177 = arith.mulf %mul3A_176, %tanh3A_174 : vector<128x128xf32>
    %add3A_178 = arith.constant 5.000000e-01 : f32
    %add3A_179 = vector.broadcast %add3A_178 : f32 to vector<128x128xf32>
    %add3A_180 = arith.addf %add3A_179, %mul3A_177 : vector<128x128xf32>
    %mul3A_181 = arith.mulf %add3A_167, %get3A_74 : vector<128x128xf32>
    %mul3A_182 = arith.mulf %add3A_156, %tanh3A_169 : vector<128x128xf32>
    %add3A_183 = arith.addf %mul3A_181, %mul3A_182 : vector<128x128xf32>
    %tanh3A_184 = math.tanh %add3A_183 : vector<128x128xf32>
    %mul3A_185 = arith.mulf %add3A_180, %tanh3A_184 : vector<128x128xf32>
    %broadcast_in_dim3A_186 = vector.shape_cast %gt3A_140 : vector<128x1xi1> to vector<128x1xi1>
    %broadcast_in_dim3A_187 = vector.broadcast %broadcast_in_dim3A_186 : vector<128x1xi1> to vector<128x128xi1>
    %select_n3A_188 = arith.select %broadcast_in_dim3A_187, %mul3A_185, %get3A_71 : vector<128x128xi1>, vector<128x128xf32>
    %broadcast_in_dim3A_189 = vector.shape_cast %gt3A_140 : vector<128x1xi1> to vector<128x1xi1>
    %broadcast_in_dim3A_190 = vector.broadcast %broadcast_in_dim3A_189 : vector<128x1xi1> to vector<128x128xi1>
    %select_n3A_191 = arith.select %broadcast_in_dim3A_190, %add3A_183, %get3A_74 : vector<128x128xi1>, vector<128x128xf32>
    %gt3A_192 = arith.constant 0 : i32
    %gt3A_193 = vector.broadcast %gt3A_192 : i32 to vector<128x1xi32>
    %gt3A_194 = arith.cmpi sgt, %broadcast_in_dim3A_52, %gt3A_193 : vector<128x1xi32>
    %gt3A_195 = arith.constant 26 : i32
    %gt3A_196 = vector.broadcast %gt3A_195 : i32 to vector<128x1xi32>
    %gt3A_197 = arith.cmpi sgt, %broadcast_in_dim3A_52, %gt3A_196 : vector<128x1xi32>
    %get3A_198 = arith.constant 0 : index
    %get3A_199 = arith.constant 0 : index
    %get3A_200 = arith.constant 0 : index
    %get3A_201 = vector.load %arg1[%get3A_198, %get3A_199, %get3A_200] : memref<42x128x128xf32, #tpu.memory_space<vmem>>, vector<1x128x128xf32>
    %get3A_202 = vector.shape_cast %get3A_201 : vector<1x128x128xf32> to vector<128x128xf32>
    %dot_general3A_203 = arith.constant dense<0.000000e+00> : vector<128x512xf32>
    %dot_general3A_204 = tpu.matmul %get3A_202, %concatenate3A_25, %dot_general3A_203 {dimension_numbers = #tpu.dot_dimension_numbers<[1], [0], [0], [1], [0, 0, 1, 1], [], []>, transpose_lhs_hint = false} : vector<128x128xf32>, vector<128x512xf32>, vector<128x512xf32> -> vector<128x512xf32>
    %dot_general3A_205 = arith.constant dense<0.000000e+00> : vector<128x512xf32>
    %dot_general3A_206 = tpu.matmul %get3A_77, %transpose3A_64, %dot_general3A_205 {dimension_numbers = #tpu.dot_dimension_numbers<[1], [0], [0], [1], [0, 0, 1, 1], [], []>, transpose_lhs_hint = false} : vector<128x128xf32>, vector<128x512xf32>, vector<128x512xf32> -> vector<128x512xf32>
    %add3A_207 = arith.addf %dot_general3A_204, %dot_general3A_206 : vector<128x512xf32>
    %slice3A_208 = vector.extract_strided_slice %add3A_207 {offsets = [0, 0], sizes = [128, 128], strides = [1, 1]} : vector<128x512xf32> to vector<128x128xf32>
    %mul3A_209 = arith.constant 5.000000e-01 : f32
    %mul3A_210 = vector.broadcast %mul3A_209 : f32 to vector<128x128xf32>
    %mul3A_211 = arith.mulf %mul3A_210, %slice3A_208 : vector<128x128xf32>
    %tanh3A_212 = math.tanh %mul3A_211 : vector<128x128xf32>
    %mul3A_213 = arith.constant 5.000000e-01 : f32
    %mul3A_214 = vector.broadcast %mul3A_213 : f32 to vector<128x128xf32>
    %mul3A_215 = arith.mulf %mul3A_214, %tanh3A_212 : vector<128x128xf32>
    %add3A_216 = arith.constant 5.000000e-01 : f32
    %add3A_217 = vector.broadcast %add3A_216 : f32 to vector<128x128xf32>
    %add3A_218 = arith.addf %add3A_217, %mul3A_215 : vector<128x128xf32>
    %slice3A_219 = vector.extract_strided_slice %add3A_207 {offsets = [0, 128], sizes = [128, 128], strides = [1, 1]} : vector<128x512xf32> to vector<128x128xf32>
    %mul3A_220 = arith.constant 5.000000e-01 : f32
    %mul3A_221 = vector.broadcast %mul3A_220 : f32 to vector<128x128xf32>
    %mul3A_222 = arith.mulf %mul3A_221, %slice3A_219 : vector<128x128xf32>
    %tanh3A_223 = math.tanh %mul3A_222 : vector<128x128xf32>
    %mul3A_224 = arith.constant 5.000000e-01 : f32
    %mul3A_225 = vector.broadcast %mul3A_224 : f32 to vector<128x128xf32>
    %mul3A_226 = arith.mulf %mul3A_225, %tanh3A_223 : vector<128x128xf32>
    %add3A_227 = arith.constant 5.000000e-01 : f32
    %add3A_228 = vector.broadcast %add3A_227 : f32 to vector<128x128xf32>
    %add3A_229 = arith.addf %add3A_228, %mul3A_226 : vector<128x128xf32>
    %slice3A_230 = vector.extract_strided_slice %add3A_207 {offsets = [0, 256], sizes = [128, 128], strides = [1, 1]} : vector<128x512xf32> to vector<128x128xf32>
    %tanh3A_231 = math.tanh %slice3A_230 : vector<128x128xf32>
    %slice3A_232 = vector.extract_strided_slice %add3A_207 {offsets = [0, 384], sizes = [128, 128], strides = [1, 1]} : vector<128x512xf32> to vector<128x128xf32>
    %mul3A_233 = arith.constant 5.000000e-01 : f32
    %mul3A_234 = vector.broadcast %mul3A_233 : f32 to vector<128x128xf32>
    %mul3A_235 = arith.mulf %mul3A_234, %slice3A_232 : vector<128x128xf32>
    %tanh3A_236 = math.tanh %mul3A_235 : vector<128x128xf32>
    %mul3A_237 = arith.constant 5.000000e-01 : f32
    %mul3A_238 = vector.broadcast %mul3A_237 : f32 to vector<128x128xf32>
    %mul3A_239 = arith.mulf %mul3A_238, %tanh3A_236 : vector<128x128xf32>
    %add3A_240 = arith.constant 5.000000e-01 : f32
    %add3A_241 = vector.broadcast %add3A_240 : f32 to vector<128x128xf32>
    %add3A_242 = arith.addf %add3A_241, %mul3A_239 : vector<128x128xf32>
    %mul3A_243 = arith.mulf %add3A_229, %get3A_80 : vector<128x128xf32>
    %mul3A_244 = arith.mulf %add3A_218, %tanh3A_231 : vector<128x128xf32>
    %add3A_245 = arith.addf %mul3A_243, %mul3A_244 : vector<128x128xf32>
    %tanh3A_246 = math.tanh %add3A_245 : vector<128x128xf32>
    %mul3A_247 = arith.mulf %add3A_242, %tanh3A_246 : vector<128x128xf32>
    %broadcast_in_dim3A_248 = vector.shape_cast %gt3A_194 : vector<128x1xi1> to vector<128x1xi1>
    %broadcast_in_dim3A_249 = vector.broadcast %broadcast_in_dim3A_248 : vector<128x1xi1> to vector<128x128xi1>
    %select_n3A_250 = arith.select %broadcast_in_dim3A_249, %mul3A_247, %get3A_77 : vector<128x128xi1>, vector<128x128xf32>
    %broadcast_in_dim3A_251 = vector.shape_cast %gt3A_194 : vector<128x1xi1> to vector<128x1xi1>
    %broadcast_in_dim3A_252 = vector.broadcast %broadcast_in_dim3A_251 : vector<128x1xi1> to vector<128x128xi1>
    %select_n3A_253 = arith.select %broadcast_in_dim3A_252, %add3A_245, %get3A_80 : vector<128x128xi1>, vector<128x128xf32>
    %get3A_254 = arith.constant 26 : index
    %get3A_255 = arith.constant 0 : index
    %get3A_256 = arith.constant 0 : index
    %get3A_257 = vector.load %arg1[%get3A_254, %get3A_255, %get3A_256] : memref<42x128x128xf32, #tpu.memory_space<vmem>>, vector<1x128x128xf32>
    %get3A_258 = vector.shape_cast %get3A_257 : vector<1x128x128xf32> to vector<128x128xf32>
    %dot_general3A_259 = arith.constant dense<0.000000e+00> : vector<128x512xf32>
    %dot_general3A_260 = tpu.matmul %get3A_258, %concatenate3A_35, %dot_general3A_259 {dimension_numbers = #tpu.dot_dimension_numbers<[1], [0], [0], [1], [0, 0, 1, 1], [], []>, transpose_lhs_hint = false} : vector<128x128xf32>, vector<128x512xf32>, vector<128x512xf32> -> vector<128x512xf32>
    %dot_general3A_261 = arith.constant dense<0.000000e+00> : vector<128x512xf32>
    %dot_general3A_262 = tpu.matmul %get3A_77, %transpose3A_68, %dot_general3A_261 {dimension_numbers = #tpu.dot_dimension_numbers<[1], [0], [0], [1], [0, 0, 1, 1], [], []>, transpose_lhs_hint = false} : vector<128x128xf32>, vector<128x512xf32>, vector<128x512xf32> -> vector<128x512xf32>
    %add3A_263 = arith.addf %dot_general3A_260, %dot_general3A_262 : vector<128x512xf32>
    %slice3A_264 = vector.extract_strided_slice %add3A_263 {offsets = [0, 0], sizes = [128, 128], strides = [1, 1]} : vector<128x512xf32> to vector<128x128xf32>
    %mul3A_265 = arith.constant 5.000000e-01 : f32
    %mul3A_266 = vector.broadcast %mul3A_265 : f32 to vector<128x128xf32>
    %mul3A_267 = arith.mulf %mul3A_266, %slice3A_264 : vector<128x128xf32>
    %tanh3A_268 = math.tanh %mul3A_267 : vector<128x128xf32>
    %mul3A_269 = arith.constant 5.000000e-01 : f32
    %mul3A_270 = vector.broadcast %mul3A_269 : f32 to vector<128x128xf32>
    %mul3A_271 = arith.mulf %mul3A_270, %tanh3A_268 : vector<128x128xf32>
    %add3A_272 = arith.constant 5.000000e-01 : f32
    %add3A_273 = vector.broadcast %add3A_272 : f32 to vector<128x128xf32>
    %add3A_274 = arith.addf %add3A_273, %mul3A_271 : vector<128x128xf32>
    %slice3A_275 = vector.extract_strided_slice %add3A_263 {offsets = [0, 128], sizes = [128, 128], strides = [1, 1]} : vector<128x512xf32> to vector<128x128xf32>
    %mul3A_276 = arith.constant 5.000000e-01 : f32
    %mul3A_277 = vector.broadcast %mul3A_276 : f32 to vector<128x128xf32>
    %mul3A_278 = arith.mulf %mul3A_277, %slice3A_275 : vector<128x128xf32>
    %tanh3A_279 = math.tanh %mul3A_278 : vector<128x128xf32>
    %mul3A_280 = arith.constant 5.000000e-01 : f32
    %mul3A_281 = vector.broadcast %mul3A_280 : f32 to vector<128x128xf32>
    %mul3A_282 = arith.mulf %mul3A_281, %tanh3A_279 : vector<128x128xf32>
    %add3A_283 = arith.constant 5.000000e-01 : f32
    %add3A_284 = vector.broadcast %add3A_283 : f32 to vector<128x128xf32>
    %add3A_285 = arith.addf %add3A_284, %mul3A_282 : vector<128x128xf32>
    %slice3A_286 = vector.extract_strided_slice %add3A_263 {offsets = [0, 256], sizes = [128, 128], strides = [1, 1]} : vector<128x512xf32> to vector<128x128xf32>
    %tanh3A_287 = math.tanh %slice3A_286 : vector<128x128xf32>
    %slice3A_288 = vector.extract_strided_slice %add3A_263 {offsets = [0, 384], sizes = [128, 128], strides = [1, 1]} : vector<128x512xf32> to vector<128x128xf32>
    %mul3A_289 = arith.constant 5.000000e-01 : f32
    %mul3A_290 = vector.broadcast %mul3A_289 : f32 to vector<128x128xf32>
    %mul3A_291 = arith.mulf %mul3A_290, %slice3A_288 : vector<128x128xf32>
    %tanh3A_292 = math.tanh %mul3A_291 : vector<128x128xf32>
    %mul3A_293 = arith.constant 5.000000e-01 : f32
    %mul3A_294 = vector.broadcast %mul3A_293 : f32 to vector<128x128xf32>
    %mul3A_295 = arith.mulf %mul3A_294, %tanh3A_292 : vector<128x128xf32>
    %add3A_296 = arith.constant 5.000000e-01 : f32
    %add3A_297 = vector.broadcast %add3A_296 : f32 to vector<128x128xf32>
    %add3A_298 = arith.addf %add3A_297, %mul3A_295 : vector<128x128xf32>
    %mul3A_299 = arith.mulf %add3A_285, %get3A_80 : vector<128x128xf32>
    %mul3A_300 = arith.mulf %add3A_274, %tanh3A_287 : vector<128x128xf32>
    %add3A_301 = arith.addf %mul3A_299, %mul3A_300 : vector<128x128xf32>
    %tanh3A_302 = math.tanh %add3A_301 : vector<128x128xf32>
    %mul3A_303 = arith.mulf %add3A_298, %tanh3A_302 : vector<128x128xf32>
    %broadcast_in_dim3A_304 = vector.shape_cast %gt3A_197 : vector<128x1xi1> to vector<128x1xi1>
    %broadcast_in_dim3A_305 = vector.broadcast %broadcast_in_dim3A_304 : vector<128x1xi1> to vector<128x128xi1>
    %select_n3A_306 = arith.select %broadcast_in_dim3A_305, %mul3A_303, %get3A_77 : vector<128x128xi1>, vector<128x128xf32>
    %broadcast_in_dim3A_307 = vector.shape_cast %gt3A_197 : vector<128x1xi1> to vector<128x1xi1>
    %broadcast_in_dim3A_308 = vector.broadcast %broadcast_in_dim3A_307 : vector<128x1xi1> to vector<128x128xi1>
    %select_n3A_309 = arith.select %broadcast_in_dim3A_308, %add3A_301, %get3A_80 : vector<128x128xi1>, vector<128x128xf32>
    %jit3A = arith.constant 0.000000e+00 : f32
    %broadcast_in_dim3A_310 = vector.shape_cast %gt3A_194 : vector<128x1xi1> to vector<128x1xi1>
    %broadcast_in_dim3A_311 = vector.broadcast %broadcast_in_dim3A_310 : vector<128x1xi1> to vector<128x128xi1>
    %broadcast_in_dim3A_312 = vector.broadcast %jit3A : f32 to vector<128x128xf32>
    %select_n3A_313 = arith.select %broadcast_in_dim3A_311, %mul3A_247, %broadcast_in_dim3A_312 : vector<128x128xi1>, vector<128x128xf32>
    %swap3A = arith.constant 0 : index
    %swap3A_314 = arith.constant 0 : index
    %swap3A_315 = arith.constant 0 : index
    %swap3A_316 = vector.load %arg19[%swap3A, %swap3A_314, %swap3A_315] : memref<128x27x256xf32, #tpu.memory_space<vmem>>, vector<128x1x128xf32>
    %swap3A_317 = vector.shape_cast %swap3A_316 : vector<128x1x128xf32> to vector<128x128xf32>
    %swap3A_318 = vector.shape_cast %select_n3A_313 : vector<128x128xf32> to vector<128x1x128xf32>
    tpu.vector_store %arg19[%swap3A, %swap3A_314, %swap3A_315], %swap3A_318 {strides = array<i32>} : memref<128x27x256xf32, #tpu.memory_space<vmem>>, vector<128x1x128xf32>,
    %jit3A_319 = arith.constant 0.000000e+00 : f32
    %broadcast_in_dim3A_320 = vector.shape_cast %gt3A_197 : vector<128x1xi1> to vector<128x1xi1>
    %broadcast_in_dim3A_321 = vector.broadcast %broadcast_in_dim3A_320 : vector<128x1xi1> to vector<128x128xi1>
    %broadcast_in_dim3A_322 = vector.broadcast %jit3A_319 : f32 to vector<128x128xf32>
    %select_n3A_323 = arith.select %broadcast_in_dim3A_321, %mul3A_303, %broadcast_in_dim3A_322 : vector<128x128xi1>, vector<128x128xf32>
    %swap3A_324 = arith.constant 0 : index
    %swap3A_325 = arith.constant 26 : index
    %swap3A_326 = arith.constant 128 : index
    %swap3A_327 = vector.load %arg19[%swap3A_324, %swap3A_325, %swap3A_326] : memref<128x27x256xf32, #tpu.memory_space<vmem>>, vector<128x1x128xf32>
    %swap3A_328 = vector.shape_cast %swap3A_327 : vector<128x1x128xf32> to vector<128x128xf32>
    %swap3A_329 = vector.shape_cast %select_n3A_323 : vector<128x128xf32> to vector<128x1x128xf32>
    tpu.vector_store %arg19[%swap3A_324, %swap3A_325, %swap3A_326], %swap3A_329 {strides = array<i32>} : memref<128x27x256xf32, #tpu.memory_space<vmem>>, vector<128x1x128xf32>,
    %get3A_330 = arith.constant 28 : index
    %get3A_331 = arith.constant 0 : index
    %get3A_332 = arith.constant 0 : index
    %get3A_333 = vector.load %arg1[%get3A_330, %get3A_331, %get3A_332] : memref<42x128x128xf32, #tpu.memory_space<vmem>>, vector<1x128x128xf32>
    %get3A_334 = vector.shape_cast %get3A_333 : vector<1x128x128xf32> to vector<128x128xf32>
    %gt3A_335 = arith.constant 1 : i32
    %gt3A_336 = vector.broadcast %gt3A_335 : i32 to vector<128x1xi32>
    %gt3A_337 = arith.cmpi sgt, %broadcast_in_dim3A_45, %gt3A_336 : vector<128x1xi32>
    %dot_general3A_338 = arith.constant dense<0.000000e+00> : vector<128x512xf32>
    %dot_general3A_339 = tpu.matmul %get3A_334, %concatenate3A, %dot_general3A_338 {dimension_numbers = #tpu.dot_dimension_numbers<[1], [0], [0], [1], [0, 0, 1, 1], [], []>, transpose_lhs_hint = false} : vector<128x128xf32>, vector<128x512xf32>, vector<128x512xf32> -> vector<128x512xf32>
    %dot_general3A_340 = arith.constant dense<0.000000e+00> : vector<128x512xf32>
    %dot_general3A_341 = tpu.matmul %select_n3A, %transpose3A_56, %dot_general3A_340 {dimension_numbers = #tpu.dot_dimension_numbers<[1], [0], [0], [1], [0, 0, 1, 1], [], []>, transpose_lhs_hint = false} : vector<128x128xf32>, vector<128x512xf32>, vector<128x512xf32> -> vector<128x512xf32>
    %add3A_342 = arith.addf %dot_general3A_339, %dot_general3A_341 : vector<128x512xf32>
    %slice3A_343 = vector.extract_strided_slice %add3A_342 {offsets = [0, 0], sizes = [128, 128], strides = [1, 1]} : vector<128x512xf32> to vector<128x128xf32>
    %mul3A_344 = arith.constant 5.000000e-01 : f32
    %mul3A_345 = vector.broadcast %mul3A_344 : f32 to vector<128x128xf32>
    %mul3A_346 = arith.mulf %mul3A_345, %slice3A_343 : vector<128x128xf32>
    %tanh3A_347 = math.tanh %mul3A_346 : vector<128x128xf32>
    %mul3A_348 = arith.constant 5.000000e-01 : f32
    %mul3A_349 = vector.broadcast %mul3A_348 : f32 to vector<128x128xf32>
    %mul3A_350 = arith.mulf %mul3A_349, %tanh3A_347 : vector<128x128xf32>
    %add3A_351 = arith.constant 5.000000e-01 : f32
    %add3A_352 = vector.broadcast %add3A_351 : f32 to vector<128x128xf32>
    %add3A_353 = arith.addf %add3A_352, %mul3A_350 : vector<128x128xf32>
    %slice3A_354 = vector.extract_strided_slice %add3A_342 {offsets = [0, 128], sizes = [128, 128], strides = [1, 1]} : vector<128x512xf32> to vector<128x128xf32>
    %mul3A_355 = arith.constant 5.000000e-01 : f32
    %mul3A_356 = vector.broadcast %mul3A_355 : f32 to vector<128x128xf32>
    %mul3A_357 = arith.mulf %mul3A_356, %slice3A_354 : vector<128x128xf32>
    %tanh3A_358 = math.tanh %mul3A_357 : vector<128x128xf32>
    %mul3A_359 = arith.constant 5.000000e-01 : f32
    %mul3A_360 = vector.broadcast %mul3A_359 : f32 to vector<128x128xf32>
    %mul3A_361 = arith.mulf %mul3A_360, %tanh3A_358 : vector<128x128xf32>
    %add3A_362 = arith.constant 5.000000e-01 : f32
    %add3A_363 = vector.broadcast %add3A_362 : f32 to vector<128x128xf32>
    %add3A_364 = arith.addf %add3A_363, %mul3A_361 : vector<128x128xf32>
    %slice3A_365 = vector.extract_strided_slice %add3A_342 {offsets = [0, 256], sizes = [128, 128], strides = [1, 1]} : vector<128x512xf32> to vector<128x128xf32>
    %tanh3A_366 = math.tanh %slice3A_365 : vector<128x128xf32>
    %slice3A_367 = vector.extract_strided_slice %add3A_342 {offsets = [0, 384], sizes = [128, 128], strides = [1, 1]} : vector<128x512xf32> to vector<128x128xf32>
    %mul3A_368 = arith.constant 5.000000e-01 : f32
    %mul3A_369 = vector.broadcast %mul3A_368 : f32 to vector<128x128xf32>
    %mul3A_370 = arith.mulf %mul3A_369, %slice3A_367 : vector<128x128xf32>
    %tanh3A_371 = math.tanh %mul3A_370 : vector<128x128xf32>
    %mul3A_372 = arith.constant 5.000000e-01 : f32
    %mul3A_373 = vector.broadcast %mul3A_372 : f32 to vector<128x128xf32>
    %mul3A_374 = arith.mulf %mul3A_373, %tanh3A_371 : vector<128x128xf32>
    %add3A_375 = arith.constant 5.000000e-01 : f32
    %add3A_376 = vector.broadcast %add3A_375 : f32 to vector<128x128xf32>
    %add3A_377 = arith.addf %add3A_376, %mul3A_374 : vector<128x128xf32>
    %mul3A_378 = arith.mulf %add3A_364, %select_n3A_132 : vector<128x128xf32>
    %mul3A_379 = arith.mulf %add3A_353, %tanh3A_366 : vector<128x128xf32>
    %add3A_380 = arith.addf %mul3A_378, %mul3A_379 : vector<128x128xf32>
    %tanh3A_381 = math.tanh %add3A_380 : vector<128x128xf32>
    %mul3A_382 = arith.mulf %add3A_377, %tanh3A_381 : vector<128x128xf32>
    %broadcast_in_dim3A_383 = vector.shape_cast %gt3A_337 : vector<128x1xi1> to vector<128x1xi1>
    %broadcast_in_dim3A_384 = vector.broadcast %broadcast_in_dim3A_383 : vector<128x1xi1> to vector<128x128xi1>
    %select_n3A_385 = arith.select %broadcast_in_dim3A_384, %mul3A_382, %select_n3A : vector<128x128xi1>, vector<128x128xf32>
    %broadcast_in_dim3A_386 = vector.shape_cast %gt3A_337 : vector<128x1xi1> to vector<128x1xi1>
    %broadcast_in_dim3A_387 = vector.broadcast %broadcast_in_dim3A_386 : vector<128x1xi1> to vector<128x128xi1>
    %select_n3A_388 = arith.select %broadcast_in_dim3A_387, %add3A_380, %select_n3A_132 : vector<128x128xi1>, vector<128x128xf32>
    %get3A_389 = arith.constant 40 : index
    %get3A_390 = arith.constant 0 : index
    %get3A_391 = arith.constant 0 : index
    %get3A_392 = vector.load %arg1[%get3A_389, %get3A_390, %get3A_391] : memref<42x128x128xf32, #tpu.memory_space<vmem>>, vector<1x128x128xf32>
    %get3A_393 = vector.shape_cast %get3A_392 : vector<1x128x128xf32> to vector<128x128xf32>
    %gt3A_394 = arith.constant 13 : i32
    %gt3A_395 = vector.broadcast %gt3A_394 : i32 to vector<128x1xi32>
    %gt3A_396 = arith.cmpi sgt, %broadcast_in_dim3A_45, %gt3A_395 : vector<128x1xi32>
    %dot_general3A_397 = arith.constant dense<0.000000e+00> : vector<128x512xf32>
    %dot_general3A_398 = tpu.matmul %get3A_393, %concatenate3A_15, %dot_general3A_397 {dimension_numbers = #tpu.dot_dimension_numbers<[1], [0], [0], [1], [0, 0, 1, 1], [], []>, transpose_lhs_hint = false} : vector<128x128xf32>, vector<128x512xf32>, vector<128x512xf32> -> vector<128x512xf32>
    %dot_general3A_399 = arith.constant dense<0.000000e+00> : vector<128x512xf32>
    %dot_general3A_400 = tpu.matmul %select_n3A_188, %transpose3A_60, %dot_general3A_399 {dimension_numbers = #tpu.dot_dimension_numbers<[1], [0], [0], [1], [0, 0, 1, 1], [], []>, transpose_lhs_hint = false} : vector<128x128xf32>, vector<128x512xf32>, vector<128x512xf32> -> vector<128x512xf32>
    %add3A_401 = arith.addf %dot_general3A_398, %dot_general3A_400 : vector<128x512xf32>
    %slice3A_402 = vector.extract_strided_slice %add3A_401 {offsets = [0, 0], sizes = [128, 128], strides = [1, 1]} : vector<128x512xf32> to vector<128x128xf32>
    %mul3A_403 = arith.constant 5.000000e-01 : f32
    %mul3A_404 = vector.broadcast %mul3A_403 : f32 to vector<128x128xf32>
    %mul3A_405 = arith.mulf %mul3A_404, %slice3A_402 : vector<128x128xf32>
    %tanh3A_406 = math.tanh %mul3A_405 : vector<128x128xf32>
    %mul3A_407 = arith.constant 5.000000e-01 : f32
    %mul3A_408 = vector.broadcast %mul3A_407 : f32 to vector<128x128xf32>
    %mul3A_409 = arith.mulf %mul3A_408, %tanh3A_406 : vector<128x128xf32>
    %add3A_410 = arith.constant 5.000000e-01 : f32
    %add3A_411 = vector.broadcast %add3A_410 : f32 to vector<128x128xf32>
    %add3A_412 = arith.addf %add3A_411, %mul3A_409 : vector<128x128xf32>
    %slice3A_413 = vector.extract_strided_slice %add3A_401 {offsets = [0, 128], sizes = [128, 128], strides = [1, 1]} : vector<128x512xf32> to vector<128x128xf32>
    %mul3A_414 = arith.constant 5.000000e-01 : f32
    %mul3A_415 = vector.broadcast %mul3A_414 : f32 to vector<128x128xf32>
    %mul3A_416 = arith.mulf %mul3A_415, %slice3A_413 : vector<128x128xf32>
    %tanh3A_417 = math.tanh %mul3A_416 : vector<128x128xf32>
    %mul3A_418 = arith.constant 5.000000e-01 : f32
    %mul3A_419 = vector.broadcast %mul3A_418 : f32 to vector<128x128xf32>
    %mul3A_420 = arith.mulf %mul3A_419, %tanh3A_417 : vector<128x128xf32>
    %add3A_421 = arith.constant 5.000000e-01 : f32
    %add3A_422 = vector.broadcast %add3A_421 : f32 to vector<128x128xf32>
    %add3A_423 = arith.addf %add3A_422, %mul3A_420 : vector<128x128xf32>
    %slice3A_424 = vector.extract_strided_slice %add3A_401 {offsets = [0, 256], sizes = [128, 128], strides = [1, 1]} : vector<128x512xf32> to vector<128x128xf32>
    %tanh3A_425 = math.tanh %slice3A_424 : vector<128x128xf32>
    %slice3A_426 = vector.extract_strided_slice %add3A_401 {offsets = [0, 384], sizes = [128, 128], strides = [1, 1]} : vector<128x512xf32> to vector<128x128xf32>
    %mul3A_427 = arith.constant 5.000000e-01 : f32
    %mul3A_428 = vector.broadcast %mul3A_427 : f32 to vector<128x128xf32>
    %mul3A_429 = arith.mulf %mul3A_428, %slice3A_426 : vector<128x128xf32>
    %tanh3A_430 = math.tanh %mul3A_429 : vector<128x128xf32>
    %mul3A_431 = arith.constant 5.000000e-01 : f32
    %mul3A_432 = vector.broadcast %mul3A_431 : f32 to vector<128x128xf32>
    %mul3A_433 = arith.mulf %mul3A_432, %tanh3A_430 : vector<128x128xf32>
    %add3A_434 = arith.constant 5.000000e-01 : f32
    %add3A_435 = vector.broadcast %add3A_434 : f32 to vector<128x128xf32>
    %add3A_436 = arith.addf %add3A_435, %mul3A_433 : vector<128x128xf32>
    %mul3A_437 = arith.mulf %add3A_423, %select_n3A_191 : vector<128x128xf32>
    %mul3A_438 = arith.mulf %add3A_412, %tanh3A_425 : vector<128x128xf32>
    %add3A_439 = arith.addf %mul3A_437, %mul3A_438 : vector<128x128xf32>
    %tanh3A_440 = math.tanh %add3A_439 : vector<128x128xf32>
    %mul3A_441 = arith.mulf %add3A_436, %tanh3A_440 : vector<128x128xf32>
    %broadcast_in_dim3A_442 = vector.shape_cast %gt3A_396 : vector<128x1xi1> to vector<128x1xi1>
    %broadcast_in_dim3A_443 = vector.broadcast %broadcast_in_dim3A_442 : vector<128x1xi1> to vector<128x128xi1>
    %select_n3A_444 = arith.select %broadcast_in_dim3A_443, %mul3A_441, %select_n3A_188 : vector<128x128xi1>, vector<128x128xf32>
    %broadcast_in_dim3A_445 = vector.shape_cast %gt3A_396 : vector<128x1xi1> to vector<128x1xi1>
    %broadcast_in_dim3A_446 = vector.broadcast %broadcast_in_dim3A_445 : vector<128x1xi1> to vector<128x128xi1>
    %select_n3A_447 = arith.select %broadcast_in_dim3A_446, %add3A_439, %select_n3A_191 : vector<128x128xi1>, vector<128x128xf32>
    %gt3A_448 = arith.constant 1 : i32
    %gt3A_449 = vector.broadcast %gt3A_448 : i32 to vector<128x1xi32>
    %gt3A_450 = arith.cmpi sgt, %broadcast_in_dim3A_52, %gt3A_449 : vector<128x1xi32>
    %gt3A_451 = arith.constant 25 : i32
    %gt3A_452 = vector.broadcast %gt3A_451 : i32 to vector<128x1xi32>
    %gt3A_453 = arith.cmpi sgt, %broadcast_in_dim3A_52, %gt3A_452 : vector<128x1xi32>
    %get3A_454 = arith.constant 1 : index
    %get3A_455 = arith.constant 0 : index
    %get3A_456 = arith.constant 0 : index
    %get3A_457 = vector.load %arg1[%get3A_454, %get3A_455, %get3A_456] : memref<42x128x128xf32, #tpu.memory_space<vmem>>, vector<1x128x128xf32>
    %get3A_458 = vector.shape_cast %get3A_457 : vector<1x128x128xf32> to vector<128x128xf32>
    %dot_general3A_459 = arith.constant dense<0.000000e+00> : vector<128x512xf32>
    %dot_general3A_460 = tpu.matmul %get3A_458, %concatenate3A_25, %dot_general3A_459 {dimension_numbers = #tpu.dot_dimension_numbers<[1], [0], [0], [1], [0, 0, 1, 1], [], []>, transpose_lhs_hint = false} : vector<128x128xf32>, vector<128x512xf32>, vector<128x512xf32> -> vector<128x512xf32>
    %dot_general3A_461 = arith.constant dense<0.000000e+00> : vector<128x512xf32>
    %dot_general3A_462 = tpu.matmul %select_n3A_250, %transpose3A_64, %dot_general3A_461 {dimension_numbers = #tpu.dot_dimension_numbers<[1], [0], [0], [1], [0, 0, 1, 1], [], []>, transpose_lhs_hint = false} : vector<128x128xf32>, vector<128x512xf32>, vector<128x512xf32> -> vector<128x512xf32>
    %add3A_463 = arith.addf %dot_general3A_460, %dot_general3A_462 : vector<128x512xf32>
    %slice3A_464 = vector.extract_strided_slice %add3A_463 {offsets = [0, 0], sizes = [128, 128], strides = [1, 1]} : vector<128x512xf32> to vector<128x128xf32>
    %mul3A_465 = arith.constant 5.000000e-01 : f32
    %mul3A_466 = vector.broadcast %mul3A_465 : f32 to vector<128x128xf32>
    %mul3A_467 = arith.mulf %mul3A_466, %slice3A_464 : vector<128x128xf32>
    %tanh3A_468 = math.tanh %mul3A_467 : vector<128x128xf32>
    %mul3A_469 = arith.constant 5.000000e-01 : f32
    %mul3A_470 = vector.broadcast %mul3A_469 : f32 to vector<128x128xf32>
    %mul3A_471 = arith.mulf %mul3A_470, %tanh3A_468 : vector<128x128xf32>
    %add3A_472 = arith.constant 5.000000e-01 : f32
    %add3A_473 = vector.broadcast %add3A_472 : f32 to vector<128x128xf32>
    %add3A_474 = arith.addf %add3A_473, %mul3A_471 : vector<128x128xf32>
    %slice3A_475 = vector.extract_strided_slice %add3A_463 {offsets = [0, 128], sizes = [128, 128], strides = [1, 1]} : vector<128x512xf32> to vector<128x128xf32>
    %mul3A_476 = arith.constant 5.000000e-01 : f32
    %mul3A_477 = vector.broadcast %mul3A_476 : f32 to vector<128x128xf32>
    %mul3A_478 = arith.mulf %mul3A_477, %slice3A_475 : vector<128x128xf32>
    %tanh3A_479 = math.tanh %mul3A_478 : vector<128x128xf32>
    %mul3A_480 = arith.constant 5.000000e-01 : f32
    %mul3A_481 = vector.broadcast %mul3A_480 : f32 to vector<128x128xf32>
    %mul3A_482 = arith.mulf %mul3A_481, %tanh3A_479 : vector<128x128xf32>
    %add3A_483 = arith.constant 5.000000e-01 : f32
    %add3A_484 = vector.broadcast %add3A_483 : f32 to vector<128x128xf32>
    %add3A_485 = arith.addf %add3A_484, %mul3A_482 : vector<128x128xf32>
    %slice3A_486 = vector.extract_strided_slice %add3A_463 {offsets = [0, 256], sizes = [128, 128], strides = [1, 1]} : vector<128x512xf32> to vector<128x128xf32>
    %tanh3A_487 = math.tanh %slice3A_486 : vector<128x128xf32>
    %slice3A_488 = vector.extract_strided_slice %add3A_463 {offsets = [0, 384], sizes = [128, 128], strides = [1, 1]} : vector<128x512xf32> to vector<128x128xf32>
    %mul3A_489 = arith.constant 5.000000e-01 : f32
    %mul3A_490 = vector.broadcast %mul3A_489 : f32 to vector<128x128xf32>
    %mul3A_491 = arith.mulf %mul3A_490, %slice3A_488 : vector<128x128xf32>
    %tanh3A_492 = math.tanh %mul3A_491 : vector<128x128xf32>
    %mul3A_493 = arith.constant 5.000000e-01 : f32
    %mul3A_494 = vector.broadcast %mul3A_493 : f32 to vector<128x128xf32>
    %mul3A_495 = arith.mulf %mul3A_494, %tanh3A_492 : vector<128x128xf32>
    %add3A_496 = arith.constant 5.000000e-01 : f32
    %add3A_497 = vector.broadcast %add3A_496 : f32 to vector<128x128xf32>
    %add3A_498 = arith.addf %add3A_497, %mul3A_495 : vector<128x128xf32>
    %mul3A_499 = arith.mulf %add3A_485, %select_n3A_253 : vector<128x128xf32>
    %mul3A_500 = arith.mulf %add3A_474, %tanh3A_487 : vector<128x128xf32>
    %add3A_501 = arith.addf %mul3A_499, %mul3A_500 : vector<128x128xf32>
    %tanh3A_502 = math.tanh %add3A_501 : vector<128x128xf32>
    %mul3A_503 = arith.mulf %add3A_498, %tanh3A_502 : vector<128x128xf32>
    %broadcast_in_dim3A_504 = vector.shape_cast %gt3A_450 : vector<128x1xi1> to vector<128x1xi1>
    %broadcast_in_dim3A_505 = vector.broadcast %broadcast_in_dim3A_504 : vector<128x1xi1> to vector<128x128xi1>
    %select_n3A_506 = arith.select %broadcast_in_dim3A_505, %mul3A_503, %select_n3A_250 : vector<128x128xi1>, vector<128x128xf32>
    %broadcast_in_dim3A_507 = vector.shape_cast %gt3A_450 : vector<128x1xi1> to vector<128x1xi1>
    %broadcast_in_dim3A_508 = vector.broadcast %broadcast_in_dim3A_507 : vector<128x1xi1> to vector<128x128xi1>
    %select_n3A_509 = arith.select %broadcast_in_dim3A_508, %add3A_501, %select_n3A_253 : vector<128x128xi1>, vector<128x128xf32>
    %get3A_510 = arith.constant 25 : index
    %get3A_511 = arith.constant 0 : index
    %get3A_512 = arith.constant 0 : index
    %get3A_513 = vector.load %arg1[%get3A_510, %get3A_511, %get3A_512] : memref<42x128x128xf32, #tpu.memory_space<vmem>>, vector<1x128x128xf32>
    %get3A_514 = vector.shape_cast %get3A_513 : vector<1x128x128xf32> to vector<128x128xf32>
    %dot_general3A_515 = arith.constant dense<0.000000e+00> : vector<128x512xf32>
    %dot_general3A_516 = tpu.matmul %get3A_514, %concatenate3A_35, %dot_general3A_515 {dimension_numbers = #tpu.dot_dimension_numbers<[1], [0], [0], [1], [0, 0, 1, 1], [], []>, transpose_lhs_hint = false} : vector<128x128xf32>, vector<128x512xf32>, vector<128x512xf32> -> vector<128x512xf32>
    %dot_general3A_517 = arith.constant dense<0.000000e+00> : vector<128x512xf32>
    %dot_general3A_518 = tpu.matmul %select_n3A_306, %transpose3A_68, %dot_general3A_517 {dimension_numbers = #tpu.dot_dimension_numbers<[1], [0], [0], [1], [0, 0, 1, 1], [], []>, transpose_lhs_hint = false} : vector<128x128xf32>, vector<128x512xf32>, vector<128x512xf32> -> vector<128x512xf32>
    %add3A_519 = arith.addf %dot_general3A_516, %dot_general3A_518 : vector<128x512xf32>
    %slice3A_520 = vector.extract_strided_slice %add3A_519 {offsets = [0, 0], sizes = [128, 128], strides = [1, 1]} : vector<128x512xf32> to vector<128x128xf32>
    %mul3A_521 = arith.constant 5.000000e-01 : f32
    %mul3A_522 = vector.broadcast %mul3A_521 : f32 to vector<128x128xf32>
    %mul3A_523 = arith.mulf %mul3A_522, %slice3A_520 : vector<128x128xf32>
    %tanh3A_524 = math.tanh %mul3A_523 : vector<128x128xf32>
    %mul3A_525 = arith.constant 5.000000e-01 : f32
    %mul3A_526 = vector.broadcast %mul3A_525 : f32 to vector<128x128xf32>
    %mul3A_527 = arith.mulf %mul3A_526, %tanh3A_524 : vector<128x128xf32>
    %add3A_528 = arith.constant 5.000000e-01 : f32
    %add3A_529 = vector.broadcast %add3A_528 : f32 to vector<128x128xf32>
    %add3A_530 = arith.addf %add3A_529, %mul3A_527 : vector<128x128xf32>
    %slice3A_531 = vector.extract_strided_slice %add3A_519 {offsets = [0, 128], sizes = [128, 128], strides = [1, 1]} : vector<128x512xf32> to vector<128x128xf32>
    %mul3A_532 = arith.constant 5.000000e-01 : f32
    %mul3A_533 = vector.broadcast %mul3A_532 : f32 to vector<128x128xf32>
    %mul3A_534 = arith.mulf %mul3A_533, %slice3A_531 : vector<128x128xf32>
    %tanh3A_535 = math.tanh %mul3A_534 : vector<128x128xf32>
    %mul3A_536 = arith.constant 5.000000e-01 : f32
    %mul3A_537 = vector.broadcast %mul3A_536 : f32 to vector<128x128xf32>
    %mul3A_538 = arith.mulf %mul3A_537, %tanh3A_535 : vector<128x128xf32>
    %add3A_539 = arith.constant 5.000000e-01 : f32
    %add3A_540 = vector.broadcast %add3A_539 : f32 to vector<128x128xf32>
    %add3A_541 = arith.addf %add3A_540, %mul3A_538 : vector<128x128xf32>
    %slice3A_542 = vector.extract_strided_slice %add3A_519 {offsets = [0, 256], sizes = [128, 128], strides = [1, 1]} : vector<128x512xf32> to vector<128x128xf32>
    %tanh3A_543 = math.tanh %slice3A_542 : vector<128x128xf32>
    %slice3A_544 = vector.extract_strided_slice %add3A_519 {offsets = [0, 384], sizes = [128, 128], strides = [1, 1]} : vector<128x512xf32> to vector<128x128xf32>
    %mul3A_545 = arith.constant 5.000000e-01 : f32
    %mul3A_546 = vector.broadcast %mul3A_545 : f32 to vector<128x128xf32>
    %mul3A_547 = arith.mulf %mul3A_546, %slice3A_544 : vector<128x128xf32>
    %tanh3A_548 = math.tanh %mul3A_547 : vector<128x128xf32>
    %mul3A_549 = arith.constant 5.000000e-01 : f32
    %mul3A_550 = vector.broadcast %mul3A_549 : f32 to vector<128x128xf32>
    %mul3A_551 = arith.mulf %mul3A_550, %tanh3A_548 : vector<128x128xf32>
    %add3A_552 = arith.constant 5.000000e-01 : f32
    %add3A_553 = vector.broadcast %add3A_552 : f32 to vector<128x128xf32>
    %add3A_554 = arith.addf %add3A_553, %mul3A_551 : vector<128x128xf32>
    %mul3A_555 = arith.mulf %add3A_541, %select_n3A_309 : vector<128x128xf32>
    %mul3A_556 = arith.mulf %add3A_530, %tanh3A_543 : vector<128x128xf32>
    %add3A_557 = arith.addf %mul3A_555, %mul3A_556 : vector<128x128xf32>
    %tanh3A_558 = math.tanh %add3A_557 : vector<128x128xf32>
    %mul3A_559 = arith.mulf %add3A_554, %tanh3A_558 : vector<128x128xf32>
    %broadcast_in_dim3A_560 = vector.shape_cast %gt3A_453 : vector<128x1xi1> to vector<128x1xi1>
    %broadcast_in_dim3A_561 = vector.broadcast %broadcast_in_dim3A_560 : vector<128x1xi1> to vector<128x128xi1>
    %select_n3A_562 = arith.select %broadcast_in_dim3A_561, %mul3A_559, %select_n3A_306 : vector<128x128xi1>, vector<128x128xf32>
    %broadcast_in_dim3A_563 = vector.shape_cast %gt3A_453 : vector<128x1xi1> to vector<128x1xi1>
    %broadcast_in_dim3A_564 = vector.broadcast %broadcast_in_dim3A_563 : vector<128x1xi1> to vector<128x128xi1>
    %select_n3A_565 = arith.select %broadcast_in_dim3A_564, %add3A_557, %select_n3A_309 : vector<128x128xi1>, vector<128x128xf32>
    %jit3A_566 = arith.constant 0.000000e+00 : f32
    %broadcast_in_dim3A_567 = vector.shape_cast %gt3A_450 : vector<128x1xi1> to vector<128x1xi1>
    %broadcast_in_dim3A_568 = vector.broadcast %broadcast_in_dim3A_567 : vector<128x1xi1> to vector<128x128xi1>
    %broadcast_in_dim3A_569 = vector.broadcast %jit3A_566 : f32 to vector<128x128xf32>
    %select_n3A_570 = arith.select %broadcast_in_dim3A_568, %mul3A_503, %broadcast_in_dim3A_569 : vector<128x128xi1>, vector<128x128xf32>
    %swap3A_571 = arith.constant 0 : index
    %swap3A_572 = arith.constant 1 : index
    %swap3A_573 = arith.constant 0 : index
    %swap3A_574 = vector.load %arg19[%swap3A_571, %swap3A_572, %swap3A_573] : memref<128x27x256xf32, #tpu.memory_space<vmem>>, vector<128x1x128xf32>
    %swap3A_575 = vector.shape_cast %swap3A_574 : vector<128x1x128xf32> to vector<128x128xf32>
    %swap3A_576 = vector.shape_cast %select_n3A_570 : vector<128x128xf32> to vector<128x1x128xf32>
    tpu.vector_store %arg19[%swap3A_571, %swap3A_572, %swap3A_573], %swap3A_576 {strides = array<i32>} : memref<128x27x256xf32, #tpu.memory_space<vmem>>, vector<128x1x128xf32>,
    %jit3A_577 = arith.constant 0.000000e+00 : f32
    %broadcast_in_dim3A_578 = vector.shape_cast %gt3A_453 : vector<128x1xi1> to vector<128x1xi1>
    %broadcast_in_dim3A_579 = vector.broadcast %broadcast_in_dim3A_578 : vector<128x1xi1> to vector<128x128xi1>
    %broadcast_in_dim3A_580 = vector.broadcast %jit3A_577 : f32 to vector<128x128xf32>
    %select_n3A_581 = arith.select %broadcast_in_dim3A_579, %mul3A_559, %broadcast_in_dim3A_580 : vector<128x128xi1>, vector<128x128xf32>
    %swap3A_582 = arith.constant 0 : index
    %swap3A_583 = arith.constant 25 : index
    %swap3A_584 = arith.constant 128 : index
    %swap3A_585 = vector.load %arg19[%swap3A_582, %swap3A_583, %swap3A_584] : memref<128x27x256xf32, #tpu.memory_space<vmem>>, vector<128x1x128xf32>
    %swap3A_586 = vector.shape_cast %swap3A_585 : vector<128x1x128xf32> to vector<128x128xf32>
    %swap3A_587 = vector.shape_cast %select_n3A_581 : vector<128x128xf32> to vector<128x1x128xf32>
    tpu.vector_store %arg19[%swap3A_582, %swap3A_583, %swap3A_584], %swap3A_587 {strides = array<i32>} : memref<128x27x256xf32, #tpu.memory_space<vmem>>, vector<128x1x128xf32>,
    %get3A_588 = arith.constant 29 : index
    %get3A_589 = arith.constant 0 : index
    %get3A_590 = arith.constant 0 : index
    %get3A_591 = vector.load %arg1[%get3A_588, %get3A_589, %get3A_590] : memref<42x128x128xf32, #tpu.memory_space<vmem>>, vector<1x128x128xf32>
    %get3A_592 = vector.shape_cast %get3A_591 : vector<1x128x128xf32> to vector<128x128xf32>
    %gt3A_593 = arith.constant 2 : i32
    %gt3A_594 = vector.broadcast %gt3A_593 : i32 to vector<128x1xi32>
    %gt3A_595 = arith.cmpi sgt, %broadcast_in_dim3A_45, %gt3A_594 : vector<128x1xi32>
    %dot_general3A_596 = arith.constant dense<0.000000e+00> : vector<128x512xf32>
    %dot_general3A_597 = tpu.matmul %get3A_592, %concatenate3A, %dot_general3A_596 {dimension_numbers = #tpu.dot_dimension_numbers<[1], [0], [0], [1], [0, 0, 1, 1], [], []>, transpose_lhs_hint = false} : vector<128x128xf32>, vector<128x512xf32>, vector<128x512xf32> -> vector<128x512xf32>
    %dot_general3A_598 = arith.constant dense<0.000000e+00> : vector<128x512xf32>
    %dot_general3A_599 = tpu.matmul %select_n3A_385, %transpose3A_56, %dot_general3A_598 {dimension_numbers = #tpu.dot_dimension_numbers<[1], [0], [0], [1], [0, 0, 1, 1], [], []>, transpose_lhs_hint = false} : vector<128x128xf32>, vector<128x512xf32>, vector<128x512xf32> -> vector<128x512xf32>
    %add3A_600 = arith.addf %dot_general3A_597, %dot_general3A_599 : vector<128x512xf32>
    %slice3A_601 = vector.extract_strided_slice %add3A_600 {offsets = [0, 0], sizes = [128, 128], strides = [1, 1]} : vector<128x512xf32> to vector<128x128xf32>
    %mul3A_602 = arith.constant 5.000000e-01 : f32
    %mul3A_603 = vector.broadcast %mul3A_602 : f32 to vector<128x128xf32>
    %mul3A_604 = arith.mulf %mul3A_603, %slice3A_601 : vector<128x128xf32>
    %tanh3A_605 = math.tanh %mul3A_604 : vector<128x128xf32>
    %mul3A_606 = arith.constant 5.000000e-01 : f32
    %mul3A_607 = vector.broadcast %mul3A_606 : f32 to vector<128x128xf32>
    %mul3A_608 = arith.mulf %mul3A_607, %tanh3A_605 : vector<128x128xf32>
    %add3A_609 = arith.constant 5.000000e-01 : f32
    %add3A_610 = vector.broadcast %add3A_609 : f32 to vector<128x128xf32>
    %add3A_611 = arith.addf %add3A_610, %mul3A_608 : vector<128x128xf32>
    %slice3A_612 = vector.extract_strided_slice %add3A_600 {offsets = [0, 128], sizes = [128, 128], strides = [1, 1]} : vector<128x512xf32> to vector<128x128xf32>
    %mul3A_613 = arith.constant 5.000000e-01 : f32
    %mul3A_614 = vector.broadcast %mul3A_613 : f32 to vector<128x128xf32>
    %mul3A_615 = arith.mulf %mul3A_614, %slice3A_612 : vector<128x128xf32>
    %tanh3A_616 = math.tanh %mul3A_615 : vector<128x128xf32>
    %mul3A_617 = arith.constant 5.000000e-01 : f32
    %mul3A_618 = vector.broadcast %mul3A_617 : f32 to vector<128x128xf32>
    %mul3A_619 = arith.mulf %mul3A_618, %tanh3A_616 : vector<128x128xf32>
    %add3A_620 = arith.constant 5.000000e-01 : f32
    %add3A_621 = vector.broadcast %add3A_620 : f32 to vector<128x128xf32>
    %add3A_622 = arith.addf %add3A_621, %mul3A_619 : vector<128x128xf32>
    %slice3A_623 = vector.extract_strided_slice %add3A_600 {offsets = [0, 256], sizes = [128, 128], strides = [1, 1]} : vector<128x512xf32> to vector<128x128xf32>
    %tanh3A_624 = math.tanh %slice3A_623 : vector<128x128xf32>
    %slice3A_625 = vector.extract_strided_slice %add3A_600 {offsets = [0, 384], sizes = [128, 128], strides = [1, 1]} : vector<128x512xf32> to vector<128x128xf32>
    %mul3A_626 = arith.constant 5.000000e-01 : f32
    %mul3A_627 = vector.broadcast %mul3A_626 : f32 to vector<128x128xf32>
    %mul3A_628 = arith.mulf %mul3A_627, %slice3A_625 : vector<128x128xf32>
    %tanh3A_629 = math.tanh %mul3A_628 : vector<128x128xf32>
    %mul3A_630 = arith.constant 5.000000e-01 : f32
    %mul3A_631 = vector.broadcast %mul3A_630 : f32 to vector<128x128xf32>
    %mul3A_632 = arith.mulf %mul3A_631, %tanh3A_629 : vector<128x128xf32>
    %add3A_633 = arith.constant 5.000000e-01 : f32
    %add3A_634 = vector.broadcast %add3A_633 : f32 to vector<128x128xf32>
    %add3A_635 = arith.addf %add3A_634, %mul3A_632 : vector<128x128xf32>
    %mul3A_636 = arith.mulf %add3A_622, %select_n3A_388 : vector<128x128xf32>
    %mul3A_637 = arith.mulf %add3A_611, %tanh3A_624 : vector<128x128xf32>
    %add3A_638 = arith.addf %mul3A_636, %mul3A_637 : vector<128x128xf32>
    %tanh3A_639 = math.tanh %add3A_638 : vector<128x128xf32>
    %mul3A_640 = arith.mulf %add3A_635, %tanh3A_639 : vector<128x128xf32>
    %broadcast_in_dim3A_641 = vector.shape_cast %gt3A_595 : vector<128x1xi1> to vector<128x1xi1>
    %broadcast_in_dim3A_642 = vector.broadcast %broadcast_in_dim3A_641 : vector<128x1xi1> to vector<128x128xi1>
    %select_n3A_643 = arith.select %broadcast_in_dim3A_642, %mul3A_640, %select_n3A_385 : vector<128x128xi1>, vector<128x128xf32>
    %broadcast_in_dim3A_644 = vector.shape_cast %gt3A_595 : vector<128x1xi1> to vector<128x1xi1>
    %broadcast_in_dim3A_645 = vector.broadcast %broadcast_in_dim3A_644 : vector<128x1xi1> to vector<128x128xi1>
    %select_n3A_646 = arith.select %broadcast_in_dim3A_645, %add3A_638, %select_n3A_388 : vector<128x128xi1>, vector<128x128xf32>
    %get3A_647 = arith.constant 39 : index
    %get3A_648 = arith.constant 0 : index
    %get3A_649 = arith.constant 0 : index
    %get3A_650 = vector.load %arg1[%get3A_647, %get3A_648, %get3A_649] : memref<42x128x128xf32, #tpu.memory_space<vmem>>, vector<1x128x128xf32>
    %get3A_651 = vector.shape_cast %get3A_650 : vector<1x128x128xf32> to vector<128x128xf32>
    %gt3A_652 = arith.constant 12 : i32
    %gt3A_653 = vector.broadcast %gt3A_652 : i32 to vector<128x1xi32>
    %gt3A_654 = arith.cmpi sgt, %broadcast_in_dim3A_45, %gt3A_653 : vector<128x1xi32>
    %dot_general3A_655 = arith.constant dense<0.000000e+00> : vector<128x512xf32>
    %dot_general3A_656 = tpu.matmul %get3A_651, %concatenate3A_15, %dot_general3A_655 {dimension_numbers = #tpu.dot_dimension_numbers<[1], [0], [0], [1], [0, 0, 1, 1], [], []>, transpose_lhs_hint = false} : vector<128x128xf32>, vector<128x512xf32>, vector<128x512xf32> -> vector<128x512xf32>
    %dot_general3A_657 = arith.constant dense<0.000000e+00> : vector<128x512xf32>
    %dot_general3A_658 = tpu.matmul %select_n3A_444, %transpose3A_60, %dot_general3A_657 {dimension_numbers = #tpu.dot_dimension_numbers<[1], [0], [0], [1], [0, 0, 1, 1], [], []>, transpose_lhs_hint = false} : vector<128x128xf32>, vector<128x512xf32>, vector<128x512xf32> -> vector<128x512xf32>
    %add3A_659 = arith.addf %dot_general3A_656, %dot_general3A_658 : vector<128x512xf32>
    %slice3A_660 = vector.extract_strided_slice %add3A_659 {offsets = [0, 0], sizes = [128, 128], strides = [1, 1]} : vector<128x512xf32> to vector<128x128xf32>
    %mul3A_661 = arith.constant 5.000000e-01 : f32
    %mul3A_662 = vector.broadcast %mul3A_661 : f32 to vector<128x128xf32>
    %mul3A_663 = arith.mulf %mul3A_662, %slice3A_660 : vector<128x128xf32>
    %tanh3A_664 = math.tanh %mul3A_663 : vector<128x128xf32>
    %mul3A_665 = arith.constant 5.000000e-01 : f32
    %mul3A_666 = vector.broadcast %mul3A_665 : f32 to vector<128x128xf32>
    %mul3A_667 = arith.mulf %mul3A_666, %tanh3A_664 : vector<128x128xf32>
    %add3A_668 = arith.constant 5.000000e-01 : f32
    %add3A_669 = vector.broadcast %add3A_668 : f32 to vector<128x128xf32>
    %add3A_670 = arith.addf %add3A_669, %mul3A_667 : vector<128x128xf32>
    %slice3A_671 = vector.extract_strided_slice %add3A_659 {offsets = [0, 128], sizes = [128, 128], strides = [1, 1]} : vector<128x512xf32> to vector<128x128xf32>
    %mul3A_672 = arith.constant 5.000000e-01 : f32
    %mul3A_673 = vector.broadcast %mul3A_672 : f32 to vector<128x128xf32>
    %mul3A_674 = arith.mulf %mul3A_673, %slice3A_671 : vector<128x128xf32>
    %tanh3A_675 = math.tanh %mul3A_674 : vector<128x128xf32>
    %mul3A_676 = arith.constant 5.000000e-01 : f32
    %mul3A_677 = vector.broadcast %mul3A_676 : f32 to vector<128x128xf32>
    %mul3A_678 = arith.mulf %mul3A_677, %tanh3A_675 : vector<128x128xf32>
    %add3A_679 = arith.constant 5.000000e-01 : f32
    %add3A_680 = vector.broadcast %add3A_679 : f32 to vector<128x128xf32>
    %add3A_681 = arith.addf %add3A_680, %mul3A_678 : vector<128x128xf32>
    %slice3A_682 = vector.extract_strided_slice %add3A_659 {offsets = [0, 256], sizes = [128, 128], strides = [1, 1]} : vector<128x512xf32> to vector<128x128xf32>
    %tanh3A_683 = math.tanh %slice3A_682 : vector<128x128xf32>
    %slice3A_684 = vector.extract_strided_slice %add3A_659 {offsets = [0, 384], sizes = [128, 128], strides = [1, 1]} : vector<128x512xf32> to vector<128x128xf32>
    %mul3A_685 = arith.constant 5.000000e-01 : f32
    %mul3A_686 = vector.broadcast %mul3A_685 : f32 to vector<128x128xf32>
    %mul3A_687 = arith.mulf %mul3A_686, %slice3A_684 : vector<128x128xf32>
    %tanh3A_688 = math.tanh %mul3A_687 : vector<128x128xf32>
    %mul3A_689 = arith.constant 5.000000e-01 : f32
    %mul3A_690 = vector.broadcast %mul3A_689 : f32 to vector<128x128xf32>
    %mul3A_691 = arith.mulf %mul3A_690, %tanh3A_688 : vector<128x128xf32>
    %add3A_692 = arith.constant 5.000000e-01 : f32
    %add3A_693 = vector.broadcast %add3A_692 : f32 to vector<128x128xf32>
    %add3A_694 = arith.addf %add3A_693, %mul3A_691 : vector<128x128xf32>
    %mul3A_695 = arith.mulf %add3A_681, %select_n3A_447 : vector<128x128xf32>
    %mul3A_696 = arith.mulf %add3A_670, %tanh3A_683 : vector<128x128xf32>
    %add3A_697 = arith.addf %mul3A_695, %mul3A_696 : vector<128x128xf32>
    %tanh3A_698 = math.tanh %add3A_697 : vector<128x128xf32>
    %mul3A_699 = arith.mulf %add3A_694, %tanh3A_698 : vector<128x128xf32>
    %broadcast_in_dim3A_700 = vector.shape_cast %gt3A_654 : vector<128x1xi1> to vector<128x1xi1>
    %broadcast_in_dim3A_701 = vector.broadcast %broadcast_in_dim3A_700 : vector<128x1xi1> to vector<128x128xi1>
    %select_n3A_702 = arith.select %broadcast_in_dim3A_701, %mul3A_699, %select_n3A_444 : vector<128x128xi1>, vector<128x128xf32>
    %broadcast_in_dim3A_703 = vector.shape_cast %gt3A_654 : vector<128x1xi1> to vector<128x1xi1>
    %broadcast_in_dim3A_704 = vector.broadcast %broadcast_in_dim3A_703 : vector<128x1xi1> to vector<128x128xi1>
    %select_n3A_705 = arith.select %broadcast_in_dim3A_704, %add3A_697, %select_n3A_447 : vector<128x128xi1>, vector<128x128xf32>
    %gt3A_706 = arith.constant 2 : i32
    %gt3A_707 = vector.broadcast %gt3A_706 : i32 to vector<128x1xi32>
    %gt3A_708 = arith.cmpi sgt, %broadcast_in_dim3A_52, %gt3A_707 : vector<128x1xi32>
    %gt3A_709 = arith.constant 24 : i32
    %gt3A_710 = vector.broadcast %gt3A_709 : i32 to vector<128x1xi32>
    %gt3A_711 = arith.cmpi sgt, %broadcast_in_dim3A_52, %gt3A_710 : vector<128x1xi32>
    %get3A_712 = arith.constant 2 : index
    %get3A_713 = arith.constant 0 : index
    %get3A_714 = arith.constant 0 : index
    %get3A_715 = vector.load %arg1[%get3A_712, %get3A_713, %get3A_714] : memref<42x128x128xf32, #tpu.memory_space<vmem>>, vector<1x128x128xf32>
    %get3A_716 = vector.shape_cast %get3A_715 : vector<1x128x128xf32> to vector<128x128xf32>
    %dot_general3A_717 = arith.constant dense<0.000000e+00> : vector<128x512xf32>
    %dot_general3A_718 = tpu.matmul %get3A_716, %concatenate3A_25, %dot_general3A_717 {dimension_numbers = #tpu.dot_dimension_numbers<[1], [0], [0], [1], [0, 0, 1, 1], [], []>, transpose_lhs_hint = false} : vector<128x128xf32>, vector<128x512xf32>, vector<128x512xf32> -> vector<128x512xf32>
    %dot_general3A_719 = arith.constant dense<0.000000e+00> : vector<128x512xf32>
    %dot_general3A_720 = tpu.matmul %select_n3A_506, %transpose3A_64, %dot_general3A_719 {dimension_numbers = #tpu.dot_dimension_numbers<[1], [0], [0], [1], [0, 0, 1, 1], [], []>, transpose_lhs_hint = false} : vector<128x128xf32>, vector<128x512xf32>, vector<128x512xf32> -> vector<128x512xf32>
    %add3A_721 = arith.addf %dot_general3A_718, %dot_general3A_720 : vector<128x512xf32>
    %slice3A_722 = vector.extract_strided_slice %add3A_721 {offsets = [0, 0], sizes = [128, 128], strides = [1, 1]} : vector<128x512xf32> to vector<128x128xf32>
    %mul3A_723 = arith.constant 5.000000e-01 : f32
    %mul3A_724 = vector.broadcast %mul3A_723 : f32 to vector<128x128xf32>
    %mul3A_725 = arith.mulf %mul3A_724, %slice3A_722 : vector<128x128xf32>
    %tanh3A_726 = math.tanh %mul3A_725 : vector<128x128xf32>
    %mul3A_727 = arith.constant 5.000000e-01 : f32
    %mul3A_728 = vector.broadcast %mul3A_727 : f32 to vector<128x128xf32>
    %mul3A_729 = arith.mulf %mul3A_728, %tanh3A_726 : vector<128x128xf32>
    %add3A_730 = arith.constant 5.000000e-01 : f32
    %add3A_731 = vector.broadcast %add3A_730 : f32 to vector<128x128xf32>
    %add3A_732 = arith.addf %add3A_731, %mul3A_729 : vector<128x128xf32>
    %slice3A_733 = vector.extract_strided_slice %add3A_721 {offsets = [0, 128], sizes = [128, 128], strides = [1, 1]} : vector<128x512xf32> to vector<128x128xf32>
    %mul3A_734 = arith.constant 5.000000e-01 : f32
    %mul3A_735 = vector.broadcast %mul3A_734 : f32 to vector<128x128xf32>
    %mul3A_736 = arith.mulf %mul3A_735, %slice3A_733 : vector<128x128xf32>
    %tanh3A_737 = math.tanh %mul3A_736 : vector<128x128xf32>
    %mul3A_738 = arith.constant 5.000000e-01 : f32
    %mul3A_739 = vector.broadcast %mul3A_738 : f32 to vector<128x128xf32>
    %mul3A_740 = arith.mulf %mul3A_739, %tanh3A_737 : vector<128x128xf32>
    %add3A_741 = arith.constant 5.000000e-01 : f32
    %add3A_742 = vector.broadcast %add3A_741 : f32 to vector<128x128xf32>
    %add3A_743 = arith.addf %add3A_742, %mul3A_740 : vector<128x128xf32>
    %slice3A_744 = vector.extract_strided_slice %add3A_721 {offsets = [0, 256], sizes = [128, 128], strides = [1, 1]} : vector<128x512xf32> to vector<128x128xf32>
    %tanh3A_745 = math.tanh %slice3A_744 : vector<128x128xf32>
    %slice3A_746 = vector.extract_strided_slice %add3A_721 {offsets = [0, 384], sizes = [128, 128], strides = [1, 1]} : vector<128x512xf32> to vector<128x128xf32>
    %mul3A_747 = arith.constant 5.000000e-01 : f32
    %mul3A_748 = vector.broadcast %mul3A_747 : f32 to vector<128x128xf32>
    %mul3A_749 = arith.mulf %mul3A_748, %slice3A_746 : vector<128x128xf32>
    %tanh3A_750 = math.tanh %mul3A_749 : vector<128x128xf32>
    %mul3A_751 = arith.constant 5.000000e-01 : f32
    %mul3A_752 = vector.broadcast %mul3A_751 : f32 to vector<128x128xf32>
    %mul3A_753 = arith.mulf %mul3A_752, %tanh3A_750 : vector<128x128xf32>
    %add3A_754 = arith.constant 5.000000e-01 : f32
    %add3A_755 = vector.broadcast %add3A_754 : f32 to vector<128x128xf32>
    %add3A_756 = arith.addf %add3A_755, %mul3A_753 : vector<128x128xf32>
    %mul3A_757 = arith.mulf %add3A_743, %select_n3A_509 : vector<128x128xf32>
    %mul3A_758 = arith.mulf %add3A_732, %tanh3A_745 : vector<128x128xf32>
    %add3A_759 = arith.addf %mul3A_757, %mul3A_758 : vector<128x128xf32>
    %tanh3A_760 = math.tanh %add3A_759 : vector<128x128xf32>
    %mul3A_761 = arith.mulf %add3A_756, %tanh3A_760 : vector<128x128xf32>
    %broadcast_in_dim3A_762 = vector.shape_cast %gt3A_708 : vector<128x1xi1> to vector<128x1xi1>
    %broadcast_in_dim3A_763 = vector.broadcast %broadcast_in_dim3A_762 : vector<128x1xi1> to vector<128x128xi1>
    %select_n3A_764 = arith.select %broadcast_in_dim3A_763, %mul3A_761, %select_n3A_506 : vector<128x128xi1>, vector<128x128xf32>
    %broadcast_in_dim3A_765 = vector.shape_cast %gt3A_708 : vector<128x1xi1> to vector<128x1xi1>
    %broadcast_in_dim3A_766 = vector.broadcast %broadcast_in_dim3A_765 : vector<128x1xi1> to vector<128x128xi1>
    %select_n3A_767 = arith.select %broadcast_in_dim3A_766, %add3A_759, %select_n3A_509 : vector<128x128xi1>, vector<128x128xf32>
    %get3A_768 = arith.constant 24 : index
    %get3A_769 = arith.constant 0 : index
    %get3A_770 = arith.constant 0 : index
    %get3A_771 = vector.load %arg1[%get3A_768, %get3A_769, %get3A_770] : memref<42x128x128xf32, #tpu.memory_space<vmem>>, vector<1x128x128xf32>
    %get3A_772 = vector.shape_cast %get3A_771 : vector<1x128x128xf32> to vector<128x128xf32>
    %dot_general3A_773 = arith.constant dense<0.000000e+00> : vector<128x512xf32>
    %dot_general3A_774 = tpu.matmul %get3A_772, %concatenate3A_35, %dot_general3A_773 {dimension_numbers = #tpu.dot_dimension_numbers<[1], [0], [0], [1], [0, 0, 1, 1], [], []>, transpose_lhs_hint = false} : vector<128x128xf32>, vector<128x512xf32>, vector<128x512xf32> -> vector<128x512xf32>
    %dot_general3A_775 = arith.constant dense<0.000000e+00> : vector<128x512xf32>
    %dot_general3A_776 = tpu.matmul %select_n3A_562, %transpose3A_68, %dot_general3A_775 {dimension_numbers = #tpu.dot_dimension_numbers<[1], [0], [0], [1], [0, 0, 1, 1], [], []>, transpose_lhs_hint = false} : vector<128x128xf32>, vector<128x512xf32>, vector<128x512xf32> -> vector<128x512xf32>
    %add3A_777 = arith.addf %dot_general3A_774, %dot_general3A_776 : vector<128x512xf32>
    %slice3A_778 = vector.extract_strided_slice %add3A_777 {offsets = [0, 0], sizes = [128, 128], strides = [1, 1]} : vector<128x512xf32> to vector<128x128xf32>
    %mul3A_779 = arith.constant 5.000000e-01 : f32
    %mul3A_780 = vector.broadcast %mul3A_779 : f32 to vector<128x128xf32>
    %mul3A_781 = arith.mulf %mul3A_780, %slice3A_778 : vector<128x128xf32>
    %tanh3A_782 = math.tanh %mul3A_781 : vector<128x128xf32>
    %mul3A_783 = arith.constant 5.000000e-01 : f32
    %mul3A_784 = vector.broadcast %mul3A_783 : f32 to vector<128x128xf32>
    %mul3A_785 = arith.mulf %mul3A_784, %tanh3A_782 : vector<128x128xf32>
    %add3A_786 = arith.constant 5.000000e-01 : f32
    %add3A_787 = vector.broadcast %add3A_786 : f32 to vector<128x128xf32>
    %add3A_788 = arith.addf %add3A_787, %mul3A_785 : vector<128x128xf32>
    %slice3A_789 = vector.extract_strided_slice %add3A_777 {offsets = [0, 128], sizes = [128, 128], strides = [1, 1]} : vector<128x512xf32> to vector<128x128xf32>
    %mul3A_790 = arith.constant 5.000000e-01 : f32
    %mul3A_791 = vector.broadcast %mul3A_790 : f32 to vector<128x128xf32>
    %mul3A_792 = arith.mulf %mul3A_791, %slice3A_789 : vector<128x128xf32>
    %tanh3A_793 = math.tanh %mul3A_792 : vector<128x128xf32>
    %mul3A_794 = arith.constant 5.000000e-01 : f32
    %mul3A_795 = vector.broadcast %mul3A_794 : f32 to vector<128x128xf32>
    %mul3A_796 = arith.mulf %mul3A_795, %tanh3A_793 : vector<128x128xf32>
    %add3A_797 = arith.constant 5.000000e-01 : f32
    %add3A_798 = vector.broadcast %add3A_797 : f32 to vector<128x128xf32>
    %add3A_799 = arith.addf %add3A_798, %mul3A_796 : vector<128x128xf32>
    %slice3A_800 = vector.extract_strided_slice %add3A_777 {offsets = [0, 256], sizes = [128, 128], strides = [1, 1]} : vector<128x512xf32> to vector<128x128xf32>
    %tanh3A_801 = math.tanh %slice3A_800 : vector<128x128xf32>
    %slice3A_802 = vector.extract_strided_slice %add3A_777 {offsets = [0, 384], sizes = [128, 128], strides = [1, 1]} : vector<128x512xf32> to vector<128x128xf32>
    %mul3A_803 = arith.constant 5.000000e-01 : f32
    %mul3A_804 = vector.broadcast %mul3A_803 : f32 to vector<128x128xf32>
    %mul3A_805 = arith.mulf %mul3A_804, %slice3A_802 : vector<128x128xf32>
    %tanh3A_806 = math.tanh %mul3A_805 : vector<128x128xf32>
    %mul3A_807 = arith.constant 5.000000e-01 : f32
    %mul3A_808 = vector.broadcast %mul3A_807 : f32 to vector<128x128xf32>
    %mul3A_809 = arith.mulf %mul3A_808, %tanh3A_806 : vector<128x128xf32>
    %add3A_810 = arith.constant 5.000000e-01 : f32
    %add3A_811 = vector.broadcast %add3A_810 : f32 to vector<128x128xf32>
    %add3A_812 = arith.addf %add3A_811, %mul3A_809 : vector<128x128xf32>
    %mul3A_813 = arith.mulf %add3A_799, %select_n3A_565 : vector<128x128xf32>
    %mul3A_814 = arith.mulf %add3A_788, %tanh3A_801 : vector<128x128xf32>
    %add3A_815 = arith.addf %mul3A_813, %mul3A_814 : vector<128x128xf32>
    %tanh3A_816 = math.tanh %add3A_815 : vector<128x128xf32>
    %mul3A_817 = arith.mulf %add3A_812, %tanh3A_816 : vector<128x128xf32>
    %broadcast_in_dim3A_818 = vector.shape_cast %gt3A_711 : vector<128x1xi1> to vector<128x1xi1>
    %broadcast_in_dim3A_819 = vector.broadcast %broadcast_in_dim3A_818 : vector<128x1xi1> to vector<128x128xi1>
    %select_n3A_820 = arith.select %broadcast_in_dim3A_819, %mul3A_817, %select_n3A_562 : vector<128x128xi1>, vector<128x128xf32>
    %broadcast_in_dim3A_821 = vector.shape_cast %gt3A_711 : vector<128x1xi1> to vector<128x1xi1>
    %broadcast_in_dim3A_822 = vector.broadcast %broadcast_in_dim3A_821 : vector<128x1xi1> to vector<128x128xi1>
    %select_n3A_823 = arith.select %broadcast_in_dim3A_822, %add3A_815, %select_n3A_565 : vector<128x128xi1>, vector<128x128xf32>
    %jit3A_824 = arith.constant 0.000000e+00 : f32
    %broadcast_in_dim3A_825 = vector.shape_cast %gt3A_708 : vector<128x1xi1> to vector<128x1xi1>
    %broadcast_in_dim3A_826 = vector.broadcast %broadcast_in_dim3A_825 : vector<128x1xi1> to vector<128x128xi1>
    %broadcast_in_dim3A_827 = vector.broadcast %jit3A_824 : f32 to vector<128x128xf32>
    %select_n3A_828 = arith.select %broadcast_in_dim3A_826, %mul3A_761, %broadcast_in_dim3A_827 : vector<128x128xi1>, vector<128x128xf32>
    %swap3A_829 = arith.constant 0 : index
    %swap3A_830 = arith.constant 2 : index
    %swap3A_831 = arith.constant 0 : index
    %swap3A_832 = vector.load %arg19[%swap3A_829, %swap3A_830, %swap3A_831] : memref<128x27x256xf32, #tpu.memory_space<vmem>>, vector<128x1x128xf32>
    %swap3A_833 = vector.shape_cast %swap3A_832 : vector<128x1x128xf32> to vector<128x128xf32>
    %swap3A_834 = vector.shape_cast %select_n3A_828 : vector<128x128xf32> to vector<128x1x128xf32>
    tpu.vector_store %arg19[%swap3A_829, %swap3A_830, %swap3A_831], %swap3A_834 {strides = array<i32>} : memref<128x27x256xf32, #tpu.memory_space<vmem>>, vector<128x1x128xf32>,
    %jit3A_835 = arith.constant 0.000000e+00 : f32
    %broadcast_in_dim3A_836 = vector.shape_cast %gt3A_711 : vector<128x1xi1> to vector<128x1xi1>
    %broadcast_in_dim3A_837 = vector.broadcast %broadcast_in_dim3A_836 : vector<128x1xi1> to vector<128x128xi1>
    %broadcast_in_dim3A_838 = vector.broadcast %jit3A_835 : f32 to vector<128x128xf32>
    %select_n3A_839 = arith.select %broadcast_in_dim3A_837, %mul3A_817, %broadcast_in_dim3A_838 : vector<128x128xi1>, vector<128x128xf32>
    %swap3A_840 = arith.constant 0 : index
    %swap3A_841 = arith.constant 24 : index
    %swap3A_842 = arith.constant 128 : index
    %swap3A_843 = vector.load %arg19[%swap3A_840, %swap3A_841, %swap3A_842] : memref<128x27x256xf32, #tpu.memory_space<vmem>>, vector<128x1x128xf32>
    %swap3A_844 = vector.shape_cast %swap3A_843 : vector<128x1x128xf32> to vector<128x128xf32>
    %swap3A_845 = vector.shape_cast %select_n3A_839 : vector<128x128xf32> to vector<128x1x128xf32>
    tpu.vector_store %arg19[%swap3A_840, %swap3A_841, %swap3A_842], %swap3A_845 {strides = array<i32>} : memref<128x27x256xf32, #tpu.memory_space<vmem>>, vector<128x1x128xf32>,
    %get3A_846 = arith.constant 30 : index
    %get3A_847 = arith.constant 0 : index
    %get3A_848 = arith.constant 0 : index
    %get3A_849 = vector.load %arg1[%get3A_846, %get3A_847, %get3A_848] : memref<42x128x128xf32, #tpu.memory_space<vmem>>, vector<1x128x128xf32>
    %get3A_850 = vector.shape_cast %get3A_849 : vector<1x128x128xf32> to vector<128x128xf32>
    %gt3A_851 = arith.constant 3 : i32
    %gt3A_852 = vector.broadcast %gt3A_851 : i32 to vector<128x1xi32>
    %gt3A_853 = arith.cmpi sgt, %broadcast_in_dim3A_45, %gt3A_852 : vector<128x1xi32>
    %dot_general3A_854 = arith.constant dense<0.000000e+00> : vector<128x512xf32>
    %dot_general3A_855 = tpu.matmul %get3A_850, %concatenate3A, %dot_general3A_854 {dimension_numbers = #tpu.dot_dimension_numbers<[1], [0], [0], [1], [0, 0, 1, 1], [], []>, transpose_lhs_hint = false} : vector<128x128xf32>, vector<128x512xf32>, vector<128x512xf32> -> vector<128x512xf32>
    %dot_general3A_856 = arith.constant dense<0.000000e+00> : vector<128x512xf32>
    %dot_general3A_857 = tpu.matmul %select_n3A_643, %transpose3A_56, %dot_general3A_856 {dimension_numbers = #tpu.dot_dimension_numbers<[1], [0], [0], [1], [0, 0, 1, 1], [], []>, transpose_lhs_hint = false} : vector<128x128xf32>, vector<128x512xf32>, vector<128x512xf32> -> vector<128x512xf32>
    %add3A_858 = arith.addf %dot_general3A_855, %dot_general3A_857 : vector<128x512xf32>
    %slice3A_859 = vector.extract_strided_slice %add3A_858 {offsets = [0, 0], sizes = [128, 128], strides = [1, 1]} : vector<128x512xf32> to vector<128x128xf32>
    %mul3A_860 = arith.constant 5.000000e-01 : f32
    %mul3A_861 = vector.broadcast %mul3A_860 : f32 to vector<128x128xf32>
    %mul3A_862 = arith.mulf %mul3A_861, %slice3A_859 : vector<128x128xf32>
    %tanh3A_863 = math.tanh %mul3A_862 : vector<128x128xf32>
    %mul3A_864 = arith.constant 5.000000e-01 : f32
    %mul3A_865 = vector.broadcast %mul3A_864 : f32 to vector<128x128xf32>
    %mul3A_866 = arith.mulf %mul3A_865, %tanh3A_863 : vector<128x128xf32>
    %add3A_867 = arith.constant 5.000000e-01 : f32
    %add3A_868 = vector.broadcast %add3A_867 : f32 to vector<128x128xf32>
    %add3A_869 = arith.addf %add3A_868, %mul3A_866 : vector<128x128xf32>
    %slice3A_870 = vector.extract_strided_slice %add3A_858 {offsets = [0, 128], sizes = [128, 128], strides = [1, 1]} : vector<128x512xf32> to vector<128x128xf32>
    %mul3A_871 = arith.constant 5.000000e-01 : f32
    %mul3A_872 = vector.broadcast %mul3A_871 : f32 to vector<128x128xf32>
    %mul3A_873 = arith.mulf %mul3A_872, %slice3A_870 : vector<128x128xf32>
    %tanh3A_874 = math.tanh %mul3A_873 : vector<128x128xf32>
    %mul3A_875 = arith.constant 5.000000e-01 : f32
    %mul3A_876 = vector.broadcast %mul3A_875 : f32 to vector<128x128xf32>
    %mul3A_877 = arith.mulf %mul3A_876, %tanh3A_874 : vector<128x128xf32>
    %add3A_878 = arith.constant 5.000000e-01 : f32
    %add3A_879 = vector.broadcast %add3A_878 : f32 to vector<128x128xf32>
    %add3A_880 = arith.addf %add3A_879, %mul3A_877 : vector<128x128xf32>
    %slice3A_881 = vector.extract_strided_slice %add3A_858 {offsets = [0, 256], sizes = [128, 128], strides = [1, 1]} : vector<128x512xf32> to vector<128x128xf32>
    %tanh3A_882 = math.tanh %slice3A_881 : vector<128x128xf32>
    %slice3A_883 = vector.extract_strided_slice %add3A_858 {offsets = [0, 384], sizes = [128, 128], strides = [1, 1]} : vector<128x512xf32> to vector<128x128xf32>
    %mul3A_884 = arith.constant 5.000000e-01 : f32
    %mul3A_885 = vector.broadcast %mul3A_884 : f32 to vector<128x128xf32>
    %mul3A_886 = arith.mulf %mul3A_885, %slice3A_883 : vector<128x128xf32>
    %tanh3A_887 = math.tanh %mul3A_886 : vector<128x128xf32>
    %mul3A_888 = arith.constant 5.000000e-01 : f32
    %mul3A_889 = vector.broadcast %mul3A_888 : f32 to vector<128x128xf32>
    %mul3A_890 = arith.mulf %mul3A_889, %tanh3A_887 : vector<128x128xf32>
    %add3A_891 = arith.constant 5.000000e-01 : f32
    %add3A_892 = vector.broadcast %add3A_891 : f32 to vector<128x128xf32>
    %add3A_893 = arith.addf %add3A_892, %mul3A_890 : vector<128x128xf32>
    %mul3A_894 = arith.mulf %add3A_880, %select_n3A_646 : vector<128x128xf32>
    %mul3A_895 = arith.mulf %add3A_869, %tanh3A_882 : vector<128x128xf32>
    %add3A_896 = arith.addf %mul3A_894, %mul3A_895 : vector<128x128xf32>
    %tanh3A_897 = math.tanh %add3A_896 : vector<128x128xf32>
    %mul3A_898 = arith.mulf %add3A_893, %tanh3A_897 : vector<128x128xf32>
    %broadcast_in_dim3A_899 = vector.shape_cast %gt3A_853 : vector<128x1xi1> to vector<128x1xi1>
    %broadcast_in_dim3A_900 = vector.broadcast %broadcast_in_dim3A_899 : vector<128x1xi1> to vector<128x128xi1>
    %select_n3A_901 = arith.select %broadcast_in_dim3A_900, %mul3A_898, %select_n3A_643 : vector<128x128xi1>, vector<128x128xf32>
    %broadcast_in_dim3A_902 = vector.shape_cast %gt3A_853 : vector<128x1xi1> to vector<128x1xi1>
    %broadcast_in_dim3A_903 = vector.broadcast %broadcast_in_dim3A_902 : vector<128x1xi1> to vector<128x128xi1>
    %select_n3A_904 = arith.select %broadcast_in_dim3A_903, %add3A_896, %select_n3A_646 : vector<128x128xi1>, vector<128x128xf32>
    %get3A_905 = arith.constant 38 : index
    %get3A_906 = arith.constant 0 : index
    %get3A_907 = arith.constant 0 : index
    %get3A_908 = vector.load %arg1[%get3A_905, %get3A_906, %get3A_907] : memref<42x128x128xf32, #tpu.memory_space<vmem>>, vector<1x128x128xf32>
    %get3A_909 = vector.shape_cast %get3A_908 : vector<1x128x128xf32> to vector<128x128xf32>
    %gt3A_910 = arith.constant 11 : i32
    %gt3A_911 = vector.broadcast %gt3A_910 : i32 to vector<128x1xi32>
    %gt3A_912 = arith.cmpi sgt, %broadcast_in_dim3A_45, %gt3A_911 : vector<128x1xi32>
    %dot_general3A_913 = arith.constant dense<0.000000e+00> : vector<128x512xf32>
    %dot_general3A_914 = tpu.matmul %get3A_909, %concatenate3A_15, %dot_general3A_913 {dimension_numbers = #tpu.dot_dimension_numbers<[1], [0], [0], [1], [0, 0, 1, 1], [], []>, transpose_lhs_hint = false} : vector<128x128xf32>, vector<128x512xf32>, vector<128x512xf32> -> vector<128x512xf32>
    %dot_general3A_915 = arith.constant dense<0.000000e+00> : vector<128x512xf32>
    %dot_general3A_916 = tpu.matmul %select_n3A_702, %transpose3A_60, %dot_general3A_915 {dimension_numbers = #tpu.dot_dimension_numbers<[1], [0], [0], [1], [0, 0, 1, 1], [], []>, transpose_lhs_hint = false} : vector<128x128xf32>, vector<128x512xf32>, vector<128x512xf32> -> vector<128x512xf32>
    %add3A_917 = arith.addf %dot_general3A_914, %dot_general3A_916 : vector<128x512xf32>
    %slice3A_918 = vector.extract_strided_slice %add3A_917 {offsets = [0, 0], sizes = [128, 128], strides = [1, 1]} : vector<128x512xf32> to vector<128x128xf32>
    %mul3A_919 = arith.constant 5.000000e-01 : f32
    %mul3A_920 = vector.broadcast %mul3A_919 : f32 to vector<128x128xf32>
    %mul3A_921 = arith.mulf %mul3A_920, %slice3A_918 : vector<128x128xf32>
    %tanh3A_922 = math.tanh %mul3A_921 : vector<128x128xf32>
    %mul3A_923 = arith.constant 5.000000e-01 : f32
    %mul3A_924 = vector.broadcast %mul3A_923 : f32 to vector<128x128xf32>
    %mul3A_925 = arith.mulf %mul3A_924, %tanh3A_922 : vector<128x128xf32>
    %add3A_926 = arith.constant 5.000000e-01 : f32
    %add3A_927 = vector.broadcast %add3A_926 : f32 to vector<128x128xf32>
    %add3A_928 = arith.addf %add3A_927, %mul3A_925 : vector<128x128xf32>
    %slice3A_929 = vector.extract_strided_slice %add3A_917 {offsets = [0, 128], sizes = [128, 128], strides = [1, 1]} : vector<128x512xf32> to vector<128x128xf32>
    %mul3A_930 = arith.constant 5.000000e-01 : f32
    %mul3A_931 = vector.broadcast %mul3A_930 : f32 to vector<128x128xf32>
    %mul3A_932 = arith.mulf %mul3A_931, %slice3A_929 : vector<128x128xf32>
    %tanh3A_933 = math.tanh %mul3A_932 : vector<128x128xf32>
    %mul3A_934 = arith.constant 5.000000e-01 : f32
    %mul3A_935 = vector.broadcast %mul3A_934 : f32 to vector<128x128xf32>
    %mul3A_936 = arith.mulf %mul3A_935, %tanh3A_933 : vector<128x128xf32>
    %add3A_937 = arith.constant 5.000000e-01 : f32
    %add3A_938 = vector.broadcast %add3A_937 : f32 to vector<128x128xf32>
    %add3A_939 = arith.addf %add3A_938, %mul3A_936 : vector<128x128xf32>
    %slice3A_940 = vector.extract_strided_slice %add3A_917 {offsets = [0, 256], sizes = [128, 128], strides = [1, 1]} : vector<128x512xf32> to vector<128x128xf32>
    %tanh3A_941 = math.tanh %slice3A_940 : vector<128x128xf32>
    %slice3A_942 = vector.extract_strided_slice %add3A_917 {offsets = [0, 384], sizes = [128, 128], strides = [1, 1]} : vector<128x512xf32> to vector<128x128xf32>
    %mul3A_943 = arith.constant 5.000000e-01 : f32
    %mul3A_944 = vector.broadcast %mul3A_943 : f32 to vector<128x128xf32>
    %mul3A_945 = arith.mulf %mul3A_944, %slice3A_942 : vector<128x128xf32>
    %tanh3A_946 = math.tanh %mul3A_945 : vector<128x128xf32>
    %mul3A_947 = arith.constant 5.000000e-01 : f32
    %mul3A_948 = vector.broadcast %mul3A_947 : f32 to vector<128x128xf32>
    %mul3A_949 = arith.mulf %mul3A_948, %tanh3A_946 : vector<128x128xf32>
    %add3A_950 = arith.constant 5.000000e-01 : f32
    %add3A_951 = vector.broadcast %add3A_950 : f32 to vector<128x128xf32>
    %add3A_952 = arith.addf %add3A_951, %mul3A_949 : vector<128x128xf32>
    %mul3A_953 = arith.mulf %add3A_939, %select_n3A_705 : vector<128x128xf32>
    %mul3A_954 = arith.mulf %add3A_928, %tanh3A_941 : vector<128x128xf32>
    %add3A_955 = arith.addf %mul3A_953, %mul3A_954 : vector<128x128xf32>
    %tanh3A_956 = math.tanh %add3A_955 : vector<128x128xf32>
    %mul3A_957 = arith.mulf %add3A_952, %tanh3A_956 : vector<128x128xf32>
    %broadcast_in_dim3A_958 = vector.shape_cast %gt3A_912 : vector<128x1xi1> to vector<128x1xi1>
    %broadcast_in_dim3A_959 = vector.broadcast %broadcast_in_dim3A_958 : vector<128x1xi1> to vector<128x128xi1>
    %select_n3A_960 = arith.select %broadcast_in_dim3A_959, %mul3A_957, %select_n3A_702 : vector<128x128xi1>, vector<128x128xf32>
    %broadcast_in_dim3A_961 = vector.shape_cast %gt3A_912 : vector<128x1xi1> to vector<128x1xi1>
    %broadcast_in_dim3A_962 = vector.broadcast %broadcast_in_dim3A_961 : vector<128x1xi1> to vector<128x128xi1>
    %select_n3A_963 = arith.select %broadcast_in_dim3A_962, %add3A_955, %select_n3A_705 : vector<128x128xi1>, vector<128x128xf32>
    %gt3A_964 = arith.constant 3 : i32
    %gt3A_965 = vector.broadcast %gt3A_964 : i32 to vector<128x1xi32>
    %gt3A_966 = arith.cmpi sgt, %broadcast_in_dim3A_52, %gt3A_965 : vector<128x1xi32>
    %gt3A_967 = arith.constant 23 : i32
    %gt3A_968 = vector.broadcast %gt3A_967 : i32 to vector<128x1xi32>
    %gt3A_969 = arith.cmpi sgt, %broadcast_in_dim3A_52, %gt3A_968 : vector<128x1xi32>
    %get3A_970 = arith.constant 3 : index
    %get3A_971 = arith.constant 0 : index
    %get3A_972 = arith.constant 0 : index
    %get3A_973 = vector.load %arg1[%get3A_970, %get3A_971, %get3A_972] : memref<42x128x128xf32, #tpu.memory_space<vmem>>, vector<1x128x128xf32>
    %get3A_974 = vector.shape_cast %get3A_973 : vector<1x128x128xf32> to vector<128x128xf32>
    %dot_general3A_975 = arith.constant dense<0.000000e+00> : vector<128x512xf32>
    %dot_general3A_976 = tpu.matmul %get3A_974, %concatenate3A_25, %dot_general3A_975 {dimension_numbers = #tpu.dot_dimension_numbers<[1], [0], [0], [1], [0, 0, 1, 1], [], []>, transpose_lhs_hint = false} : vector<128x128xf32>, vector<128x512xf32>, vector<128x512xf32> -> vector<128x512xf32>
    %dot_general3A_977 = arith.constant dense<0.000000e+00> : vector<128x512xf32>
    %dot_general3A_978 = tpu.matmul %select_n3A_764, %transpose3A_64, %dot_general3A_977 {dimension_numbers = #tpu.dot_dimension_numbers<[1], [0], [0], [1], [0, 0, 1, 1], [], []>, transpose_lhs_hint = false} : vector<128x128xf32>, vector<128x512xf32>, vector<128x512xf32> -> vector<128x512xf32>
    %add3A_979 = arith.addf %dot_general3A_976, %dot_general3A_978 : vector<128x512xf32>
    %slice3A_980 = vector.extract_strided_slice %add3A_979 {offsets = [0, 0], sizes = [128, 128], strides = [1, 1]} : vector<128x512xf32> to vector<128x128xf32>
    %mul3A_981 = arith.constant 5.000000e-01 : f32
    %mul3A_982 = vector.broadcast %mul3A_981 : f32 to vector<128x128xf32>
    %mul3A_983 = arith.mulf %mul3A_982, %slice3A_980 : vector<128x128xf32>
    %tanh3A_984 = math.tanh %mul3A_983 : vector<128x128xf32>
    %mul3A_985 = arith.constant 5.000000e-01 : f32
    %mul3A_986 = vector.broadcast %mul3A_985 : f32 to vector<128x128xf32>
    %mul3A_987 = arith.mulf %mul3A_986, %tanh3A_984 : vector<128x128xf32>
    %add3A_988 = arith.constant 5.000000e-01 : f32
    %add3A_989 = vector.broadcast %add3A_988 : f32 to vector<128x128xf32>
    %add3A_990 = arith.addf %add3A_989, %mul3A_987 : vector<128x128xf32>
    %slice3A_991 = vector.extract_strided_slice %add3A_979 {offsets = [0, 128], sizes = [128, 128], strides = [1, 1]} : vector<128x512xf32> to vector<128x128xf32>
    %mul3A_992 = arith.constant 5.000000e-01 : f32
    %mul3A_993 = vector.broadcast %mul3A_992 : f32 to vector<128x128xf32>
    %mul3A_994 = arith.mulf %mul3A_993, %slice3A_991 : vector<128x128xf32>
    %tanh3A_995 = math.tanh %mul3A_994 : vector<128x128xf32>
    %mul3A_996 = arith.constant 5.000000e-01 : f32
    %mul3A_997 = vector.broadcast %mul3A_996 : f32 to vector<128x128xf32>
    %mul3A_998 = arith.mulf %mul3A_997, %tanh3A_995 : vector<128x128xf32>
    %add3A_999 = arith.constant 5.000000e-01 : f32
    %add3A_1000 = vector.broadcast %add3A_999 : f32 to vector<128x128xf32>
    %add3A_1001 = arith.addf %add3A_1000, %mul3A_998 : vector<128x128xf32>
    %slice3A_1002 = vector.extract_strided_slice %add3A_979 {offsets = [0, 256], sizes = [128, 128], strides = [1, 1]} : vector<128x512xf32> to vector<128x128xf32>
    %tanh3A_1003 = math.tanh %slice3A_1002 : vector<128x128xf32>
    %slice3A_1004 = vector.extract_strided_slice %add3A_979 {offsets = [0, 384], sizes = [128, 128], strides = [1, 1]} : vector<128x512xf32> to vector<128x128xf32>
    %mul3A_1005 = arith.constant 5.000000e-01 : f32
    %mul3A_1006 = vector.broadcast %mul3A_1005 : f32 to vector<128x128xf32>
    %mul3A_1007 = arith.mulf %mul3A_1006, %slice3A_1004 : vector<128x128xf32>
    %tanh3A_1008 = math.tanh %mul3A_1007 : vector<128x128xf32>
    %mul3A_1009 = arith.constant 5.000000e-01 : f32
    %mul3A_1010 = vector.broadcast %mul3A_1009 : f32 to vector<128x128xf32>
    %mul3A_1011 = arith.mulf %mul3A_1010, %tanh3A_1008 : vector<128x128xf32>
    %add3A_1012 = arith.constant 5.000000e-01 : f32
    %add3A_1013 = vector.broadcast %add3A_1012 : f32 to vector<128x128xf32>
    %add3A_1014 = arith.addf %add3A_1013, %mul3A_1011 : vector<128x128xf32>
    %mul3A_1015 = arith.mulf %add3A_1001, %select_n3A_767 : vector<128x128xf32>
    %mul3A_1016 = arith.mulf %add3A_990, %tanh3A_1003 : vector<128x128xf32>
    %add3A_1017 = arith.addf %mul3A_1015, %mul3A_1016 : vector<128x128xf32>
    %tanh3A_1018 = math.tanh %add3A_1017 : vector<128x128xf32>
    %mul3A_1019 = arith.mulf %add3A_1014, %tanh3A_1018 : vector<128x128xf32>
    %broadcast_in_dim3A_1020 = vector.shape_cast %gt3A_966 : vector<128x1xi1> to vector<128x1xi1>
    %broadcast_in_dim3A_1021 = vector.broadcast %broadcast_in_dim3A_1020 : vector<128x1xi1> to vector<128x128xi1>
    %select_n3A_1022 = arith.select %broadcast_in_dim3A_1021, %mul3A_1019, %select_n3A_764 : vector<128x128xi1>, vector<128x128xf32>
    %broadcast_in_dim3A_1023 = vector.shape_cast %gt3A_966 : vector<128x1xi1> to vector<128x1xi1>
    %broadcast_in_dim3A_1024 = vector.broadcast %broadcast_in_dim3A_1023 : vector<128x1xi1> to vector<128x128xi1>
    %select_n3A_1025 = arith.select %broadcast_in_dim3A_1024, %add3A_1017, %select_n3A_767 : vector<128x128xi1>, vector<128x128xf32>
    %get3A_1026 = arith.constant 23 : index
    %get3A_1027 = arith.constant 0 : index
    %get3A_1028 = arith.constant 0 : index
    %get3A_1029 = vector.load %arg1[%get3A_1026, %get3A_1027, %get3A_1028] : memref<42x128x128xf32, #tpu.memory_space<vmem>>, vector<1x128x128xf32>
    %get3A_1030 = vector.shape_cast %get3A_1029 : vector<1x128x128xf32> to vector<128x128xf32>
    %dot_general3A_1031 = arith.constant dense<0.000000e+00> : vector<128x512xf32>
    %dot_general3A_1032 = tpu.matmul %get3A_1030, %concatenate3A_35, %dot_general3A_1031 {dimension_numbers = #tpu.dot_dimension_numbers<[1], [0], [0], [1], [0, 0, 1, 1], [], []>, transpose_lhs_hint = false} : vector<128x128xf32>, vector<128x512xf32>, vector<128x512xf32> -> vector<128x512xf32>
    %dot_general3A_1033 = arith.constant dense<0.000000e+00> : vector<128x512xf32>
    %dot_general3A_1034 = tpu.matmul %select_n3A_820, %transpose3A_68, %dot_general3A_1033 {dimension_numbers = #tpu.dot_dimension_numbers<[1], [0], [0], [1], [0, 0, 1, 1], [], []>, transpose_lhs_hint = false} : vector<128x128xf32>, vector<128x512xf32>, vector<128x512xf32> -> vector<128x512xf32>
    %add3A_1035 = arith.addf %dot_general3A_1032, %dot_general3A_1034 : vector<128x512xf32>
    %slice3A_1036 = vector.extract_strided_slice %add3A_1035 {offsets = [0, 0], sizes = [128, 128], strides = [1, 1]} : vector<128x512xf32> to vector<128x128xf32>
    %mul3A_1037 = arith.constant 5.000000e-01 : f32
    %mul3A_1038 = vector.broadcast %mul3A_1037 : f32 to vector<128x128xf32>
    %mul3A_1039 = arith.mulf %mul3A_1038, %slice3A_1036 : vector<128x128xf32>
    %tanh3A_1040 = math.tanh %mul3A_1039 : vector<128x128xf32>
    %mul3A_1041 = arith.constant 5.000000e-01 : f32
    %mul3A_1042 = vector.broadcast %mul3A_1041 : f32 to vector<128x128xf32>
    %mul3A_1043 = arith.mulf %mul3A_1042, %tanh3A_1040 : vector<128x128xf32>
    %add3A_1044 = arith.constant 5.000000e-01 : f32
    %add3A_1045 = vector.broadcast %add3A_1044 : f32 to vector<128x128xf32>
    %add3A_1046 = arith.addf %add3A_1045, %mul3A_1043 : vector<128x128xf32>
    %slice3A_1047 = vector.extract_strided_slice %add3A_1035 {offsets = [0, 128], sizes = [128, 128], strides = [1, 1]} : vector<128x512xf32> to vector<128x128xf32>
    %mul3A_1048 = arith.constant 5.000000e-01 : f32
    %mul3A_1049 = vector.broadcast %mul3A_1048 : f32 to vector<128x128xf32>
    %mul3A_1050 = arith.mulf %mul3A_1049, %slice3A_1047 : vector<128x128xf32>
    %tanh3A_1051 = math.tanh %mul3A_1050 : vector<128x128xf32>
    %mul3A_1052 = arith.constant 5.000000e-01 : f32
    %mul3A_1053 = vector.broadcast %mul3A_1052 : f32 to vector<128x128xf32>
    %mul3A_1054 = arith.mulf %mul3A_1053, %tanh3A_1051 : vector<128x128xf32>
    %add3A_1055 = arith.constant 5.000000e-01 : f32
    %add3A_1056 = vector.broadcast %add3A_1055 : f32 to vector<128x128xf32>
    %add3A_1057 = arith.addf %add3A_1056, %mul3A_1054 : vector<128x128xf32>
    %slice3A_1058 = vector.extract_strided_slice %add3A_1035 {offsets = [0, 256], sizes = [128, 128], strides = [1, 1]} : vector<128x512xf32> to vector<128x128xf32>
    %tanh3A_1059 = math.tanh %slice3A_1058 : vector<128x128xf32>
    %slice3A_1060 = vector.extract_strided_slice %add3A_1035 {offsets = [0, 384], sizes = [128, 128], strides = [1, 1]} : vector<128x512xf32> to vector<128x128xf32>
    %mul3A_1061 = arith.constant 5.000000e-01 : f32
    %mul3A_1062 = vector.broadcast %mul3A_1061 : f32 to vector<128x128xf32>
    %mul3A_1063 = arith.mulf %mul3A_1062, %slice3A_1060 : vector<128x128xf32>
    %tanh3A_1064 = math.tanh %mul3A_1063 : vector<128x128xf32>
    %mul3A_1065 = arith.constant 5.000000e-01 : f32
    %mul3A_1066 = vector.broadcast %mul3A_1065 : f32 to vector<128x128xf32>
    %mul3A_1067 = arith.mulf %mul3A_1066, %tanh3A_1064 : vector<128x128xf32>
    %add3A_1068 = arith.constant 5.000000e-01 : f32
    %add3A_1069 = vector.broadcast %add3A_1068 : f32 to vector<128x128xf32>
    %add3A_1070 = arith.addf %add3A_1069, %mul3A_1067 : vector<128x128xf32>
    %mul3A_1071 = arith.mulf %add3A_1057, %select_n3A_823 : vector<128x128xf32>
    %mul3A_1072 = arith.mulf %add3A_1046, %tanh3A_1059 : vector<128x128xf32>
    %add3A_1073 = arith.addf %mul3A_1071, %mul3A_1072 : vector<128x128xf32>
    %tanh3A_1074 = math.tanh %add3A_1073 : vector<128x128xf32>
    %mul3A_1075 = arith.mulf %add3A_1070, %tanh3A_1074 : vector<128x128xf32>
    %broadcast_in_dim3A_1076 = vector.shape_cast %gt3A_969 : vector<128x1xi1> to vector<128x1xi1>
    %broadcast_in_dim3A_1077 = vector.broadcast %broadcast_in_dim3A_1076 : vector<128x1xi1> to vector<128x128xi1>
    %select_n3A_1078 = arith.select %broadcast_in_dim3A_1077, %mul3A_1075, %select_n3A_820 : vector<128x128xi1>, vector<128x128xf32>
    %broadcast_in_dim3A_1079 = vector.shape_cast %gt3A_969 : vector<128x1xi1> to vector<128x1xi1>
    %broadcast_in_dim3A_1080 = vector.broadcast %broadcast_in_dim3A_1079 : vector<128x1xi1> to vector<128x128xi1>
    %select_n3A_1081 = arith.select %broadcast_in_dim3A_1080, %add3A_1073, %select_n3A_823 : vector<128x128xi1>, vector<128x128xf32>
    %jit3A_1082 = arith.constant 0.000000e+00 : f32
    %broadcast_in_dim3A_1083 = vector.shape_cast %gt3A_966 : vector<128x1xi1> to vector<128x1xi1>
    %broadcast_in_dim3A_1084 = vector.broadcast %broadcast_in_dim3A_1083 : vector<128x1xi1> to vector<128x128xi1>
    %broadcast_in_dim3A_1085 = vector.broadcast %jit3A_1082 : f32 to vector<128x128xf32>
    %select_n3A_1086 = arith.select %broadcast_in_dim3A_1084, %mul3A_1019, %broadcast_in_dim3A_1085 : vector<128x128xi1>, vector<128x128xf32>
    %swap3A_1087 = arith.constant 0 : index
    %swap3A_1088 = arith.constant 3 : index
    %swap3A_1089 = arith.constant 0 : index
    %swap3A_1090 = vector.load %arg19[%swap3A_1087, %swap3A_1088, %swap3A_1089] : memref<128x27x256xf32, #tpu.memory_space<vmem>>, vector<128x1x128xf32>
    %swap3A_1091 = vector.shape_cast %swap3A_1090 : vector<128x1x128xf32> to vector<128x128xf32>
    %swap3A_1092 = vector.shape_cast %select_n3A_1086 : vector<128x128xf32> to vector<128x1x128xf32>
    tpu.vector_store %arg19[%swap3A_1087, %swap3A_1088, %swap3A_1089], %swap3A_1092 {strides = array<i32>} : memref<128x27x256xf32, #tpu.memory_space<vmem>>, vector<128x1x128xf32>,
    %jit3A_1093 = arith.constant 0.000000e+00 : f32
    %broadcast_in_dim3A_1094 = vector.shape_cast %gt3A_969 : vector<128x1xi1> to vector<128x1xi1>
    %broadcast_in_dim3A_1095 = vector.broadcast %broadcast_in_dim3A_1094 : vector<128x1xi1> to vector<128x128xi1>
    %broadcast_in_dim3A_1096 = vector.broadcast %jit3A_1093 : f32 to vector<128x128xf32>
    %select_n3A_1097 = arith.select %broadcast_in_dim3A_1095, %mul3A_1075, %broadcast_in_dim3A_1096 : vector<128x128xi1>, vector<128x128xf32>
    %swap3A_1098 = arith.constant 0 : index
    %swap3A_1099 = arith.constant 23 : index
    %swap3A_1100 = arith.constant 128 : index
    %swap3A_1101 = vector.load %arg19[%swap3A_1098, %swap3A_1099, %swap3A_1100] : memref<128x27x256xf32, #tpu.memory_space<vmem>>, vector<128x1x128xf32>
    %swap3A_1102 = vector.shape_cast %swap3A_1101 : vector<128x1x128xf32> to vector<128x128xf32>
    %swap3A_1103 = vector.shape_cast %select_n3A_1097 : vector<128x128xf32> to vector<128x1x128xf32>
    tpu.vector_store %arg19[%swap3A_1098, %swap3A_1099, %swap3A_1100], %swap3A_1103 {strides = array<i32>} : memref<128x27x256xf32, #tpu.memory_space<vmem>>, vector<128x1x128xf32>,
    %get3A_1104 = arith.constant 31 : index
    %get3A_1105 = arith.constant 0 : index
    %get3A_1106 = arith.constant 0 : index
    %get3A_1107 = vector.load %arg1[%get3A_1104, %get3A_1105, %get3A_1106] : memref<42x128x128xf32, #tpu.memory_space<vmem>>, vector<1x128x128xf32>
    %get3A_1108 = vector.shape_cast %get3A_1107 : vector<1x128x128xf32> to vector<128x128xf32>
    %gt3A_1109 = arith.constant 4 : i32
    %gt3A_1110 = vector.broadcast %gt3A_1109 : i32 to vector<128x1xi32>
    %gt3A_1111 = arith.cmpi sgt, %broadcast_in_dim3A_45, %gt3A_1110 : vector<128x1xi32>
    %dot_general3A_1112 = arith.constant dense<0.000000e+00> : vector<128x512xf32>
    %dot_general3A_1113 = tpu.matmul %get3A_1108, %concatenate3A, %dot_general3A_1112 {dimension_numbers = #tpu.dot_dimension_numbers<[1], [0], [0], [1], [0, 0, 1, 1], [], []>, transpose_lhs_hint = false} : vector<128x128xf32>, vector<128x512xf32>, vector<128x512xf32> -> vector<128x512xf32>
    %dot_general3A_1114 = arith.constant dense<0.000000e+00> : vector<128x512xf32>
    %dot_general3A_1115 = tpu.matmul %select_n3A_901, %transpose3A_56, %dot_general3A_1114 {dimension_numbers = #tpu.dot_dimension_numbers<[1], [0], [0], [1], [0, 0, 1, 1], [], []>, transpose_lhs_hint = false} : vector<128x128xf32>, vector<128x512xf32>, vector<128x512xf32> -> vector<128x512xf32>
    %add3A_1116 = arith.addf %dot_general3A_1113, %dot_general3A_1115 : vector<128x512xf32>
    %slice3A_1117 = vector.extract_strided_slice %add3A_1116 {offsets = [0, 0], sizes = [128, 128], strides = [1, 1]} : vector<128x512xf32> to vector<128x128xf32>
    %mul3A_1118 = arith.constant 5.000000e-01 : f32
    %mul3A_1119 = vector.broadcast %mul3A_1118 : f32 to vector<128x128xf32>
    %mul3A_1120 = arith.mulf %mul3A_1119, %slice3A_1117 : vector<128x128xf32>
    %tanh3A_1121 = math.tanh %mul3A_1120 : vector<128x128xf32>
    %mul3A_1122 = arith.constant 5.000000e-01 : f32
    %mul3A_1123 = vector.broadcast %mul3A_1122 : f32 to vector<128x128xf32>
    %mul3A_1124 = arith.mulf %mul3A_1123, %tanh3A_1121 : vector<128x128xf32>
    %add3A_1125 = arith.constant 5.000000e-01 : f32
    %add3A_1126 = vector.broadcast %add3A_1125 : f32 to vector<128x128xf32>
    %add3A_1127 = arith.addf %add3A_1126, %mul3A_1124 : vector<128x128xf32>
    %slice3A_1128 = vector.extract_strided_slice %add3A_1116 {offsets = [0, 128], sizes = [128, 128], strides = [1, 1]} : vector<128x512xf32> to vector<128x128xf32>
    %mul3A_1129 = arith.constant 5.000000e-01 : f32
    %mul3A_1130 = vector.broadcast %mul3A_1129 : f32 to vector<128x128xf32>
    %mul3A_1131 = arith.mulf %mul3A_1130, %slice3A_1128 : vector<128x128xf32>
    %tanh3A_1132 = math.tanh %mul3A_1131 : vector<128x128xf32>
    %mul3A_1133 = arith.constant 5.000000e-01 : f32
    %mul3A_1134 = vector.broadcast %mul3A_1133 : f32 to vector<128x128xf32>
    %mul3A_1135 = arith.mulf %mul3A_1134, %tanh3A_1132 : vector<128x128xf32>
    %add3A_1136 = arith.constant 5.000000e-01 : f32
    %add3A_1137 = vector.broadcast %add3A_1136 : f32 to vector<128x128xf32>
    %add3A_1138 = arith.addf %add3A_1137, %mul3A_1135 : vector<128x128xf32>
    %slice3A_1139 = vector.extract_strided_slice %add3A_1116 {offsets = [0, 256], sizes = [128, 128], strides = [1, 1]} : vector<128x512xf32> to vector<128x128xf32>
    %tanh3A_1140 = math.tanh %slice3A_1139 : vector<128x128xf32>
    %slice3A_1141 = vector.extract_strided_slice %add3A_1116 {offsets = [0, 384], sizes = [128, 128], strides = [1, 1]} : vector<128x512xf32> to vector<128x128xf32>
    %mul3A_1142 = arith.constant 5.000000e-01 : f32
    %mul3A_1143 = vector.broadcast %mul3A_1142 : f32 to vector<128x128xf32>
    %mul3A_1144 = arith.mulf %mul3A_1143, %slice3A_1141 : vector<128x128xf32>
    %tanh3A_1145 = math.tanh %mul3A_1144 : vector<128x128xf32>
    %mul3A_1146 = arith.constant 5.000000e-01 : f32
    %mul3A_1147 = vector.broadcast %mul3A_1146 : f32 to vector<128x128xf32>
    %mul3A_1148 = arith.mulf %mul3A_1147, %tanh3A_1145 : vector<128x128xf32>
    %add3A_1149 = arith.constant 5.000000e-01 : f32
    %add3A_1150 = vector.broadcast %add3A_1149 : f32 to vector<128x128xf32>
    %add3A_1151 = arith.addf %add3A_1150, %mul3A_1148 : vector<128x128xf32>
    %mul3A_1152 = arith.mulf %add3A_1138, %select_n3A_904 : vector<128x128xf32>
    %mul3A_1153 = arith.mulf %add3A_1127, %tanh3A_1140 : vector<128x128xf32>
    %add3A_1154 = arith.addf %mul3A_1152, %mul3A_1153 : vector<128x128xf32>
    %tanh3A_1155 = math.tanh %add3A_1154 : vector<128x128xf32>
    %mul3A_1156 = arith.mulf %add3A_1151, %tanh3A_1155 : vector<128x128xf32>
    %broadcast_in_dim3A_1157 = vector.shape_cast %gt3A_1111 : vector<128x1xi1> to vector<128x1xi1>
    %broadcast_in_dim3A_1158 = vector.broadcast %broadcast_in_dim3A_1157 : vector<128x1xi1> to vector<128x128xi1>
    %select_n3A_1159 = arith.select %broadcast_in_dim3A_1158, %mul3A_1156, %select_n3A_901 : vector<128x128xi1>, vector<128x128xf32>
    %broadcast_in_dim3A_1160 = vector.shape_cast %gt3A_1111 : vector<128x1xi1> to vector<128x1xi1>
    %broadcast_in_dim3A_1161 = vector.broadcast %broadcast_in_dim3A_1160 : vector<128x1xi1> to vector<128x128xi1>
    %select_n3A_1162 = arith.select %broadcast_in_dim3A_1161, %add3A_1154, %select_n3A_904 : vector<128x128xi1>, vector<128x128xf32>
    %get3A_1163 = arith.constant 37 : index
    %get3A_1164 = arith.constant 0 : index
    %get3A_1165 = arith.constant 0 : index
    %get3A_1166 = vector.load %arg1[%get3A_1163, %get3A_1164, %get3A_1165] : memref<42x128x128xf32, #tpu.memory_space<vmem>>, vector<1x128x128xf32>
    %get3A_1167 = vector.shape_cast %get3A_1166 : vector<1x128x128xf32> to vector<128x128xf32>
    %gt3A_1168 = arith.constant 10 : i32
    %gt3A_1169 = vector.broadcast %gt3A_1168 : i32 to vector<128x1xi32>
    %gt3A_1170 = arith.cmpi sgt, %broadcast_in_dim3A_45, %gt3A_1169 : vector<128x1xi32>
    %dot_general3A_1171 = arith.constant dense<0.000000e+00> : vector<128x512xf32>
    %dot_general3A_1172 = tpu.matmul %get3A_1167, %concatenate3A_15, %dot_general3A_1171 {dimension_numbers = #tpu.dot_dimension_numbers<[1], [0], [0], [1], [0, 0, 1, 1], [], []>, transpose_lhs_hint = false} : vector<128x128xf32>, vector<128x512xf32>, vector<128x512xf32> -> vector<128x512xf32>
    %dot_general3A_1173 = arith.constant dense<0.000000e+00> : vector<128x512xf32>
    %dot_general3A_1174 = tpu.matmul %select_n3A_960, %transpose3A_60, %dot_general3A_1173 {dimension_numbers = #tpu.dot_dimension_numbers<[1], [0], [0], [1], [0, 0, 1, 1], [], []>, transpose_lhs_hint = false} : vector<128x128xf32>, vector<128x512xf32>, vector<128x512xf32> -> vector<128x512xf32>
    %add3A_1175 = arith.addf %dot_general3A_1172, %dot_general3A_1174 : vector<128x512xf32>
    %slice3A_1176 = vector.extract_strided_slice %add3A_1175 {offsets = [0, 0], sizes = [128, 128], strides = [1, 1]} : vector<128x512xf32> to vector<128x128xf32>
    %mul3A_1177 = arith.constant 5.000000e-01 : f32
    %mul3A_1178 = vector.broadcast %mul3A_1177 : f32 to vector<128x128xf32>
    %mul3A_1179 = arith.mulf %mul3A_1178, %slice3A_1176 : vector<128x128xf32>
    %tanh3A_1180 = math.tanh %mul3A_1179 : vector<128x128xf32>
    %mul3A_1181 = arith.constant 5.000000e-01 : f32
    %mul3A_1182 = vector.broadcast %mul3A_1181 : f32 to vector<128x128xf32>
    %mul3A_1183 = arith.mulf %mul3A_1182, %tanh3A_1180 : vector<128x128xf32>
    %add3A_1184 = arith.constant 5.000000e-01 : f32
    %add3A_1185 = vector.broadcast %add3A_1184 : f32 to vector<128x128xf32>
    %add3A_1186 = arith.addf %add3A_1185, %mul3A_1183 : vector<128x128xf32>
    %slice3A_1187 = vector.extract_strided_slice %add3A_1175 {offsets = [0, 128], sizes = [128, 128], strides = [1, 1]} : vector<128x512xf32> to vector<128x128xf32>
    %mul3A_1188 = arith.constant 5.000000e-01 : f32
    %mul3A_1189 = vector.broadcast %mul3A_1188 : f32 to vector<128x128xf32>
    %mul3A_1190 = arith.mulf %mul3A_1189, %slice3A_1187 : vector<128x128xf32>
    %tanh3A_1191 = math.tanh %mul3A_1190 : vector<128x128xf32>
    %mul3A_1192 = arith.constant 5.000000e-01 : f32
    %mul3A_1193 = vector.broadcast %mul3A_1192 : f32 to vector<128x128xf32>
    %mul3A_1194 = arith.mulf %mul3A_1193, %tanh3A_1191 : vector<128x128xf32>
    %add3A_1195 = arith.constant 5.000000e-01 : f32
    %add3A_1196 = vector.broadcast %add3A_1195 : f32 to vector<128x128xf32>
    %add3A_1197 = arith.addf %add3A_1196, %mul3A_1194 : vector<128x128xf32>
    %slice3A_1198 = vector.extract_strided_slice %add3A_1175 {offsets = [0, 256], sizes = [128, 128], strides = [1, 1]} : vector<128x512xf32> to vector<128x128xf32>
    %tanh3A_1199 = math.tanh %slice3A_1198 : vector<128x128xf32>
    %slice3A_1200 = vector.extract_strided_slice %add3A_1175 {offsets = [0, 384], sizes = [128, 128], strides = [1, 1]} : vector<128x512xf32> to vector<128x128xf32>
    %mul3A_1201 = arith.constant 5.000000e-01 : f32
    %mul3A_1202 = vector.broadcast %mul3A_1201 : f32 to vector<128x128xf32>
    %mul3A_1203 = arith.mulf %mul3A_1202, %slice3A_1200 : vector<128x128xf32>
    %tanh3A_1204 = math.tanh %mul3A_1203 : vector<128x128xf32>
    %mul3A_1205 = arith.constant 5.000000e-01 : f32
    %mul3A_1206 = vector.broadcast %mul3A_1205 : f32 to vector<128x128xf32>
    %mul3A_1207 = arith.mulf %mul3A_1206, %tanh3A_1204 : vector<128x128xf32>
    %add3A_1208 = arith.constant 5.000000e-01 : f32
    %add3A_1209 = vector.broadcast %add3A_1208 : f32 to vector<128x128xf32>
    %add3A_1210 = arith.addf %add3A_1209, %mul3A_1207 : vector<128x128xf32>
    %mul3A_1211 = arith.mulf %add3A_1197, %select_n3A_963 : vector<128x128xf32>
    %mul3A_1212 = arith.mulf %add3A_1186, %tanh3A_1199 : vector<128x128xf32>
    %add3A_1213 = arith.addf %mul3A_1211, %mul3A_1212 : vector<128x128xf32>
    %tanh3A_1214 = math.tanh %add3A_1213 : vector<128x128xf32>
    %mul3A_1215 = arith.mulf %add3A_1210, %tanh3A_1214 : vector<128x128xf32>
    %broadcast_in_dim3A_1216 = vector.shape_cast %gt3A_1170 : vector<128x1xi1> to vector<128x1xi1>
    %broadcast_in_dim3A_1217 = vector.broadcast %broadcast_in_dim3A_1216 : vector<128x1xi1> to vector<128x128xi1>
    %select_n3A_1218 = arith.select %broadcast_in_dim3A_1217, %mul3A_1215, %select_n3A_960 : vector<128x128xi1>, vector<128x128xf32>
    %broadcast_in_dim3A_1219 = vector.shape_cast %gt3A_1170 : vector<128x1xi1> to vector<128x1xi1>
    %broadcast_in_dim3A_1220 = vector.broadcast %broadcast_in_dim3A_1219 : vector<128x1xi1> to vector<128x128xi1>
    %select_n3A_1221 = arith.select %broadcast_in_dim3A_1220, %add3A_1213, %select_n3A_963 : vector<128x128xi1>, vector<128x128xf32>
    %gt3A_1222 = arith.constant 4 : i32
    %gt3A_1223 = vector.broadcast %gt3A_1222 : i32 to vector<128x1xi32>
    %gt3A_1224 = arith.cmpi sgt, %broadcast_in_dim3A_52, %gt3A_1223 : vector<128x1xi32>
    %gt3A_1225 = arith.constant 22 : i32
    %gt3A_1226 = vector.broadcast %gt3A_1225 : i32 to vector<128x1xi32>
    %gt3A_1227 = arith.cmpi sgt, %broadcast_in_dim3A_52, %gt3A_1226 : vector<128x1xi32>
    %get3A_1228 = arith.constant 4 : index
    %get3A_1229 = arith.constant 0 : index
    %get3A_1230 = arith.constant 0 : index
    %get3A_1231 = vector.load %arg1[%get3A_1228, %get3A_1229, %get3A_1230] : memref<42x128x128xf32, #tpu.memory_space<vmem>>, vector<1x128x128xf32>
    %get3A_1232 = vector.shape_cast %get3A_1231 : vector<1x128x128xf32> to vector<128x128xf32>
    %dot_general3A_1233 = arith.constant dense<0.000000e+00> : vector<128x512xf32>
    %dot_general3A_1234 = tpu.matmul %get3A_1232, %concatenate3A_25, %dot_general3A_1233 {dimension_numbers = #tpu.dot_dimension_numbers<[1], [0], [0], [1], [0, 0, 1, 1], [], []>, transpose_lhs_hint = false} : vector<128x128xf32>, vector<128x512xf32>, vector<128x512xf32> -> vector<128x512xf32>
    %dot_general3A_1235 = arith.constant dense<0.000000e+00> : vector<128x512xf32>
    %dot_general3A_1236 = tpu.matmul %select_n3A_1022, %transpose3A_64, %dot_general3A_1235 {dimension_numbers = #tpu.dot_dimension_numbers<[1], [0], [0], [1], [0, 0, 1, 1], [], []>, transpose_lhs_hint = false} : vector<128x128xf32>, vector<128x512xf32>, vector<128x512xf32> -> vector<128x512xf32>
    %add3A_1237 = arith.addf %dot_general3A_1234, %dot_general3A_1236 : vector<128x512xf32>
    %slice3A_1238 = vector.extract_strided_slice %add3A_1237 {offsets = [0, 0], sizes = [128, 128], strides = [1, 1]} : vector<128x512xf32> to vector<128x128xf32>
    %mul3A_1239 = arith.constant 5.000000e-01 : f32
    %mul3A_1240 = vector.broadcast %mul3A_1239 : f32 to vector<128x128xf32>
    %mul3A_1241 = arith.mulf %mul3A_1240, %slice3A_1238 : vector<128x128xf32>
    %tanh3A_1242 = math.tanh %mul3A_1241 : vector<128x128xf32>
    %mul3A_1243 = arith.constant 5.000000e-01 : f32
    %mul3A_1244 = vector.broadcast %mul3A_1243 : f32 to vector<128x128xf32>
    %mul3A_1245 = arith.mulf %mul3A_1244, %tanh3A_1242 : vector<128x128xf32>
    %add3A_1246 = arith.constant 5.000000e-01 : f32
    %add3A_1247 = vector.broadcast %add3A_1246 : f32 to vector<128x128xf32>
    %add3A_1248 = arith.addf %add3A_1247, %mul3A_1245 : vector<128x128xf32>
    %slice3A_1249 = vector.extract_strided_slice %add3A_1237 {offsets = [0, 128], sizes = [128, 128], strides = [1, 1]} : vector<128x512xf32> to vector<128x128xf32>
    %mul3A_1250 = arith.constant 5.000000e-01 : f32
    %mul3A_1251 = vector.broadcast %mul3A_1250 : f32 to vector<128x128xf32>
    %mul3A_1252 = arith.mulf %mul3A_1251, %slice3A_1249 : vector<128x128xf32>
    %tanh3A_1253 = math.tanh %mul3A_1252 : vector<128x128xf32>
    %mul3A_1254 = arith.constant 5.000000e-01 : f32
    %mul3A_1255 = vector.broadcast %mul3A_1254 : f32 to vector<128x128xf32>
    %mul3A_1256 = arith.mulf %mul3A_1255, %tanh3A_1253 : vector<128x128xf32>
    %add3A_1257 = arith.constant 5.000000e-01 : f32
    %add3A_1258 = vector.broadcast %add3A_1257 : f32 to vector<128x128xf32>
    %add3A_1259 = arith.addf %add3A_1258, %mul3A_1256 : vector<128x128xf32>
    %slice3A_1260 = vector.extract_strided_slice %add3A_1237 {offsets = [0, 256], sizes = [128, 128], strides = [1, 1]} : vector<128x512xf32> to vector<128x128xf32>
    %tanh3A_1261 = math.tanh %slice3A_1260 : vector<128x128xf32>
    %slice3A_1262 = vector.extract_strided_slice %add3A_1237 {offsets = [0, 384], sizes = [128, 128], strides = [1, 1]} : vector<128x512xf32> to vector<128x128xf32>
    %mul3A_1263 = arith.constant 5.000000e-01 : f32
    %mul3A_1264 = vector.broadcast %mul3A_1263 : f32 to vector<128x128xf32>
    %mul3A_1265 = arith.mulf %mul3A_1264, %slice3A_1262 : vector<128x128xf32>
    %tanh3A_1266 = math.tanh %mul3A_1265 : vector<128x128xf32>
    %mul3A_1267 = arith.constant 5.000000e-01 : f32
    %mul3A_1268 = vector.broadcast %mul3A_1267 : f32 to vector<128x128xf32>
    %mul3A_1269 = arith.mulf %mul3A_1268, %tanh3A_1266 : vector<128x128xf32>
    %add3A_1270 = arith.constant 5.000000e-01 : f32
    %add3A_1271 = vector.broadcast %add3A_1270 : f32 to vector<128x128xf32>
    %add3A_1272 = arith.addf %add3A_1271, %mul3A_1269 : vector<128x128xf32>
    %mul3A_1273 = arith.mulf %add3A_1259, %select_n3A_1025 : vector<128x128xf32>
    %mul3A_1274 = arith.mulf %add3A_1248, %tanh3A_1261 : vector<128x128xf32>
    %add3A_1275 = arith.addf %mul3A_1273, %mul3A_1274 : vector<128x128xf32>
    %tanh3A_1276 = math.tanh %add3A_1275 : vector<128x128xf32>
    %mul3A_1277 = arith.mulf %add3A_1272, %tanh3A_1276 : vector<128x128xf32>
    %broadcast_in_dim3A_1278 = vector.shape_cast %gt3A_1224 : vector<128x1xi1> to vector<128x1xi1>
    %broadcast_in_dim3A_1279 = vector.broadcast %broadcast_in_dim3A_1278 : vector<128x1xi1> to vector<128x128xi1>
    %select_n3A_1280 = arith.select %broadcast_in_dim3A_1279, %mul3A_1277, %select_n3A_1022 : vector<128x128xi1>, vector<128x128xf32>
    %broadcast_in_dim3A_1281 = vector.shape_cast %gt3A_1224 : vector<128x1xi1> to vector<128x1xi1>
    %broadcast_in_dim3A_1282 = vector.broadcast %broadcast_in_dim3A_1281 : vector<128x1xi1> to vector<128x128xi1>
    %select_n3A_1283 = arith.select %broadcast_in_dim3A_1282, %add3A_1275, %select_n3A_1025 : vector<128x128xi1>, vector<128x128xf32>
    %get3A_1284 = arith.constant 22 : index
    %get3A_1285 = arith.constant 0 : index
    %get3A_1286 = arith.constant 0 : index
    %get3A_1287 = vector.load %arg1[%get3A_1284, %get3A_1285, %get3A_1286] : memref<42x128x128xf32, #tpu.memory_space<vmem>>, vector<1x128x128xf32>
    %get3A_1288 = vector.shape_cast %get3A_1287 : vector<1x128x128xf32> to vector<128x128xf32>
    %dot_general3A_1289 = arith.constant dense<0.000000e+00> : vector<128x512xf32>
    %dot_general3A_1290 = tpu.matmul %get3A_1288, %concatenate3A_35, %dot_general3A_1289 {dimension_numbers = #tpu.dot_dimension_numbers<[1], [0], [0], [1], [0, 0, 1, 1], [], []>, transpose_lhs_hint = false} : vector<128x128xf32>, vector<128x512xf32>, vector<128x512xf32> -> vector<128x512xf32>
    %dot_general3A_1291 = arith.constant dense<0.000000e+00> : vector<128x512xf32>
    %dot_general3A_1292 = tpu.matmul %select_n3A_1078, %transpose3A_68, %dot_general3A_1291 {dimension_numbers = #tpu.dot_dimension_numbers<[1], [0], [0], [1], [0, 0, 1, 1], [], []>, transpose_lhs_hint = false} : vector<128x128xf32>, vector<128x512xf32>, vector<128x512xf32> -> vector<128x512xf32>
    %add3A_1293 = arith.addf %dot_general3A_1290, %dot_general3A_1292 : vector<128x512xf32>
    %slice3A_1294 = vector.extract_strided_slice %add3A_1293 {offsets = [0, 0], sizes = [128, 128], strides = [1, 1]} : vector<128x512xf32> to vector<128x128xf32>
    %mul3A_1295 = arith.constant 5.000000e-01 : f32
    %mul3A_1296 = vector.broadcast %mul3A_1295 : f32 to vector<128x128xf32>
    %mul3A_1297 = arith.mulf %mul3A_1296, %slice3A_1294 : vector<128x128xf32>
    %tanh3A_1298 = math.tanh %mul3A_1297 : vector<128x128xf32>
    %mul3A_1299 = arith.constant 5.000000e-01 : f32
    %mul3A_1300 = vector.broadcast %mul3A_1299 : f32 to vector<128x128xf32>
    %mul3A_1301 = arith.mulf %mul3A_1300, %tanh3A_1298 : vector<128x128xf32>
    %add3A_1302 = arith.constant 5.000000e-01 : f32
    %add3A_1303 = vector.broadcast %add3A_1302 : f32 to vector<128x128xf32>
    %add3A_1304 = arith.addf %add3A_1303, %mul3A_1301 : vector<128x128xf32>
    %slice3A_1305 = vector.extract_strided_slice %add3A_1293 {offsets = [0, 128], sizes = [128, 128], strides = [1, 1]} : vector<128x512xf32> to vector<128x128xf32>
    %mul3A_1306 = arith.constant 5.000000e-01 : f32
    %mul3A_1307 = vector.broadcast %mul3A_1306 : f32 to vector<128x128xf32>
    %mul3A_1308 = arith.mulf %mul3A_1307, %slice3A_1305 : vector<128x128xf32>
    %tanh3A_1309 = math.tanh %mul3A_1308 : vector<128x128xf32>
    %mul3A_1310 = arith.constant 5.000000e-01 : f32
    %mul3A_1311 = vector.broadcast %mul3A_1310 : f32 to vector<128x128xf32>
    %mul3A_1312 = arith.mulf %mul3A_1311, %tanh3A_1309 : vector<128x128xf32>
    %add3A_1313 = arith.constant 5.000000e-01 : f32
    %add3A_1314 = vector.broadcast %add3A_1313 : f32 to vector<128x128xf32>
    %add3A_1315 = arith.addf %add3A_1314, %mul3A_1312 : vector<128x128xf32>
    %slice3A_1316 = vector.extract_strided_slice %add3A_1293 {offsets = [0, 256], sizes = [128, 128], strides = [1, 1]} : vector<128x512xf32> to vector<128x128xf32>
    %tanh3A_1317 = math.tanh %slice3A_1316 : vector<128x128xf32>
    %slice3A_1318 = vector.extract_strided_slice %add3A_1293 {offsets = [0, 384], sizes = [128, 128], strides = [1, 1]} : vector<128x512xf32> to vector<128x128xf32>
    %mul3A_1319 = arith.constant 5.000000e-01 : f32
    %mul3A_1320 = vector.broadcast %mul3A_1319 : f32 to vector<128x128xf32>
    %mul3A_1321 = arith.mulf %mul3A_1320, %slice3A_1318 : vector<128x128xf32>
    %tanh3A_1322 = math.tanh %mul3A_1321 : vector<128x128xf32>
    %mul3A_1323 = arith.constant 5.000000e-01 : f32
    %mul3A_1324 = vector.broadcast %mul3A_1323 : f32 to vector<128x128xf32>
    %mul3A_1325 = arith.mulf %mul3A_1324, %tanh3A_1322 : vector<128x128xf32>
    %add3A_1326 = arith.constant 5.000000e-01 : f32
    %add3A_1327 = vector.broadcast %add3A_1326 : f32 to vector<128x128xf32>
    %add3A_1328 = arith.addf %add3A_1327, %mul3A_1325 : vector<128x128xf32>
    %mul3A_1329 = arith.mulf %add3A_1315, %select_n3A_1081 : vector<128x128xf32>
    %mul3A_1330 = arith.mulf %add3A_1304, %tanh3A_1317 : vector<128x128xf32>
    %add3A_1331 = arith.addf %mul3A_1329, %mul3A_1330 : vector<128x128xf32>
    %tanh3A_1332 = math.tanh %add3A_1331 : vector<128x128xf32>
    %mul3A_1333 = arith.mulf %add3A_1328, %tanh3A_1332 : vector<128x128xf32>
    %broadcast_in_dim3A_1334 = vector.shape_cast %gt3A_1227 : vector<128x1xi1> to vector<128x1xi1>
    %broadcast_in_dim3A_1335 = vector.broadcast %broadcast_in_dim3A_1334 : vector<128x1xi1> to vector<128x128xi1>
    %select_n3A_1336 = arith.select %broadcast_in_dim3A_1335, %mul3A_1333, %select_n3A_1078 : vector<128x128xi1>, vector<128x128xf32>
    %broadcast_in_dim3A_1337 = vector.shape_cast %gt3A_1227 : vector<128x1xi1> to vector<128x1xi1>
    %broadcast_in_dim3A_1338 = vector.broadcast %broadcast_in_dim3A_1337 : vector<128x1xi1> to vector<128x128xi1>
    %select_n3A_1339 = arith.select %broadcast_in_dim3A_1338, %add3A_1331, %select_n3A_1081 : vector<128x128xi1>, vector<128x128xf32>
    %jit3A_1340 = arith.constant 0.000000e+00 : f32
    %broadcast_in_dim3A_1341 = vector.shape_cast %gt3A_1224 : vector<128x1xi1> to vector<128x1xi1>
    %broadcast_in_dim3A_1342 = vector.broadcast %broadcast_in_dim3A_1341 : vector<128x1xi1> to vector<128x128xi1>
    %broadcast_in_dim3A_1343 = vector.broadcast %jit3A_1340 : f32 to vector<128x128xf32>
    %select_n3A_1344 = arith.select %broadcast_in_dim3A_1342, %mul3A_1277, %broadcast_in_dim3A_1343 : vector<128x128xi1>, vector<128x128xf32>
    %swap3A_1345 = arith.constant 0 : index
    %swap3A_1346 = arith.constant 4 : index
    %swap3A_1347 = arith.constant 0 : index
    %swap3A_1348 = vector.load %arg19[%swap3A_1345, %swap3A_1346, %swap3A_1347] : memref<128x27x256xf32, #tpu.memory_space<vmem>>, vector<128x1x128xf32>
    %swap3A_1349 = vector.shape_cast %swap3A_1348 : vector<128x1x128xf32> to vector<128x128xf32>
    %swap3A_1350 = vector.shape_cast %select_n3A_1344 : vector<128x128xf32> to vector<128x1x128xf32>
    tpu.vector_store %arg19[%swap3A_1345, %swap3A_1346, %swap3A_1347], %swap3A_1350 {strides = array<i32>} : memref<128x27x256xf32, #tpu.memory_space<vmem>>, vector<128x1x128xf32>,
    %jit3A_1351 = arith.constant 0.000000e+00 : f32
    %broadcast_in_dim3A_1352 = vector.shape_cast %gt3A_1227 : vector<128x1xi1> to vector<128x1xi1>
    %broadcast_in_dim3A_1353 = vector.broadcast %broadcast_in_dim3A_1352 : vector<128x1xi1> to vector<128x128xi1>
    %broadcast_in_dim3A_1354 = vector.broadcast %jit3A_1351 : f32 to vector<128x128xf32>
    %select_n3A_1355 = arith.select %broadcast_in_dim3A_1353, %mul3A_1333, %broadcast_in_dim3A_1354 : vector<128x128xi1>, vector<128x128xf32>
    %swap3A_1356 = arith.constant 0 : index
    %swap3A_1357 = arith.constant 22 : index
    %swap3A_1358 = arith.constant 128 : index
    %swap3A_1359 = vector.load %arg19[%swap3A_1356, %swap3A_1357, %swap3A_1358] : memref<128x27x256xf32, #tpu.memory_space<vmem>>, vector<128x1x128xf32>
    %swap3A_1360 = vector.shape_cast %swap3A_1359 : vector<128x1x128xf32> to vector<128x128xf32>
    %swap3A_1361 = vector.shape_cast %select_n3A_1355 : vector<128x128xf32> to vector<128x1x128xf32>
    tpu.vector_store %arg19[%swap3A_1356, %swap3A_1357, %swap3A_1358], %swap3A_1361 {strides = array<i32>} : memref<128x27x256xf32, #tpu.memory_space<vmem>>, vector<128x1x128xf32>,
    %get3A_1362 = arith.constant 32 : index
    %get3A_1363 = arith.constant 0 : index
    %get3A_1364 = arith.constant 0 : index
    %get3A_1365 = vector.load %arg1[%get3A_1362, %get3A_1363, %get3A_1364] : memref<42x128x128xf32, #tpu.memory_space<vmem>>, vector<1x128x128xf32>
    %get3A_1366 = vector.shape_cast %get3A_1365 : vector<1x128x128xf32> to vector<128x128xf32>
    %gt3A_1367 = arith.constant 5 : i32
    %gt3A_1368 = vector.broadcast %gt3A_1367 : i32 to vector<128x1xi32>
    %gt3A_1369 = arith.cmpi sgt, %broadcast_in_dim3A_45, %gt3A_1368 : vector<128x1xi32>
    %dot_general3A_1370 = arith.constant dense<0.000000e+00> : vector<128x512xf32>
    %dot_general3A_1371 = tpu.matmul %get3A_1366, %concatenate3A, %dot_general3A_1370 {dimension_numbers = #tpu.dot_dimension_numbers<[1], [0], [0], [1], [0, 0, 1, 1], [], []>, transpose_lhs_hint = false} : vector<128x128xf32>, vector<128x512xf32>, vector<128x512xf32> -> vector<128x512xf32>
    %dot_general3A_1372 = arith.constant dense<0.000000e+00> : vector<128x512xf32>
    %dot_general3A_1373 = tpu.matmul %select_n3A_1159, %transpose3A_56, %dot_general3A_1372 {dimension_numbers = #tpu.dot_dimension_numbers<[1], [0], [0], [1], [0, 0, 1, 1], [], []>, transpose_lhs_hint = false} : vector<128x128xf32>, vector<128x512xf32>, vector<128x512xf32> -> vector<128x512xf32>
    %add3A_1374 = arith.addf %dot_general3A_1371, %dot_general3A_1373 : vector<128x512xf32>
    %slice3A_1375 = vector.extract_strided_slice %add3A_1374 {offsets = [0, 0], sizes = [128, 128], strides = [1, 1]} : vector<128x512xf32> to vector<128x128xf32>
    %mul3A_1376 = arith.constant 5.000000e-01 : f32
    %mul3A_1377 = vector.broadcast %mul3A_1376 : f32 to vector<128x128xf32>
    %mul3A_1378 = arith.mulf %mul3A_1377, %slice3A_1375 : vector<128x128xf32>
    %tanh3A_1379 = math.tanh %mul3A_1378 : vector<128x128xf32>
    %mul3A_1380 = arith.constant 5.000000e-01 : f32
    %mul3A_1381 = vector.broadcast %mul3A_1380 : f32 to vector<128x128xf32>
    %mul3A_1382 = arith.mulf %mul3A_1381, %tanh3A_1379 : vector<128x128xf32>
    %add3A_1383 = arith.constant 5.000000e-01 : f32
    %add3A_1384 = vector.broadcast %add3A_1383 : f32 to vector<128x128xf32>
    %add3A_1385 = arith.addf %add3A_1384, %mul3A_1382 : vector<128x128xf32>
    %slice3A_1386 = vector.extract_strided_slice %add3A_1374 {offsets = [0, 128], sizes = [128, 128], strides = [1, 1]} : vector<128x512xf32> to vector<128x128xf32>
    %mul3A_1387 = arith.constant 5.000000e-01 : f32
    %mul3A_1388 = vector.broadcast %mul3A_1387 : f32 to vector<128x128xf32>
    %mul3A_1389 = arith.mulf %mul3A_1388, %slice3A_1386 : vector<128x128xf32>
    %tanh3A_1390 = math.tanh %mul3A_1389 : vector<128x128xf32>
    %mul3A_1391 = arith.constant 5.000000e-01 : f32
    %mul3A_1392 = vector.broadcast %mul3A_1391 : f32 to vector<128x128xf32>
    %mul3A_1393 = arith.mulf %mul3A_1392, %tanh3A_1390 : vector<128x128xf32>
    %add3A_1394 = arith.constant 5.000000e-01 : f32
    %add3A_1395 = vector.broadcast %add3A_1394 : f32 to vector<128x128xf32>
    %add3A_1396 = arith.addf %add3A_1395, %mul3A_1393 : vector<128x128xf32>
    %slice3A_1397 = vector.extract_strided_slice %add3A_1374 {offsets = [0, 256], sizes = [128, 128], strides = [1, 1]} : vector<128x512xf32> to vector<128x128xf32>
    %tanh3A_1398 = math.tanh %slice3A_1397 : vector<128x128xf32>
    %slice3A_1399 = vector.extract_strided_slice %add3A_1374 {offsets = [0, 384], sizes = [128, 128], strides = [1, 1]} : vector<128x512xf32> to vector<128x128xf32>
    %mul3A_1400 = arith.constant 5.000000e-01 : f32
    %mul3A_1401 = vector.broadcast %mul3A_1400 : f32 to vector<128x128xf32>
    %mul3A_1402 = arith.mulf %mul3A_1401, %slice3A_1399 : vector<128x128xf32>
    %tanh3A_1403 = math.tanh %mul3A_1402 : vector<128x128xf32>
    %mul3A_1404 = arith.constant 5.000000e-01 : f32
    %mul3A_1405 = vector.broadcast %mul3A_1404 : f32 to vector<128x128xf32>
    %mul3A_1406 = arith.mulf %mul3A_1405, %tanh3A_1403 : vector<128x128xf32>
    %add3A_1407 = arith.constant 5.000000e-01 : f32
    %add3A_1408 = vector.broadcast %add3A_1407 : f32 to vector<128x128xf32>
    %add3A_1409 = arith.addf %add3A_1408, %mul3A_1406 : vector<128x128xf32>
    %mul3A_1410 = arith.mulf %add3A_1396, %select_n3A_1162 : vector<128x128xf32>
    %mul3A_1411 = arith.mulf %add3A_1385, %tanh3A_1398 : vector<128x128xf32>
    %add3A_1412 = arith.addf %mul3A_1410, %mul3A_1411 : vector<128x128xf32>
    %tanh3A_1413 = math.tanh %add3A_1412 : vector<128x128xf32>
    %mul3A_1414 = arith.mulf %add3A_1409, %tanh3A_1413 : vector<128x128xf32>
    %broadcast_in_dim3A_1415 = vector.shape_cast %gt3A_1369 : vector<128x1xi1> to vector<128x1xi1>
    %broadcast_in_dim3A_1416 = vector.broadcast %broadcast_in_dim3A_1415 : vector<128x1xi1> to vector<128x128xi1>
    %select_n3A_1417 = arith.select %broadcast_in_dim3A_1416, %mul3A_1414, %select_n3A_1159 : vector<128x128xi1>, vector<128x128xf32>
    %broadcast_in_dim3A_1418 = vector.shape_cast %gt3A_1369 : vector<128x1xi1> to vector<128x1xi1>
    %broadcast_in_dim3A_1419 = vector.broadcast %broadcast_in_dim3A_1418 : vector<128x1xi1> to vector<128x128xi1>
    %select_n3A_1420 = arith.select %broadcast_in_dim3A_1419, %add3A_1412, %select_n3A_1162 : vector<128x128xi1>, vector<128x128xf32>
    %get3A_1421 = arith.constant 36 : index
    %get3A_1422 = arith.constant 0 : index
    %get3A_1423 = arith.constant 0 : index
    %get3A_1424 = vector.load %arg1[%get3A_1421, %get3A_1422, %get3A_1423] : memref<42x128x128xf32, #tpu.memory_space<vmem>>, vector<1x128x128xf32>
    %get3A_1425 = vector.shape_cast %get3A_1424 : vector<1x128x128xf32> to vector<128x128xf32>
    %gt3A_1426 = arith.constant 9 : i32
    %gt3A_1427 = vector.broadcast %gt3A_1426 : i32 to vector<128x1xi32>
    %gt3A_1428 = arith.cmpi sgt, %broadcast_in_dim3A_45, %gt3A_1427 : vector<128x1xi32>
    %dot_general3A_1429 = arith.constant dense<0.000000e+00> : vector<128x512xf32>
    %dot_general3A_1430 = tpu.matmul %get3A_1425, %concatenate3A_15, %dot_general3A_1429 {dimension_numbers = #tpu.dot_dimension_numbers<[1], [0], [0], [1], [0, 0, 1, 1], [], []>, transpose_lhs_hint = false} : vector<128x128xf32>, vector<128x512xf32>, vector<128x512xf32> -> vector<128x512xf32>
    %dot_general3A_1431 = arith.constant dense<0.000000e+00> : vector<128x512xf32>
    %dot_general3A_1432 = tpu.matmul %select_n3A_1218, %transpose3A_60, %dot_general3A_1431 {dimension_numbers = #tpu.dot_dimension_numbers<[1], [0], [0], [1], [0, 0, 1, 1], [], []>, transpose_lhs_hint = false} : vector<128x128xf32>, vector<128x512xf32>, vector<128x512xf32> -> vector<128x512xf32>
    %add3A_1433 = arith.addf %dot_general3A_1430, %dot_general3A_1432 : vector<128x512xf32>
    %slice3A_1434 = vector.extract_strided_slice %add3A_1433 {offsets = [0, 0], sizes = [128, 128], strides = [1, 1]} : vector<128x512xf32> to vector<128x128xf32>
    %mul3A_1435 = arith.constant 5.000000e-01 : f32
    %mul3A_1436 = vector.broadcast %mul3A_1435 : f32 to vector<128x128xf32>
    %mul3A_1437 = arith.mulf %mul3A_1436, %slice3A_1434 : vector<128x128xf32>
    %tanh3A_1438 = math.tanh %mul3A_1437 : vector<128x128xf32>
    %mul3A_1439 = arith.constant 5.000000e-01 : f32
    %mul3A_1440 = vector.broadcast %mul3A_1439 : f32 to vector<128x128xf32>
    %mul3A_1441 = arith.mulf %mul3A_1440, %tanh3A_1438 : vector<128x128xf32>
    %add3A_1442 = arith.constant 5.000000e-01 : f32
    %add3A_1443 = vector.broadcast %add3A_1442 : f32 to vector<128x128xf32>
    %add3A_1444 = arith.addf %add3A_1443, %mul3A_1441 : vector<128x128xf32>
    %slice3A_1445 = vector.extract_strided_slice %add3A_1433 {offsets = [0, 128], sizes = [128, 128], strides = [1, 1]} : vector<128x512xf32> to vector<128x128xf32>
    %mul3A_1446 = arith.constant 5.000000e-01 : f32
    %mul3A_1447 = vector.broadcast %mul3A_1446 : f32 to vector<128x128xf32>
    %mul3A_1448 = arith.mulf %mul3A_1447, %slice3A_1445 : vector<128x128xf32>
    %tanh3A_1449 = math.tanh %mul3A_1448 : vector<128x128xf32>
    %mul3A_1450 = arith.constant 5.000000e-01 : f32
    %mul3A_1451 = vector.broadcast %mul3A_1450 : f32 to vector<128x128xf32>
    %mul3A_1452 = arith.mulf %mul3A_1451, %tanh3A_1449 : vector<128x128xf32>
    %add3A_1453 = arith.constant 5.000000e-01 : f32
    %add3A_1454 = vector.broadcast %add3A_1453 : f32 to vector<128x128xf32>
    %add3A_1455 = arith.addf %add3A_1454, %mul3A_1452 : vector<128x128xf32>
    %slice3A_1456 = vector.extract_strided_slice %add3A_1433 {offsets = [0, 256], sizes = [128, 128], strides = [1, 1]} : vector<128x512xf32> to vector<128x128xf32>
    %tanh3A_1457 = math.tanh %slice3A_1456 : vector<128x128xf32>
    %slice3A_1458 = vector.extract_strided_slice %add3A_1433 {offsets = [0, 384], sizes = [128, 128], strides = [1, 1]} : vector<128x512xf32> to vector<128x128xf32>
    %mul3A_1459 = arith.constant 5.000000e-01 : f32
    %mul3A_1460 = vector.broadcast %mul3A_1459 : f32 to vector<128x128xf32>
    %mul3A_1461 = arith.mulf %mul3A_1460, %slice3A_1458 : vector<128x128xf32>
    %tanh3A_1462 = math.tanh %mul3A_1461 : vector<128x128xf32>
    %mul3A_1463 = arith.constant 5.000000e-01 : f32
    %mul3A_1464 = vector.broadcast %mul3A_1463 : f32 to vector<128x128xf32>
    %mul3A_1465 = arith.mulf %mul3A_1464, %tanh3A_1462 : vector<128x128xf32>
    %add3A_1466 = arith.constant 5.000000e-01 : f32
    %add3A_1467 = vector.broadcast %add3A_1466 : f32 to vector<128x128xf32>
    %add3A_1468 = arith.addf %add3A_1467, %mul3A_1465 : vector<128x128xf32>
    %mul3A_1469 = arith.mulf %add3A_1455, %select_n3A_1221 : vector<128x128xf32>
    %mul3A_1470 = arith.mulf %add3A_1444, %tanh3A_1457 : vector<128x128xf32>
    %add3A_1471 = arith.addf %mul3A_1469, %mul3A_1470 : vector<128x128xf32>
    %tanh3A_1472 = math.tanh %add3A_1471 : vector<128x128xf32>
    %mul3A_1473 = arith.mulf %add3A_1468, %tanh3A_1472 : vector<128x128xf32>
    %broadcast_in_dim3A_1474 = vector.shape_cast %gt3A_1428 : vector<128x1xi1> to vector<128x1xi1>
    %broadcast_in_dim3A_1475 = vector.broadcast %broadcast_in_dim3A_1474 : vector<128x1xi1> to vector<128x128xi1>
    %select_n3A_1476 = arith.select %broadcast_in_dim3A_1475, %mul3A_1473, %select_n3A_1218 : vector<128x128xi1>, vector<128x128xf32>
    %broadcast_in_dim3A_1477 = vector.shape_cast %gt3A_1428 : vector<128x1xi1> to vector<128x1xi1>
    %broadcast_in_dim3A_1478 = vector.broadcast %broadcast_in_dim3A_1477 : vector<128x1xi1> to vector<128x128xi1>
    %select_n3A_1479 = arith.select %broadcast_in_dim3A_1478, %add3A_1471, %select_n3A_1221 : vector<128x128xi1>, vector<128x128xf32>
    %gt3A_1480 = arith.constant 5 : i32
    %gt3A_1481 = vector.broadcast %gt3A_1480 : i32 to vector<128x1xi32>
    %gt3A_1482 = arith.cmpi sgt, %broadcast_in_dim3A_52, %gt3A_1481 : vector<128x1xi32>
    %gt3A_1483 = arith.constant 21 : i32
    %gt3A_1484 = vector.broadcast %gt3A_1483 : i32 to vector<128x1xi32>
    %gt3A_1485 = arith.cmpi sgt, %broadcast_in_dim3A_52, %gt3A_1484 : vector<128x1xi32>
    %get3A_1486 = arith.constant 5 : index
    %get3A_1487 = arith.constant 0 : index
    %get3A_1488 = arith.constant 0 : index
    %get3A_1489 = vector.load %arg1[%get3A_1486, %get3A_1487, %get3A_1488] : memref<42x128x128xf32, #tpu.memory_space<vmem>>, vector<1x128x128xf32>
    %get3A_1490 = vector.shape_cast %get3A_1489 : vector<1x128x128xf32> to vector<128x128xf32>
    %dot_general3A_1491 = arith.constant dense<0.000000e+00> : vector<128x512xf32>
    %dot_general3A_1492 = tpu.matmul %get3A_1490, %concatenate3A_25, %dot_general3A_1491 {dimension_numbers = #tpu.dot_dimension_numbers<[1], [0], [0], [1], [0, 0, 1, 1], [], []>, transpose_lhs_hint = false} : vector<128x128xf32>, vector<128x512xf32>, vector<128x512xf32> -> vector<128x512xf32>
    %dot_general3A_1493 = arith.constant dense<0.000000e+00> : vector<128x512xf32>
    %dot_general3A_1494 = tpu.matmul %select_n3A_1280, %transpose3A_64, %dot_general3A_1493 {dimension_numbers = #tpu.dot_dimension_numbers<[1], [0], [0], [1], [0, 0, 1, 1], [], []>, transpose_lhs_hint = false} : vector<128x128xf32>, vector<128x512xf32>, vector<128x512xf32> -> vector<128x512xf32>
    %add3A_1495 = arith.addf %dot_general3A_1492, %dot_general3A_1494 : vector<128x512xf32>
    %slice3A_1496 = vector.extract_strided_slice %add3A_1495 {offsets = [0, 0], sizes = [128, 128], strides = [1, 1]} : vector<128x512xf32> to vector<128x128xf32>
    %mul3A_1497 = arith.constant 5.000000e-01 : f32
    %mul3A_1498 = vector.broadcast %mul3A_1497 : f32 to vector<128x128xf32>
    %mul3A_1499 = arith.mulf %mul3A_1498, %slice3A_1496 : vector<128x128xf32>
    %tanh3A_1500 = math.tanh %mul3A_1499 : vector<128x128xf32>
    %mul3A_1501 = arith.constant 5.000000e-01 : f32
    %mul3A_1502 = vector.broadcast %mul3A_1501 : f32 to vector<128x128xf32>
    %mul3A_1503 = arith.mulf %mul3A_1502, %tanh3A_1500 : vector<128x128xf32>
    %add3A_1504 = arith.constant 5.000000e-01 : f32
    %add3A_1505 = vector.broadcast %add3A_1504 : f32 to vector<128x128xf32>
    %add3A_1506 = arith.addf %add3A_1505, %mul3A_1503 : vector<128x128xf32>
    %slice3A_1507 = vector.extract_strided_slice %add3A_1495 {offsets = [0, 128], sizes = [128, 128], strides = [1, 1]} : vector<128x512xf32> to vector<128x128xf32>
    %mul3A_1508 = arith.constant 5.000000e-01 : f32
    %mul3A_1509 = vector.broadcast %mul3A_1508 : f32 to vector<128x128xf32>
    %mul3A_1510 = arith.mulf %mul3A_1509, %slice3A_1507 : vector<128x128xf32>
    %tanh3A_1511 = math.tanh %mul3A_1510 : vector<128x128xf32>
    %mul3A_1512 = arith.constant 5.000000e-01 : f32
    %mul3A_1513 = vector.broadcast %mul3A_1512 : f32 to vector<128x128xf32>
    %mul3A_1514 = arith.mulf %mul3A_1513, %tanh3A_1511 : vector<128x128xf32>
    %add3A_1515 = arith.constant 5.000000e-01 : f32
    %add3A_1516 = vector.broadcast %add3A_1515 : f32 to vector<128x128xf32>
    %add3A_1517 = arith.addf %add3A_1516, %mul3A_1514 : vector<128x128xf32>
    %slice3A_1518 = vector.extract_strided_slice %add3A_1495 {offsets = [0, 256], sizes = [128, 128], strides = [1, 1]} : vector<128x512xf32> to vector<128x128xf32>
    %tanh3A_1519 = math.tanh %slice3A_1518 : vector<128x128xf32>
    %slice3A_1520 = vector.extract_strided_slice %add3A_1495 {offsets = [0, 384], sizes = [128, 128], strides = [1, 1]} : vector<128x512xf32> to vector<128x128xf32>
    %mul3A_1521 = arith.constant 5.000000e-01 : f32
    %mul3A_1522 = vector.broadcast %mul3A_1521 : f32 to vector<128x128xf32>
    %mul3A_1523 = arith.mulf %mul3A_1522, %slice3A_1520 : vector<128x128xf32>
    %tanh3A_1524 = math.tanh %mul3A_1523 : vector<128x128xf32>
    %mul3A_1525 = arith.constant 5.000000e-01 : f32
    %mul3A_1526 = vector.broadcast %mul3A_1525 : f32 to vector<128x128xf32>
    %mul3A_1527 = arith.mulf %mul3A_1526, %tanh3A_1524 : vector<128x128xf32>
    %add3A_1528 = arith.constant 5.000000e-01 : f32
    %add3A_1529 = vector.broadcast %add3A_1528 : f32 to vector<128x128xf32>
    %add3A_1530 = arith.addf %add3A_1529, %mul3A_1527 : vector<128x128xf32>
    %mul3A_1531 = arith.mulf %add3A_1517, %select_n3A_1283 : vector<128x128xf32>
    %mul3A_1532 = arith.mulf %add3A_1506, %tanh3A_1519 : vector<128x128xf32>
    %add3A_1533 = arith.addf %mul3A_1531, %mul3A_1532 : vector<128x128xf32>
    %tanh3A_1534 = math.tanh %add3A_1533 : vector<128x128xf32>
    %mul3A_1535 = arith.mulf %add3A_1530, %tanh3A_1534 : vector<128x128xf32>
    %broadcast_in_dim3A_1536 = vector.shape_cast %gt3A_1482 : vector<128x1xi1> to vector<128x1xi1>
    %broadcast_in_dim3A_1537 = vector.broadcast %broadcast_in_dim3A_1536 : vector<128x1xi1> to vector<128x128xi1>
    %select_n3A_1538 = arith.select %broadcast_in_dim3A_1537, %mul3A_1535, %select_n3A_1280 : vector<128x128xi1>, vector<128x128xf32>
    %broadcast_in_dim3A_1539 = vector.shape_cast %gt3A_1482 : vector<128x1xi1> to vector<128x1xi1>
    %broadcast_in_dim3A_1540 = vector.broadcast %broadcast_in_dim3A_1539 : vector<128x1xi1> to vector<128x128xi1>
    %select_n3A_1541 = arith.select %broadcast_in_dim3A_1540, %add3A_1533, %select_n3A_1283 : vector<128x128xi1>, vector<128x128xf32>
    %get3A_1542 = arith.constant 21 : index
    %get3A_1543 = arith.constant 0 : index
    %get3A_1544 = arith.constant 0 : index
    %get3A_1545 = vector.load %arg1[%get3A_1542, %get3A_1543, %get3A_1544] : memref<42x128x128xf32, #tpu.memory_space<vmem>>, vector<1x128x128xf32>
    %get3A_1546 = vector.shape_cast %get3A_1545 : vector<1x128x128xf32> to vector<128x128xf32>
    %dot_general3A_1547 = arith.constant dense<0.000000e+00> : vector<128x512xf32>
    %dot_general3A_1548 = tpu.matmul %get3A_1546, %concatenate3A_35, %dot_general3A_1547 {dimension_numbers = #tpu.dot_dimension_numbers<[1], [0], [0], [1], [0, 0, 1, 1], [], []>, transpose_lhs_hint = false} : vector<128x128xf32>, vector<128x512xf32>, vector<128x512xf32> -> vector<128x512xf32>
    %dot_general3A_1549 = arith.constant dense<0.000000e+00> : vector<128x512xf32>
    %dot_general3A_1550 = tpu.matmul %select_n3A_1336, %transpose3A_68, %dot_general3A_1549 {dimension_numbers = #tpu.dot_dimension_numbers<[1], [0], [0], [1], [0, 0, 1, 1], [], []>, transpose_lhs_hint = false} : vector<128x128xf32>, vector<128x512xf32>, vector<128x512xf32> -> vector<128x512xf32>
    %add3A_1551 = arith.addf %dot_general3A_1548, %dot_general3A_1550 : vector<128x512xf32>
    %slice3A_1552 = vector.extract_strided_slice %add3A_1551 {offsets = [0, 0], sizes = [128, 128], strides = [1, 1]} : vector<128x512xf32> to vector<128x128xf32>
    %mul3A_1553 = arith.constant 5.000000e-01 : f32
    %mul3A_1554 = vector.broadcast %mul3A_1553 : f32 to vector<128x128xf32>
    %mul3A_1555 = arith.mulf %mul3A_1554, %slice3A_1552 : vector<128x128xf32>
    %tanh3A_1556 = math.tanh %mul3A_1555 : vector<128x128xf32>
    %mul3A_1557 = arith.constant 5.000000e-01 : f32
    %mul3A_1558 = vector.broadcast %mul3A_1557 : f32 to vector<128x128xf32>
    %mul3A_1559 = arith.mulf %mul3A_1558, %tanh3A_1556 : vector<128x128xf32>
    %add3A_1560 = arith.constant 5.000000e-01 : f32
    %add3A_1561 = vector.broadcast %add3A_1560 : f32 to vector<128x128xf32>
    %add3A_1562 = arith.addf %add3A_1561, %mul3A_1559 : vector<128x128xf32>
    %slice3A_1563 = vector.extract_strided_slice %add3A_1551 {offsets = [0, 128], sizes = [128, 128], strides = [1, 1]} : vector<128x512xf32> to vector<128x128xf32>
    %mul3A_1564 = arith.constant 5.000000e-01 : f32
    %mul3A_1565 = vector.broadcast %mul3A_1564 : f32 to vector<128x128xf32>
    %mul3A_1566 = arith.mulf %mul3A_1565, %slice3A_1563 : vector<128x128xf32>
    %tanh3A_1567 = math.tanh %mul3A_1566 : vector<128x128xf32>
    %mul3A_1568 = arith.constant 5.000000e-01 : f32
    %mul3A_1569 = vector.broadcast %mul3A_1568 : f32 to vector<128x128xf32>
    %mul3A_1570 = arith.mulf %mul3A_1569, %tanh3A_1567 : vector<128x128xf32>
    %add3A_1571 = arith.constant 5.000000e-01 : f32
    %add3A_1572 = vector.broadcast %add3A_1571 : f32 to vector<128x128xf32>
    %add3A_1573 = arith.addf %add3A_1572, %mul3A_1570 : vector<128x128xf32>
    %slice3A_1574 = vector.extract_strided_slice %add3A_1551 {offsets = [0, 256], sizes = [128, 128], strides = [1, 1]} : vector<128x512xf32> to vector<128x128xf32>
    %tanh3A_1575 = math.tanh %slice3A_1574 : vector<128x128xf32>
    %slice3A_1576 = vector.extract_strided_slice %add3A_1551 {offsets = [0, 384], sizes = [128, 128], strides = [1, 1]} : vector<128x512xf32> to vector<128x128xf32>
    %mul3A_1577 = arith.constant 5.000000e-01 : f32
    %mul3A_1578 = vector.broadcast %mul3A_1577 : f32 to vector<128x128xf32>
    %mul3A_1579 = arith.mulf %mul3A_1578, %slice3A_1576 : vector<128x128xf32>
    %tanh3A_1580 = math.tanh %mul3A_1579 : vector<128x128xf32>
    %mul3A_1581 = arith.constant 5.000000e-01 : f32
    %mul3A_1582 = vector.broadcast %mul3A_1581 : f32 to vector<128x128xf32>
    %mul3A_1583 = arith.mulf %mul3A_1582, %tanh3A_1580 : vector<128x128xf32>
    %add3A_1584 = arith.constant 5.000000e-01 : f32
    %add3A_1585 = vector.broadcast %add3A_1584 : f32 to vector<128x128xf32>
    %add3A_1586 = arith.addf %add3A_1585, %mul3A_1583 : vector<128x128xf32>
    %mul3A_1587 = arith.mulf %add3A_1573, %select_n3A_1339 : vector<128x128xf32>
    %mul3A_1588 = arith.mulf %add3A_1562, %tanh3A_1575 : vector<128x128xf32>
    %add3A_1589 = arith.addf %mul3A_1587, %mul3A_1588 : vector<128x128xf32>
    %tanh3A_1590 = math.tanh %add3A_1589 : vector<128x128xf32>
    %mul3A_1591 = arith.mulf %add3A_1586, %tanh3A_1590 : vector<128x128xf32>
    %broadcast_in_dim3A_1592 = vector.shape_cast %gt3A_1485 : vector<128x1xi1> to vector<128x1xi1>
    %broadcast_in_dim3A_1593 = vector.broadcast %broadcast_in_dim3A_1592 : vector<128x1xi1> to vector<128x128xi1>
    %select_n3A_1594 = arith.select %broadcast_in_dim3A_1593, %mul3A_1591, %select_n3A_1336 : vector<128x128xi1>, vector<128x128xf32>
    %broadcast_in_dim3A_1595 = vector.shape_cast %gt3A_1485 : vector<128x1xi1> to vector<128x1xi1>
    %broadcast_in_dim3A_1596 = vector.broadcast %broadcast_in_dim3A_1595 : vector<128x1xi1> to vector<128x128xi1>
    %select_n3A_1597 = arith.select %broadcast_in_dim3A_1596, %add3A_1589, %select_n3A_1339 : vector<128x128xi1>, vector<128x128xf32>
    %jit3A_1598 = arith.constant 0.000000e+00 : f32
    %broadcast_in_dim3A_1599 = vector.shape_cast %gt3A_1482 : vector<128x1xi1> to vector<128x1xi1>
    %broadcast_in_dim3A_1600 = vector.broadcast %broadcast_in_dim3A_1599 : vector<128x1xi1> to vector<128x128xi1>
    %broadcast_in_dim3A_1601 = vector.broadcast %jit3A_1598 : f32 to vector<128x128xf32>
    %select_n3A_1602 = arith.select %broadcast_in_dim3A_1600, %mul3A_1535, %broadcast_in_dim3A_1601 : vector<128x128xi1>, vector<128x128xf32>
    %swap3A_1603 = arith.constant 0 : index
    %swap3A_1604 = arith.constant 5 : index
    %swap3A_1605 = arith.constant 0 : index
    %swap3A_1606 = vector.load %arg19[%swap3A_1603, %swap3A_1604, %swap3A_1605] : memref<128x27x256xf32, #tpu.memory_space<vmem>>, vector<128x1x128xf32>
    %swap3A_1607 = vector.shape_cast %swap3A_1606 : vector<128x1x128xf32> to vector<128x128xf32>
    %swap3A_1608 = vector.shape_cast %select_n3A_1602 : vector<128x128xf32> to vector<128x1x128xf32>
    tpu.vector_store %arg19[%swap3A_1603, %swap3A_1604, %swap3A_1605], %swap3A_1608 {strides = array<i32>} : memref<128x27x256xf32, #tpu.memory_space<vmem>>, vector<128x1x128xf32>,
    %jit3A_1609 = arith.constant 0.000000e+00 : f32
    %broadcast_in_dim3A_1610 = vector.shape_cast %gt3A_1485 : vector<128x1xi1> to vector<128x1xi1>
    %broadcast_in_dim3A_1611 = vector.broadcast %broadcast_in_dim3A_1610 : vector<128x1xi1> to vector<128x128xi1>
    %broadcast_in_dim3A_1612 = vector.broadcast %jit3A_1609 : f32 to vector<128x128xf32>
    %select_n3A_1613 = arith.select %broadcast_in_dim3A_1611, %mul3A_1591, %broadcast_in_dim3A_1612 : vector<128x128xi1>, vector<128x128xf32>
    %swap3A_1614 = arith.constant 0 : index
    %swap3A_1615 = arith.constant 21 : index
    %swap3A_1616 = arith.constant 128 : index
    %swap3A_1617 = vector.load %arg19[%swap3A_1614, %swap3A_1615, %swap3A_1616] : memref<128x27x256xf32, #tpu.memory_space<vmem>>, vector<128x1x128xf32>
    %swap3A_1618 = vector.shape_cast %swap3A_1617 : vector<128x1x128xf32> to vector<128x128xf32>
    %swap3A_1619 = vector.shape_cast %select_n3A_1613 : vector<128x128xf32> to vector<128x1x128xf32>
    tpu.vector_store %arg19[%swap3A_1614, %swap3A_1615, %swap3A_1616], %swap3A_1619 {strides = array<i32>} : memref<128x27x256xf32, #tpu.memory_space<vmem>>, vector<128x1x128xf32>,
    %get3A_1620 = arith.constant 33 : index
    %get3A_1621 = arith.constant 0 : index
    %get3A_1622 = arith.constant 0 : index
    %get3A_1623 = vector.load %arg1[%get3A_1620, %get3A_1621, %get3A_1622] : memref<42x128x128xf32, #tpu.memory_space<vmem>>, vector<1x128x128xf32>
    %get3A_1624 = vector.shape_cast %get3A_1623 : vector<1x128x128xf32> to vector<128x128xf32>
    %gt3A_1625 = arith.constant 6 : i32
    %gt3A_1626 = vector.broadcast %gt3A_1625 : i32 to vector<128x1xi32>
    %gt3A_1627 = arith.cmpi sgt, %broadcast_in_dim3A_45, %gt3A_1626 : vector<128x1xi32>
    %dot_general3A_1628 = arith.constant dense<0.000000e+00> : vector<128x512xf32>
    %dot_general3A_1629 = tpu.matmul %get3A_1624, %concatenate3A, %dot_general3A_1628 {dimension_numbers = #tpu.dot_dimension_numbers<[1], [0], [0], [1], [0, 0, 1, 1], [], []>, transpose_lhs_hint = false} : vector<128x128xf32>, vector<128x512xf32>, vector<128x512xf32> -> vector<128x512xf32>
    %dot_general3A_1630 = arith.constant dense<0.000000e+00> : vector<128x512xf32>
    %dot_general3A_1631 = tpu.matmul %select_n3A_1417, %transpose3A_56, %dot_general3A_1630 {dimension_numbers = #tpu.dot_dimension_numbers<[1], [0], [0], [1], [0, 0, 1, 1], [], []>, transpose_lhs_hint = false} : vector<128x128xf32>, vector<128x512xf32>, vector<128x512xf32> -> vector<128x512xf32>
    %add3A_1632 = arith.addf %dot_general3A_1629, %dot_general3A_1631 : vector<128x512xf32>
    %slice3A_1633 = vector.extract_strided_slice %add3A_1632 {offsets = [0, 0], sizes = [128, 128], strides = [1, 1]} : vector<128x512xf32> to vector<128x128xf32>
    %mul3A_1634 = arith.constant 5.000000e-01 : f32
    %mul3A_1635 = vector.broadcast %mul3A_1634 : f32 to vector<128x128xf32>
    %mul3A_1636 = arith.mulf %mul3A_1635, %slice3A_1633 : vector<128x128xf32>
    %tanh3A_1637 = math.tanh %mul3A_1636 : vector<128x128xf32>
    %mul3A_1638 = arith.constant 5.000000e-01 : f32
    %mul3A_1639 = vector.broadcast %mul3A_1638 : f32 to vector<128x128xf32>
    %mul3A_1640 = arith.mulf %mul3A_1639, %tanh3A_1637 : vector<128x128xf32>
    %add3A_1641 = arith.constant 5.000000e-01 : f32
    %add3A_1642 = vector.broadcast %add3A_1641 : f32 to vector<128x128xf32>
    %add3A_1643 = arith.addf %add3A_1642, %mul3A_1640 : vector<128x128xf32>
    %slice3A_1644 = vector.extract_strided_slice %add3A_1632 {offsets = [0, 128], sizes = [128, 128], strides = [1, 1]} : vector<128x512xf32> to vector<128x128xf32>
    %mul3A_1645 = arith.constant 5.000000e-01 : f32
    %mul3A_1646 = vector.broadcast %mul3A_1645 : f32 to vector<128x128xf32>
    %mul3A_1647 = arith.mulf %mul3A_1646, %slice3A_1644 : vector<128x128xf32>
    %tanh3A_1648 = math.tanh %mul3A_1647 : vector<128x128xf32>
    %mul3A_1649 = arith.constant 5.000000e-01 : f32
    %mul3A_1650 = vector.broadcast %mul3A_1649 : f32 to vector<128x128xf32>
    %mul3A_1651 = arith.mulf %mul3A_1650, %tanh3A_1648 : vector<128x128xf32>
    %add3A_1652 = arith.constant 5.000000e-01 : f32
    %add3A_1653 = vector.broadcast %add3A_1652 : f32 to vector<128x128xf32>
    %add3A_1654 = arith.addf %add3A_1653, %mul3A_1651 : vector<128x128xf32>
    %slice3A_1655 = vector.extract_strided_slice %add3A_1632 {offsets = [0, 256], sizes = [128, 128], strides = [1, 1]} : vector<128x512xf32> to vector<128x128xf32>
    %tanh3A_1656 = math.tanh %slice3A_1655 : vector<128x128xf32>
    %slice3A_1657 = vector.extract_strided_slice %add3A_1632 {offsets = [0, 384], sizes = [128, 128], strides = [1, 1]} : vector<128x512xf32> to vector<128x128xf32>
    %mul3A_1658 = arith.constant 5.000000e-01 : f32
    %mul3A_1659 = vector.broadcast %mul3A_1658 : f32 to vector<128x128xf32>
    %mul3A_1660 = arith.mulf %mul3A_1659, %slice3A_1657 : vector<128x128xf32>
    %tanh3A_1661 = math.tanh %mul3A_1660 : vector<128x128xf32>
    %mul3A_1662 = arith.constant 5.000000e-01 : f32
    %mul3A_1663 = vector.broadcast %mul3A_1662 : f32 to vector<128x128xf32>
    %mul3A_1664 = arith.mulf %mul3A_1663, %tanh3A_1661 : vector<128x128xf32>
    %add3A_1665 = arith.constant 5.000000e-01 : f32
    %add3A_1666 = vector.broadcast %add3A_1665 : f32 to vector<128x128xf32>
    %add3A_1667 = arith.addf %add3A_1666, %mul3A_1664 : vector<128x128xf32>
    %mul3A_1668 = arith.mulf %add3A_1654, %select_n3A_1420 : vector<128x128xf32>
    %mul3A_1669 = arith.mulf %add3A_1643, %tanh3A_1656 : vector<128x128xf32>
    %add3A_1670 = arith.addf %mul3A_1668, %mul3A_1669 : vector<128x128xf32>
    %tanh3A_1671 = math.tanh %add3A_1670 : vector<128x128xf32>
    %mul3A_1672 = arith.mulf %add3A_1667, %tanh3A_1671 : vector<128x128xf32>
    %broadcast_in_dim3A_1673 = vector.shape_cast %gt3A_1627 : vector<128x1xi1> to vector<128x1xi1>
    %broadcast_in_dim3A_1674 = vector.broadcast %broadcast_in_dim3A_1673 : vector<128x1xi1> to vector<128x128xi1>
    %select_n3A_1675 = arith.select %broadcast_in_dim3A_1674, %mul3A_1672, %select_n3A_1417 : vector<128x128xi1>, vector<128x128xf32>
    %broadcast_in_dim3A_1676 = vector.shape_cast %gt3A_1627 : vector<128x1xi1> to vector<128x1xi1>
    %broadcast_in_dim3A_1677 = vector.broadcast %broadcast_in_dim3A_1676 : vector<128x1xi1> to vector<128x128xi1>
    %select_n3A_1678 = arith.select %broadcast_in_dim3A_1677, %add3A_1670, %select_n3A_1420 : vector<128x128xi1>, vector<128x128xf32>
    %get3A_1679 = arith.constant 35 : index
    %get3A_1680 = arith.constant 0 : index
    %get3A_1681 = arith.constant 0 : index
    %get3A_1682 = vector.load %arg1[%get3A_1679, %get3A_1680, %get3A_1681] : memref<42x128x128xf32, #tpu.memory_space<vmem>>, vector<1x128x128xf32>
    %get3A_1683 = vector.shape_cast %get3A_1682 : vector<1x128x128xf32> to vector<128x128xf32>
    %gt3A_1684 = arith.constant 8 : i32
    %gt3A_1685 = vector.broadcast %gt3A_1684 : i32 to vector<128x1xi32>
    %gt3A_1686 = arith.cmpi sgt, %broadcast_in_dim3A_45, %gt3A_1685 : vector<128x1xi32>
    %dot_general3A_1687 = arith.constant dense<0.000000e+00> : vector<128x512xf32>
    %dot_general3A_1688 = tpu.matmul %get3A_1683, %concatenate3A_15, %dot_general3A_1687 {dimension_numbers = #tpu.dot_dimension_numbers<[1], [0], [0], [1], [0, 0, 1, 1], [], []>, transpose_lhs_hint = false} : vector<128x128xf32>, vector<128x512xf32>, vector<128x512xf32> -> vector<128x512xf32>
    %dot_general3A_1689 = arith.constant dense<0.000000e+00> : vector<128x512xf32>
    %dot_general3A_1690 = tpu.matmul %select_n3A_1476, %transpose3A_60, %dot_general3A_1689 {dimension_numbers = #tpu.dot_dimension_numbers<[1], [0], [0], [1], [0, 0, 1, 1], [], []>, transpose_lhs_hint = false} : vector<128x128xf32>, vector<128x512xf32>, vector<128x512xf32> -> vector<128x512xf32>
    %add3A_1691 = arith.addf %dot_general3A_1688, %dot_general3A_1690 : vector<128x512xf32>
    %slice3A_1692 = vector.extract_strided_slice %add3A_1691 {offsets = [0, 0], sizes = [128, 128], strides = [1, 1]} : vector<128x512xf32> to vector<128x128xf32>
    %mul3A_1693 = arith.constant 5.000000e-01 : f32
    %mul3A_1694 = vector.broadcast %mul3A_1693 : f32 to vector<128x128xf32>
    %mul3A_1695 = arith.mulf %mul3A_1694, %slice3A_1692 : vector<128x128xf32>
    %tanh3A_1696 = math.tanh %mul3A_1695 : vector<128x128xf32>
    %mul3A_1697 = arith.constant 5.000000e-01 : f32
    %mul3A_1698 = vector.broadcast %mul3A_1697 : f32 to vector<128x128xf32>
    %mul3A_1699 = arith.mulf %mul3A_1698, %tanh3A_1696 : vector<128x128xf32>
    %add3A_1700 = arith.constant 5.000000e-01 : f32
    %add3A_1701 = vector.broadcast %add3A_1700 : f32 to vector<128x128xf32>
    %add3A_1702 = arith.addf %add3A_1701, %mul3A_1699 : vector<128x128xf32>
    %slice3A_1703 = vector.extract_strided_slice %add3A_1691 {offsets = [0, 128], sizes = [128, 128], strides = [1, 1]} : vector<128x512xf32> to vector<128x128xf32>
    %mul3A_1704 = arith.constant 5.000000e-01 : f32
    %mul3A_1705 = vector.broadcast %mul3A_1704 : f32 to vector<128x128xf32>
    %mul3A_1706 = arith.mulf %mul3A_1705, %slice3A_1703 : vector<128x128xf32>
    %tanh3A_1707 = math.tanh %mul3A_1706 : vector<128x128xf32>
    %mul3A_1708 = arith.constant 5.000000e-01 : f32
    %mul3A_1709 = vector.broadcast %mul3A_1708 : f32 to vector<128x128xf32>
    %mul3A_1710 = arith.mulf %mul3A_1709, %tanh3A_1707 : vector<128x128xf32>
    %add3A_1711 = arith.constant 5.000000e-01 : f32
    %add3A_1712 = vector.broadcast %add3A_1711 : f32 to vector<128x128xf32>
    %add3A_1713 = arith.addf %add3A_1712, %mul3A_1710 : vector<128x128xf32>
    %slice3A_1714 = vector.extract_strided_slice %add3A_1691 {offsets = [0, 256], sizes = [128, 128], strides = [1, 1]} : vector<128x512xf32> to vector<128x128xf32>
    %tanh3A_1715 = math.tanh %slice3A_1714 : vector<128x128xf32>
    %slice3A_1716 = vector.extract_strided_slice %add3A_1691 {offsets = [0, 384], sizes = [128, 128], strides = [1, 1]} : vector<128x512xf32> to vector<128x128xf32>
    %mul3A_1717 = arith.constant 5.000000e-01 : f32
    %mul3A_1718 = vector.broadcast %mul3A_1717 : f32 to vector<128x128xf32>
    %mul3A_1719 = arith.mulf %mul3A_1718, %slice3A_1716 : vector<128x128xf32>
    %tanh3A_1720 = math.tanh %mul3A_1719 : vector<128x128xf32>
    %mul3A_1721 = arith.constant 5.000000e-01 : f32
    %mul3A_1722 = vector.broadcast %mul3A_1721 : f32 to vector<128x128xf32>
    %mul3A_1723 = arith.mulf %mul3A_1722, %tanh3A_1720 : vector<128x128xf32>
    %add3A_1724 = arith.constant 5.000000e-01 : f32
    %add3A_1725 = vector.broadcast %add3A_1724 : f32 to vector<128x128xf32>
    %add3A_1726 = arith.addf %add3A_1725, %mul3A_1723 : vector<128x128xf32>
    %mul3A_1727 = arith.mulf %add3A_1713, %select_n3A_1479 : vector<128x128xf32>
    %mul3A_1728 = arith.mulf %add3A_1702, %tanh3A_1715 : vector<128x128xf32>
    %add3A_1729 = arith.addf %mul3A_1727, %mul3A_1728 : vector<128x128xf32>
    %tanh3A_1730 = math.tanh %add3A_1729 : vector<128x128xf32>
    %mul3A_1731 = arith.mulf %add3A_1726, %tanh3A_1730 : vector<128x128xf32>
    %broadcast_in_dim3A_1732 = vector.shape_cast %gt3A_1686 : vector<128x1xi1> to vector<128x1xi1>
    %broadcast_in_dim3A_1733 = vector.broadcast %broadcast_in_dim3A_1732 : vector<128x1xi1> to vector<128x128xi1>
    %select_n3A_1734 = arith.select %broadcast_in_dim3A_1733, %mul3A_1731, %select_n3A_1476 : vector<128x128xi1>, vector<128x128xf32>
    %broadcast_in_dim3A_1735 = vector.shape_cast %gt3A_1686 : vector<128x1xi1> to vector<128x1xi1>
    %broadcast_in_dim3A_1736 = vector.broadcast %broadcast_in_dim3A_1735 : vector<128x1xi1> to vector<128x128xi1>
    %select_n3A_1737 = arith.select %broadcast_in_dim3A_1736, %add3A_1729, %select_n3A_1479 : vector<128x128xi1>, vector<128x128xf32>
    %gt3A_1738 = arith.constant 6 : i32
    %gt3A_1739 = vector.broadcast %gt3A_1738 : i32 to vector<128x1xi32>
    %gt3A_1740 = arith.cmpi sgt, %broadcast_in_dim3A_52, %gt3A_1739 : vector<128x1xi32>
    %gt3A_1741 = arith.constant 20 : i32
    %gt3A_1742 = vector.broadcast %gt3A_1741 : i32 to vector<128x1xi32>
    %gt3A_1743 = arith.cmpi sgt, %broadcast_in_dim3A_52, %gt3A_1742 : vector<128x1xi32>
    %get3A_1744 = arith.constant 6 : index
    %get3A_1745 = arith.constant 0 : index
    %get3A_1746 = arith.constant 0 : index
    %get3A_1747 = vector.load %arg1[%get3A_1744, %get3A_1745, %get3A_1746] : memref<42x128x128xf32, #tpu.memory_space<vmem>>, vector<1x128x128xf32>
    %get3A_1748 = vector.shape_cast %get3A_1747 : vector<1x128x128xf32> to vector<128x128xf32>
    %dot_general3A_1749 = arith.constant dense<0.000000e+00> : vector<128x512xf32>
    %dot_general3A_1750 = tpu.matmul %get3A_1748, %concatenate3A_25, %dot_general3A_1749 {dimension_numbers = #tpu.dot_dimension_numbers<[1], [0], [0], [1], [0, 0, 1, 1], [], []>, transpose_lhs_hint = false} : vector<128x128xf32>, vector<128x512xf32>, vector<128x512xf32> -> vector<128x512xf32>
    %dot_general3A_1751 = arith.constant dense<0.000000e+00> : vector<128x512xf32>
    %dot_general3A_1752 = tpu.matmul %select_n3A_1538, %transpose3A_64, %dot_general3A_1751 {dimension_numbers = #tpu.dot_dimension_numbers<[1], [0], [0], [1], [0, 0, 1, 1], [], []>, transpose_lhs_hint = false} : vector<128x128xf32>, vector<128x512xf32>, vector<128x512xf32> -> vector<128x512xf32>
    %add3A_1753 = arith.addf %dot_general3A_1750, %dot_general3A_1752 : vector<128x512xf32>
    %slice3A_1754 = vector.extract_strided_slice %add3A_1753 {offsets = [0, 0], sizes = [128, 128], strides = [1, 1]} : vector<128x512xf32> to vector<128x128xf32>
    %mul3A_1755 = arith.constant 5.000000e-01 : f32
    %mul3A_1756 = vector.broadcast %mul3A_1755 : f32 to vector<128x128xf32>
    %mul3A_1757 = arith.mulf %mul3A_1756, %slice3A_1754 : vector<128x128xf32>
    %tanh3A_1758 = math.tanh %mul3A_1757 : vector<128x128xf32>
    %mul3A_1759 = arith.constant 5.000000e-01 : f32
    %mul3A_1760 = vector.broadcast %mul3A_1759 : f32 to vector<128x128xf32>
    %mul3A_1761 = arith.mulf %mul3A_1760, %tanh3A_1758 : vector<128x128xf32>
    %add3A_1762 = arith.constant 5.000000e-01 : f32
    %add3A_1763 = vector.broadcast %add3A_1762 : f32 to vector<128x128xf32>
    %add3A_1764 = arith.addf %add3A_1763, %mul3A_1761 : vector<128x128xf32>
    %slice3A_1765 = vector.extract_strided_slice %add3A_1753 {offsets = [0, 128], sizes = [128, 128], strides = [1, 1]} : vector<128x512xf32> to vector<128x128xf32>
    %mul3A_1766 = arith.constant 5.000000e-01 : f32
    %mul3A_1767 = vector.broadcast %mul3A_1766 : f32 to vector<128x128xf32>
    %mul3A_1768 = arith.mulf %mul3A_1767, %slice3A_1765 : vector<128x128xf32>
    %tanh3A_1769 = math.tanh %mul3A_1768 : vector<128x128xf32>
    %mul3A_1770 = arith.constant 5.000000e-01 : f32
    %mul3A_1771 = vector.broadcast %mul3A_1770 : f32 to vector<128x128xf32>
    %mul3A_1772 = arith.mulf %mul3A_1771, %tanh3A_1769 : vector<128x128xf32>
    %add3A_1773 = arith.constant 5.000000e-01 : f32
    %add3A_1774 = vector.broadcast %add3A_1773 : f32 to vector<128x128xf32>
    %add3A_1775 = arith.addf %add3A_1774, %mul3A_1772 : vector<128x128xf32>
    %slice3A_1776 = vector.extract_strided_slice %add3A_1753 {offsets = [0, 256], sizes = [128, 128], strides = [1, 1]} : vector<128x512xf32> to vector<128x128xf32>
    %tanh3A_1777 = math.tanh %slice3A_1776 : vector<128x128xf32>
    %slice3A_1778 = vector.extract_strided_slice %add3A_1753 {offsets = [0, 384], sizes = [128, 128], strides = [1, 1]} : vector<128x512xf32> to vector<128x128xf32>
    %mul3A_1779 = arith.constant 5.000000e-01 : f32
    %mul3A_1780 = vector.broadcast %mul3A_1779 : f32 to vector<128x128xf32>
    %mul3A_1781 = arith.mulf %mul3A_1780, %slice3A_1778 : vector<128x128xf32>
    %tanh3A_1782 = math.tanh %mul3A_1781 : vector<128x128xf32>
    %mul3A_1783 = arith.constant 5.000000e-01 : f32
    %mul3A_1784 = vector.broadcast %mul3A_1783 : f32 to vector<128x128xf32>
    %mul3A_1785 = arith.mulf %mul3A_1784, %tanh3A_1782 : vector<128x128xf32>
    %add3A_1786 = arith.constant 5.000000e-01 : f32
    %add3A_1787 = vector.broadcast %add3A_1786 : f32 to vector<128x128xf32>
    %add3A_1788 = arith.addf %add3A_1787, %mul3A_1785 : vector<128x128xf32>
    %mul3A_1789 = arith.mulf %add3A_1775, %select_n3A_1541 : vector<128x128xf32>
    %mul3A_1790 = arith.mulf %add3A_1764, %tanh3A_1777 : vector<128x128xf32>
    %add3A_1791 = arith.addf %mul3A_1789, %mul3A_1790 : vector<128x128xf32>
    %tanh3A_1792 = math.tanh %add3A_1791 : vector<128x128xf32>
    %mul3A_1793 = arith.mulf %add3A_1788, %tanh3A_1792 : vector<128x128xf32>
    %broadcast_in_dim3A_1794 = vector.shape_cast %gt3A_1740 : vector<128x1xi1> to vector<128x1xi1>
    %broadcast_in_dim3A_1795 = vector.broadcast %broadcast_in_dim3A_1794 : vector<128x1xi1> to vector<128x128xi1>
    %select_n3A_1796 = arith.select %broadcast_in_dim3A_1795, %mul3A_1793, %select_n3A_1538 : vector<128x128xi1>, vector<128x128xf32>
    %broadcast_in_dim3A_1797 = vector.shape_cast %gt3A_1740 : vector<128x1xi1> to vector<128x1xi1>
    %broadcast_in_dim3A_1798 = vector.broadcast %broadcast_in_dim3A_1797 : vector<128x1xi1> to vector<128x128xi1>
    %select_n3A_1799 = arith.select %broadcast_in_dim3A_1798, %add3A_1791, %select_n3A_1541 : vector<128x128xi1>, vector<128x128xf32>
    %get3A_1800 = arith.constant 20 : index
    %get3A_1801 = arith.constant 0 : index
    %get3A_1802 = arith.constant 0 : index
    %get3A_1803 = vector.load %arg1[%get3A_1800, %get3A_1801, %get3A_1802] : memref<42x128x128xf32, #tpu.memory_space<vmem>>, vector<1x128x128xf32>
    %get3A_1804 = vector.shape_cast %get3A_1803 : vector<1x128x128xf32> to vector<128x128xf32>
    %dot_general3A_1805 = arith.constant dense<0.000000e+00> : vector<128x512xf32>
    %dot_general3A_1806 = tpu.matmul %get3A_1804, %concatenate3A_35, %dot_general3A_1805 {dimension_numbers = #tpu.dot_dimension_numbers<[1], [0], [0], [1], [0, 0, 1, 1], [], []>, transpose_lhs_hint = false} : vector<128x128xf32>, vector<128x512xf32>, vector<128x512xf32> -> vector<128x512xf32>
    %dot_general3A_1807 = arith.constant dense<0.000000e+00> : vector<128x512xf32>
    %dot_general3A_1808 = tpu.matmul %select_n3A_1594, %transpose3A_68, %dot_general3A_1807 {dimension_numbers = #tpu.dot_dimension_numbers<[1], [0], [0], [1], [0, 0, 1, 1], [], []>, transpose_lhs_hint = false} : vector<128x128xf32>, vector<128x512xf32>, vector<128x512xf32> -> vector<128x512xf32>
    %add3A_1809 = arith.addf %dot_general3A_1806, %dot_general3A_1808 : vector<128x512xf32>
    %slice3A_1810 = vector.extract_strided_slice %add3A_1809 {offsets = [0, 0], sizes = [128, 128], strides = [1, 1]} : vector<128x512xf32> to vector<128x128xf32>
    %mul3A_1811 = arith.constant 5.000000e-01 : f32
    %mul3A_1812 = vector.broadcast %mul3A_1811 : f32 to vector<128x128xf32>
    %mul3A_1813 = arith.mulf %mul3A_1812, %slice3A_1810 : vector<128x128xf32>
    %tanh3A_1814 = math.tanh %mul3A_1813 : vector<128x128xf32>
    %mul3A_1815 = arith.constant 5.000000e-01 : f32
    %mul3A_1816 = vector.broadcast %mul3A_1815 : f32 to vector<128x128xf32>
    %mul3A_1817 = arith.mulf %mul3A_1816, %tanh3A_1814 : vector<128x128xf32>
    %add3A_1818 = arith.constant 5.000000e-01 : f32
    %add3A_1819 = vector.broadcast %add3A_1818 : f32 to vector<128x128xf32>
    %add3A_1820 = arith.addf %add3A_1819, %mul3A_1817 : vector<128x128xf32>
    %slice3A_1821 = vector.extract_strided_slice %add3A_1809 {offsets = [0, 128], sizes = [128, 128], strides = [1, 1]} : vector<128x512xf32> to vector<128x128xf32>
    %mul3A_1822 = arith.constant 5.000000e-01 : f32
    %mul3A_1823 = vector.broadcast %mul3A_1822 : f32 to vector<128x128xf32>
    %mul3A_1824 = arith.mulf %mul3A_1823, %slice3A_1821 : vector<128x128xf32>
    %tanh3A_1825 = math.tanh %mul3A_1824 : vector<128x128xf32>
    %mul3A_1826 = arith.constant 5.000000e-01 : f32
    %mul3A_1827 = vector.broadcast %mul3A_1826 : f32 to vector<128x128xf32>
    %mul3A_1828 = arith.mulf %mul3A_1827, %tanh3A_1825 : vector<128x128xf32>
    %add3A_1829 = arith.constant 5.000000e-01 : f32
    %add3A_1830 = vector.broadcast %add3A_1829 : f32 to vector<128x128xf32>
    %add3A_1831 = arith.addf %add3A_1830, %mul3A_1828 : vector<128x128xf32>
    %slice3A_1832 = vector.extract_strided_slice %add3A_1809 {offsets = [0, 256], sizes = [128, 128], strides = [1, 1]} : vector<128x512xf32> to vector<128x128xf32>
    %tanh3A_1833 = math.tanh %slice3A_1832 : vector<128x128xf32>
    %slice3A_1834 = vector.extract_strided_slice %add3A_1809 {offsets = [0, 384], sizes = [128, 128], strides = [1, 1]} : vector<128x512xf32> to vector<128x128xf32>
    %mul3A_1835 = arith.constant 5.000000e-01 : f32
    %mul3A_1836 = vector.broadcast %mul3A_1835 : f32 to vector<128x128xf32>
    %mul3A_1837 = arith.mulf %mul3A_1836, %slice3A_1834 : vector<128x128xf32>
    %tanh3A_1838 = math.tanh %mul3A_1837 : vector<128x128xf32>
    %mul3A_1839 = arith.constant 5.000000e-01 : f32
    %mul3A_1840 = vector.broadcast %mul3A_1839 : f32 to vector<128x128xf32>
    %mul3A_1841 = arith.mulf %mul3A_1840, %tanh3A_1838 : vector<128x128xf32>
    %add3A_1842 = arith.constant 5.000000e-01 : f32
    %add3A_1843 = vector.broadcast %add3A_1842 : f32 to vector<128x128xf32>
    %add3A_1844 = arith.addf %add3A_1843, %mul3A_1841 : vector<128x128xf32>
    %mul3A_1845 = arith.mulf %add3A_1831, %select_n3A_1597 : vector<128x128xf32>
    %mul3A_1846 = arith.mulf %add3A_1820, %tanh3A_1833 : vector<128x128xf32>
    %add3A_1847 = arith.addf %mul3A_1845, %mul3A_1846 : vector<128x128xf32>
    %tanh3A_1848 = math.tanh %add3A_1847 : vector<128x128xf32>
    %mul3A_1849 = arith.mulf %add3A_1844, %tanh3A_1848 : vector<128x128xf32>
    %broadcast_in_dim3A_1850 = vector.shape_cast %gt3A_1743 : vector<128x1xi1> to vector<128x1xi1>
    %broadcast_in_dim3A_1851 = vector.broadcast %broadcast_in_dim3A_1850 : vector<128x1xi1> to vector<128x128xi1>
    %select_n3A_1852 = arith.select %broadcast_in_dim3A_1851, %mul3A_1849, %select_n3A_1594 : vector<128x128xi1>, vector<128x128xf32>
    %broadcast_in_dim3A_1853 = vector.shape_cast %gt3A_1743 : vector<128x1xi1> to vector<128x1xi1>
    %broadcast_in_dim3A_1854 = vector.broadcast %broadcast_in_dim3A_1853 : vector<128x1xi1> to vector<128x128xi1>
    %select_n3A_1855 = arith.select %broadcast_in_dim3A_1854, %add3A_1847, %select_n3A_1597 : vector<128x128xi1>, vector<128x128xf32>
    %jit3A_1856 = arith.constant 0.000000e+00 : f32
    %broadcast_in_dim3A_1857 = vector.shape_cast %gt3A_1740 : vector<128x1xi1> to vector<128x1xi1>
    %broadcast_in_dim3A_1858 = vector.broadcast %broadcast_in_dim3A_1857 : vector<128x1xi1> to vector<128x128xi1>
    %broadcast_in_dim3A_1859 = vector.broadcast %jit3A_1856 : f32 to vector<128x128xf32>
    %select_n3A_1860 = arith.select %broadcast_in_dim3A_1858, %mul3A_1793, %broadcast_in_dim3A_1859 : vector<128x128xi1>, vector<128x128xf32>
    %swap3A_1861 = arith.constant 0 : index
    %swap3A_1862 = arith.constant 6 : index
    %swap3A_1863 = arith.constant 0 : index
    %swap3A_1864 = vector.load %arg19[%swap3A_1861, %swap3A_1862, %swap3A_1863] : memref<128x27x256xf32, #tpu.memory_space<vmem>>, vector<128x1x128xf32>
    %swap3A_1865 = vector.shape_cast %swap3A_1864 : vector<128x1x128xf32> to vector<128x128xf32>
    %swap3A_1866 = vector.shape_cast %select_n3A_1860 : vector<128x128xf32> to vector<128x1x128xf32>
    tpu.vector_store %arg19[%swap3A_1861, %swap3A_1862, %swap3A_1863], %swap3A_1866 {strides = array<i32>} : memref<128x27x256xf32, #tpu.memory_space<vmem>>, vector<128x1x128xf32>,
    %jit3A_1867 = arith.constant 0.000000e+00 : f32
    %broadcast_in_dim3A_1868 = vector.shape_cast %gt3A_1743 : vector<128x1xi1> to vector<128x1xi1>
    %broadcast_in_dim3A_1869 = vector.broadcast %broadcast_in_dim3A_1868 : vector<128x1xi1> to vector<128x128xi1>
    %broadcast_in_dim3A_1870 = vector.broadcast %jit3A_1867 : f32 to vector<128x128xf32>
    %select_n3A_1871 = arith.select %broadcast_in_dim3A_1869, %mul3A_1849, %broadcast_in_dim3A_1870 : vector<128x128xi1>, vector<128x128xf32>
    %swap3A_1872 = arith.constant 0 : index
    %swap3A_1873 = arith.constant 20 : index
    %swap3A_1874 = arith.constant 128 : index
    %swap3A_1875 = vector.load %arg19[%swap3A_1872, %swap3A_1873, %swap3A_1874] : memref<128x27x256xf32, #tpu.memory_space<vmem>>, vector<128x1x128xf32>
    %swap3A_1876 = vector.shape_cast %swap3A_1875 : vector<128x1x128xf32> to vector<128x128xf32>
    %swap3A_1877 = vector.shape_cast %select_n3A_1871 : vector<128x128xf32> to vector<128x1x128xf32>
    tpu.vector_store %arg19[%swap3A_1872, %swap3A_1873, %swap3A_1874], %swap3A_1877 {strides = array<i32>} : memref<128x27x256xf32, #tpu.memory_space<vmem>>, vector<128x1x128xf32>,
    %get3A_1878 = arith.constant 34 : index
    %get3A_1879 = arith.constant 0 : index
    %get3A_1880 = arith.constant 0 : index
    %get3A_1881 = vector.load %arg1[%get3A_1878, %get3A_1879, %get3A_1880] : memref<42x128x128xf32, #tpu.memory_space<vmem>>, vector<1x128x128xf32>
    %get3A_1882 = vector.shape_cast %get3A_1881 : vector<1x128x128xf32> to vector<128x128xf32>
    %gt3A_1883 = arith.constant 7 : i32
    %gt3A_1884 = vector.broadcast %gt3A_1883 : i32 to vector<128x1xi32>
    %gt3A_1885 = arith.cmpi sgt, %broadcast_in_dim3A_45, %gt3A_1884 : vector<128x1xi32>
    %dot_general3A_1886 = arith.constant dense<0.000000e+00> : vector<128x512xf32>
    %dot_general3A_1887 = tpu.matmul %get3A_1882, %concatenate3A, %dot_general3A_1886 {dimension_numbers = #tpu.dot_dimension_numbers<[1], [0], [0], [1], [0, 0, 1, 1], [], []>, transpose_lhs_hint = false} : vector<128x128xf32>, vector<128x512xf32>, vector<128x512xf32> -> vector<128x512xf32>
    %dot_general3A_1888 = arith.constant dense<0.000000e+00> : vector<128x512xf32>
    %dot_general3A_1889 = tpu.matmul %select_n3A_1675, %transpose3A_56, %dot_general3A_1888 {dimension_numbers = #tpu.dot_dimension_numbers<[1], [0], [0], [1], [0, 0, 1, 1], [], []>, transpose_lhs_hint = false} : vector<128x128xf32>, vector<128x512xf32>, vector<128x512xf32> -> vector<128x512xf32>
    %add3A_1890 = arith.addf %dot_general3A_1887, %dot_general3A_1889 : vector<128x512xf32>
    %slice3A_1891 = vector.extract_strided_slice %add3A_1890 {offsets = [0, 0], sizes = [128, 128], strides = [1, 1]} : vector<128x512xf32> to vector<128x128xf32>
    %mul3A_1892 = arith.constant 5.000000e-01 : f32
    %mul3A_1893 = vector.broadcast %mul3A_1892 : f32 to vector<128x128xf32>
    %mul3A_1894 = arith.mulf %mul3A_1893, %slice3A_1891 : vector<128x128xf32>
    %tanh3A_1895 = math.tanh %mul3A_1894 : vector<128x128xf32>
    %mul3A_1896 = arith.constant 5.000000e-01 : f32
    %mul3A_1897 = vector.broadcast %mul3A_1896 : f32 to vector<128x128xf32>
    %mul3A_1898 = arith.mulf %mul3A_1897, %tanh3A_1895 : vector<128x128xf32>
    %add3A_1899 = arith.constant 5.000000e-01 : f32
    %add3A_1900 = vector.broadcast %add3A_1899 : f32 to vector<128x128xf32>
    %add3A_1901 = arith.addf %add3A_1900, %mul3A_1898 : vector<128x128xf32>
    %slice3A_1902 = vector.extract_strided_slice %add3A_1890 {offsets = [0, 128], sizes = [128, 128], strides = [1, 1]} : vector<128x512xf32> to vector<128x128xf32>
    %mul3A_1903 = arith.constant 5.000000e-01 : f32
    %mul3A_1904 = vector.broadcast %mul3A_1903 : f32 to vector<128x128xf32>
    %mul3A_1905 = arith.mulf %mul3A_1904, %slice3A_1902 : vector<128x128xf32>
    %tanh3A_1906 = math.tanh %mul3A_1905 : vector<128x128xf32>
    %mul3A_1907 = arith.constant 5.000000e-01 : f32
    %mul3A_1908 = vector.broadcast %mul3A_1907 : f32 to vector<128x128xf32>
    %mul3A_1909 = arith.mulf %mul3A_1908, %tanh3A_1906 : vector<128x128xf32>
    %add3A_1910 = arith.constant 5.000000e-01 : f32
    %add3A_1911 = vector.broadcast %add3A_1910 : f32 to vector<128x128xf32>
    %add3A_1912 = arith.addf %add3A_1911, %mul3A_1909 : vector<128x128xf32>
    %slice3A_1913 = vector.extract_strided_slice %add3A_1890 {offsets = [0, 256], sizes = [128, 128], strides = [1, 1]} : vector<128x512xf32> to vector<128x128xf32>
    %tanh3A_1914 = math.tanh %slice3A_1913 : vector<128x128xf32>
    %slice3A_1915 = vector.extract_strided_slice %add3A_1890 {offsets = [0, 384], sizes = [128, 128], strides = [1, 1]} : vector<128x512xf32> to vector<128x128xf32>
    %mul3A_1916 = arith.constant 5.000000e-01 : f32
    %mul3A_1917 = vector.broadcast %mul3A_1916 : f32 to vector<128x128xf32>
    %mul3A_1918 = arith.mulf %mul3A_1917, %slice3A_1915 : vector<128x128xf32>
    %tanh3A_1919 = math.tanh %mul3A_1918 : vector<128x128xf32>
    %mul3A_1920 = arith.constant 5.000000e-01 : f32
    %mul3A_1921 = vector.broadcast %mul3A_1920 : f32 to vector<128x128xf32>
    %mul3A_1922 = arith.mulf %mul3A_1921, %tanh3A_1919 : vector<128x128xf32>
    %add3A_1923 = arith.constant 5.000000e-01 : f32
    %add3A_1924 = vector.broadcast %add3A_1923 : f32 to vector<128x128xf32>
    %add3A_1925 = arith.addf %add3A_1924, %mul3A_1922 : vector<128x128xf32>
    %mul3A_1926 = arith.mulf %add3A_1912, %select_n3A_1678 : vector<128x128xf32>
    %mul3A_1927 = arith.mulf %add3A_1901, %tanh3A_1914 : vector<128x128xf32>
    %add3A_1928 = arith.addf %mul3A_1926, %mul3A_1927 : vector<128x128xf32>
    %tanh3A_1929 = math.tanh %add3A_1928 : vector<128x128xf32>
    %mul3A_1930 = arith.mulf %add3A_1925, %tanh3A_1929 : vector<128x128xf32>
    %broadcast_in_dim3A_1931 = vector.shape_cast %gt3A_1885 : vector<128x1xi1> to vector<128x1xi1>
    %broadcast_in_dim3A_1932 = vector.broadcast %broadcast_in_dim3A_1931 : vector<128x1xi1> to vector<128x128xi1>
    %select_n3A_1933 = arith.select %broadcast_in_dim3A_1932, %mul3A_1930, %select_n3A_1675 : vector<128x128xi1>, vector<128x128xf32>
    %broadcast_in_dim3A_1934 = vector.shape_cast %gt3A_1885 : vector<128x1xi1> to vector<128x1xi1>
    %broadcast_in_dim3A_1935 = vector.broadcast %broadcast_in_dim3A_1934 : vector<128x1xi1> to vector<128x128xi1>
    %select_n3A_1936 = arith.select %broadcast_in_dim3A_1935, %add3A_1928, %select_n3A_1678 : vector<128x128xi1>, vector<128x128xf32>
    %get3A_1937 = arith.constant 34 : index
    %get3A_1938 = arith.constant 0 : index
    %get3A_1939 = arith.constant 0 : index
    %get3A_1940 = vector.load %arg1[%get3A_1937, %get3A_1938, %get3A_1939] : memref<42x128x128xf32, #tpu.memory_space<vmem>>, vector<1x128x128xf32>
    %get3A_1941 = vector.shape_cast %get3A_1940 : vector<1x128x128xf32> to vector<128x128xf32>
    %gt3A_1942 = arith.constant 7 : i32
    %gt3A_1943 = vector.broadcast %gt3A_1942 : i32 to vector<128x1xi32>
    %gt3A_1944 = arith.cmpi sgt, %broadcast_in_dim3A_45, %gt3A_1943 : vector<128x1xi32>
    %dot_general3A_1945 = arith.constant dense<0.000000e+00> : vector<128x512xf32>
    %dot_general3A_1946 = tpu.matmul %get3A_1941, %concatenate3A_15, %dot_general3A_1945 {dimension_numbers = #tpu.dot_dimension_numbers<[1], [0], [0], [1], [0, 0, 1, 1], [], []>, transpose_lhs_hint = false} : vector<128x128xf32>, vector<128x512xf32>, vector<128x512xf32> -> vector<128x512xf32>
    %dot_general3A_1947 = arith.constant dense<0.000000e+00> : vector<128x512xf32>
    %dot_general3A_1948 = tpu.matmul %select_n3A_1734, %transpose3A_60, %dot_general3A_1947 {dimension_numbers = #tpu.dot_dimension_numbers<[1], [0], [0], [1], [0, 0, 1, 1], [], []>, transpose_lhs_hint = false} : vector<128x128xf32>, vector<128x512xf32>, vector<128x512xf32> -> vector<128x512xf32>
    %add3A_1949 = arith.addf %dot_general3A_1946, %dot_general3A_1948 : vector<128x512xf32>
    %slice3A_1950 = vector.extract_strided_slice %add3A_1949 {offsets = [0, 0], sizes = [128, 128], strides = [1, 1]} : vector<128x512xf32> to vector<128x128xf32>
    %mul3A_1951 = arith.constant 5.000000e-01 : f32
    %mul3A_1952 = vector.broadcast %mul3A_1951 : f32 to vector<128x128xf32>
    %mul3A_1953 = arith.mulf %mul3A_1952, %slice3A_1950 : vector<128x128xf32>
    %tanh3A_1954 = math.tanh %mul3A_1953 : vector<128x128xf32>
    %mul3A_1955 = arith.constant 5.000000e-01 : f32
    %mul3A_1956 = vector.broadcast %mul3A_1955 : f32 to vector<128x128xf32>
    %mul3A_1957 = arith.mulf %mul3A_1956, %tanh3A_1954 : vector<128x128xf32>
    %add3A_1958 = arith.constant 5.000000e-01 : f32
    %add3A_1959 = vector.broadcast %add3A_1958 : f32 to vector<128x128xf32>
    %add3A_1960 = arith.addf %add3A_1959, %mul3A_1957 : vector<128x128xf32>
    %slice3A_1961 = vector.extract_strided_slice %add3A_1949 {offsets = [0, 128], sizes = [128, 128], strides = [1, 1]} : vector<128x512xf32> to vector<128x128xf32>
    %mul3A_1962 = arith.constant 5.000000e-01 : f32
    %mul3A_1963 = vector.broadcast %mul3A_1962 : f32 to vector<128x128xf32>
    %mul3A_1964 = arith.mulf %mul3A_1963, %slice3A_1961 : vector<128x128xf32>
    %tanh3A_1965 = math.tanh %mul3A_1964 : vector<128x128xf32>
    %mul3A_1966 = arith.constant 5.000000e-01 : f32
    %mul3A_1967 = vector.broadcast %mul3A_1966 : f32 to vector<128x128xf32>
    %mul3A_1968 = arith.mulf %mul3A_1967, %tanh3A_1965 : vector<128x128xf32>
    %add3A_1969 = arith.constant 5.000000e-01 : f32
    %add3A_1970 = vector.broadcast %add3A_1969 : f32 to vector<128x128xf32>
    %add3A_1971 = arith.addf %add3A_1970, %mul3A_1968 : vector<128x128xf32>
    %slice3A_1972 = vector.extract_strided_slice %add3A_1949 {offsets = [0, 256], sizes = [128, 128], strides = [1, 1]} : vector<128x512xf32> to vector<128x128xf32>
    %tanh3A_1973 = math.tanh %slice3A_1972 : vector<128x128xf32>
    %slice3A_1974 = vector.extract_strided_slice %add3A_1949 {offsets = [0, 384], sizes = [128, 128], strides = [1, 1]} : vector<128x512xf32> to vector<128x128xf32>
    %mul3A_1975 = arith.constant 5.000000e-01 : f32
    %mul3A_1976 = vector.broadcast %mul3A_1975 : f32 to vector<128x128xf32>
    %mul3A_1977 = arith.mulf %mul3A_1976, %slice3A_1974 : vector<128x128xf32>
    %tanh3A_1978 = math.tanh %mul3A_1977 : vector<128x128xf32>
    %mul3A_1979 = arith.constant 5.000000e-01 : f32
    %mul3A_1980 = vector.broadcast %mul3A_1979 : f32 to vector<128x128xf32>
    %mul3A_1981 = arith.mulf %mul3A_1980, %tanh3A_1978 : vector<128x128xf32>
    %add3A_1982 = arith.constant 5.000000e-01 : f32
    %add3A_1983 = vector.broadcast %add3A_1982 : f32 to vector<128x128xf32>
    %add3A_1984 = arith.addf %add3A_1983, %mul3A_1981 : vector<128x128xf32>
    %mul3A_1985 = arith.mulf %add3A_1971, %select_n3A_1737 : vector<128x128xf32>
    %mul3A_1986 = arith.mulf %add3A_1960, %tanh3A_1973 : vector<128x128xf32>
    %add3A_1987 = arith.addf %mul3A_1985, %mul3A_1986 : vector<128x128xf32>
    %tanh3A_1988 = math.tanh %add3A_1987 : vector<128x128xf32>
    %mul3A_1989 = arith.mulf %add3A_1984, %tanh3A_1988 : vector<128x128xf32>
    %broadcast_in_dim3A_1990 = vector.shape_cast %gt3A_1944 : vector<128x1xi1> to vector<128x1xi1>
    %broadcast_in_dim3A_1991 = vector.broadcast %broadcast_in_dim3A_1990 : vector<128x1xi1> to vector<128x128xi1>
    %select_n3A_1992 = arith.select %broadcast_in_dim3A_1991, %mul3A_1989, %select_n3A_1734 : vector<128x128xi1>, vector<128x128xf32>
    %broadcast_in_dim3A_1993 = vector.shape_cast %gt3A_1944 : vector<128x1xi1> to vector<128x1xi1>
    %broadcast_in_dim3A_1994 = vector.broadcast %broadcast_in_dim3A_1993 : vector<128x1xi1> to vector<128x128xi1>
    %select_n3A_1995 = arith.select %broadcast_in_dim3A_1994, %add3A_1987, %select_n3A_1737 : vector<128x128xi1>, vector<128x128xf32>
    %gt3A_1996 = arith.constant 7 : i32
    %gt3A_1997 = vector.broadcast %gt3A_1996 : i32 to vector<128x1xi32>
    %gt3A_1998 = arith.cmpi sgt, %broadcast_in_dim3A_52, %gt3A_1997 : vector<128x1xi32>
    %gt3A_1999 = arith.constant 19 : i32
    %gt3A_2000 = vector.broadcast %gt3A_1999 : i32 to vector<128x1xi32>
    %gt3A_2001 = arith.cmpi sgt, %broadcast_in_dim3A_52, %gt3A_2000 : vector<128x1xi32>
    %get3A_2002 = arith.constant 7 : index
    %get3A_2003 = arith.constant 0 : index
    %get3A_2004 = arith.constant 0 : index
    %get3A_2005 = vector.load %arg1[%get3A_2002, %get3A_2003, %get3A_2004] : memref<42x128x128xf32, #tpu.memory_space<vmem>>, vector<1x128x128xf32>
    %get3A_2006 = vector.shape_cast %get3A_2005 : vector<1x128x128xf32> to vector<128x128xf32>
    %dot_general3A_2007 = arith.constant dense<0.000000e+00> : vector<128x512xf32>
    %dot_general3A_2008 = tpu.matmul %get3A_2006, %concatenate3A_25, %dot_general3A_2007 {dimension_numbers = #tpu.dot_dimension_numbers<[1], [0], [0], [1], [0, 0, 1, 1], [], []>, transpose_lhs_hint = false} : vector<128x128xf32>, vector<128x512xf32>, vector<128x512xf32> -> vector<128x512xf32>
    %dot_general3A_2009 = arith.constant dense<0.000000e+00> : vector<128x512xf32>
    %dot_general3A_2010 = tpu.matmul %select_n3A_1796, %transpose3A_64, %dot_general3A_2009 {dimension_numbers = #tpu.dot_dimension_numbers<[1], [0], [0], [1], [0, 0, 1, 1], [], []>, transpose_lhs_hint = false} : vector<128x128xf32>, vector<128x512xf32>, vector<128x512xf32> -> vector<128x512xf32>
    %add3A_2011 = arith.addf %dot_general3A_2008, %dot_general3A_2010 : vector<128x512xf32>
    %slice3A_2012 = vector.extract_strided_slice %add3A_2011 {offsets = [0, 0], sizes = [128, 128], strides = [1, 1]} : vector<128x512xf32> to vector<128x128xf32>
    %mul3A_2013 = arith.constant 5.000000e-01 : f32
    %mul3A_2014 = vector.broadcast %mul3A_2013 : f32 to vector<128x128xf32>
    %mul3A_2015 = arith.mulf %mul3A_2014, %slice3A_2012 : vector<128x128xf32>
    %tanh3A_2016 = math.tanh %mul3A_2015 : vector<128x128xf32>
    %mul3A_2017 = arith.constant 5.000000e-01 : f32
    %mul3A_2018 = vector.broadcast %mul3A_2017 : f32 to vector<128x128xf32>
    %mul3A_2019 = arith.mulf %mul3A_2018, %tanh3A_2016 : vector<128x128xf32>
    %add3A_2020 = arith.constant 5.000000e-01 : f32
    %add3A_2021 = vector.broadcast %add3A_2020 : f32 to vector<128x128xf32>
    %add3A_2022 = arith.addf %add3A_2021, %mul3A_2019 : vector<128x128xf32>
    %slice3A_2023 = vector.extract_strided_slice %add3A_2011 {offsets = [0, 128], sizes = [128, 128], strides = [1, 1]} : vector<128x512xf32> to vector<128x128xf32>
    %mul3A_2024 = arith.constant 5.000000e-01 : f32
    %mul3A_2025 = vector.broadcast %mul3A_2024 : f32 to vector<128x128xf32>
    %mul3A_2026 = arith.mulf %mul3A_2025, %slice3A_2023 : vector<128x128xf32>
    %tanh3A_2027 = math.tanh %mul3A_2026 : vector<128x128xf32>
    %mul3A_2028 = arith.constant 5.000000e-01 : f32
    %mul3A_2029 = vector.broadcast %mul3A_2028 : f32 to vector<128x128xf32>
    %mul3A_2030 = arith.mulf %mul3A_2029, %tanh3A_2027 : vector<128x128xf32>
    %add3A_2031 = arith.constant 5.000000e-01 : f32
    %add3A_2032 = vector.broadcast %add3A_2031 : f32 to vector<128x128xf32>
    %add3A_2033 = arith.addf %add3A_2032, %mul3A_2030 : vector<128x128xf32>
    %slice3A_2034 = vector.extract_strided_slice %add3A_2011 {offsets = [0, 256], sizes = [128, 128], strides = [1, 1]} : vector<128x512xf32> to vector<128x128xf32>
    %tanh3A_2035 = math.tanh %slice3A_2034 : vector<128x128xf32>
    %slice3A_2036 = vector.extract_strided_slice %add3A_2011 {offsets = [0, 384], sizes = [128, 128], strides = [1, 1]} : vector<128x512xf32> to vector<128x128xf32>
    %mul3A_2037 = arith.constant 5.000000e-01 : f32
    %mul3A_2038 = vector.broadcast %mul3A_2037 : f32 to vector<128x128xf32>
    %mul3A_2039 = arith.mulf %mul3A_2038, %slice3A_2036 : vector<128x128xf32>
    %tanh3A_2040 = math.tanh %mul3A_2039 : vector<128x128xf32>
    %mul3A_2041 = arith.constant 5.000000e-01 : f32
    %mul3A_2042 = vector.broadcast %mul3A_2041 : f32 to vector<128x128xf32>
    %mul3A_2043 = arith.mulf %mul3A_2042, %tanh3A_2040 : vector<128x128xf32>
    %add3A_2044 = arith.constant 5.000000e-01 : f32
    %add3A_2045 = vector.broadcast %add3A_2044 : f32 to vector<128x128xf32>
    %add3A_2046 = arith.addf %add3A_2045, %mul3A_2043 : vector<128x128xf32>
    %mul3A_2047 = arith.mulf %add3A_2033, %select_n3A_1799 : vector<128x128xf32>
    %mul3A_2048 = arith.mulf %add3A_2022, %tanh3A_2035 : vector<128x128xf32>
    %add3A_2049 = arith.addf %mul3A_2047, %mul3A_2048 : vector<128x128xf32>
    %tanh3A_2050 = math.tanh %add3A_2049 : vector<128x128xf32>
    %mul3A_2051 = arith.mulf %add3A_2046, %tanh3A_2050 : vector<128x128xf32>
    %broadcast_in_dim3A_2052 = vector.shape_cast %gt3A_1998 : vector<128x1xi1> to vector<128x1xi1>
    %broadcast_in_dim3A_2053 = vector.broadcast %broadcast_in_dim3A_2052 : vector<128x1xi1> to vector<128x128xi1>
    %select_n3A_2054 = arith.select %broadcast_in_dim3A_2053, %mul3A_2051, %select_n3A_1796 : vector<128x128xi1>, vector<128x128xf32>
    %broadcast_in_dim3A_2055 = vector.shape_cast %gt3A_1998 : vector<128x1xi1> to vector<128x1xi1>
    %broadcast_in_dim3A_2056 = vector.broadcast %broadcast_in_dim3A_2055 : vector<128x1xi1> to vector<128x128xi1>
    %select_n3A_2057 = arith.select %broadcast_in_dim3A_2056, %add3A_2049, %select_n3A_1799 : vector<128x128xi1>, vector<128x128xf32>
    %get3A_2058 = arith.constant 19 : index
    %get3A_2059 = arith.constant 0 : index
    %get3A_2060 = arith.constant 0 : index
    %get3A_2061 = vector.load %arg1[%get3A_2058, %get3A_2059, %get3A_2060] : memref<42x128x128xf32, #tpu.memory_space<vmem>>, vector<1x128x128xf32>
    %get3A_2062 = vector.shape_cast %get3A_2061 : vector<1x128x128xf32> to vector<128x128xf32>
    %dot_general3A_2063 = arith.constant dense<0.000000e+00> : vector<128x512xf32>
    %dot_general3A_2064 = tpu.matmul %get3A_2062, %concatenate3A_35, %dot_general3A_2063 {dimension_numbers = #tpu.dot_dimension_numbers<[1], [0], [0], [1], [0, 0, 1, 1], [], []>, transpose_lhs_hint = false} : vector<128x128xf32>, vector<128x512xf32>, vector<128x512xf32> -> vector<128x512xf32>
    %dot_general3A_2065 = arith.constant dense<0.000000e+00> : vector<128x512xf32>
    %dot_general3A_2066 = tpu.matmul %select_n3A_1852, %transpose3A_68, %dot_general3A_2065 {dimension_numbers = #tpu.dot_dimension_numbers<[1], [0], [0], [1], [0, 0, 1, 1], [], []>, transpose_lhs_hint = false} : vector<128x128xf32>, vector<128x512xf32>, vector<128x512xf32> -> vector<128x512xf32>
    %add3A_2067 = arith.addf %dot_general3A_2064, %dot_general3A_2066 : vector<128x512xf32>
    %slice3A_2068 = vector.extract_strided_slice %add3A_2067 {offsets = [0, 0], sizes = [128, 128], strides = [1, 1]} : vector<128x512xf32> to vector<128x128xf32>
    %mul3A_2069 = arith.constant 5.000000e-01 : f32
    %mul3A_2070 = vector.broadcast %mul3A_2069 : f32 to vector<128x128xf32>
    %mul3A_2071 = arith.mulf %mul3A_2070, %slice3A_2068 : vector<128x128xf32>
    %tanh3A_2072 = math.tanh %mul3A_2071 : vector<128x128xf32>
    %mul3A_2073 = arith.constant 5.000000e-01 : f32
    %mul3A_2074 = vector.broadcast %mul3A_2073 : f32 to vector<128x128xf32>
    %mul3A_2075 = arith.mulf %mul3A_2074, %tanh3A_2072 : vector<128x128xf32>
    %add3A_2076 = arith.constant 5.000000e-01 : f32
    %add3A_2077 = vector.broadcast %add3A_2076 : f32 to vector<128x128xf32>
    %add3A_2078 = arith.addf %add3A_2077, %mul3A_2075 : vector<128x128xf32>
    %slice3A_2079 = vector.extract_strided_slice %add3A_2067 {offsets = [0, 128], sizes = [128, 128], strides = [1, 1]} : vector<128x512xf32> to vector<128x128xf32>
    %mul3A_2080 = arith.constant 5.000000e-01 : f32
    %mul3A_2081 = vector.broadcast %mul3A_2080 : f32 to vector<128x128xf32>
    %mul3A_2082 = arith.mulf %mul3A_2081, %slice3A_2079 : vector<128x128xf32>
    %tanh3A_2083 = math.tanh %mul3A_2082 : vector<128x128xf32>
    %mul3A_2084 = arith.constant 5.000000e-01 : f32
    %mul3A_2085 = vector.broadcast %mul3A_2084 : f32 to vector<128x128xf32>
    %mul3A_2086 = arith.mulf %mul3A_2085, %tanh3A_2083 : vector<128x128xf32>
    %add3A_2087 = arith.constant 5.000000e-01 : f32
    %add3A_2088 = vector.broadcast %add3A_2087 : f32 to vector<128x128xf32>
    %add3A_2089 = arith.addf %add3A_2088, %mul3A_2086 : vector<128x128xf32>
    %slice3A_2090 = vector.extract_strided_slice %add3A_2067 {offsets = [0, 256], sizes = [128, 128], strides = [1, 1]} : vector<128x512xf32> to vector<128x128xf32>
    %tanh3A_2091 = math.tanh %slice3A_2090 : vector<128x128xf32>
    %slice3A_2092 = vector.extract_strided_slice %add3A_2067 {offsets = [0, 384], sizes = [128, 128], strides = [1, 1]} : vector<128x512xf32> to vector<128x128xf32>
    %mul3A_2093 = arith.constant 5.000000e-01 : f32
    %mul3A_2094 = vector.broadcast %mul3A_2093 : f32 to vector<128x128xf32>
    %mul3A_2095 = arith.mulf %mul3A_2094, %slice3A_2092 : vector<128x128xf32>
    %tanh3A_2096 = math.tanh %mul3A_2095 : vector<128x128xf32>
    %mul3A_2097 = arith.constant 5.000000e-01 : f32
    %mul3A_2098 = vector.broadcast %mul3A_2097 : f32 to vector<128x128xf32>
    %mul3A_2099 = arith.mulf %mul3A_2098, %tanh3A_2096 : vector<128x128xf32>
    %add3A_2100 = arith.constant 5.000000e-01 : f32
    %add3A_2101 = vector.broadcast %add3A_2100 : f32 to vector<128x128xf32>
    %add3A_2102 = arith.addf %add3A_2101, %mul3A_2099 : vector<128x128xf32>
    %mul3A_2103 = arith.mulf %add3A_2089, %select_n3A_1855 : vector<128x128xf32>
    %mul3A_2104 = arith.mulf %add3A_2078, %tanh3A_2091 : vector<128x128xf32>
    %add3A_2105 = arith.addf %mul3A_2103, %mul3A_2104 : vector<128x128xf32>
    %tanh3A_2106 = math.tanh %add3A_2105 : vector<128x128xf32>
    %mul3A_2107 = arith.mulf %add3A_2102, %tanh3A_2106 : vector<128x128xf32>
    %broadcast_in_dim3A_2108 = vector.shape_cast %gt3A_2001 : vector<128x1xi1> to vector<128x1xi1>
    %broadcast_in_dim3A_2109 = vector.broadcast %broadcast_in_dim3A_2108 : vector<128x1xi1> to vector<128x128xi1>
    %select_n3A_2110 = arith.select %broadcast_in_dim3A_2109, %mul3A_2107, %select_n3A_1852 : vector<128x128xi1>, vector<128x128xf32>
    %broadcast_in_dim3A_2111 = vector.shape_cast %gt3A_2001 : vector<128x1xi1> to vector<128x1xi1>
    %broadcast_in_dim3A_2112 = vector.broadcast %broadcast_in_dim3A_2111 : vector<128x1xi1> to vector<128x128xi1>
    %select_n3A_2113 = arith.select %broadcast_in_dim3A_2112, %add3A_2105, %select_n3A_1855 : vector<128x128xi1>, vector<128x128xf32>
    %jit3A_2114 = arith.constant 0.000000e+00 : f32
    %broadcast_in_dim3A_2115 = vector.shape_cast %gt3A_1998 : vector<128x1xi1> to vector<128x1xi1>
    %broadcast_in_dim3A_2116 = vector.broadcast %broadcast_in_dim3A_2115 : vector<128x1xi1> to vector<128x128xi1>
    %broadcast_in_dim3A_2117 = vector.broadcast %jit3A_2114 : f32 to vector<128x128xf32>
    %select_n3A_2118 = arith.select %broadcast_in_dim3A_2116, %mul3A_2051, %broadcast_in_dim3A_2117 : vector<128x128xi1>, vector<128x128xf32>
    %swap3A_2119 = arith.constant 0 : index
    %swap3A_2120 = arith.constant 7 : index
    %swap3A_2121 = arith.constant 0 : index
    %swap3A_2122 = vector.load %arg19[%swap3A_2119, %swap3A_2120, %swap3A_2121] : memref<128x27x256xf32, #tpu.memory_space<vmem>>, vector<128x1x128xf32>
    %swap3A_2123 = vector.shape_cast %swap3A_2122 : vector<128x1x128xf32> to vector<128x128xf32>
    %swap3A_2124 = vector.shape_cast %select_n3A_2118 : vector<128x128xf32> to vector<128x1x128xf32>
    tpu.vector_store %arg19[%swap3A_2119, %swap3A_2120, %swap3A_2121], %swap3A_2124 {strides = array<i32>} : memref<128x27x256xf32, #tpu.memory_space<vmem>>, vector<128x1x128xf32>,
    %jit3A_2125 = arith.constant 0.000000e+00 : f32
    %broadcast_in_dim3A_2126 = vector.shape_cast %gt3A_2001 : vector<128x1xi1> to vector<128x1xi1>
    %broadcast_in_dim3A_2127 = vector.broadcast %broadcast_in_dim3A_2126 : vector<128x1xi1> to vector<128x128xi1>
    %broadcast_in_dim3A_2128 = vector.broadcast %jit3A_2125 : f32 to vector<128x128xf32>
    %select_n3A_2129 = arith.select %broadcast_in_dim3A_2127, %mul3A_2107, %broadcast_in_dim3A_2128 : vector<128x128xi1>, vector<128x128xf32>
    %swap3A_2130 = arith.constant 0 : index
    %swap3A_2131 = arith.constant 19 : index
    %swap3A_2132 = arith.constant 128 : index
    %swap3A_2133 = vector.load %arg19[%swap3A_2130, %swap3A_2131, %swap3A_2132] : memref<128x27x256xf32, #tpu.memory_space<vmem>>, vector<128x1x128xf32>
    %swap3A_2134 = vector.shape_cast %swap3A_2133 : vector<128x1x128xf32> to vector<128x128xf32>
    %swap3A_2135 = vector.shape_cast %select_n3A_2129 : vector<128x128xf32> to vector<128x1x128xf32>
    tpu.vector_store %arg19[%swap3A_2130, %swap3A_2131, %swap3A_2132], %swap3A_2135 {strides = array<i32>} : memref<128x27x256xf32, #tpu.memory_space<vmem>>, vector<128x1x128xf32>,
    %get3A_2136 = arith.constant 35 : index
    %get3A_2137 = arith.constant 0 : index
    %get3A_2138 = arith.constant 0 : index
    %get3A_2139 = vector.load %arg1[%get3A_2136, %get3A_2137, %get3A_2138] : memref<42x128x128xf32, #tpu.memory_space<vmem>>, vector<1x128x128xf32>
    %get3A_2140 = vector.shape_cast %get3A_2139 : vector<1x128x128xf32> to vector<128x128xf32>
    %gt3A_2141 = arith.constant 8 : i32
    %gt3A_2142 = vector.broadcast %gt3A_2141 : i32 to vector<128x1xi32>
    %gt3A_2143 = arith.cmpi sgt, %broadcast_in_dim3A_45, %gt3A_2142 : vector<128x1xi32>
    %dot_general3A_2144 = arith.constant dense<0.000000e+00> : vector<128x512xf32>
    %dot_general3A_2145 = tpu.matmul %get3A_2140, %concatenate3A, %dot_general3A_2144 {dimension_numbers = #tpu.dot_dimension_numbers<[1], [0], [0], [1], [0, 0, 1, 1], [], []>, transpose_lhs_hint = false} : vector<128x128xf32>, vector<128x512xf32>, vector<128x512xf32> -> vector<128x512xf32>
    %dot_general3A_2146 = arith.constant dense<0.000000e+00> : vector<128x512xf32>
    %dot_general3A_2147 = tpu.matmul %select_n3A_1933, %transpose3A_56, %dot_general3A_2146 {dimension_numbers = #tpu.dot_dimension_numbers<[1], [0], [0], [1], [0, 0, 1, 1], [], []>, transpose_lhs_hint = false} : vector<128x128xf32>, vector<128x512xf32>, vector<128x512xf32> -> vector<128x512xf32>
    %add3A_2148 = arith.addf %dot_general3A_2145, %dot_general3A_2147 : vector<128x512xf32>
    %slice3A_2149 = vector.extract_strided_slice %add3A_2148 {offsets = [0, 0], sizes = [128, 128], strides = [1, 1]} : vector<128x512xf32> to vector<128x128xf32>
    %mul3A_2150 = arith.constant 5.000000e-01 : f32
    %mul3A_2151 = vector.broadcast %mul3A_2150 : f32 to vector<128x128xf32>
    %mul3A_2152 = arith.mulf %mul3A_2151, %slice3A_2149 : vector<128x128xf32>
    %tanh3A_2153 = math.tanh %mul3A_2152 : vector<128x128xf32>
    %mul3A_2154 = arith.constant 5.000000e-01 : f32
    %mul3A_2155 = vector.broadcast %mul3A_2154 : f32 to vector<128x128xf32>
    %mul3A_2156 = arith.mulf %mul3A_2155, %tanh3A_2153 : vector<128x128xf32>
    %add3A_2157 = arith.constant 5.000000e-01 : f32
    %add3A_2158 = vector.broadcast %add3A_2157 : f32 to vector<128x128xf32>
    %add3A_2159 = arith.addf %add3A_2158, %mul3A_2156 : vector<128x128xf32>
    %slice3A_2160 = vector.extract_strided_slice %add3A_2148 {offsets = [0, 128], sizes = [128, 128], strides = [1, 1]} : vector<128x512xf32> to vector<128x128xf32>
    %mul3A_2161 = arith.constant 5.000000e-01 : f32
    %mul3A_2162 = vector.broadcast %mul3A_2161 : f32 to vector<128x128xf32>
    %mul3A_2163 = arith.mulf %mul3A_2162, %slice3A_2160 : vector<128x128xf32>
    %tanh3A_2164 = math.tanh %mul3A_2163 : vector<128x128xf32>
    %mul3A_2165 = arith.constant 5.000000e-01 : f32
    %mul3A_2166 = vector.broadcast %mul3A_2165 : f32 to vector<128x128xf32>
    %mul3A_2167 = arith.mulf %mul3A_2166, %tanh3A_2164 : vector<128x128xf32>
    %add3A_2168 = arith.constant 5.000000e-01 : f32
    %add3A_2169 = vector.broadcast %add3A_2168 : f32 to vector<128x128xf32>
    %add3A_2170 = arith.addf %add3A_2169, %mul3A_2167 : vector<128x128xf32>
    %slice3A_2171 = vector.extract_strided_slice %add3A_2148 {offsets = [0, 256], sizes = [128, 128], strides = [1, 1]} : vector<128x512xf32> to vector<128x128xf32>
    %tanh3A_2172 = math.tanh %slice3A_2171 : vector<128x128xf32>
    %slice3A_2173 = vector.extract_strided_slice %add3A_2148 {offsets = [0, 384], sizes = [128, 128], strides = [1, 1]} : vector<128x512xf32> to vector<128x128xf32>
    %mul3A_2174 = arith.constant 5.000000e-01 : f32
    %mul3A_2175 = vector.broadcast %mul3A_2174 : f32 to vector<128x128xf32>
    %mul3A_2176 = arith.mulf %mul3A_2175, %slice3A_2173 : vector<128x128xf32>
    %tanh3A_2177 = math.tanh %mul3A_2176 : vector<128x128xf32>
    %mul3A_2178 = arith.constant 5.000000e-01 : f32
    %mul3A_2179 = vector.broadcast %mul3A_2178 : f32 to vector<128x128xf32>
    %mul3A_2180 = arith.mulf %mul3A_2179, %tanh3A_2177 : vector<128x128xf32>
    %add3A_2181 = arith.constant 5.000000e-01 : f32
    %add3A_2182 = vector.broadcast %add3A_2181 : f32 to vector<128x128xf32>
    %add3A_2183 = arith.addf %add3A_2182, %mul3A_2180 : vector<128x128xf32>
    %mul3A_2184 = arith.mulf %add3A_2170, %select_n3A_1936 : vector<128x128xf32>
    %mul3A_2185 = arith.mulf %add3A_2159, %tanh3A_2172 : vector<128x128xf32>
    %add3A_2186 = arith.addf %mul3A_2184, %mul3A_2185 : vector<128x128xf32>
    %tanh3A_2187 = math.tanh %add3A_2186 : vector<128x128xf32>
    %mul3A_2188 = arith.mulf %add3A_2183, %tanh3A_2187 : vector<128x128xf32>
    %broadcast_in_dim3A_2189 = vector.shape_cast %gt3A_2143 : vector<128x1xi1> to vector<128x1xi1>
    %broadcast_in_dim3A_2190 = vector.broadcast %broadcast_in_dim3A_2189 : vector<128x1xi1> to vector<128x128xi1>
    %select_n3A_2191 = arith.select %broadcast_in_dim3A_2190, %mul3A_2188, %select_n3A_1933 : vector<128x128xi1>, vector<128x128xf32>
    %broadcast_in_dim3A_2192 = vector.shape_cast %gt3A_2143 : vector<128x1xi1> to vector<128x1xi1>
    %broadcast_in_dim3A_2193 = vector.broadcast %broadcast_in_dim3A_2192 : vector<128x1xi1> to vector<128x128xi1>
    %select_n3A_2194 = arith.select %broadcast_in_dim3A_2193, %add3A_2186, %select_n3A_1936 : vector<128x128xi1>, vector<128x128xf32>
    %get3A_2195 = arith.constant 33 : index
    %get3A_2196 = arith.constant 0 : index
    %get3A_2197 = arith.constant 0 : index
    %get3A_2198 = vector.load %arg1[%get3A_2195, %get3A_2196, %get3A_2197] : memref<42x128x128xf32, #tpu.memory_space<vmem>>, vector<1x128x128xf32>
    %get3A_2199 = vector.shape_cast %get3A_2198 : vector<1x128x128xf32> to vector<128x128xf32>
    %gt3A_2200 = arith.constant 6 : i32
    %gt3A_2201 = vector.broadcast %gt3A_2200 : i32 to vector<128x1xi32>
    %gt3A_2202 = arith.cmpi sgt, %broadcast_in_dim3A_45, %gt3A_2201 : vector<128x1xi32>
    %dot_general3A_2203 = arith.constant dense<0.000000e+00> : vector<128x512xf32>
    %dot_general3A_2204 = tpu.matmul %get3A_2199, %concatenate3A_15, %dot_general3A_2203 {dimension_numbers = #tpu.dot_dimension_numbers<[1], [0], [0], [1], [0, 0, 1, 1], [], []>, transpose_lhs_hint = false} : vector<128x128xf32>, vector<128x512xf32>, vector<128x512xf32> -> vector<128x512xf32>
    %dot_general3A_2205 = arith.constant dense<0.000000e+00> : vector<128x512xf32>
    %dot_general3A_2206 = tpu.matmul %select_n3A_1992, %transpose3A_60, %dot_general3A_2205 {dimension_numbers = #tpu.dot_dimension_numbers<[1], [0], [0], [1], [0, 0, 1, 1], [], []>, transpose_lhs_hint = false} : vector<128x128xf32>, vector<128x512xf32>, vector<128x512xf32> -> vector<128x512xf32>
    %add3A_2207 = arith.addf %dot_general3A_2204, %dot_general3A_2206 : vector<128x512xf32>
    %slice3A_2208 = vector.extract_strided_slice %add3A_2207 {offsets = [0, 0], sizes = [128, 128], strides = [1, 1]} : vector<128x512xf32> to vector<128x128xf32>
    %mul3A_2209 = arith.constant 5.000000e-01 : f32
    %mul3A_2210 = vector.broadcast %mul3A_2209 : f32 to vector<128x128xf32>
    %mul3A_2211 = arith.mulf %mul3A_2210, %slice3A_2208 : vector<128x128xf32>
    %tanh3A_2212 = math.tanh %mul3A_2211 : vector<128x128xf32>
    %mul3A_2213 = arith.constant 5.000000e-01 : f32
    %mul3A_2214 = vector.broadcast %mul3A_2213 : f32 to vector<128x128xf32>
    %mul3A_2215 = arith.mulf %mul3A_2214, %tanh3A_2212 : vector<128x128xf32>
    %add3A_2216 = arith.constant 5.000000e-01 : f32
    %add3A_2217 = vector.broadcast %add3A_2216 : f32 to vector<128x128xf32>
    %add3A_2218 = arith.addf %add3A_2217, %mul3A_2215 : vector<128x128xf32>
    %slice3A_2219 = vector.extract_strided_slice %add3A_2207 {offsets = [0, 128], sizes = [128, 128], strides = [1, 1]} : vector<128x512xf32> to vector<128x128xf32>
    %mul3A_2220 = arith.constant 5.000000e-01 : f32
    %mul3A_2221 = vector.broadcast %mul3A_2220 : f32 to vector<128x128xf32>
    %mul3A_2222 = arith.mulf %mul3A_2221, %slice3A_2219 : vector<128x128xf32>
    %tanh3A_2223 = math.tanh %mul3A_2222 : vector<128x128xf32>
    %mul3A_2224 = arith.constant 5.000000e-01 : f32
    %mul3A_2225 = vector.broadcast %mul3A_2224 : f32 to vector<128x128xf32>
    %mul3A_2226 = arith.mulf %mul3A_2225, %tanh3A_2223 : vector<128x128xf32>
    %add3A_2227 = arith.constant 5.000000e-01 : f32
    %add3A_2228 = vector.broadcast %add3A_2227 : f32 to vector<128x128xf32>
    %add3A_2229 = arith.addf %add3A_2228, %mul3A_2226 : vector<128x128xf32>
    %slice3A_2230 = vector.extract_strided_slice %add3A_2207 {offsets = [0, 256], sizes = [128, 128], strides = [1, 1]} : vector<128x512xf32> to vector<128x128xf32>
    %tanh3A_2231 = math.tanh %slice3A_2230 : vector<128x128xf32>
    %slice3A_2232 = vector.extract_strided_slice %add3A_2207 {offsets = [0, 384], sizes = [128, 128], strides = [1, 1]} : vector<128x512xf32> to vector<128x128xf32>
    %mul3A_2233 = arith.constant 5.000000e-01 : f32
    %mul3A_2234 = vector.broadcast %mul3A_2233 : f32 to vector<128x128xf32>
    %mul3A_2235 = arith.mulf %mul3A_2234, %slice3A_2232 : vector<128x128xf32>
    %tanh3A_2236 = math.tanh %mul3A_2235 : vector<128x128xf32>
    %mul3A_2237 = arith.constant 5.000000e-01 : f32
    %mul3A_2238 = vector.broadcast %mul3A_2237 : f32 to vector<128x128xf32>
    %mul3A_2239 = arith.mulf %mul3A_2238, %tanh3A_2236 : vector<128x128xf32>
    %add3A_2240 = arith.constant 5.000000e-01 : f32
    %add3A_2241 = vector.broadcast %add3A_2240 : f32 to vector<128x128xf32>
    %add3A_2242 = arith.addf %add3A_2241, %mul3A_2239 : vector<128x128xf32>
    %mul3A_2243 = arith.mulf %add3A_2229, %select_n3A_1995 : vector<128x128xf32>
    %mul3A_2244 = arith.mulf %add3A_2218, %tanh3A_2231 : vector<128x128xf32>
    %add3A_2245 = arith.addf %mul3A_2243, %mul3A_2244 : vector<128x128xf32>
    %tanh3A_2246 = math.tanh %add3A_2245 : vector<128x128xf32>
    %mul3A_2247 = arith.mulf %add3A_2242, %tanh3A_2246 : vector<128x128xf32>
    %broadcast_in_dim3A_2248 = vector.shape_cast %gt3A_2202 : vector<128x1xi1> to vector<128x1xi1>
    %broadcast_in_dim3A_2249 = vector.broadcast %broadcast_in_dim3A_2248 : vector<128x1xi1> to vector<128x128xi1>
    %select_n3A_2250 = arith.select %broadcast_in_dim3A_2249, %mul3A_2247, %select_n3A_1992 : vector<128x128xi1>, vector<128x128xf32>
    %broadcast_in_dim3A_2251 = vector.shape_cast %gt3A_2202 : vector<128x1xi1> to vector<128x1xi1>
    %broadcast_in_dim3A_2252 = vector.broadcast %broadcast_in_dim3A_2251 : vector<128x1xi1> to vector<128x128xi1>
    %select_n3A_2253 = arith.select %broadcast_in_dim3A_2252, %add3A_2245, %select_n3A_1995 : vector<128x128xi1>, vector<128x128xf32>
    %gt3A_2254 = arith.constant 8 : i32
    %gt3A_2255 = vector.broadcast %gt3A_2254 : i32 to vector<128x1xi32>
    %gt3A_2256 = arith.cmpi sgt, %broadcast_in_dim3A_52, %gt3A_2255 : vector<128x1xi32>
    %gt3A_2257 = arith.constant 18 : i32
    %gt3A_2258 = vector.broadcast %gt3A_2257 : i32 to vector<128x1xi32>
    %gt3A_2259 = arith.cmpi sgt, %broadcast_in_dim3A_52, %gt3A_2258 : vector<128x1xi32>
    %get3A_2260 = arith.constant 8 : index
    %get3A_2261 = arith.constant 0 : index
    %get3A_2262 = arith.constant 0 : index
    %get3A_2263 = vector.load %arg1[%get3A_2260, %get3A_2261, %get3A_2262] : memref<42x128x128xf32, #tpu.memory_space<vmem>>, vector<1x128x128xf32>
    %get3A_2264 = vector.shape_cast %get3A_2263 : vector<1x128x128xf32> to vector<128x128xf32>
    %dot_general3A_2265 = arith.constant dense<0.000000e+00> : vector<128x512xf32>
    %dot_general3A_2266 = tpu.matmul %get3A_2264, %concatenate3A_25, %dot_general3A_2265 {dimension_numbers = #tpu.dot_dimension_numbers<[1], [0], [0], [1], [0, 0, 1, 1], [], []>, transpose_lhs_hint = false} : vector<128x128xf32>, vector<128x512xf32>, vector<128x512xf32> -> vector<128x512xf32>
    %dot_general3A_2267 = arith.constant dense<0.000000e+00> : vector<128x512xf32>
    %dot_general3A_2268 = tpu.matmul %select_n3A_2054, %transpose3A_64, %dot_general3A_2267 {dimension_numbers = #tpu.dot_dimension_numbers<[1], [0], [0], [1], [0, 0, 1, 1], [], []>, transpose_lhs_hint = false} : vector<128x128xf32>, vector<128x512xf32>, vector<128x512xf32> -> vector<128x512xf32>
    %add3A_2269 = arith.addf %dot_general3A_2266, %dot_general3A_2268 : vector<128x512xf32>
    %slice3A_2270 = vector.extract_strided_slice %add3A_2269 {offsets = [0, 0], sizes = [128, 128], strides = [1, 1]} : vector<128x512xf32> to vector<128x128xf32>
    %mul3A_2271 = arith.constant 5.000000e-01 : f32
    %mul3A_2272 = vector.broadcast %mul3A_2271 : f32 to vector<128x128xf32>
    %mul3A_2273 = arith.mulf %mul3A_2272, %slice3A_2270 : vector<128x128xf32>
    %tanh3A_2274 = math.tanh %mul3A_2273 : vector<128x128xf32>
    %mul3A_2275 = arith.constant 5.000000e-01 : f32
    %mul3A_2276 = vector.broadcast %mul3A_2275 : f32 to vector<128x128xf32>
    %mul3A_2277 = arith.mulf %mul3A_2276, %tanh3A_2274 : vector<128x128xf32>
    %add3A_2278 = arith.constant 5.000000e-01 : f32
    %add3A_2279 = vector.broadcast %add3A_2278 : f32 to vector<128x128xf32>
    %add3A_2280 = arith.addf %add3A_2279, %mul3A_2277 : vector<128x128xf32>
    %slice3A_2281 = vector.extract_strided_slice %add3A_2269 {offsets = [0, 128], sizes = [128, 128], strides = [1, 1]} : vector<128x512xf32> to vector<128x128xf32>
    %mul3A_2282 = arith.constant 5.000000e-01 : f32
    %mul3A_2283 = vector.broadcast %mul3A_2282 : f32 to vector<128x128xf32>
    %mul3A_2284 = arith.mulf %mul3A_2283, %slice3A_2281 : vector<128x128xf32>
    %tanh3A_2285 = math.tanh %mul3A_2284 : vector<128x128xf32>
    %mul3A_2286 = arith.constant 5.000000e-01 : f32
    %mul3A_2287 = vector.broadcast %mul3A_2286 : f32 to vector<128x128xf32>
    %mul3A_2288 = arith.mulf %mul3A_2287, %tanh3A_2285 : vector<128x128xf32>
    %add3A_2289 = arith.constant 5.000000e-01 : f32
    %add3A_2290 = vector.broadcast %add3A_2289 : f32 to vector<128x128xf32>
    %add3A_2291 = arith.addf %add3A_2290, %mul3A_2288 : vector<128x128xf32>
    %slice3A_2292 = vector.extract_strided_slice %add3A_2269 {offsets = [0, 256], sizes = [128, 128], strides = [1, 1]} : vector<128x512xf32> to vector<128x128xf32>
    %tanh3A_2293 = math.tanh %slice3A_2292 : vector<128x128xf32>
    %slice3A_2294 = vector.extract_strided_slice %add3A_2269 {offsets = [0, 384], sizes = [128, 128], strides = [1, 1]} : vector<128x512xf32> to vector<128x128xf32>
    %mul3A_2295 = arith.constant 5.000000e-01 : f32
    %mul3A_2296 = vector.broadcast %mul3A_2295 : f32 to vector<128x128xf32>
    %mul3A_2297 = arith.mulf %mul3A_2296, %slice3A_2294 : vector<128x128xf32>
    %tanh3A_2298 = math.tanh %mul3A_2297 : vector<128x128xf32>
    %mul3A_2299 = arith.constant 5.000000e-01 : f32
    %mul3A_2300 = vector.broadcast %mul3A_2299 : f32 to vector<128x128xf32>
    %mul3A_2301 = arith.mulf %mul3A_2300, %tanh3A_2298 : vector<128x128xf32>
    %add3A_2302 = arith.constant 5.000000e-01 : f32
    %add3A_2303 = vector.broadcast %add3A_2302 : f32 to vector<128x128xf32>
    %add3A_2304 = arith.addf %add3A_2303, %mul3A_2301 : vector<128x128xf32>
    %mul3A_2305 = arith.mulf %add3A_2291, %select_n3A_2057 : vector<128x128xf32>
    %mul3A_2306 = arith.mulf %add3A_2280, %tanh3A_2293 : vector<128x128xf32>
    %add3A_2307 = arith.addf %mul3A_2305, %mul3A_2306 : vector<128x128xf32>
    %tanh3A_2308 = math.tanh %add3A_2307 : vector<128x128xf32>
    %mul3A_2309 = arith.mulf %add3A_2304, %tanh3A_2308 : vector<128x128xf32>
    %broadcast_in_dim3A_2310 = vector.shape_cast %gt3A_2256 : vector<128x1xi1> to vector<128x1xi1>
    %broadcast_in_dim3A_2311 = vector.broadcast %broadcast_in_dim3A_2310 : vector<128x1xi1> to vector<128x128xi1>
    %select_n3A_2312 = arith.select %broadcast_in_dim3A_2311, %mul3A_2309, %select_n3A_2054 : vector<128x128xi1>, vector<128x128xf32>
    %broadcast_in_dim3A_2313 = vector.shape_cast %gt3A_2256 : vector<128x1xi1> to vector<128x1xi1>
    %broadcast_in_dim3A_2314 = vector.broadcast %broadcast_in_dim3A_2313 : vector<128x1xi1> to vector<128x128xi1>
    %select_n3A_2315 = arith.select %broadcast_in_dim3A_2314, %add3A_2307, %select_n3A_2057 : vector<128x128xi1>, vector<128x128xf32>
    %get3A_2316 = arith.constant 18 : index
    %get3A_2317 = arith.constant 0 : index
    %get3A_2318 = arith.constant 0 : index
    %get3A_2319 = vector.load %arg1[%get3A_2316, %get3A_2317, %get3A_2318] : memref<42x128x128xf32, #tpu.memory_space<vmem>>, vector<1x128x128xf32>
    %get3A_2320 = vector.shape_cast %get3A_2319 : vector<1x128x128xf32> to vector<128x128xf32>
    %dot_general3A_2321 = arith.constant dense<0.000000e+00> : vector<128x512xf32>
    %dot_general3A_2322 = tpu.matmul %get3A_2320, %concatenate3A_35, %dot_general3A_2321 {dimension_numbers = #tpu.dot_dimension_numbers<[1], [0], [0], [1], [0, 0, 1, 1], [], []>, transpose_lhs_hint = false} : vector<128x128xf32>, vector<128x512xf32>, vector<128x512xf32> -> vector<128x512xf32>
    %dot_general3A_2323 = arith.constant dense<0.000000e+00> : vector<128x512xf32>
    %dot_general3A_2324 = tpu.matmul %select_n3A_2110, %transpose3A_68, %dot_general3A_2323 {dimension_numbers = #tpu.dot_dimension_numbers<[1], [0], [0], [1], [0, 0, 1, 1], [], []>, transpose_lhs_hint = false} : vector<128x128xf32>, vector<128x512xf32>, vector<128x512xf32> -> vector<128x512xf32>
    %add3A_2325 = arith.addf %dot_general3A_2322, %dot_general3A_2324 : vector<128x512xf32>
    %slice3A_2326 = vector.extract_strided_slice %add3A_2325 {offsets = [0, 0], sizes = [128, 128], strides = [1, 1]} : vector<128x512xf32> to vector<128x128xf32>
    %mul3A_2327 = arith.constant 5.000000e-01 : f32
    %mul3A_2328 = vector.broadcast %mul3A_2327 : f32 to vector<128x128xf32>
    %mul3A_2329 = arith.mulf %mul3A_2328, %slice3A_2326 : vector<128x128xf32>
    %tanh3A_2330 = math.tanh %mul3A_2329 : vector<128x128xf32>
    %mul3A_2331 = arith.constant 5.000000e-01 : f32
    %mul3A_2332 = vector.broadcast %mul3A_2331 : f32 to vector<128x128xf32>
    %mul3A_2333 = arith.mulf %mul3A_2332, %tanh3A_2330 : vector<128x128xf32>
    %add3A_2334 = arith.constant 5.000000e-01 : f32
    %add3A_2335 = vector.broadcast %add3A_2334 : f32 to vector<128x128xf32>
    %add3A_2336 = arith.addf %add3A_2335, %mul3A_2333 : vector<128x128xf32>
    %slice3A_2337 = vector.extract_strided_slice %add3A_2325 {offsets = [0, 128], sizes = [128, 128], strides = [1, 1]} : vector<128x512xf32> to vector<128x128xf32>
    %mul3A_2338 = arith.constant 5.000000e-01 : f32
    %mul3A_2339 = vector.broadcast %mul3A_2338 : f32 to vector<128x128xf32>
    %mul3A_2340 = arith.mulf %mul3A_2339, %slice3A_2337 : vector<128x128xf32>
    %tanh3A_2341 = math.tanh %mul3A_2340 : vector<128x128xf32>
    %mul3A_2342 = arith.constant 5.000000e-01 : f32
    %mul3A_2343 = vector.broadcast %mul3A_2342 : f32 to vector<128x128xf32>
    %mul3A_2344 = arith.mulf %mul3A_2343, %tanh3A_2341 : vector<128x128xf32>
    %add3A_2345 = arith.constant 5.000000e-01 : f32
    %add3A_2346 = vector.broadcast %add3A_2345 : f32 to vector<128x128xf32>
    %add3A_2347 = arith.addf %add3A_2346, %mul3A_2344 : vector<128x128xf32>
    %slice3A_2348 = vector.extract_strided_slice %add3A_2325 {offsets = [0, 256], sizes = [128, 128], strides = [1, 1]} : vector<128x512xf32> to vector<128x128xf32>
    %tanh3A_2349 = math.tanh %slice3A_2348 : vector<128x128xf32>
    %slice3A_2350 = vector.extract_strided_slice %add3A_2325 {offsets = [0, 384], sizes = [128, 128], strides = [1, 1]} : vector<128x512xf32> to vector<128x128xf32>
    %mul3A_2351 = arith.constant 5.000000e-01 : f32
    %mul3A_2352 = vector.broadcast %mul3A_2351 : f32 to vector<128x128xf32>
    %mul3A_2353 = arith.mulf %mul3A_2352, %slice3A_2350 : vector<128x128xf32>
    %tanh3A_2354 = math.tanh %mul3A_2353 : vector<128x128xf32>
    %mul3A_2355 = arith.constant 5.000000e-01 : f32
    %mul3A_2356 = vector.broadcast %mul3A_2355 : f32 to vector<128x128xf32>
    %mul3A_2357 = arith.mulf %mul3A_2356, %tanh3A_2354 : vector<128x128xf32>
    %add3A_2358 = arith.constant 5.000000e-01 : f32
    %add3A_2359 = vector.broadcast %add3A_2358 : f32 to vector<128x128xf32>
    %add3A_2360 = arith.addf %add3A_2359, %mul3A_2357 : vector<128x128xf32>
    %mul3A_2361 = arith.mulf %add3A_2347, %select_n3A_2113 : vector<128x128xf32>
    %mul3A_2362 = arith.mulf %add3A_2336, %tanh3A_2349 : vector<128x128xf32>
    %add3A_2363 = arith.addf %mul3A_2361, %mul3A_2362 : vector<128x128xf32>
    %tanh3A_2364 = math.tanh %add3A_2363 : vector<128x128xf32>
    %mul3A_2365 = arith.mulf %add3A_2360, %tanh3A_2364 : vector<128x128xf32>
    %broadcast_in_dim3A_2366 = vector.shape_cast %gt3A_2259 : vector<128x1xi1> to vector<128x1xi1>
    %broadcast_in_dim3A_2367 = vector.broadcast %broadcast_in_dim3A_2366 : vector<128x1xi1> to vector<128x128xi1>
    %select_n3A_2368 = arith.select %broadcast_in_dim3A_2367, %mul3A_2365, %select_n3A_2110 : vector<128x128xi1>, vector<128x128xf32>
    %broadcast_in_dim3A_2369 = vector.shape_cast %gt3A_2259 : vector<128x1xi1> to vector<128x1xi1>
    %broadcast_in_dim3A_2370 = vector.broadcast %broadcast_in_dim3A_2369 : vector<128x1xi1> to vector<128x128xi1>
    %select_n3A_2371 = arith.select %broadcast_in_dim3A_2370, %add3A_2363, %select_n3A_2113 : vector<128x128xi1>, vector<128x128xf32>
    %jit3A_2372 = arith.constant 0.000000e+00 : f32
    %broadcast_in_dim3A_2373 = vector.shape_cast %gt3A_2256 : vector<128x1xi1> to vector<128x1xi1>
    %broadcast_in_dim3A_2374 = vector.broadcast %broadcast_in_dim3A_2373 : vector<128x1xi1> to vector<128x128xi1>
    %broadcast_in_dim3A_2375 = vector.broadcast %jit3A_2372 : f32 to vector<128x128xf32>
    %select_n3A_2376 = arith.select %broadcast_in_dim3A_2374, %mul3A_2309, %broadcast_in_dim3A_2375 : vector<128x128xi1>, vector<128x128xf32>
    %swap3A_2377 = arith.constant 0 : index
    %swap3A_2378 = arith.constant 8 : index
    %swap3A_2379 = arith.constant 0 : index
    %swap3A_2380 = vector.load %arg19[%swap3A_2377, %swap3A_2378, %swap3A_2379] : memref<128x27x256xf32, #tpu.memory_space<vmem>>, vector<128x1x128xf32>
    %swap3A_2381 = vector.shape_cast %swap3A_2380 : vector<128x1x128xf32> to vector<128x128xf32>
    %swap3A_2382 = vector.shape_cast %select_n3A_2376 : vector<128x128xf32> to vector<128x1x128xf32>
    tpu.vector_store %arg19[%swap3A_2377, %swap3A_2378, %swap3A_2379], %swap3A_2382 {strides = array<i32>} : memref<128x27x256xf32, #tpu.memory_space<vmem>>, vector<128x1x128xf32>,
    %jit3A_2383 = arith.constant 0.000000e+00 : f32
    %broadcast_in_dim3A_2384 = vector.shape_cast %gt3A_2259 : vector<128x1xi1> to vector<128x1xi1>
    %broadcast_in_dim3A_2385 = vector.broadcast %broadcast_in_dim3A_2384 : vector<128x1xi1> to vector<128x128xi1>
    %broadcast_in_dim3A_2386 = vector.broadcast %jit3A_2383 : f32 to vector<128x128xf32>
    %select_n3A_2387 = arith.select %broadcast_in_dim3A_2385, %mul3A_2365, %broadcast_in_dim3A_2386 : vector<128x128xi1>, vector<128x128xf32>
    %swap3A_2388 = arith.constant 0 : index
    %swap3A_2389 = arith.constant 18 : index
    %swap3A_2390 = arith.constant 128 : index
    %swap3A_2391 = vector.load %arg19[%swap3A_2388, %swap3A_2389, %swap3A_2390] : memref<128x27x256xf32, #tpu.memory_space<vmem>>, vector<128x1x128xf32>
    %swap3A_2392 = vector.shape_cast %swap3A_2391 : vector<128x1x128xf32> to vector<128x128xf32>
    %swap3A_2393 = vector.shape_cast %select_n3A_2387 : vector<128x128xf32> to vector<128x1x128xf32>
    tpu.vector_store %arg19[%swap3A_2388, %swap3A_2389, %swap3A_2390], %swap3A_2393 {strides = array<i32>} : memref<128x27x256xf32, #tpu.memory_space<vmem>>, vector<128x1x128xf32>,
    %get3A_2394 = arith.constant 36 : index
    %get3A_2395 = arith.constant 0 : index
    %get3A_2396 = arith.constant 0 : index
    %get3A_2397 = vector.load %arg1[%get3A_2394, %get3A_2395, %get3A_2396] : memref<42x128x128xf32, #tpu.memory_space<vmem>>, vector<1x128x128xf32>
    %get3A_2398 = vector.shape_cast %get3A_2397 : vector<1x128x128xf32> to vector<128x128xf32>
    %gt3A_2399 = arith.constant 9 : i32
    %gt3A_2400 = vector.broadcast %gt3A_2399 : i32 to vector<128x1xi32>
    %gt3A_2401 = arith.cmpi sgt, %broadcast_in_dim3A_45, %gt3A_2400 : vector<128x1xi32>
    %dot_general3A_2402 = arith.constant dense<0.000000e+00> : vector<128x512xf32>
    %dot_general3A_2403 = tpu.matmul %get3A_2398, %concatenate3A, %dot_general3A_2402 {dimension_numbers = #tpu.dot_dimension_numbers<[1], [0], [0], [1], [0, 0, 1, 1], [], []>, transpose_lhs_hint = false} : vector<128x128xf32>, vector<128x512xf32>, vector<128x512xf32> -> vector<128x512xf32>
    %dot_general3A_2404 = arith.constant dense<0.000000e+00> : vector<128x512xf32>
    %dot_general3A_2405 = tpu.matmul %select_n3A_2191, %transpose3A_56, %dot_general3A_2404 {dimension_numbers = #tpu.dot_dimension_numbers<[1], [0], [0], [1], [0, 0, 1, 1], [], []>, transpose_lhs_hint = false} : vector<128x128xf32>, vector<128x512xf32>, vector<128x512xf32> -> vector<128x512xf32>
    %add3A_2406 = arith.addf %dot_general3A_2403, %dot_general3A_2405 : vector<128x512xf32>
    %slice3A_2407 = vector.extract_strided_slice %add3A_2406 {offsets = [0, 0], sizes = [128, 128], strides = [1, 1]} : vector<128x512xf32> to vector<128x128xf32>
    %mul3A_2408 = arith.constant 5.000000e-01 : f32
    %mul3A_2409 = vector.broadcast %mul3A_2408 : f32 to vector<128x128xf32>
    %mul3A_2410 = arith.mulf %mul3A_2409, %slice3A_2407 : vector<128x128xf32>
    %tanh3A_2411 = math.tanh %mul3A_2410 : vector<128x128xf32>
    %mul3A_2412 = arith.constant 5.000000e-01 : f32
    %mul3A_2413 = vector.broadcast %mul3A_2412 : f32 to vector<128x128xf32>
    %mul3A_2414 = arith.mulf %mul3A_2413, %tanh3A_2411 : vector<128x128xf32>
    %add3A_2415 = arith.constant 5.000000e-01 : f32
    %add3A_2416 = vector.broadcast %add3A_2415 : f32 to vector<128x128xf32>
    %add3A_2417 = arith.addf %add3A_2416, %mul3A_2414 : vector<128x128xf32>
    %slice3A_2418 = vector.extract_strided_slice %add3A_2406 {offsets = [0, 128], sizes = [128, 128], strides = [1, 1]} : vector<128x512xf32> to vector<128x128xf32>
    %mul3A_2419 = arith.constant 5.000000e-01 : f32
    %mul3A_2420 = vector.broadcast %mul3A_2419 : f32 to vector<128x128xf32>
    %mul3A_2421 = arith.mulf %mul3A_2420, %slice3A_2418 : vector<128x128xf32>
    %tanh3A_2422 = math.tanh %mul3A_2421 : vector<128x128xf32>
    %mul3A_2423 = arith.constant 5.000000e-01 : f32
    %mul3A_2424 = vector.broadcast %mul3A_2423 : f32 to vector<128x128xf32>
    %mul3A_2425 = arith.mulf %mul3A_2424, %tanh3A_2422 : vector<128x128xf32>
    %add3A_2426 = arith.constant 5.000000e-01 : f32
    %add3A_2427 = vector.broadcast %add3A_2426 : f32 to vector<128x128xf32>
    %add3A_2428 = arith.addf %add3A_2427, %mul3A_2425 : vector<128x128xf32>
    %slice3A_2429 = vector.extract_strided_slice %add3A_2406 {offsets = [0, 256], sizes = [128, 128], strides = [1, 1]} : vector<128x512xf32> to vector<128x128xf32>
    %tanh3A_2430 = math.tanh %slice3A_2429 : vector<128x128xf32>
    %slice3A_2431 = vector.extract_strided_slice %add3A_2406 {offsets = [0, 384], sizes = [128, 128], strides = [1, 1]} : vector<128x512xf32> to vector<128x128xf32>
    %mul3A_2432 = arith.constant 5.000000e-01 : f32
    %mul3A_2433 = vector.broadcast %mul3A_2432 : f32 to vector<128x128xf32>
    %mul3A_2434 = arith.mulf %mul3A_2433, %slice3A_2431 : vector<128x128xf32>
    %tanh3A_2435 = math.tanh %mul3A_2434 : vector<128x128xf32>
    %mul3A_2436 = arith.constant 5.000000e-01 : f32
    %mul3A_2437 = vector.broadcast %mul3A_2436 : f32 to vector<128x128xf32>
    %mul3A_2438 = arith.mulf %mul3A_2437, %tanh3A_2435 : vector<128x128xf32>
    %add3A_2439 = arith.constant 5.000000e-01 : f32
    %add3A_2440 = vector.broadcast %add3A_2439 : f32 to vector<128x128xf32>
    %add3A_2441 = arith.addf %add3A_2440, %mul3A_2438 : vector<128x128xf32>
    %mul3A_2442 = arith.mulf %add3A_2428, %select_n3A_2194 : vector<128x128xf32>
    %mul3A_2443 = arith.mulf %add3A_2417, %tanh3A_2430 : vector<128x128xf32>
    %add3A_2444 = arith.addf %mul3A_2442, %mul3A_2443 : vector<128x128xf32>
    %tanh3A_2445 = math.tanh %add3A_2444 : vector<128x128xf32>
    %mul3A_2446 = arith.mulf %add3A_2441, %tanh3A_2445 : vector<128x128xf32>
    %broadcast_in_dim3A_2447 = vector.shape_cast %gt3A_2401 : vector<128x1xi1> to vector<128x1xi1>
    %broadcast_in_dim3A_2448 = vector.broadcast %broadcast_in_dim3A_2447 : vector<128x1xi1> to vector<128x128xi1>
    %select_n3A_2449 = arith.select %broadcast_in_dim3A_2448, %mul3A_2446, %select_n3A_2191 : vector<128x128xi1>, vector<128x128xf32>
    %broadcast_in_dim3A_2450 = vector.shape_cast %gt3A_2401 : vector<128x1xi1> to vector<128x1xi1>
    %broadcast_in_dim3A_2451 = vector.broadcast %broadcast_in_dim3A_2450 : vector<128x1xi1> to vector<128x128xi1>
    %select_n3A_2452 = arith.select %broadcast_in_dim3A_2451, %add3A_2444, %select_n3A_2194 : vector<128x128xi1>, vector<128x128xf32>
    %get3A_2453 = arith.constant 32 : index
    %get3A_2454 = arith.constant 0 : index
    %get3A_2455 = arith.constant 0 : index
    %get3A_2456 = vector.load %arg1[%get3A_2453, %get3A_2454, %get3A_2455] : memref<42x128x128xf32, #tpu.memory_space<vmem>>, vector<1x128x128xf32>
    %get3A_2457 = vector.shape_cast %get3A_2456 : vector<1x128x128xf32> to vector<128x128xf32>
    %gt3A_2458 = arith.constant 5 : i32
    %gt3A_2459 = vector.broadcast %gt3A_2458 : i32 to vector<128x1xi32>
    %gt3A_2460 = arith.cmpi sgt, %broadcast_in_dim3A_45, %gt3A_2459 : vector<128x1xi32>
    %dot_general3A_2461 = arith.constant dense<0.000000e+00> : vector<128x512xf32>
    %dot_general3A_2462 = tpu.matmul %get3A_2457, %concatenate3A_15, %dot_general3A_2461 {dimension_numbers = #tpu.dot_dimension_numbers<[1], [0], [0], [1], [0, 0, 1, 1], [], []>, transpose_lhs_hint = false} : vector<128x128xf32>, vector<128x512xf32>, vector<128x512xf32> -> vector<128x512xf32>
    %dot_general3A_2463 = arith.constant dense<0.000000e+00> : vector<128x512xf32>
    %dot_general3A_2464 = tpu.matmul %select_n3A_2250, %transpose3A_60, %dot_general3A_2463 {dimension_numbers = #tpu.dot_dimension_numbers<[1], [0], [0], [1], [0, 0, 1, 1], [], []>, transpose_lhs_hint = false} : vector<128x128xf32>, vector<128x512xf32>, vector<128x512xf32> -> vector<128x512xf32>
    %add3A_2465 = arith.addf %dot_general3A_2462, %dot_general3A_2464 : vector<128x512xf32>
    %slice3A_2466 = vector.extract_strided_slice %add3A_2465 {offsets = [0, 0], sizes = [128, 128], strides = [1, 1]} : vector<128x512xf32> to vector<128x128xf32>
    %mul3A_2467 = arith.constant 5.000000e-01 : f32
    %mul3A_2468 = vector.broadcast %mul3A_2467 : f32 to vector<128x128xf32>
    %mul3A_2469 = arith.mulf %mul3A_2468, %slice3A_2466 : vector<128x128xf32>
    %tanh3A_2470 = math.tanh %mul3A_2469 : vector<128x128xf32>
    %mul3A_2471 = arith.constant 5.000000e-01 : f32
    %mul3A_2472 = vector.broadcast %mul3A_2471 : f32 to vector<128x128xf32>
    %mul3A_2473 = arith.mulf %mul3A_2472, %tanh3A_2470 : vector<128x128xf32>
    %add3A_2474 = arith.constant 5.000000e-01 : f32
    %add3A_2475 = vector.broadcast %add3A_2474 : f32 to vector<128x128xf32>
    %add3A_2476 = arith.addf %add3A_2475, %mul3A_2473 : vector<128x128xf32>
    %slice3A_2477 = vector.extract_strided_slice %add3A_2465 {offsets = [0, 128], sizes = [128, 128], strides = [1, 1]} : vector<128x512xf32> to vector<128x128xf32>
    %mul3A_2478 = arith.constant 5.000000e-01 : f32
    %mul3A_2479 = vector.broadcast %mul3A_2478 : f32 to vector<128x128xf32>
    %mul3A_2480 = arith.mulf %mul3A_2479, %slice3A_2477 : vector<128x128xf32>
    %tanh3A_2481 = math.tanh %mul3A_2480 : vector<128x128xf32>
    %mul3A_2482 = arith.constant 5.000000e-01 : f32
    %mul3A_2483 = vector.broadcast %mul3A_2482 : f32 to vector<128x128xf32>
    %mul3A_2484 = arith.mulf %mul3A_2483, %tanh3A_2481 : vector<128x128xf32>
    %add3A_2485 = arith.constant 5.000000e-01 : f32
    %add3A_2486 = vector.broadcast %add3A_2485 : f32 to vector<128x128xf32>
    %add3A_2487 = arith.addf %add3A_2486, %mul3A_2484 : vector<128x128xf32>
    %slice3A_2488 = vector.extract_strided_slice %add3A_2465 {offsets = [0, 256], sizes = [128, 128], strides = [1, 1]} : vector<128x512xf32> to vector<128x128xf32>
    %tanh3A_2489 = math.tanh %slice3A_2488 : vector<128x128xf32>
    %slice3A_2490 = vector.extract_strided_slice %add3A_2465 {offsets = [0, 384], sizes = [128, 128], strides = [1, 1]} : vector<128x512xf32> to vector<128x128xf32>
    %mul3A_2491 = arith.constant 5.000000e-01 : f32
    %mul3A_2492 = vector.broadcast %mul3A_2491 : f32 to vector<128x128xf32>
    %mul3A_2493 = arith.mulf %mul3A_2492, %slice3A_2490 : vector<128x128xf32>
    %tanh3A_2494 = math.tanh %mul3A_2493 : vector<128x128xf32>
    %mul3A_2495 = arith.constant 5.000000e-01 : f32
    %mul3A_2496 = vector.broadcast %mul3A_2495 : f32 to vector<128x128xf32>
    %mul3A_2497 = arith.mulf %mul3A_2496, %tanh3A_2494 : vector<128x128xf32>
    %add3A_2498 = arith.constant 5.000000e-01 : f32
    %add3A_2499 = vector.broadcast %add3A_2498 : f32 to vector<128x128xf32>
    %add3A_2500 = arith.addf %add3A_2499, %mul3A_2497 : vector<128x128xf32>
    %mul3A_2501 = arith.mulf %add3A_2487, %select_n3A_2253 : vector<128x128xf32>
    %mul3A_2502 = arith.mulf %add3A_2476, %tanh3A_2489 : vector<128x128xf32>
    %add3A_2503 = arith.addf %mul3A_2501, %mul3A_2502 : vector<128x128xf32>
    %tanh3A_2504 = math.tanh %add3A_2503 : vector<128x128xf32>
    %mul3A_2505 = arith.mulf %add3A_2500, %tanh3A_2504 : vector<128x128xf32>
    %broadcast_in_dim3A_2506 = vector.shape_cast %gt3A_2460 : vector<128x1xi1> to vector<128x1xi1>
    %broadcast_in_dim3A_2507 = vector.broadcast %broadcast_in_dim3A_2506 : vector<128x1xi1> to vector<128x128xi1>
    %select_n3A_2508 = arith.select %broadcast_in_dim3A_2507, %mul3A_2505, %select_n3A_2250 : vector<128x128xi1>, vector<128x128xf32>
    %broadcast_in_dim3A_2509 = vector.shape_cast %gt3A_2460 : vector<128x1xi1> to vector<128x1xi1>
    %broadcast_in_dim3A_2510 = vector.broadcast %broadcast_in_dim3A_2509 : vector<128x1xi1> to vector<128x128xi1>
    %select_n3A_2511 = arith.select %broadcast_in_dim3A_2510, %add3A_2503, %select_n3A_2253 : vector<128x128xi1>, vector<128x128xf32>
    %gt3A_2512 = arith.constant 9 : i32
    %gt3A_2513 = vector.broadcast %gt3A_2512 : i32 to vector<128x1xi32>
    %gt3A_2514 = arith.cmpi sgt, %broadcast_in_dim3A_52, %gt3A_2513 : vector<128x1xi32>
    %gt3A_2515 = arith.constant 17 : i32
    %gt3A_2516 = vector.broadcast %gt3A_2515 : i32 to vector<128x1xi32>
    %gt3A_2517 = arith.cmpi sgt, %broadcast_in_dim3A_52, %gt3A_2516 : vector<128x1xi32>
    %get3A_2518 = arith.constant 9 : index
    %get3A_2519 = arith.constant 0 : index
    %get3A_2520 = arith.constant 0 : index
    %get3A_2521 = vector.load %arg1[%get3A_2518, %get3A_2519, %get3A_2520] : memref<42x128x128xf32, #tpu.memory_space<vmem>>, vector<1x128x128xf32>
    %get3A_2522 = vector.shape_cast %get3A_2521 : vector<1x128x128xf32> to vector<128x128xf32>
    %dot_general3A_2523 = arith.constant dense<0.000000e+00> : vector<128x512xf32>
    %dot_general3A_2524 = tpu.matmul %get3A_2522, %concatenate3A_25, %dot_general3A_2523 {dimension_numbers = #tpu.dot_dimension_numbers<[1], [0], [0], [1], [0, 0, 1, 1], [], []>, transpose_lhs_hint = false} : vector<128x128xf32>, vector<128x512xf32>, vector<128x512xf32> -> vector<128x512xf32>
    %dot_general3A_2525 = arith.constant dense<0.000000e+00> : vector<128x512xf32>
    %dot_general3A_2526 = tpu.matmul %select_n3A_2312, %transpose3A_64, %dot_general3A_2525 {dimension_numbers = #tpu.dot_dimension_numbers<[1], [0], [0], [1], [0, 0, 1, 1], [], []>, transpose_lhs_hint = false} : vector<128x128xf32>, vector<128x512xf32>, vector<128x512xf32> -> vector<128x512xf32>
    %add3A_2527 = arith.addf %dot_general3A_2524, %dot_general3A_2526 : vector<128x512xf32>
    %slice3A_2528 = vector.extract_strided_slice %add3A_2527 {offsets = [0, 0], sizes = [128, 128], strides = [1, 1]} : vector<128x512xf32> to vector<128x128xf32>
    %mul3A_2529 = arith.constant 5.000000e-01 : f32
    %mul3A_2530 = vector.broadcast %mul3A_2529 : f32 to vector<128x128xf32>
    %mul3A_2531 = arith.mulf %mul3A_2530, %slice3A_2528 : vector<128x128xf32>
    %tanh3A_2532 = math.tanh %mul3A_2531 : vector<128x128xf32>
    %mul3A_2533 = arith.constant 5.000000e-01 : f32
    %mul3A_2534 = vector.broadcast %mul3A_2533 : f32 to vector<128x128xf32>
    %mul3A_2535 = arith.mulf %mul3A_2534, %tanh3A_2532 : vector<128x128xf32>
    %add3A_2536 = arith.constant 5.000000e-01 : f32
    %add3A_2537 = vector.broadcast %add3A_2536 : f32 to vector<128x128xf32>
    %add3A_2538 = arith.addf %add3A_2537, %mul3A_2535 : vector<128x128xf32>
    %slice3A_2539 = vector.extract_strided_slice %add3A_2527 {offsets = [0, 128], sizes = [128, 128], strides = [1, 1]} : vector<128x512xf32> to vector<128x128xf32>
    %mul3A_2540 = arith.constant 5.000000e-01 : f32
    %mul3A_2541 = vector.broadcast %mul3A_2540 : f32 to vector<128x128xf32>
    %mul3A_2542 = arith.mulf %mul3A_2541, %slice3A_2539 : vector<128x128xf32>
    %tanh3A_2543 = math.tanh %mul3A_2542 : vector<128x128xf32>
    %mul3A_2544 = arith.constant 5.000000e-01 : f32
    %mul3A_2545 = vector.broadcast %mul3A_2544 : f32 to vector<128x128xf32>
    %mul3A_2546 = arith.mulf %mul3A_2545, %tanh3A_2543 : vector<128x128xf32>
    %add3A_2547 = arith.constant 5.000000e-01 : f32
    %add3A_2548 = vector.broadcast %add3A_2547 : f32 to vector<128x128xf32>
    %add3A_2549 = arith.addf %add3A_2548, %mul3A_2546 : vector<128x128xf32>
    %slice3A_2550 = vector.extract_strided_slice %add3A_2527 {offsets = [0, 256], sizes = [128, 128], strides = [1, 1]} : vector<128x512xf32> to vector<128x128xf32>
    %tanh3A_2551 = math.tanh %slice3A_2550 : vector<128x128xf32>
    %slice3A_2552 = vector.extract_strided_slice %add3A_2527 {offsets = [0, 384], sizes = [128, 128], strides = [1, 1]} : vector<128x512xf32> to vector<128x128xf32>
    %mul3A_2553 = arith.constant 5.000000e-01 : f32
    %mul3A_2554 = vector.broadcast %mul3A_2553 : f32 to vector<128x128xf32>
    %mul3A_2555 = arith.mulf %mul3A_2554, %slice3A_2552 : vector<128x128xf32>
    %tanh3A_2556 = math.tanh %mul3A_2555 : vector<128x128xf32>
    %mul3A_2557 = arith.constant 5.000000e-01 : f32
    %mul3A_2558 = vector.broadcast %mul3A_2557 : f32 to vector<128x128xf32>
    %mul3A_2559 = arith.mulf %mul3A_2558, %tanh3A_2556 : vector<128x128xf32>
    %add3A_2560 = arith.constant 5.000000e-01 : f32
    %add3A_2561 = vector.broadcast %add3A_2560 : f32 to vector<128x128xf32>
    %add3A_2562 = arith.addf %add3A_2561, %mul3A_2559 : vector<128x128xf32>
    %mul3A_2563 = arith.mulf %add3A_2549, %select_n3A_2315 : vector<128x128xf32>
    %mul3A_2564 = arith.mulf %add3A_2538, %tanh3A_2551 : vector<128x128xf32>
    %add3A_2565 = arith.addf %mul3A_2563, %mul3A_2564 : vector<128x128xf32>
    %tanh3A_2566 = math.tanh %add3A_2565 : vector<128x128xf32>
    %mul3A_2567 = arith.mulf %add3A_2562, %tanh3A_2566 : vector<128x128xf32>
    %broadcast_in_dim3A_2568 = vector.shape_cast %gt3A_2514 : vector<128x1xi1> to vector<128x1xi1>
    %broadcast_in_dim3A_2569 = vector.broadcast %broadcast_in_dim3A_2568 : vector<128x1xi1> to vector<128x128xi1>
    %select_n3A_2570 = arith.select %broadcast_in_dim3A_2569, %mul3A_2567, %select_n3A_2312 : vector<128x128xi1>, vector<128x128xf32>
    %broadcast_in_dim3A_2571 = vector.shape_cast %gt3A_2514 : vector<128x1xi1> to vector<128x1xi1>
    %broadcast_in_dim3A_2572 = vector.broadcast %broadcast_in_dim3A_2571 : vector<128x1xi1> to vector<128x128xi1>
    %select_n3A_2573 = arith.select %broadcast_in_dim3A_2572, %add3A_2565, %select_n3A_2315 : vector<128x128xi1>, vector<128x128xf32>
    %get3A_2574 = arith.constant 17 : index
    %get3A_2575 = arith.constant 0 : index
    %get3A_2576 = arith.constant 0 : index
    %get3A_2577 = vector.load %arg1[%get3A_2574, %get3A_2575, %get3A_2576] : memref<42x128x128xf32, #tpu.memory_space<vmem>>, vector<1x128x128xf32>
    %get3A_2578 = vector.shape_cast %get3A_2577 : vector<1x128x128xf32> to vector<128x128xf32>
    %dot_general3A_2579 = arith.constant dense<0.000000e+00> : vector<128x512xf32>
    %dot_general3A_2580 = tpu.matmul %get3A_2578, %concatenate3A_35, %dot_general3A_2579 {dimension_numbers = #tpu.dot_dimension_numbers<[1], [0], [0], [1], [0, 0, 1, 1], [], []>, transpose_lhs_hint = false} : vector<128x128xf32>, vector<128x512xf32>, vector<128x512xf32> -> vector<128x512xf32>
    %dot_general3A_2581 = arith.constant dense<0.000000e+00> : vector<128x512xf32>
    %dot_general3A_2582 = tpu.matmul %select_n3A_2368, %transpose3A_68, %dot_general3A_2581 {dimension_numbers = #tpu.dot_dimension_numbers<[1], [0], [0], [1], [0, 0, 1, 1], [], []>, transpose_lhs_hint = false} : vector<128x128xf32>, vector<128x512xf32>, vector<128x512xf32> -> vector<128x512xf32>
    %add3A_2583 = arith.addf %dot_general3A_2580, %dot_general3A_2582 : vector<128x512xf32>
    %slice3A_2584 = vector.extract_strided_slice %add3A_2583 {offsets = [0, 0], sizes = [128, 128], strides = [1, 1]} : vector<128x512xf32> to vector<128x128xf32>
    %mul3A_2585 = arith.constant 5.000000e-01 : f32
    %mul3A_2586 = vector.broadcast %mul3A_2585 : f32 to vector<128x128xf32>
    %mul3A_2587 = arith.mulf %mul3A_2586, %slice3A_2584 : vector<128x128xf32>
    %tanh3A_2588 = math.tanh %mul3A_2587 : vector<128x128xf32>
    %mul3A_2589 = arith.constant 5.000000e-01 : f32
    %mul3A_2590 = vector.broadcast %mul3A_2589 : f32 to vector<128x128xf32>
    %mul3A_2591 = arith.mulf %mul3A_2590, %tanh3A_2588 : vector<128x128xf32>
    %add3A_2592 = arith.constant 5.000000e-01 : f32
    %add3A_2593 = vector.broadcast %add3A_2592 : f32 to vector<128x128xf32>
    %add3A_2594 = arith.addf %add3A_2593, %mul3A_2591 : vector<128x128xf32>
    %slice3A_2595 = vector.extract_strided_slice %add3A_2583 {offsets = [0, 128], sizes = [128, 128], strides = [1, 1]} : vector<128x512xf32> to vector<128x128xf32>
    %mul3A_2596 = arith.constant 5.000000e-01 : f32
    %mul3A_2597 = vector.broadcast %mul3A_2596 : f32 to vector<128x128xf32>
    %mul3A_2598 = arith.mulf %mul3A_2597, %slice3A_2595 : vector<128x128xf32>
    %tanh3A_2599 = math.tanh %mul3A_2598 : vector<128x128xf32>
    %mul3A_2600 = arith.constant 5.000000e-01 : f32
    %mul3A_2601 = vector.broadcast %mul3A_2600 : f32 to vector<128x128xf32>
    %mul3A_2602 = arith.mulf %mul3A_2601, %tanh3A_2599 : vector<128x128xf32>
    %add3A_2603 = arith.constant 5.000000e-01 : f32
    %add3A_2604 = vector.broadcast %add3A_2603 : f32 to vector<128x128xf32>
    %add3A_2605 = arith.addf %add3A_2604, %mul3A_2602 : vector<128x128xf32>
    %slice3A_2606 = vector.extract_strided_slice %add3A_2583 {offsets = [0, 256], sizes = [128, 128], strides = [1, 1]} : vector<128x512xf32> to vector<128x128xf32>
    %tanh3A_2607 = math.tanh %slice3A_2606 : vector<128x128xf32>
    %slice3A_2608 = vector.extract_strided_slice %add3A_2583 {offsets = [0, 384], sizes = [128, 128], strides = [1, 1]} : vector<128x512xf32> to vector<128x128xf32>
    %mul3A_2609 = arith.constant 5.000000e-01 : f32
    %mul3A_2610 = vector.broadcast %mul3A_2609 : f32 to vector<128x128xf32>
    %mul3A_2611 = arith.mulf %mul3A_2610, %slice3A_2608 : vector<128x128xf32>
    %tanh3A_2612 = math.tanh %mul3A_2611 : vector<128x128xf32>
    %mul3A_2613 = arith.constant 5.000000e-01 : f32
    %mul3A_2614 = vector.broadcast %mul3A_2613 : f32 to vector<128x128xf32>
    %mul3A_2615 = arith.mulf %mul3A_2614, %tanh3A_2612 : vector<128x128xf32>
    %add3A_2616 = arith.constant 5.000000e-01 : f32
    %add3A_2617 = vector.broadcast %add3A_2616 : f32 to vector<128x128xf32>
    %add3A_2618 = arith.addf %add3A_2617, %mul3A_2615 : vector<128x128xf32>
    %mul3A_2619 = arith.mulf %add3A_2605, %select_n3A_2371 : vector<128x128xf32>
    %mul3A_2620 = arith.mulf %add3A_2594, %tanh3A_2607 : vector<128x128xf32>
    %add3A_2621 = arith.addf %mul3A_2619, %mul3A_2620 : vector<128x128xf32>
    %tanh3A_2622 = math.tanh %add3A_2621 : vector<128x128xf32>
    %mul3A_2623 = arith.mulf %add3A_2618, %tanh3A_2622 : vector<128x128xf32>
    %broadcast_in_dim3A_2624 = vector.shape_cast %gt3A_2517 : vector<128x1xi1> to vector<128x1xi1>
    %broadcast_in_dim3A_2625 = vector.broadcast %broadcast_in_dim3A_2624 : vector<128x1xi1> to vector<128x128xi1>
    %select_n3A_2626 = arith.select %broadcast_in_dim3A_2625, %mul3A_2623, %select_n3A_2368 : vector<128x128xi1>, vector<128x128xf32>
    %broadcast_in_dim3A_2627 = vector.shape_cast %gt3A_2517 : vector<128x1xi1> to vector<128x1xi1>
    %broadcast_in_dim3A_2628 = vector.broadcast %broadcast_in_dim3A_2627 : vector<128x1xi1> to vector<128x128xi1>
    %select_n3A_2629 = arith.select %broadcast_in_dim3A_2628, %add3A_2621, %select_n3A_2371 : vector<128x128xi1>, vector<128x128xf32>
    %jit3A_2630 = arith.constant 0.000000e+00 : f32
    %broadcast_in_dim3A_2631 = vector.shape_cast %gt3A_2514 : vector<128x1xi1> to vector<128x1xi1>
    %broadcast_in_dim3A_2632 = vector.broadcast %broadcast_in_dim3A_2631 : vector<128x1xi1> to vector<128x128xi1>
    %broadcast_in_dim3A_2633 = vector.broadcast %jit3A_2630 : f32 to vector<128x128xf32>
    %select_n3A_2634 = arith.select %broadcast_in_dim3A_2632, %mul3A_2567, %broadcast_in_dim3A_2633 : vector<128x128xi1>, vector<128x128xf32>
    %swap3A_2635 = arith.constant 0 : index
    %swap3A_2636 = arith.constant 9 : index
    %swap3A_2637 = arith.constant 0 : index
    %swap3A_2638 = vector.load %arg19[%swap3A_2635, %swap3A_2636, %swap3A_2637] : memref<128x27x256xf32, #tpu.memory_space<vmem>>, vector<128x1x128xf32>
    %swap3A_2639 = vector.shape_cast %swap3A_2638 : vector<128x1x128xf32> to vector<128x128xf32>
    %swap3A_2640 = vector.shape_cast %select_n3A_2634 : vector<128x128xf32> to vector<128x1x128xf32>
    tpu.vector_store %arg19[%swap3A_2635, %swap3A_2636, %swap3A_2637], %swap3A_2640 {strides = array<i32>} : memref<128x27x256xf32, #tpu.memory_space<vmem>>, vector<128x1x128xf32>,
    %jit3A_2641 = arith.constant 0.000000e+00 : f32
    %broadcast_in_dim3A_2642 = vector.shape_cast %gt3A_2517 : vector<128x1xi1> to vector<128x1xi1>
    %broadcast_in_dim3A_2643 = vector.broadcast %broadcast_in_dim3A_2642 : vector<128x1xi1> to vector<128x128xi1>
    %broadcast_in_dim3A_2644 = vector.broadcast %jit3A_2641 : f32 to vector<128x128xf32>
    %select_n3A_2645 = arith.select %broadcast_in_dim3A_2643, %mul3A_2623, %broadcast_in_dim3A_2644 : vector<128x128xi1>, vector<128x128xf32>
    %swap3A_2646 = arith.constant 0 : index
    %swap3A_2647 = arith.constant 17 : index
    %swap3A_2648 = arith.constant 128 : index
    %swap3A_2649 = vector.load %arg19[%swap3A_2646, %swap3A_2647, %swap3A_2648] : memref<128x27x256xf32, #tpu.memory_space<vmem>>, vector<128x1x128xf32>
    %swap3A_2650 = vector.shape_cast %swap3A_2649 : vector<128x1x128xf32> to vector<128x128xf32>
    %swap3A_2651 = vector.shape_cast %select_n3A_2645 : vector<128x128xf32> to vector<128x1x128xf32>
    tpu.vector_store %arg19[%swap3A_2646, %swap3A_2647, %swap3A_2648], %swap3A_2651 {strides = array<i32>} : memref<128x27x256xf32, #tpu.memory_space<vmem>>, vector<128x1x128xf32>,
    %get3A_2652 = arith.constant 37 : index
    %get3A_2653 = arith.constant 0 : index
    %get3A_2654 = arith.constant 0 : index
    %get3A_2655 = vector.load %arg1[%get3A_2652, %get3A_2653, %get3A_2654] : memref<42x128x128xf32, #tpu.memory_space<vmem>>, vector<1x128x128xf32>
    %get3A_2656 = vector.shape_cast %get3A_2655 : vector<1x128x128xf32> to vector<128x128xf32>
    %gt3A_2657 = arith.constant 10 : i32
    %gt3A_2658 = vector.broadcast %gt3A_2657 : i32 to vector<128x1xi32>
    %gt3A_2659 = arith.cmpi sgt, %broadcast_in_dim3A_45, %gt3A_2658 : vector<128x1xi32>
    %dot_general3A_2660 = arith.constant dense<0.000000e+00> : vector<128x512xf32>
    %dot_general3A_2661 = tpu.matmul %get3A_2656, %concatenate3A, %dot_general3A_2660 {dimension_numbers = #tpu.dot_dimension_numbers<[1], [0], [0], [1], [0, 0, 1, 1], [], []>, transpose_lhs_hint = false} : vector<128x128xf32>, vector<128x512xf32>, vector<128x512xf32> -> vector<128x512xf32>
    %dot_general3A_2662 = arith.constant dense<0.000000e+00> : vector<128x512xf32>
    %dot_general3A_2663 = tpu.matmul %select_n3A_2449, %transpose3A_56, %dot_general3A_2662 {dimension_numbers = #tpu.dot_dimension_numbers<[1], [0], [0], [1], [0, 0, 1, 1], [], []>, transpose_lhs_hint = false} : vector<128x128xf32>, vector<128x512xf32>, vector<128x512xf32> -> vector<128x512xf32>
    %add3A_2664 = arith.addf %dot_general3A_2661, %dot_general3A_2663 : vector<128x512xf32>
    %slice3A_2665 = vector.extract_strided_slice %add3A_2664 {offsets = [0, 0], sizes = [128, 128], strides = [1, 1]} : vector<128x512xf32> to vector<128x128xf32>
    %mul3A_2666 = arith.constant 5.000000e-01 : f32
    %mul3A_2667 = vector.broadcast %mul3A_2666 : f32 to vector<128x128xf32>
    %mul3A_2668 = arith.mulf %mul3A_2667, %slice3A_2665 : vector<128x128xf32>
    %tanh3A_2669 = math.tanh %mul3A_2668 : vector<128x128xf32>
    %mul3A_2670 = arith.constant 5.000000e-01 : f32
    %mul3A_2671 = vector.broadcast %mul3A_2670 : f32 to vector<128x128xf32>
    %mul3A_2672 = arith.mulf %mul3A_2671, %tanh3A_2669 : vector<128x128xf32>
    %add3A_2673 = arith.constant 5.000000e-01 : f32
    %add3A_2674 = vector.broadcast %add3A_2673 : f32 to vector<128x128xf32>
    %add3A_2675 = arith.addf %add3A_2674, %mul3A_2672 : vector<128x128xf32>
    %slice3A_2676 = vector.extract_strided_slice %add3A_2664 {offsets = [0, 128], sizes = [128, 128], strides = [1, 1]} : vector<128x512xf32> to vector<128x128xf32>
    %mul3A_2677 = arith.constant 5.000000e-01 : f32
    %mul3A_2678 = vector.broadcast %mul3A_2677 : f32 to vector<128x128xf32>
    %mul3A_2679 = arith.mulf %mul3A_2678, %slice3A_2676 : vector<128x128xf32>
    %tanh3A_2680 = math.tanh %mul3A_2679 : vector<128x128xf32>
    %mul3A_2681 = arith.constant 5.000000e-01 : f32
    %mul3A_2682 = vector.broadcast %mul3A_2681 : f32 to vector<128x128xf32>
    %mul3A_2683 = arith.mulf %mul3A_2682, %tanh3A_2680 : vector<128x128xf32>
    %add3A_2684 = arith.constant 5.000000e-01 : f32
    %add3A_2685 = vector.broadcast %add3A_2684 : f32 to vector<128x128xf32>
    %add3A_2686 = arith.addf %add3A_2685, %mul3A_2683 : vector<128x128xf32>
    %slice3A_2687 = vector.extract_strided_slice %add3A_2664 {offsets = [0, 256], sizes = [128, 128], strides = [1, 1]} : vector<128x512xf32> to vector<128x128xf32>
    %tanh3A_2688 = math.tanh %slice3A_2687 : vector<128x128xf32>
    %slice3A_2689 = vector.extract_strided_slice %add3A_2664 {offsets = [0, 384], sizes = [128, 128], strides = [1, 1]} : vector<128x512xf32> to vector<128x128xf32>
    %mul3A_2690 = arith.constant 5.000000e-01 : f32
    %mul3A_2691 = vector.broadcast %mul3A_2690 : f32 to vector<128x128xf32>
    %mul3A_2692 = arith.mulf %mul3A_2691, %slice3A_2689 : vector<128x128xf32>
    %tanh3A_2693 = math.tanh %mul3A_2692 : vector<128x128xf32>
    %mul3A_2694 = arith.constant 5.000000e-01 : f32
    %mul3A_2695 = vector.broadcast %mul3A_2694 : f32 to vector<128x128xf32>
    %mul3A_2696 = arith.mulf %mul3A_2695, %tanh3A_2693 : vector<128x128xf32>
    %add3A_2697 = arith.constant 5.000000e-01 : f32
    %add3A_2698 = vector.broadcast %add3A_2697 : f32 to vector<128x128xf32>
    %add3A_2699 = arith.addf %add3A_2698, %mul3A_2696 : vector<128x128xf32>
    %mul3A_2700 = arith.mulf %add3A_2686, %select_n3A_2452 : vector<128x128xf32>
    %mul3A_2701 = arith.mulf %add3A_2675, %tanh3A_2688 : vector<128x128xf32>
    %add3A_2702 = arith.addf %mul3A_2700, %mul3A_2701 : vector<128x128xf32>
    %tanh3A_2703 = math.tanh %add3A_2702 : vector<128x128xf32>
    %mul3A_2704 = arith.mulf %add3A_2699, %tanh3A_2703 : vector<128x128xf32>
    %broadcast_in_dim3A_2705 = vector.shape_cast %gt3A_2659 : vector<128x1xi1> to vector<128x1xi1>
    %broadcast_in_dim3A_2706 = vector.broadcast %broadcast_in_dim3A_2705 : vector<128x1xi1> to vector<128x128xi1>
    %select_n3A_2707 = arith.select %broadcast_in_dim3A_2706, %mul3A_2704, %select_n3A_2449 : vector<128x128xi1>, vector<128x128xf32>
    %broadcast_in_dim3A_2708 = vector.shape_cast %gt3A_2659 : vector<128x1xi1> to vector<128x1xi1>
    %broadcast_in_dim3A_2709 = vector.broadcast %broadcast_in_dim3A_2708 : vector<128x1xi1> to vector<128x128xi1>
    %select_n3A_2710 = arith.select %broadcast_in_dim3A_2709, %add3A_2702, %select_n3A_2452 : vector<128x128xi1>, vector<128x128xf32>
    %get3A_2711 = arith.constant 31 : index
    %get3A_2712 = arith.constant 0 : index
    %get3A_2713 = arith.constant 0 : index
    %get3A_2714 = vector.load %arg1[%get3A_2711, %get3A_2712, %get3A_2713] : memref<42x128x128xf32, #tpu.memory_space<vmem>>, vector<1x128x128xf32>
    %get3A_2715 = vector.shape_cast %get3A_2714 : vector<1x128x128xf32> to vector<128x128xf32>
    %gt3A_2716 = arith.constant 4 : i32
    %gt3A_2717 = vector.broadcast %gt3A_2716 : i32 to vector<128x1xi32>
    %gt3A_2718 = arith.cmpi sgt, %broadcast_in_dim3A_45, %gt3A_2717 : vector<128x1xi32>
    %dot_general3A_2719 = arith.constant dense<0.000000e+00> : vector<128x512xf32>
    %dot_general3A_2720 = tpu.matmul %get3A_2715, %concatenate3A_15, %dot_general3A_2719 {dimension_numbers = #tpu.dot_dimension_numbers<[1], [0], [0], [1], [0, 0, 1, 1], [], []>, transpose_lhs_hint = false} : vector<128x128xf32>, vector<128x512xf32>, vector<128x512xf32> -> vector<128x512xf32>
    %dot_general3A_2721 = arith.constant dense<0.000000e+00> : vector<128x512xf32>
    %dot_general3A_2722 = tpu.matmul %select_n3A_2508, %transpose3A_60, %dot_general3A_2721 {dimension_numbers = #tpu.dot_dimension_numbers<[1], [0], [0], [1], [0, 0, 1, 1], [], []>, transpose_lhs_hint = false} : vector<128x128xf32>, vector<128x512xf32>, vector<128x512xf32> -> vector<128x512xf32>
    %add3A_2723 = arith.addf %dot_general3A_2720, %dot_general3A_2722 : vector<128x512xf32>
    %slice3A_2724 = vector.extract_strided_slice %add3A_2723 {offsets = [0, 0], sizes = [128, 128], strides = [1, 1]} : vector<128x512xf32> to vector<128x128xf32>
    %mul3A_2725 = arith.constant 5.000000e-01 : f32
    %mul3A_2726 = vector.broadcast %mul3A_2725 : f32 to vector<128x128xf32>
    %mul3A_2727 = arith.mulf %mul3A_2726, %slice3A_2724 : vector<128x128xf32>
    %tanh3A_2728 = math.tanh %mul3A_2727 : vector<128x128xf32>
    %mul3A_2729 = arith.constant 5.000000e-01 : f32
    %mul3A_2730 = vector.broadcast %mul3A_2729 : f32 to vector<128x128xf32>
    %mul3A_2731 = arith.mulf %mul3A_2730, %tanh3A_2728 : vector<128x128xf32>
    %add3A_2732 = arith.constant 5.000000e-01 : f32
    %add3A_2733 = vector.broadcast %add3A_2732 : f32 to vector<128x128xf32>
    %add3A_2734 = arith.addf %add3A_2733, %mul3A_2731 : vector<128x128xf32>
    %slice3A_2735 = vector.extract_strided_slice %add3A_2723 {offsets = [0, 128], sizes = [128, 128], strides = [1, 1]} : vector<128x512xf32> to vector<128x128xf32>
    %mul3A_2736 = arith.constant 5.000000e-01 : f32
    %mul3A_2737 = vector.broadcast %mul3A_2736 : f32 to vector<128x128xf32>
    %mul3A_2738 = arith.mulf %mul3A_2737, %slice3A_2735 : vector<128x128xf32>
    %tanh3A_2739 = math.tanh %mul3A_2738 : vector<128x128xf32>
    %mul3A_2740 = arith.constant 5.000000e-01 : f32
    %mul3A_2741 = vector.broadcast %mul3A_2740 : f32 to vector<128x128xf32>
    %mul3A_2742 = arith.mulf %mul3A_2741, %tanh3A_2739 : vector<128x128xf32>
    %add3A_2743 = arith.constant 5.000000e-01 : f32
    %add3A_2744 = vector.broadcast %add3A_2743 : f32 to vector<128x128xf32>
    %add3A_2745 = arith.addf %add3A_2744, %mul3A_2742 : vector<128x128xf32>
    %slice3A_2746 = vector.extract_strided_slice %add3A_2723 {offsets = [0, 256], sizes = [128, 128], strides = [1, 1]} : vector<128x512xf32> to vector<128x128xf32>
    %tanh3A_2747 = math.tanh %slice3A_2746 : vector<128x128xf32>
    %slice3A_2748 = vector.extract_strided_slice %add3A_2723 {offsets = [0, 384], sizes = [128, 128], strides = [1, 1]} : vector<128x512xf32> to vector<128x128xf32>
    %mul3A_2749 = arith.constant 5.000000e-01 : f32
    %mul3A_2750 = vector.broadcast %mul3A_2749 : f32 to vector<128x128xf32>
    %mul3A_2751 = arith.mulf %mul3A_2750, %slice3A_2748 : vector<128x128xf32>
    %tanh3A_2752 = math.tanh %mul3A_2751 : vector<128x128xf32>
    %mul3A_2753 = arith.constant 5.000000e-01 : f32
    %mul3A_2754 = vector.broadcast %mul3A_2753 : f32 to vector<128x128xf32>
    %mul3A_2755 = arith.mulf %mul3A_2754, %tanh3A_2752 : vector<128x128xf32>
    %add3A_2756 = arith.constant 5.000000e-01 : f32
    %add3A_2757 = vector.broadcast %add3A_2756 : f32 to vector<128x128xf32>
    %add3A_2758 = arith.addf %add3A_2757, %mul3A_2755 : vector<128x128xf32>
    %mul3A_2759 = arith.mulf %add3A_2745, %select_n3A_2511 : vector<128x128xf32>
    %mul3A_2760 = arith.mulf %add3A_2734, %tanh3A_2747 : vector<128x128xf32>
    %add3A_2761 = arith.addf %mul3A_2759, %mul3A_2760 : vector<128x128xf32>
    %tanh3A_2762 = math.tanh %add3A_2761 : vector<128x128xf32>
    %mul3A_2763 = arith.mulf %add3A_2758, %tanh3A_2762 : vector<128x128xf32>
    %broadcast_in_dim3A_2764 = vector.shape_cast %gt3A_2718 : vector<128x1xi1> to vector<128x1xi1>
    %broadcast_in_dim3A_2765 = vector.broadcast %broadcast_in_dim3A_2764 : vector<128x1xi1> to vector<128x128xi1>
    %select_n3A_2766 = arith.select %broadcast_in_dim3A_2765, %mul3A_2763, %select_n3A_2508 : vector<128x128xi1>, vector<128x128xf32>
    %broadcast_in_dim3A_2767 = vector.shape_cast %gt3A_2718 : vector<128x1xi1> to vector<128x1xi1>
    %broadcast_in_dim3A_2768 = vector.broadcast %broadcast_in_dim3A_2767 : vector<128x1xi1> to vector<128x128xi1>
    %select_n3A_2769 = arith.select %broadcast_in_dim3A_2768, %add3A_2761, %select_n3A_2511 : vector<128x128xi1>, vector<128x128xf32>
    %gt3A_2770 = arith.constant 10 : i32
    %gt3A_2771 = vector.broadcast %gt3A_2770 : i32 to vector<128x1xi32>
    %gt3A_2772 = arith.cmpi sgt, %broadcast_in_dim3A_52, %gt3A_2771 : vector<128x1xi32>
    %gt3A_2773 = arith.constant 16 : i32
    %gt3A_2774 = vector.broadcast %gt3A_2773 : i32 to vector<128x1xi32>
    %gt3A_2775 = arith.cmpi sgt, %broadcast_in_dim3A_52, %gt3A_2774 : vector<128x1xi32>
    %get3A_2776 = arith.constant 10 : index
    %get3A_2777 = arith.constant 0 : index
    %get3A_2778 = arith.constant 0 : index
    %get3A_2779 = vector.load %arg1[%get3A_2776, %get3A_2777, %get3A_2778] : memref<42x128x128xf32, #tpu.memory_space<vmem>>, vector<1x128x128xf32>
    %get3A_2780 = vector.shape_cast %get3A_2779 : vector<1x128x128xf32> to vector<128x128xf32>
    %dot_general3A_2781 = arith.constant dense<0.000000e+00> : vector<128x512xf32>
    %dot_general3A_2782 = tpu.matmul %get3A_2780, %concatenate3A_25, %dot_general3A_2781 {dimension_numbers = #tpu.dot_dimension_numbers<[1], [0], [0], [1], [0, 0, 1, 1], [], []>, transpose_lhs_hint = false} : vector<128x128xf32>, vector<128x512xf32>, vector<128x512xf32> -> vector<128x512xf32>
    %dot_general3A_2783 = arith.constant dense<0.000000e+00> : vector<128x512xf32>
    %dot_general3A_2784 = tpu.matmul %select_n3A_2570, %transpose3A_64, %dot_general3A_2783 {dimension_numbers = #tpu.dot_dimension_numbers<[1], [0], [0], [1], [0, 0, 1, 1], [], []>, transpose_lhs_hint = false} : vector<128x128xf32>, vector<128x512xf32>, vector<128x512xf32> -> vector<128x512xf32>
    %add3A_2785 = arith.addf %dot_general3A_2782, %dot_general3A_2784 : vector<128x512xf32>
    %slice3A_2786 = vector.extract_strided_slice %add3A_2785 {offsets = [0, 0], sizes = [128, 128], strides = [1, 1]} : vector<128x512xf32> to vector<128x128xf32>
    %mul3A_2787 = arith.constant 5.000000e-01 : f32
    %mul3A_2788 = vector.broadcast %mul3A_2787 : f32 to vector<128x128xf32>
    %mul3A_2789 = arith.mulf %mul3A_2788, %slice3A_2786 : vector<128x128xf32>
    %tanh3A_2790 = math.tanh %mul3A_2789 : vector<128x128xf32>
    %mul3A_2791 = arith.constant 5.000000e-01 : f32
    %mul3A_2792 = vector.broadcast %mul3A_2791 : f32 to vector<128x128xf32>
    %mul3A_2793 = arith.mulf %mul3A_2792, %tanh3A_2790 : vector<128x128xf32>
    %add3A_2794 = arith.constant 5.000000e-01 : f32
    %add3A_2795 = vector.broadcast %add3A_2794 : f32 to vector<128x128xf32>
    %add3A_2796 = arith.addf %add3A_2795, %mul3A_2793 : vector<128x128xf32>
    %slice3A_2797 = vector.extract_strided_slice %add3A_2785 {offsets = [0, 128], sizes = [128, 128], strides = [1, 1]} : vector<128x512xf32> to vector<128x128xf32>
    %mul3A_2798 = arith.constant 5.000000e-01 : f32
    %mul3A_2799 = vector.broadcast %mul3A_2798 : f32 to vector<128x128xf32>
    %mul3A_2800 = arith.mulf %mul3A_2799, %slice3A_2797 : vector<128x128xf32>
    %tanh3A_2801 = math.tanh %mul3A_2800 : vector<128x128xf32>
    %mul3A_2802 = arith.constant 5.000000e-01 : f32
    %mul3A_2803 = vector.broadcast %mul3A_2802 : f32 to vector<128x128xf32>
    %mul3A_2804 = arith.mulf %mul3A_2803, %tanh3A_2801 : vector<128x128xf32>
    %add3A_2805 = arith.constant 5.000000e-01 : f32
    %add3A_2806 = vector.broadcast %add3A_2805 : f32 to vector<128x128xf32>
    %add3A_2807 = arith.addf %add3A_2806, %mul3A_2804 : vector<128x128xf32>
    %slice3A_2808 = vector.extract_strided_slice %add3A_2785 {offsets = [0, 256], sizes = [128, 128], strides = [1, 1]} : vector<128x512xf32> to vector<128x128xf32>
    %tanh3A_2809 = math.tanh %slice3A_2808 : vector<128x128xf32>
    %slice3A_2810 = vector.extract_strided_slice %add3A_2785 {offsets = [0, 384], sizes = [128, 128], strides = [1, 1]} : vector<128x512xf32> to vector<128x128xf32>
    %mul3A_2811 = arith.constant 5.000000e-01 : f32
    %mul3A_2812 = vector.broadcast %mul3A_2811 : f32 to vector<128x128xf32>
    %mul3A_2813 = arith.mulf %mul3A_2812, %slice3A_2810 : vector<128x128xf32>
    %tanh3A_2814 = math.tanh %mul3A_2813 : vector<128x128xf32>
    %mul3A_2815 = arith.constant 5.000000e-01 : f32
    %mul3A_2816 = vector.broadcast %mul3A_2815 : f32 to vector<128x128xf32>
    %mul3A_2817 = arith.mulf %mul3A_2816, %tanh3A_2814 : vector<128x128xf32>
    %add3A_2818 = arith.constant 5.000000e-01 : f32
    %add3A_2819 = vector.broadcast %add3A_2818 : f32 to vector<128x128xf32>
    %add3A_2820 = arith.addf %add3A_2819, %mul3A_2817 : vector<128x128xf32>
    %mul3A_2821 = arith.mulf %add3A_2807, %select_n3A_2573 : vector<128x128xf32>
    %mul3A_2822 = arith.mulf %add3A_2796, %tanh3A_2809 : vector<128x128xf32>
    %add3A_2823 = arith.addf %mul3A_2821, %mul3A_2822 : vector<128x128xf32>
    %tanh3A_2824 = math.tanh %add3A_2823 : vector<128x128xf32>
    %mul3A_2825 = arith.mulf %add3A_2820, %tanh3A_2824 : vector<128x128xf32>
    %broadcast_in_dim3A_2826 = vector.shape_cast %gt3A_2772 : vector<128x1xi1> to vector<128x1xi1>
    %broadcast_in_dim3A_2827 = vector.broadcast %broadcast_in_dim3A_2826 : vector<128x1xi1> to vector<128x128xi1>
    %select_n3A_2828 = arith.select %broadcast_in_dim3A_2827, %mul3A_2825, %select_n3A_2570 : vector<128x128xi1>, vector<128x128xf32>
    %broadcast_in_dim3A_2829 = vector.shape_cast %gt3A_2772 : vector<128x1xi1> to vector<128x1xi1>
    %broadcast_in_dim3A_2830 = vector.broadcast %broadcast_in_dim3A_2829 : vector<128x1xi1> to vector<128x128xi1>
    %select_n3A_2831 = arith.select %broadcast_in_dim3A_2830, %add3A_2823, %select_n3A_2573 : vector<128x128xi1>, vector<128x128xf32>
    %get3A_2832 = arith.constant 16 : index
    %get3A_2833 = arith.constant 0 : index
    %get3A_2834 = arith.constant 0 : index
    %get3A_2835 = vector.load %arg1[%get3A_2832, %get3A_2833, %get3A_2834] : memref<42x128x128xf32, #tpu.memory_space<vmem>>, vector<1x128x128xf32>
    %get3A_2836 = vector.shape_cast %get3A_2835 : vector<1x128x128xf32> to vector<128x128xf32>
    %dot_general3A_2837 = arith.constant dense<0.000000e+00> : vector<128x512xf32>
    %dot_general3A_2838 = tpu.matmul %get3A_2836, %concatenate3A_35, %dot_general3A_2837 {dimension_numbers = #tpu.dot_dimension_numbers<[1], [0], [0], [1], [0, 0, 1, 1], [], []>, transpose_lhs_hint = false} : vector<128x128xf32>, vector<128x512xf32>, vector<128x512xf32> -> vector<128x512xf32>
    %dot_general3A_2839 = arith.constant dense<0.000000e+00> : vector<128x512xf32>
    %dot_general3A_2840 = tpu.matmul %select_n3A_2626, %transpose3A_68, %dot_general3A_2839 {dimension_numbers = #tpu.dot_dimension_numbers<[1], [0], [0], [1], [0, 0, 1, 1], [], []>, transpose_lhs_hint = false} : vector<128x128xf32>, vector<128x512xf32>, vector<128x512xf32> -> vector<128x512xf32>
    %add3A_2841 = arith.addf %dot_general3A_2838, %dot_general3A_2840 : vector<128x512xf32>
    %slice3A_2842 = vector.extract_strided_slice %add3A_2841 {offsets = [0, 0], sizes = [128, 128], strides = [1, 1]} : vector<128x512xf32> to vector<128x128xf32>
    %mul3A_2843 = arith.constant 5.000000e-01 : f32
    %mul3A_2844 = vector.broadcast %mul3A_2843 : f32 to vector<128x128xf32>
    %mul3A_2845 = arith.mulf %mul3A_2844, %slice3A_2842 : vector<128x128xf32>
    %tanh3A_2846 = math.tanh %mul3A_2845 : vector<128x128xf32>
    %mul3A_2847 = arith.constant 5.000000e-01 : f32
    %mul3A_2848 = vector.broadcast %mul3A_2847 : f32 to vector<128x128xf32>
    %mul3A_2849 = arith.mulf %mul3A_2848, %tanh3A_2846 : vector<128x128xf32>
    %add3A_2850 = arith.constant 5.000000e-01 : f32
    %add3A_2851 = vector.broadcast %add3A_2850 : f32 to vector<128x128xf32>
    %add3A_2852 = arith.addf %add3A_2851, %mul3A_2849 : vector<128x128xf32>
    %slice3A_2853 = vector.extract_strided_slice %add3A_2841 {offsets = [0, 128], sizes = [128, 128], strides = [1, 1]} : vector<128x512xf32> to vector<128x128xf32>
    %mul3A_2854 = arith.constant 5.000000e-01 : f32
    %mul3A_2855 = vector.broadcast %mul3A_2854 : f32 to vector<128x128xf32>
    %mul3A_2856 = arith.mulf %mul3A_2855, %slice3A_2853 : vector<128x128xf32>
    %tanh3A_2857 = math.tanh %mul3A_2856 : vector<128x128xf32>
    %mul3A_2858 = arith.constant 5.000000e-01 : f32
    %mul3A_2859 = vector.broadcast %mul3A_2858 : f32 to vector<128x128xf32>
    %mul3A_2860 = arith.mulf %mul3A_2859, %tanh3A_2857 : vector<128x128xf32>
    %add3A_2861 = arith.constant 5.000000e-01 : f32
    %add3A_2862 = vector.broadcast %add3A_2861 : f32 to vector<128x128xf32>
    %add3A_2863 = arith.addf %add3A_2862, %mul3A_2860 : vector<128x128xf32>
    %slice3A_2864 = vector.extract_strided_slice %add3A_2841 {offsets = [0, 256], sizes = [128, 128], strides = [1, 1]} : vector<128x512xf32> to vector<128x128xf32>
    %tanh3A_2865 = math.tanh %slice3A_2864 : vector<128x128xf32>
    %slice3A_2866 = vector.extract_strided_slice %add3A_2841 {offsets = [0, 384], sizes = [128, 128], strides = [1, 1]} : vector<128x512xf32> to vector<128x128xf32>
    %mul3A_2867 = arith.constant 5.000000e-01 : f32
    %mul3A_2868 = vector.broadcast %mul3A_2867 : f32 to vector<128x128xf32>
    %mul3A_2869 = arith.mulf %mul3A_2868, %slice3A_2866 : vector<128x128xf32>
    %tanh3A_2870 = math.tanh %mul3A_2869 : vector<128x128xf32>
    %mul3A_2871 = arith.constant 5.000000e-01 : f32
    %mul3A_2872 = vector.broadcast %mul3A_2871 : f32 to vector<128x128xf32>
    %mul3A_2873 = arith.mulf %mul3A_2872, %tanh3A_2870 : vector<128x128xf32>
    %add3A_2874 = arith.constant 5.000000e-01 : f32
    %add3A_2875 = vector.broadcast %add3A_2874 : f32 to vector<128x128xf32>
    %add3A_2876 = arith.addf %add3A_2875, %mul3A_2873 : vector<128x128xf32>
    %mul3A_2877 = arith.mulf %add3A_2863, %select_n3A_2629 : vector<128x128xf32>
    %mul3A_2878 = arith.mulf %add3A_2852, %tanh3A_2865 : vector<128x128xf32>
    %add3A_2879 = arith.addf %mul3A_2877, %mul3A_2878 : vector<128x128xf32>
    %tanh3A_2880 = math.tanh %add3A_2879 : vector<128x128xf32>
    %mul3A_2881 = arith.mulf %add3A_2876, %tanh3A_2880 : vector<128x128xf32>
    %broadcast_in_dim3A_2882 = vector.shape_cast %gt3A_2775 : vector<128x1xi1> to vector<128x1xi1>
    %broadcast_in_dim3A_2883 = vector.broadcast %broadcast_in_dim3A_2882 : vector<128x1xi1> to vector<128x128xi1>
    %select_n3A_2884 = arith.select %broadcast_in_dim3A_2883, %mul3A_2881, %select_n3A_2626 : vector<128x128xi1>, vector<128x128xf32>
    %broadcast_in_dim3A_2885 = vector.shape_cast %gt3A_2775 : vector<128x1xi1> to vector<128x1xi1>
    %broadcast_in_dim3A_2886 = vector.broadcast %broadcast_in_dim3A_2885 : vector<128x1xi1> to vector<128x128xi1>
    %select_n3A_2887 = arith.select %broadcast_in_dim3A_2886, %add3A_2879, %select_n3A_2629 : vector<128x128xi1>, vector<128x128xf32>
    %jit3A_2888 = arith.constant 0.000000e+00 : f32
    %broadcast_in_dim3A_2889 = vector.shape_cast %gt3A_2772 : vector<128x1xi1> to vector<128x1xi1>
    %broadcast_in_dim3A_2890 = vector.broadcast %broadcast_in_dim3A_2889 : vector<128x1xi1> to vector<128x128xi1>
    %broadcast_in_dim3A_2891 = vector.broadcast %jit3A_2888 : f32 to vector<128x128xf32>
    %select_n3A_2892 = arith.select %broadcast_in_dim3A_2890, %mul3A_2825, %broadcast_in_dim3A_2891 : vector<128x128xi1>, vector<128x128xf32>
    %swap3A_2893 = arith.constant 0 : index
    %swap3A_2894 = arith.constant 10 : index
    %swap3A_2895 = arith.constant 0 : index
    %swap3A_2896 = vector.load %arg19[%swap3A_2893, %swap3A_2894, %swap3A_2895] : memref<128x27x256xf32, #tpu.memory_space<vmem>>, vector<128x1x128xf32>
    %swap3A_2897 = vector.shape_cast %swap3A_2896 : vector<128x1x128xf32> to vector<128x128xf32>
    %swap3A_2898 = vector.shape_cast %select_n3A_2892 : vector<128x128xf32> to vector<128x1x128xf32>
    tpu.vector_store %arg19[%swap3A_2893, %swap3A_2894, %swap3A_2895], %swap3A_2898 {strides = array<i32>} : memref<128x27x256xf32, #tpu.memory_space<vmem>>, vector<128x1x128xf32>,
    %jit3A_2899 = arith.constant 0.000000e+00 : f32
    %broadcast_in_dim3A_2900 = vector.shape_cast %gt3A_2775 : vector<128x1xi1> to vector<128x1xi1>
    %broadcast_in_dim3A_2901 = vector.broadcast %broadcast_in_dim3A_2900 : vector<128x1xi1> to vector<128x128xi1>
    %broadcast_in_dim3A_2902 = vector.broadcast %jit3A_2899 : f32 to vector<128x128xf32>
    %select_n3A_2903 = arith.select %broadcast_in_dim3A_2901, %mul3A_2881, %broadcast_in_dim3A_2902 : vector<128x128xi1>, vector<128x128xf32>
    %swap3A_2904 = arith.constant 0 : index
    %swap3A_2905 = arith.constant 16 : index
    %swap3A_2906 = arith.constant 128 : index
    %swap3A_2907 = vector.load %arg19[%swap3A_2904, %swap3A_2905, %swap3A_2906] : memref<128x27x256xf32, #tpu.memory_space<vmem>>, vector<128x1x128xf32>
    %swap3A_2908 = vector.shape_cast %swap3A_2907 : vector<128x1x128xf32> to vector<128x128xf32>
    %swap3A_2909 = vector.shape_cast %select_n3A_2903 : vector<128x128xf32> to vector<128x1x128xf32>
    tpu.vector_store %arg19[%swap3A_2904, %swap3A_2905, %swap3A_2906], %swap3A_2909 {strides = array<i32>} : memref<128x27x256xf32, #tpu.memory_space<vmem>>, vector<128x1x128xf32>,
    %get3A_2910 = arith.constant 38 : index
    %get3A_2911 = arith.constant 0 : index
    %get3A_2912 = arith.constant 0 : index
    %get3A_2913 = vector.load %arg1[%get3A_2910, %get3A_2911, %get3A_2912] : memref<42x128x128xf32, #tpu.memory_space<vmem>>, vector<1x128x128xf32>
    %get3A_2914 = vector.shape_cast %get3A_2913 : vector<1x128x128xf32> to vector<128x128xf32>
    %gt3A_2915 = arith.constant 11 : i32
    %gt3A_2916 = vector.broadcast %gt3A_2915 : i32 to vector<128x1xi32>
    %gt3A_2917 = arith.cmpi sgt, %broadcast_in_dim3A_45, %gt3A_2916 : vector<128x1xi32>
    %dot_general3A_2918 = arith.constant dense<0.000000e+00> : vector<128x512xf32>
    %dot_general3A_2919 = tpu.matmul %get3A_2914, %concatenate3A, %dot_general3A_2918 {dimension_numbers = #tpu.dot_dimension_numbers<[1], [0], [0], [1], [0, 0, 1, 1], [], []>, transpose_lhs_hint = false} : vector<128x128xf32>, vector<128x512xf32>, vector<128x512xf32> -> vector<128x512xf32>
    %dot_general3A_2920 = arith.constant dense<0.000000e+00> : vector<128x512xf32>
    %dot_general3A_2921 = tpu.matmul %select_n3A_2707, %transpose3A_56, %dot_general3A_2920 {dimension_numbers = #tpu.dot_dimension_numbers<[1], [0], [0], [1], [0, 0, 1, 1], [], []>, transpose_lhs_hint = false} : vector<128x128xf32>, vector<128x512xf32>, vector<128x512xf32> -> vector<128x512xf32>
    %add3A_2922 = arith.addf %dot_general3A_2919, %dot_general3A_2921 : vector<128x512xf32>
    %slice3A_2923 = vector.extract_strided_slice %add3A_2922 {offsets = [0, 0], sizes = [128, 128], strides = [1, 1]} : vector<128x512xf32> to vector<128x128xf32>
    %mul3A_2924 = arith.constant 5.000000e-01 : f32
    %mul3A_2925 = vector.broadcast %mul3A_2924 : f32 to vector<128x128xf32>
    %mul3A_2926 = arith.mulf %mul3A_2925, %slice3A_2923 : vector<128x128xf32>
    %tanh3A_2927 = math.tanh %mul3A_2926 : vector<128x128xf32>
    %mul3A_2928 = arith.constant 5.000000e-01 : f32
    %mul3A_2929 = vector.broadcast %mul3A_2928 : f32 to vector<128x128xf32>
    %mul3A_2930 = arith.mulf %mul3A_2929, %tanh3A_2927 : vector<128x128xf32>
    %add3A_2931 = arith.constant 5.000000e-01 : f32
    %add3A_2932 = vector.broadcast %add3A_2931 : f32 to vector<128x128xf32>
    %add3A_2933 = arith.addf %add3A_2932, %mul3A_2930 : vector<128x128xf32>
    %slice3A_2934 = vector.extract_strided_slice %add3A_2922 {offsets = [0, 128], sizes = [128, 128], strides = [1, 1]} : vector<128x512xf32> to vector<128x128xf32>
    %mul3A_2935 = arith.constant 5.000000e-01 : f32
    %mul3A_2936 = vector.broadcast %mul3A_2935 : f32 to vector<128x128xf32>
    %mul3A_2937 = arith.mulf %mul3A_2936, %slice3A_2934 : vector<128x128xf32>
    %tanh3A_2938 = math.tanh %mul3A_2937 : vector<128x128xf32>
    %mul3A_2939 = arith.constant 5.000000e-01 : f32
    %mul3A_2940 = vector.broadcast %mul3A_2939 : f32 to vector<128x128xf32>
    %mul3A_2941 = arith.mulf %mul3A_2940, %tanh3A_2938 : vector<128x128xf32>
    %add3A_2942 = arith.constant 5.000000e-01 : f32
    %add3A_2943 = vector.broadcast %add3A_2942 : f32 to vector<128x128xf32>
    %add3A_2944 = arith.addf %add3A_2943, %mul3A_2941 : vector<128x128xf32>
    %slice3A_2945 = vector.extract_strided_slice %add3A_2922 {offsets = [0, 256], sizes = [128, 128], strides = [1, 1]} : vector<128x512xf32> to vector<128x128xf32>
    %tanh3A_2946 = math.tanh %slice3A_2945 : vector<128x128xf32>
    %slice3A_2947 = vector.extract_strided_slice %add3A_2922 {offsets = [0, 384], sizes = [128, 128], strides = [1, 1]} : vector<128x512xf32> to vector<128x128xf32>
    %mul3A_2948 = arith.constant 5.000000e-01 : f32
    %mul3A_2949 = vector.broadcast %mul3A_2948 : f32 to vector<128x128xf32>
    %mul3A_2950 = arith.mulf %mul3A_2949, %slice3A_2947 : vector<128x128xf32>
    %tanh3A_2951 = math.tanh %mul3A_2950 : vector<128x128xf32>
    %mul3A_2952 = arith.constant 5.000000e-01 : f32
    %mul3A_2953 = vector.broadcast %mul3A_2952 : f32 to vector<128x128xf32>
    %mul3A_2954 = arith.mulf %mul3A_2953, %tanh3A_2951 : vector<128x128xf32>
    %add3A_2955 = arith.constant 5.000000e-01 : f32
    %add3A_2956 = vector.broadcast %add3A_2955 : f32 to vector<128x128xf32>
    %add3A_2957 = arith.addf %add3A_2956, %mul3A_2954 : vector<128x128xf32>
    %mul3A_2958 = arith.mulf %add3A_2944, %select_n3A_2710 : vector<128x128xf32>
    %mul3A_2959 = arith.mulf %add3A_2933, %tanh3A_2946 : vector<128x128xf32>
    %add3A_2960 = arith.addf %mul3A_2958, %mul3A_2959 : vector<128x128xf32>
    %tanh3A_2961 = math.tanh %add3A_2960 : vector<128x128xf32>
    %mul3A_2962 = arith.mulf %add3A_2957, %tanh3A_2961 : vector<128x128xf32>
    %broadcast_in_dim3A_2963 = vector.shape_cast %gt3A_2917 : vector<128x1xi1> to vector<128x1xi1>
    %broadcast_in_dim3A_2964 = vector.broadcast %broadcast_in_dim3A_2963 : vector<128x1xi1> to vector<128x128xi1>
    %select_n3A_2965 = arith.select %broadcast_in_dim3A_2964, %mul3A_2962, %select_n3A_2707 : vector<128x128xi1>, vector<128x128xf32>
    %broadcast_in_dim3A_2966 = vector.shape_cast %gt3A_2917 : vector<128x1xi1> to vector<128x1xi1>
    %broadcast_in_dim3A_2967 = vector.broadcast %broadcast_in_dim3A_2966 : vector<128x1xi1> to vector<128x128xi1>
    %select_n3A_2968 = arith.select %broadcast_in_dim3A_2967, %add3A_2960, %select_n3A_2710 : vector<128x128xi1>, vector<128x128xf32>
    %get3A_2969 = arith.constant 30 : index
    %get3A_2970 = arith.constant 0 : index
    %get3A_2971 = arith.constant 0 : index
    %get3A_2972 = vector.load %arg1[%get3A_2969, %get3A_2970, %get3A_2971] : memref<42x128x128xf32, #tpu.memory_space<vmem>>, vector<1x128x128xf32>
    %get3A_2973 = vector.shape_cast %get3A_2972 : vector<1x128x128xf32> to vector<128x128xf32>
    %gt3A_2974 = arith.constant 3 : i32
    %gt3A_2975 = vector.broadcast %gt3A_2974 : i32 to vector<128x1xi32>
    %gt3A_2976 = arith.cmpi sgt, %broadcast_in_dim3A_45, %gt3A_2975 : vector<128x1xi32>
    %dot_general3A_2977 = arith.constant dense<0.000000e+00> : vector<128x512xf32>
    %dot_general3A_2978 = tpu.matmul %get3A_2973, %concatenate3A_15, %dot_general3A_2977 {dimension_numbers = #tpu.dot_dimension_numbers<[1], [0], [0], [1], [0, 0, 1, 1], [], []>, transpose_lhs_hint = false} : vector<128x128xf32>, vector<128x512xf32>, vector<128x512xf32> -> vector<128x512xf32>
    %dot_general3A_2979 = arith.constant dense<0.000000e+00> : vector<128x512xf32>
    %dot_general3A_2980 = tpu.matmul %select_n3A_2766, %transpose3A_60, %dot_general3A_2979 {dimension_numbers = #tpu.dot_dimension_numbers<[1], [0], [0], [1], [0, 0, 1, 1], [], []>, transpose_lhs_hint = false} : vector<128x128xf32>, vector<128x512xf32>, vector<128x512xf32> -> vector<128x512xf32>
    %add3A_2981 = arith.addf %dot_general3A_2978, %dot_general3A_2980 : vector<128x512xf32>
    %slice3A_2982 = vector.extract_strided_slice %add3A_2981 {offsets = [0, 0], sizes = [128, 128], strides = [1, 1]} : vector<128x512xf32> to vector<128x128xf32>
    %mul3A_2983 = arith.constant 5.000000e-01 : f32
    %mul3A_2984 = vector.broadcast %mul3A_2983 : f32 to vector<128x128xf32>
    %mul3A_2985 = arith.mulf %mul3A_2984, %slice3A_2982 : vector<128x128xf32>
    %tanh3A_2986 = math.tanh %mul3A_2985 : vector<128x128xf32>
    %mul3A_2987 = arith.constant 5.000000e-01 : f32
    %mul3A_2988 = vector.broadcast %mul3A_2987 : f32 to vector<128x128xf32>
    %mul3A_2989 = arith.mulf %mul3A_2988, %tanh3A_2986 : vector<128x128xf32>
    %add3A_2990 = arith.constant 5.000000e-01 : f32
    %add3A_2991 = vector.broadcast %add3A_2990 : f32 to vector<128x128xf32>
    %add3A_2992 = arith.addf %add3A_2991, %mul3A_2989 : vector<128x128xf32>
    %slice3A_2993 = vector.extract_strided_slice %add3A_2981 {offsets = [0, 128], sizes = [128, 128], strides = [1, 1]} : vector<128x512xf32> to vector<128x128xf32>
    %mul3A_2994 = arith.constant 5.000000e-01 : f32
    %mul3A_2995 = vector.broadcast %mul3A_2994 : f32 to vector<128x128xf32>
    %mul3A_2996 = arith.mulf %mul3A_2995, %slice3A_2993 : vector<128x128xf32>
    %tanh3A_2997 = math.tanh %mul3A_2996 : vector<128x128xf32>
    %mul3A_2998 = arith.constant 5.000000e-01 : f32
    %mul3A_2999 = vector.broadcast %mul3A_2998 : f32 to vector<128x128xf32>
    %mul3A_3000 = arith.mulf %mul3A_2999, %tanh3A_2997 : vector<128x128xf32>
    %add3A_3001 = arith.constant 5.000000e-01 : f32
    %add3A_3002 = vector.broadcast %add3A_3001 : f32 to vector<128x128xf32>
    %add3A_3003 = arith.addf %add3A_3002, %mul3A_3000 : vector<128x128xf32>
    %slice3A_3004 = vector.extract_strided_slice %add3A_2981 {offsets = [0, 256], sizes = [128, 128], strides = [1, 1]} : vector<128x512xf32> to vector<128x128xf32>
    %tanh3A_3005 = math.tanh %slice3A_3004 : vector<128x128xf32>
    %slice3A_3006 = vector.extract_strided_slice %add3A_2981 {offsets = [0, 384], sizes = [128, 128], strides = [1, 1]} : vector<128x512xf32> to vector<128x128xf32>
    %mul3A_3007 = arith.constant 5.000000e-01 : f32
    %mul3A_3008 = vector.broadcast %mul3A_3007 : f32 to vector<128x128xf32>
    %mul3A_3009 = arith.mulf %mul3A_3008, %slice3A_3006 : vector<128x128xf32>
    %tanh3A_3010 = math.tanh %mul3A_3009 : vector<128x128xf32>
    %mul3A_3011 = arith.constant 5.000000e-01 : f32
    %mul3A_3012 = vector.broadcast %mul3A_3011 : f32 to vector<128x128xf32>
    %mul3A_3013 = arith.mulf %mul3A_3012, %tanh3A_3010 : vector<128x128xf32>
    %add3A_3014 = arith.constant 5.000000e-01 : f32
    %add3A_3015 = vector.broadcast %add3A_3014 : f32 to vector<128x128xf32>
    %add3A_3016 = arith.addf %add3A_3015, %mul3A_3013 : vector<128x128xf32>
    %mul3A_3017 = arith.mulf %add3A_3003, %select_n3A_2769 : vector<128x128xf32>
    %mul3A_3018 = arith.mulf %add3A_2992, %tanh3A_3005 : vector<128x128xf32>
    %add3A_3019 = arith.addf %mul3A_3017, %mul3A_3018 : vector<128x128xf32>
    %tanh3A_3020 = math.tanh %add3A_3019 : vector<128x128xf32>
    %mul3A_3021 = arith.mulf %add3A_3016, %tanh3A_3020 : vector<128x128xf32>
    %broadcast_in_dim3A_3022 = vector.shape_cast %gt3A_2976 : vector<128x1xi1> to vector<128x1xi1>
    %broadcast_in_dim3A_3023 = vector.broadcast %broadcast_in_dim3A_3022 : vector<128x1xi1> to vector<128x128xi1>
    %select_n3A_3024 = arith.select %broadcast_in_dim3A_3023, %mul3A_3021, %select_n3A_2766 : vector<128x128xi1>, vector<128x128xf32>
    %broadcast_in_dim3A_3025 = vector.shape_cast %gt3A_2976 : vector<128x1xi1> to vector<128x1xi1>
    %broadcast_in_dim3A_3026 = vector.broadcast %broadcast_in_dim3A_3025 : vector<128x1xi1> to vector<128x128xi1>
    %select_n3A_3027 = arith.select %broadcast_in_dim3A_3026, %add3A_3019, %select_n3A_2769 : vector<128x128xi1>, vector<128x128xf32>
    %gt3A_3028 = arith.constant 11 : i32
    %gt3A_3029 = vector.broadcast %gt3A_3028 : i32 to vector<128x1xi32>
    %gt3A_3030 = arith.cmpi sgt, %broadcast_in_dim3A_52, %gt3A_3029 : vector<128x1xi32>
    %gt3A_3031 = arith.constant 15 : i32
    %gt3A_3032 = vector.broadcast %gt3A_3031 : i32 to vector<128x1xi32>
    %gt3A_3033 = arith.cmpi sgt, %broadcast_in_dim3A_52, %gt3A_3032 : vector<128x1xi32>
    %get3A_3034 = arith.constant 11 : index
    %get3A_3035 = arith.constant 0 : index
    %get3A_3036 = arith.constant 0 : index
    %get3A_3037 = vector.load %arg1[%get3A_3034, %get3A_3035, %get3A_3036] : memref<42x128x128xf32, #tpu.memory_space<vmem>>, vector<1x128x128xf32>
    %get3A_3038 = vector.shape_cast %get3A_3037 : vector<1x128x128xf32> to vector<128x128xf32>
    %dot_general3A_3039 = arith.constant dense<0.000000e+00> : vector<128x512xf32>
    %dot_general3A_3040 = tpu.matmul %get3A_3038, %concatenate3A_25, %dot_general3A_3039 {dimension_numbers = #tpu.dot_dimension_numbers<[1], [0], [0], [1], [0, 0, 1, 1], [], []>, transpose_lhs_hint = false} : vector<128x128xf32>, vector<128x512xf32>, vector<128x512xf32> -> vector<128x512xf32>
    %dot_general3A_3041 = arith.constant dense<0.000000e+00> : vector<128x512xf32>
    %dot_general3A_3042 = tpu.matmul %select_n3A_2828, %transpose3A_64, %dot_general3A_3041 {dimension_numbers = #tpu.dot_dimension_numbers<[1], [0], [0], [1], [0, 0, 1, 1], [], []>, transpose_lhs_hint = false} : vector<128x128xf32>, vector<128x512xf32>, vector<128x512xf32> -> vector<128x512xf32>
    %add3A_3043 = arith.addf %dot_general3A_3040, %dot_general3A_3042 : vector<128x512xf32>
    %slice3A_3044 = vector.extract_strided_slice %add3A_3043 {offsets = [0, 0], sizes = [128, 128], strides = [1, 1]} : vector<128x512xf32> to vector<128x128xf32>
    %mul3A_3045 = arith.constant 5.000000e-01 : f32
    %mul3A_3046 = vector.broadcast %mul3A_3045 : f32 to vector<128x128xf32>
    %mul3A_3047 = arith.mulf %mul3A_3046, %slice3A_3044 : vector<128x128xf32>
    %tanh3A_3048 = math.tanh %mul3A_3047 : vector<128x128xf32>
    %mul3A_3049 = arith.constant 5.000000e-01 : f32
    %mul3A_3050 = vector.broadcast %mul3A_3049 : f32 to vector<128x128xf32>
    %mul3A_3051 = arith.mulf %mul3A_3050, %tanh3A_3048 : vector<128x128xf32>
    %add3A_3052 = arith.constant 5.000000e-01 : f32
    %add3A_3053 = vector.broadcast %add3A_3052 : f32 to vector<128x128xf32>
    %add3A_3054 = arith.addf %add3A_3053, %mul3A_3051 : vector<128x128xf32>
    %slice3A_3055 = vector.extract_strided_slice %add3A_3043 {offsets = [0, 128], sizes = [128, 128], strides = [1, 1]} : vector<128x512xf32> to vector<128x128xf32>
    %mul3A_3056 = arith.constant 5.000000e-01 : f32
    %mul3A_3057 = vector.broadcast %mul3A_3056 : f32 to vector<128x128xf32>
    %mul3A_3058 = arith.mulf %mul3A_3057, %slice3A_3055 : vector<128x128xf32>
    %tanh3A_3059 = math.tanh %mul3A_3058 : vector<128x128xf32>
    %mul3A_3060 = arith.constant 5.000000e-01 : f32
    %mul3A_3061 = vector.broadcast %mul3A_3060 : f32 to vector<128x128xf32>
    %mul3A_3062 = arith.mulf %mul3A_3061, %tanh3A_3059 : vector<128x128xf32>
    %add3A_3063 = arith.constant 5.000000e-01 : f32
    %add3A_3064 = vector.broadcast %add3A_3063 : f32 to vector<128x128xf32>
    %add3A_3065 = arith.addf %add3A_3064, %mul3A_3062 : vector<128x128xf32>
    %slice3A_3066 = vector.extract_strided_slice %add3A_3043 {offsets = [0, 256], sizes = [128, 128], strides = [1, 1]} : vector<128x512xf32> to vector<128x128xf32>
    %tanh3A_3067 = math.tanh %slice3A_3066 : vector<128x128xf32>
    %slice3A_3068 = vector.extract_strided_slice %add3A_3043 {offsets = [0, 384], sizes = [128, 128], strides = [1, 1]} : vector<128x512xf32> to vector<128x128xf32>
    %mul3A_3069 = arith.constant 5.000000e-01 : f32
    %mul3A_3070 = vector.broadcast %mul3A_3069 : f32 to vector<128x128xf32>
    %mul3A_3071 = arith.mulf %mul3A_3070, %slice3A_3068 : vector<128x128xf32>
    %tanh3A_3072 = math.tanh %mul3A_3071 : vector<128x128xf32>
    %mul3A_3073 = arith.constant 5.000000e-01 : f32
    %mul3A_3074 = vector.broadcast %mul3A_3073 : f32 to vector<128x128xf32>
    %mul3A_3075 = arith.mulf %mul3A_3074, %tanh3A_3072 : vector<128x128xf32>
    %add3A_3076 = arith.constant 5.000000e-01 : f32
    %add3A_3077 = vector.broadcast %add3A_3076 : f32 to vector<128x128xf32>
    %add3A_3078 = arith.addf %add3A_3077, %mul3A_3075 : vector<128x128xf32>
    %mul3A_3079 = arith.mulf %add3A_3065, %select_n3A_2831 : vector<128x128xf32>
    %mul3A_3080 = arith.mulf %add3A_3054, %tanh3A_3067 : vector<128x128xf32>
    %add3A_3081 = arith.addf %mul3A_3079, %mul3A_3080 : vector<128x128xf32>
    %tanh3A_3082 = math.tanh %add3A_3081 : vector<128x128xf32>
    %mul3A_3083 = arith.mulf %add3A_3078, %tanh3A_3082 : vector<128x128xf32>
    %broadcast_in_dim3A_3084 = vector.shape_cast %gt3A_3030 : vector<128x1xi1> to vector<128x1xi1>
    %broadcast_in_dim3A_3085 = vector.broadcast %broadcast_in_dim3A_3084 : vector<128x1xi1> to vector<128x128xi1>
    %select_n3A_3086 = arith.select %broadcast_in_dim3A_3085, %mul3A_3083, %select_n3A_2828 : vector<128x128xi1>, vector<128x128xf32>
    %broadcast_in_dim3A_3087 = vector.shape_cast %gt3A_3030 : vector<128x1xi1> to vector<128x1xi1>
    %broadcast_in_dim3A_3088 = vector.broadcast %broadcast_in_dim3A_3087 : vector<128x1xi1> to vector<128x128xi1>
    %select_n3A_3089 = arith.select %broadcast_in_dim3A_3088, %add3A_3081, %select_n3A_2831 : vector<128x128xi1>, vector<128x128xf32>
    %get3A_3090 = arith.constant 15 : index
    %get3A_3091 = arith.constant 0 : index
    %get3A_3092 = arith.constant 0 : index
    %get3A_3093 = vector.load %arg1[%get3A_3090, %get3A_3091, %get3A_3092] : memref<42x128x128xf32, #tpu.memory_space<vmem>>, vector<1x128x128xf32>
    %get3A_3094 = vector.shape_cast %get3A_3093 : vector<1x128x128xf32> to vector<128x128xf32>
    %dot_general3A_3095 = arith.constant dense<0.000000e+00> : vector<128x512xf32>
    %dot_general3A_3096 = tpu.matmul %get3A_3094, %concatenate3A_35, %dot_general3A_3095 {dimension_numbers = #tpu.dot_dimension_numbers<[1], [0], [0], [1], [0, 0, 1, 1], [], []>, transpose_lhs_hint = false} : vector<128x128xf32>, vector<128x512xf32>, vector<128x512xf32> -> vector<128x512xf32>
    %dot_general3A_3097 = arith.constant dense<0.000000e+00> : vector<128x512xf32>
    %dot_general3A_3098 = tpu.matmul %select_n3A_2884, %transpose3A_68, %dot_general3A_3097 {dimension_numbers = #tpu.dot_dimension_numbers<[1], [0], [0], [1], [0, 0, 1, 1], [], []>, transpose_lhs_hint = false} : vector<128x128xf32>, vector<128x512xf32>, vector<128x512xf32> -> vector<128x512xf32>
    %add3A_3099 = arith.addf %dot_general3A_3096, %dot_general3A_3098 : vector<128x512xf32>
    %slice3A_3100 = vector.extract_strided_slice %add3A_3099 {offsets = [0, 0], sizes = [128, 128], strides = [1, 1]} : vector<128x512xf32> to vector<128x128xf32>
    %mul3A_3101 = arith.constant 5.000000e-01 : f32
    %mul3A_3102 = vector.broadcast %mul3A_3101 : f32 to vector<128x128xf32>
    %mul3A_3103 = arith.mulf %mul3A_3102, %slice3A_3100 : vector<128x128xf32>
    %tanh3A_3104 = math.tanh %mul3A_3103 : vector<128x128xf32>
    %mul3A_3105 = arith.constant 5.000000e-01 : f32
    %mul3A_3106 = vector.broadcast %mul3A_3105 : f32 to vector<128x128xf32>
    %mul3A_3107 = arith.mulf %mul3A_3106, %tanh3A_3104 : vector<128x128xf32>
    %add3A_3108 = arith.constant 5.000000e-01 : f32
    %add3A_3109 = vector.broadcast %add3A_3108 : f32 to vector<128x128xf32>
    %add3A_3110 = arith.addf %add3A_3109, %mul3A_3107 : vector<128x128xf32>
    %slice3A_3111 = vector.extract_strided_slice %add3A_3099 {offsets = [0, 128], sizes = [128, 128], strides = [1, 1]} : vector<128x512xf32> to vector<128x128xf32>
    %mul3A_3112 = arith.constant 5.000000e-01 : f32
    %mul3A_3113 = vector.broadcast %mul3A_3112 : f32 to vector<128x128xf32>
    %mul3A_3114 = arith.mulf %mul3A_3113, %slice3A_3111 : vector<128x128xf32>
    %tanh3A_3115 = math.tanh %mul3A_3114 : vector<128x128xf32>
    %mul3A_3116 = arith.constant 5.000000e-01 : f32
    %mul3A_3117 = vector.broadcast %mul3A_3116 : f32 to vector<128x128xf32>
    %mul3A_3118 = arith.mulf %mul3A_3117, %tanh3A_3115 : vector<128x128xf32>
    %add3A_3119 = arith.constant 5.000000e-01 : f32
    %add3A_3120 = vector.broadcast %add3A_3119 : f32 to vector<128x128xf32>
    %add3A_3121 = arith.addf %add3A_3120, %mul3A_3118 : vector<128x128xf32>
    %slice3A_3122 = vector.extract_strided_slice %add3A_3099 {offsets = [0, 256], sizes = [128, 128], strides = [1, 1]} : vector<128x512xf32> to vector<128x128xf32>
    %tanh3A_3123 = math.tanh %slice3A_3122 : vector<128x128xf32>
    %slice3A_3124 = vector.extract_strided_slice %add3A_3099 {offsets = [0, 384], sizes = [128, 128], strides = [1, 1]} : vector<128x512xf32> to vector<128x128xf32>
    %mul3A_3125 = arith.constant 5.000000e-01 : f32
    %mul3A_3126 = vector.broadcast %mul3A_3125 : f32 to vector<128x128xf32>
    %mul3A_3127 = arith.mulf %mul3A_3126, %slice3A_3124 : vector<128x128xf32>
    %tanh3A_3128 = math.tanh %mul3A_3127 : vector<128x128xf32>
    %mul3A_3129 = arith.constant 5.000000e-01 : f32
    %mul3A_3130 = vector.broadcast %mul3A_3129 : f32 to vector<128x128xf32>
    %mul3A_3131 = arith.mulf %mul3A_3130, %tanh3A_3128 : vector<128x128xf32>
    %add3A_3132 = arith.constant 5.000000e-01 : f32
    %add3A_3133 = vector.broadcast %add3A_3132 : f32 to vector<128x128xf32>
    %add3A_3134 = arith.addf %add3A_3133, %mul3A_3131 : vector<128x128xf32>
    %mul3A_3135 = arith.mulf %add3A_3121, %select_n3A_2887 : vector<128x128xf32>
    %mul3A_3136 = arith.mulf %add3A_3110, %tanh3A_3123 : vector<128x128xf32>
    %add3A_3137 = arith.addf %mul3A_3135, %mul3A_3136 : vector<128x128xf32>
    %tanh3A_3138 = math.tanh %add3A_3137 : vector<128x128xf32>
    %mul3A_3139 = arith.mulf %add3A_3134, %tanh3A_3138 : vector<128x128xf32>
    %broadcast_in_dim3A_3140 = vector.shape_cast %gt3A_3033 : vector<128x1xi1> to vector<128x1xi1>
    %broadcast_in_dim3A_3141 = vector.broadcast %broadcast_in_dim3A_3140 : vector<128x1xi1> to vector<128x128xi1>
    %select_n3A_3142 = arith.select %broadcast_in_dim3A_3141, %mul3A_3139, %select_n3A_2884 : vector<128x128xi1>, vector<128x128xf32>
    %broadcast_in_dim3A_3143 = vector.shape_cast %gt3A_3033 : vector<128x1xi1> to vector<128x1xi1>
    %broadcast_in_dim3A_3144 = vector.broadcast %broadcast_in_dim3A_3143 : vector<128x1xi1> to vector<128x128xi1>
    %select_n3A_3145 = arith.select %broadcast_in_dim3A_3144, %add3A_3137, %select_n3A_2887 : vector<128x128xi1>, vector<128x128xf32>
    %jit3A_3146 = arith.constant 0.000000e+00 : f32
    %broadcast_in_dim3A_3147 = vector.shape_cast %gt3A_3030 : vector<128x1xi1> to vector<128x1xi1>
    %broadcast_in_dim3A_3148 = vector.broadcast %broadcast_in_dim3A_3147 : vector<128x1xi1> to vector<128x128xi1>
    %broadcast_in_dim3A_3149 = vector.broadcast %jit3A_3146 : f32 to vector<128x128xf32>
    %select_n3A_3150 = arith.select %broadcast_in_dim3A_3148, %mul3A_3083, %broadcast_in_dim3A_3149 : vector<128x128xi1>, vector<128x128xf32>
    %swap3A_3151 = arith.constant 0 : index
    %swap3A_3152 = arith.constant 11 : index
    %swap3A_3153 = arith.constant 0 : index
    %swap3A_3154 = vector.load %arg19[%swap3A_3151, %swap3A_3152, %swap3A_3153] : memref<128x27x256xf32, #tpu.memory_space<vmem>>, vector<128x1x128xf32>
    %swap3A_3155 = vector.shape_cast %swap3A_3154 : vector<128x1x128xf32> to vector<128x128xf32>
    %swap3A_3156 = vector.shape_cast %select_n3A_3150 : vector<128x128xf32> to vector<128x1x128xf32>
    tpu.vector_store %arg19[%swap3A_3151, %swap3A_3152, %swap3A_3153], %swap3A_3156 {strides = array<i32>} : memref<128x27x256xf32, #tpu.memory_space<vmem>>, vector<128x1x128xf32>,
    %jit3A_3157 = arith.constant 0.000000e+00 : f32
    %broadcast_in_dim3A_3158 = vector.shape_cast %gt3A_3033 : vector<128x1xi1> to vector<128x1xi1>
    %broadcast_in_dim3A_3159 = vector.broadcast %broadcast_in_dim3A_3158 : vector<128x1xi1> to vector<128x128xi1>
    %broadcast_in_dim3A_3160 = vector.broadcast %jit3A_3157 : f32 to vector<128x128xf32>
    %select_n3A_3161 = arith.select %broadcast_in_dim3A_3159, %mul3A_3139, %broadcast_in_dim3A_3160 : vector<128x128xi1>, vector<128x128xf32>
    %swap3A_3162 = arith.constant 0 : index
    %swap3A_3163 = arith.constant 15 : index
    %swap3A_3164 = arith.constant 128 : index
    %swap3A_3165 = vector.load %arg19[%swap3A_3162, %swap3A_3163, %swap3A_3164] : memref<128x27x256xf32, #tpu.memory_space<vmem>>, vector<128x1x128xf32>
    %swap3A_3166 = vector.shape_cast %swap3A_3165 : vector<128x1x128xf32> to vector<128x128xf32>
    %swap3A_3167 = vector.shape_cast %select_n3A_3161 : vector<128x128xf32> to vector<128x1x128xf32>
    tpu.vector_store %arg19[%swap3A_3162, %swap3A_3163, %swap3A_3164], %swap3A_3167 {strides = array<i32>} : memref<128x27x256xf32, #tpu.memory_space<vmem>>, vector<128x1x128xf32>,
    %get3A_3168 = arith.constant 39 : index
    %get3A_3169 = arith.constant 0 : index
    %get3A_3170 = arith.constant 0 : index
    %get3A_3171 = vector.load %arg1[%get3A_3168, %get3A_3169, %get3A_3170] : memref<42x128x128xf32, #tpu.memory_space<vmem>>, vector<1x128x128xf32>
    %get3A_3172 = vector.shape_cast %get3A_3171 : vector<1x128x128xf32> to vector<128x128xf32>
    %gt3A_3173 = arith.constant 12 : i32
    %gt3A_3174 = vector.broadcast %gt3A_3173 : i32 to vector<128x1xi32>
    %gt3A_3175 = arith.cmpi sgt, %broadcast_in_dim3A_45, %gt3A_3174 : vector<128x1xi32>
    %dot_general3A_3176 = arith.constant dense<0.000000e+00> : vector<128x512xf32>
    %dot_general3A_3177 = tpu.matmul %get3A_3172, %concatenate3A, %dot_general3A_3176 {dimension_numbers = #tpu.dot_dimension_numbers<[1], [0], [0], [1], [0, 0, 1, 1], [], []>, transpose_lhs_hint = false} : vector<128x128xf32>, vector<128x512xf32>, vector<128x512xf32> -> vector<128x512xf32>
    %dot_general3A_3178 = arith.constant dense<0.000000e+00> : vector<128x512xf32>
    %dot_general3A_3179 = tpu.matmul %select_n3A_2965, %transpose3A_56, %dot_general3A_3178 {dimension_numbers = #tpu.dot_dimension_numbers<[1], [0], [0], [1], [0, 0, 1, 1], [], []>, transpose_lhs_hint = false} : vector<128x128xf32>, vector<128x512xf32>, vector<128x512xf32> -> vector<128x512xf32>
    %add3A_3180 = arith.addf %dot_general3A_3177, %dot_general3A_3179 : vector<128x512xf32>
    %slice3A_3181 = vector.extract_strided_slice %add3A_3180 {offsets = [0, 0], sizes = [128, 128], strides = [1, 1]} : vector<128x512xf32> to vector<128x128xf32>
    %mul3A_3182 = arith.constant 5.000000e-01 : f32
    %mul3A_3183 = vector.broadcast %mul3A_3182 : f32 to vector<128x128xf32>
    %mul3A_3184 = arith.mulf %mul3A_3183, %slice3A_3181 : vector<128x128xf32>
    %tanh3A_3185 = math.tanh %mul3A_3184 : vector<128x128xf32>
    %mul3A_3186 = arith.constant 5.000000e-01 : f32
    %mul3A_3187 = vector.broadcast %mul3A_3186 : f32 to vector<128x128xf32>
    %mul3A_3188 = arith.mulf %mul3A_3187, %tanh3A_3185 : vector<128x128xf32>
    %add3A_3189 = arith.constant 5.000000e-01 : f32
    %add3A_3190 = vector.broadcast %add3A_3189 : f32 to vector<128x128xf32>
    %add3A_3191 = arith.addf %add3A_3190, %mul3A_3188 : vector<128x128xf32>
    %slice3A_3192 = vector.extract_strided_slice %add3A_3180 {offsets = [0, 128], sizes = [128, 128], strides = [1, 1]} : vector<128x512xf32> to vector<128x128xf32>
    %mul3A_3193 = arith.constant 5.000000e-01 : f32
    %mul3A_3194 = vector.broadcast %mul3A_3193 : f32 to vector<128x128xf32>
    %mul3A_3195 = arith.mulf %mul3A_3194, %slice3A_3192 : vector<128x128xf32>
    %tanh3A_3196 = math.tanh %mul3A_3195 : vector<128x128xf32>
    %mul3A_3197 = arith.constant 5.000000e-01 : f32
    %mul3A_3198 = vector.broadcast %mul3A_3197 : f32 to vector<128x128xf32>
    %mul3A_3199 = arith.mulf %mul3A_3198, %tanh3A_3196 : vector<128x128xf32>
    %add3A_3200 = arith.constant 5.000000e-01 : f32
    %add3A_3201 = vector.broadcast %add3A_3200 : f32 to vector<128x128xf32>
    %add3A_3202 = arith.addf %add3A_3201, %mul3A_3199 : vector<128x128xf32>
    %slice3A_3203 = vector.extract_strided_slice %add3A_3180 {offsets = [0, 256], sizes = [128, 128], strides = [1, 1]} : vector<128x512xf32> to vector<128x128xf32>
    %tanh3A_3204 = math.tanh %slice3A_3203 : vector<128x128xf32>
    %slice3A_3205 = vector.extract_strided_slice %add3A_3180 {offsets = [0, 384], sizes = [128, 128], strides = [1, 1]} : vector<128x512xf32> to vector<128x128xf32>
    %mul3A_3206 = arith.constant 5.000000e-01 : f32
    %mul3A_3207 = vector.broadcast %mul3A_3206 : f32 to vector<128x128xf32>
    %mul3A_3208 = arith.mulf %mul3A_3207, %slice3A_3205 : vector<128x128xf32>
    %tanh3A_3209 = math.tanh %mul3A_3208 : vector<128x128xf32>
    %mul3A_3210 = arith.constant 5.000000e-01 : f32
    %mul3A_3211 = vector.broadcast %mul3A_3210 : f32 to vector<128x128xf32>
    %mul3A_3212 = arith.mulf %mul3A_3211, %tanh3A_3209 : vector<128x128xf32>
    %add3A_3213 = arith.constant 5.000000e-01 : f32
    %add3A_3214 = vector.broadcast %add3A_3213 : f32 to vector<128x128xf32>
    %add3A_3215 = arith.addf %add3A_3214, %mul3A_3212 : vector<128x128xf32>
    %mul3A_3216 = arith.mulf %add3A_3202, %select_n3A_2968 : vector<128x128xf32>
    %mul3A_3217 = arith.mulf %add3A_3191, %tanh3A_3204 : vector<128x128xf32>
    %add3A_3218 = arith.addf %mul3A_3216, %mul3A_3217 : vector<128x128xf32>
    %tanh3A_3219 = math.tanh %add3A_3218 : vector<128x128xf32>
    %mul3A_3220 = arith.mulf %add3A_3215, %tanh3A_3219 : vector<128x128xf32>
    %broadcast_in_dim3A_3221 = vector.shape_cast %gt3A_3175 : vector<128x1xi1> to vector<128x1xi1>
    %broadcast_in_dim3A_3222 = vector.broadcast %broadcast_in_dim3A_3221 : vector<128x1xi1> to vector<128x128xi1>
    %select_n3A_3223 = arith.select %broadcast_in_dim3A_3222, %mul3A_3220, %select_n3A_2965 : vector<128x128xi1>, vector<128x128xf32>
    %broadcast_in_dim3A_3224 = vector.shape_cast %gt3A_3175 : vector<128x1xi1> to vector<128x1xi1>
    %broadcast_in_dim3A_3225 = vector.broadcast %broadcast_in_dim3A_3224 : vector<128x1xi1> to vector<128x128xi1>
    %select_n3A_3226 = arith.select %broadcast_in_dim3A_3225, %add3A_3218, %select_n3A_2968 : vector<128x128xi1>, vector<128x128xf32>
    %get3A_3227 = arith.constant 29 : index
    %get3A_3228 = arith.constant 0 : index
    %get3A_3229 = arith.constant 0 : index
    %get3A_3230 = vector.load %arg1[%get3A_3227, %get3A_3228, %get3A_3229] : memref<42x128x128xf32, #tpu.memory_space<vmem>>, vector<1x128x128xf32>
    %get3A_3231 = vector.shape_cast %get3A_3230 : vector<1x128x128xf32> to vector<128x128xf32>
    %gt3A_3232 = arith.constant 2 : i32
    %gt3A_3233 = vector.broadcast %gt3A_3232 : i32 to vector<128x1xi32>
    %gt3A_3234 = arith.cmpi sgt, %broadcast_in_dim3A_45, %gt3A_3233 : vector<128x1xi32>
    %dot_general3A_3235 = arith.constant dense<0.000000e+00> : vector<128x512xf32>
    %dot_general3A_3236 = tpu.matmul %get3A_3231, %concatenate3A_15, %dot_general3A_3235 {dimension_numbers = #tpu.dot_dimension_numbers<[1], [0], [0], [1], [0, 0, 1, 1], [], []>, transpose_lhs_hint = false} : vector<128x128xf32>, vector<128x512xf32>, vector<128x512xf32> -> vector<128x512xf32>
    %dot_general3A_3237 = arith.constant dense<0.000000e+00> : vector<128x512xf32>
    %dot_general3A_3238 = tpu.matmul %select_n3A_3024, %transpose3A_60, %dot_general3A_3237 {dimension_numbers = #tpu.dot_dimension_numbers<[1], [0], [0], [1], [0, 0, 1, 1], [], []>, transpose_lhs_hint = false} : vector<128x128xf32>, vector<128x512xf32>, vector<128x512xf32> -> vector<128x512xf32>
    %add3A_3239 = arith.addf %dot_general3A_3236, %dot_general3A_3238 : vector<128x512xf32>
    %slice3A_3240 = vector.extract_strided_slice %add3A_3239 {offsets = [0, 0], sizes = [128, 128], strides = [1, 1]} : vector<128x512xf32> to vector<128x128xf32>
    %mul3A_3241 = arith.constant 5.000000e-01 : f32
    %mul3A_3242 = vector.broadcast %mul3A_3241 : f32 to vector<128x128xf32>
    %mul3A_3243 = arith.mulf %mul3A_3242, %slice3A_3240 : vector<128x128xf32>
    %tanh3A_3244 = math.tanh %mul3A_3243 : vector<128x128xf32>
    %mul3A_3245 = arith.constant 5.000000e-01 : f32
    %mul3A_3246 = vector.broadcast %mul3A_3245 : f32 to vector<128x128xf32>
    %mul3A_3247 = arith.mulf %mul3A_3246, %tanh3A_3244 : vector<128x128xf32>
    %add3A_3248 = arith.constant 5.000000e-01 : f32
    %add3A_3249 = vector.broadcast %add3A_3248 : f32 to vector<128x128xf32>
    %add3A_3250 = arith.addf %add3A_3249, %mul3A_3247 : vector<128x128xf32>
    %slice3A_3251 = vector.extract_strided_slice %add3A_3239 {offsets = [0, 128], sizes = [128, 128], strides = [1, 1]} : vector<128x512xf32> to vector<128x128xf32>
    %mul3A_3252 = arith.constant 5.000000e-01 : f32
    %mul3A_3253 = vector.broadcast %mul3A_3252 : f32 to vector<128x128xf32>
    %mul3A_3254 = arith.mulf %mul3A_3253, %slice3A_3251 : vector<128x128xf32>
    %tanh3A_3255 = math.tanh %mul3A_3254 : vector<128x128xf32>
    %mul3A_3256 = arith.constant 5.000000e-01 : f32
    %mul3A_3257 = vector.broadcast %mul3A_3256 : f32 to vector<128x128xf32>
    %mul3A_3258 = arith.mulf %mul3A_3257, %tanh3A_3255 : vector<128x128xf32>
    %add3A_3259 = arith.constant 5.000000e-01 : f32
    %add3A_3260 = vector.broadcast %add3A_3259 : f32 to vector<128x128xf32>
    %add3A_3261 = arith.addf %add3A_3260, %mul3A_3258 : vector<128x128xf32>
    %slice3A_3262 = vector.extract_strided_slice %add3A_3239 {offsets = [0, 256], sizes = [128, 128], strides = [1, 1]} : vector<128x512xf32> to vector<128x128xf32>
    %tanh3A_3263 = math.tanh %slice3A_3262 : vector<128x128xf32>
    %slice3A_3264 = vector.extract_strided_slice %add3A_3239 {offsets = [0, 384], sizes = [128, 128], strides = [1, 1]} : vector<128x512xf32> to vector<128x128xf32>
    %mul3A_3265 = arith.constant 5.000000e-01 : f32
    %mul3A_3266 = vector.broadcast %mul3A_3265 : f32 to vector<128x128xf32>
    %mul3A_3267 = arith.mulf %mul3A_3266, %slice3A_3264 : vector<128x128xf32>
    %tanh3A_3268 = math.tanh %mul3A_3267 : vector<128x128xf32>
    %mul3A_3269 = arith.constant 5.000000e-01 : f32
    %mul3A_3270 = vector.broadcast %mul3A_3269 : f32 to vector<128x128xf32>
    %mul3A_3271 = arith.mulf %mul3A_3270, %tanh3A_3268 : vector<128x128xf32>
    %add3A_3272 = arith.constant 5.000000e-01 : f32
    %add3A_3273 = vector.broadcast %add3A_3272 : f32 to vector<128x128xf32>
    %add3A_3274 = arith.addf %add3A_3273, %mul3A_3271 : vector<128x128xf32>
    %mul3A_3275 = arith.mulf %add3A_3261, %select_n3A_3027 : vector<128x128xf32>
    %mul3A_3276 = arith.mulf %add3A_3250, %tanh3A_3263 : vector<128x128xf32>
    %add3A_3277 = arith.addf %mul3A_3275, %mul3A_3276 : vector<128x128xf32>
    %tanh3A_3278 = math.tanh %add3A_3277 : vector<128x128xf32>
    %mul3A_3279 = arith.mulf %add3A_3274, %tanh3A_3278 : vector<128x128xf32>
    %broadcast_in_dim3A_3280 = vector.shape_cast %gt3A_3234 : vector<128x1xi1> to vector<128x1xi1>
    %broadcast_in_dim3A_3281 = vector.broadcast %broadcast_in_dim3A_3280 : vector<128x1xi1> to vector<128x128xi1>
    %select_n3A_3282 = arith.select %broadcast_in_dim3A_3281, %mul3A_3279, %select_n3A_3024 : vector<128x128xi1>, vector<128x128xf32>
    %broadcast_in_dim3A_3283 = vector.shape_cast %gt3A_3234 : vector<128x1xi1> to vector<128x1xi1>
    %broadcast_in_dim3A_3284 = vector.broadcast %broadcast_in_dim3A_3283 : vector<128x1xi1> to vector<128x128xi1>
    %select_n3A_3285 = arith.select %broadcast_in_dim3A_3284, %add3A_3277, %select_n3A_3027 : vector<128x128xi1>, vector<128x128xf32>
    %gt3A_3286 = arith.constant 12 : i32
    %gt3A_3287 = vector.broadcast %gt3A_3286 : i32 to vector<128x1xi32>
    %gt3A_3288 = arith.cmpi sgt, %broadcast_in_dim3A_52, %gt3A_3287 : vector<128x1xi32>
    %gt3A_3289 = arith.constant 14 : i32
    %gt3A_3290 = vector.broadcast %gt3A_3289 : i32 to vector<128x1xi32>
    %gt3A_3291 = arith.cmpi sgt, %broadcast_in_dim3A_52, %gt3A_3290 : vector<128x1xi32>
    %get3A_3292 = arith.constant 12 : index
    %get3A_3293 = arith.constant 0 : index
    %get3A_3294 = arith.constant 0 : index
    %get3A_3295 = vector.load %arg1[%get3A_3292, %get3A_3293, %get3A_3294] : memref<42x128x128xf32, #tpu.memory_space<vmem>>, vector<1x128x128xf32>
    %get3A_3296 = vector.shape_cast %get3A_3295 : vector<1x128x128xf32> to vector<128x128xf32>
    %dot_general3A_3297 = arith.constant dense<0.000000e+00> : vector<128x512xf32>
    %dot_general3A_3298 = tpu.matmul %get3A_3296, %concatenate3A_25, %dot_general3A_3297 {dimension_numbers = #tpu.dot_dimension_numbers<[1], [0], [0], [1], [0, 0, 1, 1], [], []>, transpose_lhs_hint = false} : vector<128x128xf32>, vector<128x512xf32>, vector<128x512xf32> -> vector<128x512xf32>
    %dot_general3A_3299 = arith.constant dense<0.000000e+00> : vector<128x512xf32>
    %dot_general3A_3300 = tpu.matmul %select_n3A_3086, %transpose3A_64, %dot_general3A_3299 {dimension_numbers = #tpu.dot_dimension_numbers<[1], [0], [0], [1], [0, 0, 1, 1], [], []>, transpose_lhs_hint = false} : vector<128x128xf32>, vector<128x512xf32>, vector<128x512xf32> -> vector<128x512xf32>
    %add3A_3301 = arith.addf %dot_general3A_3298, %dot_general3A_3300 : vector<128x512xf32>
    %slice3A_3302 = vector.extract_strided_slice %add3A_3301 {offsets = [0, 0], sizes = [128, 128], strides = [1, 1]} : vector<128x512xf32> to vector<128x128xf32>
    %mul3A_3303 = arith.constant 5.000000e-01 : f32
    %mul3A_3304 = vector.broadcast %mul3A_3303 : f32 to vector<128x128xf32>
    %mul3A_3305 = arith.mulf %mul3A_3304, %slice3A_3302 : vector<128x128xf32>
    %tanh3A_3306 = math.tanh %mul3A_3305 : vector<128x128xf32>
    %mul3A_3307 = arith.constant 5.000000e-01 : f32
    %mul3A_3308 = vector.broadcast %mul3A_3307 : f32 to vector<128x128xf32>
    %mul3A_3309 = arith.mulf %mul3A_3308, %tanh3A_3306 : vector<128x128xf32>
    %add3A_3310 = arith.constant 5.000000e-01 : f32
    %add3A_3311 = vector.broadcast %add3A_3310 : f32 to vector<128x128xf32>
    %add3A_3312 = arith.addf %add3A_3311, %mul3A_3309 : vector<128x128xf32>
    %slice3A_3313 = vector.extract_strided_slice %add3A_3301 {offsets = [0, 128], sizes = [128, 128], strides = [1, 1]} : vector<128x512xf32> to vector<128x128xf32>
    %mul3A_3314 = arith.constant 5.000000e-01 : f32
    %mul3A_3315 = vector.broadcast %mul3A_3314 : f32 to vector<128x128xf32>
    %mul3A_3316 = arith.mulf %mul3A_3315, %slice3A_3313 : vector<128x128xf32>
    %tanh3A_3317 = math.tanh %mul3A_3316 : vector<128x128xf32>
    %mul3A_3318 = arith.constant 5.000000e-01 : f32
    %mul3A_3319 = vector.broadcast %mul3A_3318 : f32 to vector<128x128xf32>
    %mul3A_3320 = arith.mulf %mul3A_3319, %tanh3A_3317 : vector<128x128xf32>
    %add3A_3321 = arith.constant 5.000000e-01 : f32
    %add3A_3322 = vector.broadcast %add3A_3321 : f32 to vector<128x128xf32>
    %add3A_3323 = arith.addf %add3A_3322, %mul3A_3320 : vector<128x128xf32>
    %slice3A_3324 = vector.extract_strided_slice %add3A_3301 {offsets = [0, 256], sizes = [128, 128], strides = [1, 1]} : vector<128x512xf32> to vector<128x128xf32>
    %tanh3A_3325 = math.tanh %slice3A_3324 : vector<128x128xf32>
    %slice3A_3326 = vector.extract_strided_slice %add3A_3301 {offsets = [0, 384], sizes = [128, 128], strides = [1, 1]} : vector<128x512xf32> to vector<128x128xf32>
    %mul3A_3327 = arith.constant 5.000000e-01 : f32
    %mul3A_3328 = vector.broadcast %mul3A_3327 : f32 to vector<128x128xf32>
    %mul3A_3329 = arith.mulf %mul3A_3328, %slice3A_3326 : vector<128x128xf32>
    %tanh3A_3330 = math.tanh %mul3A_3329 : vector<128x128xf32>
    %mul3A_3331 = arith.constant 5.000000e-01 : f32
    %mul3A_3332 = vector.broadcast %mul3A_3331 : f32 to vector<128x128xf32>
    %mul3A_3333 = arith.mulf %mul3A_3332, %tanh3A_3330 : vector<128x128xf32>
    %add3A_3334 = arith.constant 5.000000e-01 : f32
    %add3A_3335 = vector.broadcast %add3A_3334 : f32 to vector<128x128xf32>
    %add3A_3336 = arith.addf %add3A_3335, %mul3A_3333 : vector<128x128xf32>
    %mul3A_3337 = arith.mulf %add3A_3323, %select_n3A_3089 : vector<128x128xf32>
    %mul3A_3338 = arith.mulf %add3A_3312, %tanh3A_3325 : vector<128x128xf32>
    %add3A_3339 = arith.addf %mul3A_3337, %mul3A_3338 : vector<128x128xf32>
    %tanh3A_3340 = math.tanh %add3A_3339 : vector<128x128xf32>
    %mul3A_3341 = arith.mulf %add3A_3336, %tanh3A_3340 : vector<128x128xf32>
    %broadcast_in_dim3A_3342 = vector.shape_cast %gt3A_3288 : vector<128x1xi1> to vector<128x1xi1>
    %broadcast_in_dim3A_3343 = vector.broadcast %broadcast_in_dim3A_3342 : vector<128x1xi1> to vector<128x128xi1>
    %select_n3A_3344 = arith.select %broadcast_in_dim3A_3343, %mul3A_3341, %select_n3A_3086 : vector<128x128xi1>, vector<128x128xf32>
    %broadcast_in_dim3A_3345 = vector.shape_cast %gt3A_3288 : vector<128x1xi1> to vector<128x1xi1>
    %broadcast_in_dim3A_3346 = vector.broadcast %broadcast_in_dim3A_3345 : vector<128x1xi1> to vector<128x128xi1>
    %select_n3A_3347 = arith.select %broadcast_in_dim3A_3346, %add3A_3339, %select_n3A_3089 : vector<128x128xi1>, vector<128x128xf32>
    %get3A_3348 = arith.constant 14 : index
    %get3A_3349 = arith.constant 0 : index
    %get3A_3350 = arith.constant 0 : index
    %get3A_3351 = vector.load %arg1[%get3A_3348, %get3A_3349, %get3A_3350] : memref<42x128x128xf32, #tpu.memory_space<vmem>>, vector<1x128x128xf32>
    %get3A_3352 = vector.shape_cast %get3A_3351 : vector<1x128x128xf32> to vector<128x128xf32>
    %dot_general3A_3353 = arith.constant dense<0.000000e+00> : vector<128x512xf32>
    %dot_general3A_3354 = tpu.matmul %get3A_3352, %concatenate3A_35, %dot_general3A_3353 {dimension_numbers = #tpu.dot_dimension_numbers<[1], [0], [0], [1], [0, 0, 1, 1], [], []>, transpose_lhs_hint = false} : vector<128x128xf32>, vector<128x512xf32>, vector<128x512xf32> -> vector<128x512xf32>
    %dot_general3A_3355 = arith.constant dense<0.000000e+00> : vector<128x512xf32>
    %dot_general3A_3356 = tpu.matmul %select_n3A_3142, %transpose3A_68, %dot_general3A_3355 {dimension_numbers = #tpu.dot_dimension_numbers<[1], [0], [0], [1], [0, 0, 1, 1], [], []>, transpose_lhs_hint = false} : vector<128x128xf32>, vector<128x512xf32>, vector<128x512xf32> -> vector<128x512xf32>
    %add3A_3357 = arith.addf %dot_general3A_3354, %dot_general3A_3356 : vector<128x512xf32>
    %slice3A_3358 = vector.extract_strided_slice %add3A_3357 {offsets = [0, 0], sizes = [128, 128], strides = [1, 1]} : vector<128x512xf32> to vector<128x128xf32>
    %mul3A_3359 = arith.constant 5.000000e-01 : f32
    %mul3A_3360 = vector.broadcast %mul3A_3359 : f32 to vector<128x128xf32>
    %mul3A_3361 = arith.mulf %mul3A_3360, %slice3A_3358 : vector<128x128xf32>
    %tanh3A_3362 = math.tanh %mul3A_3361 : vector<128x128xf32>
    %mul3A_3363 = arith.constant 5.000000e-01 : f32
    %mul3A_3364 = vector.broadcast %mul3A_3363 : f32 to vector<128x128xf32>
    %mul3A_3365 = arith.mulf %mul3A_3364, %tanh3A_3362 : vector<128x128xf32>
    %add3A_3366 = arith.constant 5.000000e-01 : f32
    %add3A_3367 = vector.broadcast %add3A_3366 : f32 to vector<128x128xf32>
    %add3A_3368 = arith.addf %add3A_3367, %mul3A_3365 : vector<128x128xf32>
    %slice3A_3369 = vector.extract_strided_slice %add3A_3357 {offsets = [0, 128], sizes = [128, 128], strides = [1, 1]} : vector<128x512xf32> to vector<128x128xf32>
    %mul3A_3370 = arith.constant 5.000000e-01 : f32
    %mul3A_3371 = vector.broadcast %mul3A_3370 : f32 to vector<128x128xf32>
    %mul3A_3372 = arith.mulf %mul3A_3371, %slice3A_3369 : vector<128x128xf32>
    %tanh3A_3373 = math.tanh %mul3A_3372 : vector<128x128xf32>
    %mul3A_3374 = arith.constant 5.000000e-01 : f32
    %mul3A_3375 = vector.broadcast %mul3A_3374 : f32 to vector<128x128xf32>
    %mul3A_3376 = arith.mulf %mul3A_3375, %tanh3A_3373 : vector<128x128xf32>
    %add3A_3377 = arith.constant 5.000000e-01 : f32
    %add3A_3378 = vector.broadcast %add3A_3377 : f32 to vector<128x128xf32>
    %add3A_3379 = arith.addf %add3A_3378, %mul3A_3376 : vector<128x128xf32>
    %slice3A_3380 = vector.extract_strided_slice %add3A_3357 {offsets = [0, 256], sizes = [128, 128], strides = [1, 1]} : vector<128x512xf32> to vector<128x128xf32>
    %tanh3A_3381 = math.tanh %slice3A_3380 : vector<128x128xf32>
    %slice3A_3382 = vector.extract_strided_slice %add3A_3357 {offsets = [0, 384], sizes = [128, 128], strides = [1, 1]} : vector<128x512xf32> to vector<128x128xf32>
    %mul3A_3383 = arith.constant 5.000000e-01 : f32
    %mul3A_3384 = vector.broadcast %mul3A_3383 : f32 to vector<128x128xf32>
    %mul3A_3385 = arith.mulf %mul3A_3384, %slice3A_3382 : vector<128x128xf32>
    %tanh3A_3386 = math.tanh %mul3A_3385 : vector<128x128xf32>
    %mul3A_3387 = arith.constant 5.000000e-01 : f32
    %mul3A_3388 = vector.broadcast %mul3A_3387 : f32 to vector<128x128xf32>
    %mul3A_3389 = arith.mulf %mul3A_3388, %tanh3A_3386 : vector<128x128xf32>
    %add3A_3390 = arith.constant 5.000000e-01 : f32
    %add3A_3391 = vector.broadcast %add3A_3390 : f32 to vector<128x128xf32>
    %add3A_3392 = arith.addf %add3A_3391, %mul3A_3389 : vector<128x128xf32>
    %mul3A_3393 = arith.mulf %add3A_3379, %select_n3A_3145 : vector<128x128xf32>
    %mul3A_3394 = arith.mulf %add3A_3368, %tanh3A_3381 : vector<128x128xf32>
    %add3A_3395 = arith.addf %mul3A_3393, %mul3A_3394 : vector<128x128xf32>
    %tanh3A_3396 = math.tanh %add3A_3395 : vector<128x128xf32>
    %mul3A_3397 = arith.mulf %add3A_3392, %tanh3A_3396 : vector<128x128xf32>
    %broadcast_in_dim3A_3398 = vector.shape_cast %gt3A_3291 : vector<128x1xi1> to vector<128x1xi1>
    %broadcast_in_dim3A_3399 = vector.broadcast %broadcast_in_dim3A_3398 : vector<128x1xi1> to vector<128x128xi1>
    %select_n3A_3400 = arith.select %broadcast_in_dim3A_3399, %mul3A_3397, %select_n3A_3142 : vector<128x128xi1>, vector<128x128xf32>
    %broadcast_in_dim3A_3401 = vector.shape_cast %gt3A_3291 : vector<128x1xi1> to vector<128x1xi1>
    %broadcast_in_dim3A_3402 = vector.broadcast %broadcast_in_dim3A_3401 : vector<128x1xi1> to vector<128x128xi1>
    %select_n3A_3403 = arith.select %broadcast_in_dim3A_3402, %add3A_3395, %select_n3A_3145 : vector<128x128xi1>, vector<128x128xf32>
    %jit3A_3404 = arith.constant 0.000000e+00 : f32
    %broadcast_in_dim3A_3405 = vector.shape_cast %gt3A_3288 : vector<128x1xi1> to vector<128x1xi1>
    %broadcast_in_dim3A_3406 = vector.broadcast %broadcast_in_dim3A_3405 : vector<128x1xi1> to vector<128x128xi1>
    %broadcast_in_dim3A_3407 = vector.broadcast %jit3A_3404 : f32 to vector<128x128xf32>
    %select_n3A_3408 = arith.select %broadcast_in_dim3A_3406, %mul3A_3341, %broadcast_in_dim3A_3407 : vector<128x128xi1>, vector<128x128xf32>
    %swap3A_3409 = arith.constant 0 : index
    %swap3A_3410 = arith.constant 12 : index
    %swap3A_3411 = arith.constant 0 : index
    %swap3A_3412 = vector.load %arg19[%swap3A_3409, %swap3A_3410, %swap3A_3411] : memref<128x27x256xf32, #tpu.memory_space<vmem>>, vector<128x1x128xf32>
    %swap3A_3413 = vector.shape_cast %swap3A_3412 : vector<128x1x128xf32> to vector<128x128xf32>
    %swap3A_3414 = vector.shape_cast %select_n3A_3408 : vector<128x128xf32> to vector<128x1x128xf32>
    tpu.vector_store %arg19[%swap3A_3409, %swap3A_3410, %swap3A_3411], %swap3A_3414 {strides = array<i32>} : memref<128x27x256xf32, #tpu.memory_space<vmem>>, vector<128x1x128xf32>,
    %jit3A_3415 = arith.constant 0.000000e+00 : f32
    %broadcast_in_dim3A_3416 = vector.shape_cast %gt3A_3291 : vector<128x1xi1> to vector<128x1xi1>
    %broadcast_in_dim3A_3417 = vector.broadcast %broadcast_in_dim3A_3416 : vector<128x1xi1> to vector<128x128xi1>
    %broadcast_in_dim3A_3418 = vector.broadcast %jit3A_3415 : f32 to vector<128x128xf32>
    %select_n3A_3419 = arith.select %broadcast_in_dim3A_3417, %mul3A_3397, %broadcast_in_dim3A_3418 : vector<128x128xi1>, vector<128x128xf32>
    %swap3A_3420 = arith.constant 0 : index
    %swap3A_3421 = arith.constant 14 : index
    %swap3A_3422 = arith.constant 128 : index
    %swap3A_3423 = vector.load %arg19[%swap3A_3420, %swap3A_3421, %swap3A_3422] : memref<128x27x256xf32, #tpu.memory_space<vmem>>, vector<128x1x128xf32>
    %swap3A_3424 = vector.shape_cast %swap3A_3423 : vector<128x1x128xf32> to vector<128x128xf32>
    %swap3A_3425 = vector.shape_cast %select_n3A_3419 : vector<128x128xf32> to vector<128x1x128xf32>
    tpu.vector_store %arg19[%swap3A_3420, %swap3A_3421, %swap3A_3422], %swap3A_3425 {strides = array<i32>} : memref<128x27x256xf32, #tpu.memory_space<vmem>>, vector<128x1x128xf32>,
    %get3A_3426 = arith.constant 40 : index
    %get3A_3427 = arith.constant 0 : index
    %get3A_3428 = arith.constant 0 : index
    %get3A_3429 = vector.load %arg1[%get3A_3426, %get3A_3427, %get3A_3428] : memref<42x128x128xf32, #tpu.memory_space<vmem>>, vector<1x128x128xf32>
    %get3A_3430 = vector.shape_cast %get3A_3429 : vector<1x128x128xf32> to vector<128x128xf32>
    %gt3A_3431 = arith.constant 13 : i32
    %gt3A_3432 = vector.broadcast %gt3A_3431 : i32 to vector<128x1xi32>
    %gt3A_3433 = arith.cmpi sgt, %broadcast_in_dim3A_45, %gt3A_3432 : vector<128x1xi32>
    %dot_general3A_3434 = arith.constant dense<0.000000e+00> : vector<128x512xf32>
    %dot_general3A_3435 = tpu.matmul %get3A_3430, %concatenate3A, %dot_general3A_3434 {dimension_numbers = #tpu.dot_dimension_numbers<[1], [0], [0], [1], [0, 0, 1, 1], [], []>, transpose_lhs_hint = false} : vector<128x128xf32>, vector<128x512xf32>, vector<128x512xf32> -> vector<128x512xf32>
    %dot_general3A_3436 = arith.constant dense<0.000000e+00> : vector<128x512xf32>
    %dot_general3A_3437 = tpu.matmul %select_n3A_3223, %transpose3A_56, %dot_general3A_3436 {dimension_numbers = #tpu.dot_dimension_numbers<[1], [0], [0], [1], [0, 0, 1, 1], [], []>, transpose_lhs_hint = false} : vector<128x128xf32>, vector<128x512xf32>, vector<128x512xf32> -> vector<128x512xf32>
    %add3A_3438 = arith.addf %dot_general3A_3435, %dot_general3A_3437 : vector<128x512xf32>
    %slice3A_3439 = vector.extract_strided_slice %add3A_3438 {offsets = [0, 0], sizes = [128, 128], strides = [1, 1]} : vector<128x512xf32> to vector<128x128xf32>
    %mul3A_3440 = arith.constant 5.000000e-01 : f32
    %mul3A_3441 = vector.broadcast %mul3A_3440 : f32 to vector<128x128xf32>
    %mul3A_3442 = arith.mulf %mul3A_3441, %slice3A_3439 : vector<128x128xf32>
    %tanh3A_3443 = math.tanh %mul3A_3442 : vector<128x128xf32>
    %mul3A_3444 = arith.constant 5.000000e-01 : f32
    %mul3A_3445 = vector.broadcast %mul3A_3444 : f32 to vector<128x128xf32>
    %mul3A_3446 = arith.mulf %mul3A_3445, %tanh3A_3443 : vector<128x128xf32>
    %add3A_3447 = arith.constant 5.000000e-01 : f32
    %add3A_3448 = vector.broadcast %add3A_3447 : f32 to vector<128x128xf32>
    %add3A_3449 = arith.addf %add3A_3448, %mul3A_3446 : vector<128x128xf32>
    %slice3A_3450 = vector.extract_strided_slice %add3A_3438 {offsets = [0, 128], sizes = [128, 128], strides = [1, 1]} : vector<128x512xf32> to vector<128x128xf32>
    %mul3A_3451 = arith.constant 5.000000e-01 : f32
    %mul3A_3452 = vector.broadcast %mul3A_3451 : f32 to vector<128x128xf32>
    %mul3A_3453 = arith.mulf %mul3A_3452, %slice3A_3450 : vector<128x128xf32>
    %tanh3A_3454 = math.tanh %mul3A_3453 : vector<128x128xf32>
    %mul3A_3455 = arith.constant 5.000000e-01 : f32
    %mul3A_3456 = vector.broadcast %mul3A_3455 : f32 to vector<128x128xf32>
    %mul3A_3457 = arith.mulf %mul3A_3456, %tanh3A_3454 : vector<128x128xf32>
    %add3A_3458 = arith.constant 5.000000e-01 : f32
    %add3A_3459 = vector.broadcast %add3A_3458 : f32 to vector<128x128xf32>
    %add3A_3460 = arith.addf %add3A_3459, %mul3A_3457 : vector<128x128xf32>
    %slice3A_3461 = vector.extract_strided_slice %add3A_3438 {offsets = [0, 256], sizes = [128, 128], strides = [1, 1]} : vector<128x512xf32> to vector<128x128xf32>
    %tanh3A_3462 = math.tanh %slice3A_3461 : vector<128x128xf32>
    %slice3A_3463 = vector.extract_strided_slice %add3A_3438 {offsets = [0, 384], sizes = [128, 128], strides = [1, 1]} : vector<128x512xf32> to vector<128x128xf32>
    %mul3A_3464 = arith.constant 5.000000e-01 : f32
    %mul3A_3465 = vector.broadcast %mul3A_3464 : f32 to vector<128x128xf32>
    %mul3A_3466 = arith.mulf %mul3A_3465, %slice3A_3463 : vector<128x128xf32>
    %tanh3A_3467 = math.tanh %mul3A_3466 : vector<128x128xf32>
    %mul3A_3468 = arith.constant 5.000000e-01 : f32
    %mul3A_3469 = vector.broadcast %mul3A_3468 : f32 to vector<128x128xf32>
    %mul3A_3470 = arith.mulf %mul3A_3469, %tanh3A_3467 : vector<128x128xf32>
    %add3A_3471 = arith.constant 5.000000e-01 : f32
    %add3A_3472 = vector.broadcast %add3A_3471 : f32 to vector<128x128xf32>
    %add3A_3473 = arith.addf %add3A_3472, %mul3A_3470 : vector<128x128xf32>
    %mul3A_3474 = arith.mulf %add3A_3460, %select_n3A_3226 : vector<128x128xf32>
    %mul3A_3475 = arith.mulf %add3A_3449, %tanh3A_3462 : vector<128x128xf32>
    %add3A_3476 = arith.addf %mul3A_3474, %mul3A_3475 : vector<128x128xf32>
    %tanh3A_3477 = math.tanh %add3A_3476 : vector<128x128xf32>
    %mul3A_3478 = arith.mulf %add3A_3473, %tanh3A_3477 : vector<128x128xf32>
    %broadcast_in_dim3A_3479 = vector.shape_cast %gt3A_3433 : vector<128x1xi1> to vector<128x1xi1>
    %broadcast_in_dim3A_3480 = vector.broadcast %broadcast_in_dim3A_3479 : vector<128x1xi1> to vector<128x128xi1>
    %select_n3A_3481 = arith.select %broadcast_in_dim3A_3480, %mul3A_3478, %select_n3A_3223 : vector<128x128xi1>, vector<128x128xf32>
    %broadcast_in_dim3A_3482 = vector.shape_cast %gt3A_3433 : vector<128x1xi1> to vector<128x1xi1>
    %broadcast_in_dim3A_3483 = vector.broadcast %broadcast_in_dim3A_3482 : vector<128x1xi1> to vector<128x128xi1>
    %select_n3A_3484 = arith.select %broadcast_in_dim3A_3483, %add3A_3476, %select_n3A_3226 : vector<128x128xi1>, vector<128x128xf32>
    %get3A_3485 = arith.constant 28 : index
    %get3A_3486 = arith.constant 0 : index
    %get3A_3487 = arith.constant 0 : index
    %get3A_3488 = vector.load %arg1[%get3A_3485, %get3A_3486, %get3A_3487] : memref<42x128x128xf32, #tpu.memory_space<vmem>>, vector<1x128x128xf32>
    %get3A_3489 = vector.shape_cast %get3A_3488 : vector<1x128x128xf32> to vector<128x128xf32>
    %gt3A_3490 = arith.constant 1 : i32
    %gt3A_3491 = vector.broadcast %gt3A_3490 : i32 to vector<128x1xi32>
    %gt3A_3492 = arith.cmpi sgt, %broadcast_in_dim3A_45, %gt3A_3491 : vector<128x1xi32>
    %dot_general3A_3493 = arith.constant dense<0.000000e+00> : vector<128x512xf32>
    %dot_general3A_3494 = tpu.matmul %get3A_3489, %concatenate3A_15, %dot_general3A_3493 {dimension_numbers = #tpu.dot_dimension_numbers<[1], [0], [0], [1], [0, 0, 1, 1], [], []>, transpose_lhs_hint = false} : vector<128x128xf32>, vector<128x512xf32>, vector<128x512xf32> -> vector<128x512xf32>
    %dot_general3A_3495 = arith.constant dense<0.000000e+00> : vector<128x512xf32>
    %dot_general3A_3496 = tpu.matmul %select_n3A_3282, %transpose3A_60, %dot_general3A_3495 {dimension_numbers = #tpu.dot_dimension_numbers<[1], [0], [0], [1], [0, 0, 1, 1], [], []>, transpose_lhs_hint = false} : vector<128x128xf32>, vector<128x512xf32>, vector<128x512xf32> -> vector<128x512xf32>
    %add3A_3497 = arith.addf %dot_general3A_3494, %dot_general3A_3496 : vector<128x512xf32>
    %slice3A_3498 = vector.extract_strided_slice %add3A_3497 {offsets = [0, 0], sizes = [128, 128], strides = [1, 1]} : vector<128x512xf32> to vector<128x128xf32>
    %mul3A_3499 = arith.constant 5.000000e-01 : f32
    %mul3A_3500 = vector.broadcast %mul3A_3499 : f32 to vector<128x128xf32>
    %mul3A_3501 = arith.mulf %mul3A_3500, %slice3A_3498 : vector<128x128xf32>
    %tanh3A_3502 = math.tanh %mul3A_3501 : vector<128x128xf32>
    %mul3A_3503 = arith.constant 5.000000e-01 : f32
    %mul3A_3504 = vector.broadcast %mul3A_3503 : f32 to vector<128x128xf32>
    %mul3A_3505 = arith.mulf %mul3A_3504, %tanh3A_3502 : vector<128x128xf32>
    %add3A_3506 = arith.constant 5.000000e-01 : f32
    %add3A_3507 = vector.broadcast %add3A_3506 : f32 to vector<128x128xf32>
    %add3A_3508 = arith.addf %add3A_3507, %mul3A_3505 : vector<128x128xf32>
    %slice3A_3509 = vector.extract_strided_slice %add3A_3497 {offsets = [0, 128], sizes = [128, 128], strides = [1, 1]} : vector<128x512xf32> to vector<128x128xf32>
    %mul3A_3510 = arith.constant 5.000000e-01 : f32
    %mul3A_3511 = vector.broadcast %mul3A_3510 : f32 to vector<128x128xf32>
    %mul3A_3512 = arith.mulf %mul3A_3511, %slice3A_3509 : vector<128x128xf32>
    %tanh3A_3513 = math.tanh %mul3A_3512 : vector<128x128xf32>
    %mul3A_3514 = arith.constant 5.000000e-01 : f32
    %mul3A_3515 = vector.broadcast %mul3A_3514 : f32 to vector<128x128xf32>
    %mul3A_3516 = arith.mulf %mul3A_3515, %tanh3A_3513 : vector<128x128xf32>
    %add3A_3517 = arith.constant 5.000000e-01 : f32
    %add3A_3518 = vector.broadcast %add3A_3517 : f32 to vector<128x128xf32>
    %add3A_3519 = arith.addf %add3A_3518, %mul3A_3516 : vector<128x128xf32>
    %slice3A_3520 = vector.extract_strided_slice %add3A_3497 {offsets = [0, 256], sizes = [128, 128], strides = [1, 1]} : vector<128x512xf32> to vector<128x128xf32>
    %tanh3A_3521 = math.tanh %slice3A_3520 : vector<128x128xf32>
    %slice3A_3522 = vector.extract_strided_slice %add3A_3497 {offsets = [0, 384], sizes = [128, 128], strides = [1, 1]} : vector<128x512xf32> to vector<128x128xf32>
    %mul3A_3523 = arith.constant 5.000000e-01 : f32
    %mul3A_3524 = vector.broadcast %mul3A_3523 : f32 to vector<128x128xf32>
    %mul3A_3525 = arith.mulf %mul3A_3524, %slice3A_3522 : vector<128x128xf32>
    %tanh3A_3526 = math.tanh %mul3A_3525 : vector<128x128xf32>
    %mul3A_3527 = arith.constant 5.000000e-01 : f32
    %mul3A_3528 = vector.broadcast %mul3A_3527 : f32 to vector<128x128xf32>
    %mul3A_3529 = arith.mulf %mul3A_3528, %tanh3A_3526 : vector<128x128xf32>
    %add3A_3530 = arith.constant 5.000000e-01 : f32
    %add3A_3531 = vector.broadcast %add3A_3530 : f32 to vector<128x128xf32>
    %add3A_3532 = arith.addf %add3A_3531, %mul3A_3529 : vector<128x128xf32>
    %mul3A_3533 = arith.mulf %add3A_3519, %select_n3A_3285 : vector<128x128xf32>
    %mul3A_3534 = arith.mulf %add3A_3508, %tanh3A_3521 : vector<128x128xf32>
    %add3A_3535 = arith.addf %mul3A_3533, %mul3A_3534 : vector<128x128xf32>
    %tanh3A_3536 = math.tanh %add3A_3535 : vector<128x128xf32>
    %mul3A_3537 = arith.mulf %add3A_3532, %tanh3A_3536 : vector<128x128xf32>
    %broadcast_in_dim3A_3538 = vector.shape_cast %gt3A_3492 : vector<128x1xi1> to vector<128x1xi1>
    %broadcast_in_dim3A_3539 = vector.broadcast %broadcast_in_dim3A_3538 : vector<128x1xi1> to vector<128x128xi1>
    %select_n3A_3540 = arith.select %broadcast_in_dim3A_3539, %mul3A_3537, %select_n3A_3282 : vector<128x128xi1>, vector<128x128xf32>
    %broadcast_in_dim3A_3541 = vector.shape_cast %gt3A_3492 : vector<128x1xi1> to vector<128x1xi1>
    %broadcast_in_dim3A_3542 = vector.broadcast %broadcast_in_dim3A_3541 : vector<128x1xi1> to vector<128x128xi1>
    %select_n3A_3543 = arith.select %broadcast_in_dim3A_3542, %add3A_3535, %select_n3A_3285 : vector<128x128xi1>, vector<128x128xf32>
    %gt3A_3544 = arith.constant 13 : i32
    %gt3A_3545 = vector.broadcast %gt3A_3544 : i32 to vector<128x1xi32>
    %gt3A_3546 = arith.cmpi sgt, %broadcast_in_dim3A_52, %gt3A_3545 : vector<128x1xi32>
    %gt3A_3547 = arith.constant 13 : i32
    %gt3A_3548 = vector.broadcast %gt3A_3547 : i32 to vector<128x1xi32>
    %gt3A_3549 = arith.cmpi sgt, %broadcast_in_dim3A_52, %gt3A_3548 : vector<128x1xi32>
    %get3A_3550 = arith.constant 13 : index
    %get3A_3551 = arith.constant 0 : index
    %get3A_3552 = arith.constant 0 : index
    %get3A_3553 = vector.load %arg1[%get3A_3550, %get3A_3551, %get3A_3552] : memref<42x128x128xf32, #tpu.memory_space<vmem>>, vector<1x128x128xf32>
    %get3A_3554 = vector.shape_cast %get3A_3553 : vector<1x128x128xf32> to vector<128x128xf32>
    %dot_general3A_3555 = arith.constant dense<0.000000e+00> : vector<128x512xf32>
    %dot_general3A_3556 = tpu.matmul %get3A_3554, %concatenate3A_25, %dot_general3A_3555 {dimension_numbers = #tpu.dot_dimension_numbers<[1], [0], [0], [1], [0, 0, 1, 1], [], []>, transpose_lhs_hint = false} : vector<128x128xf32>, vector<128x512xf32>, vector<128x512xf32> -> vector<128x512xf32>
    %dot_general3A_3557 = arith.constant dense<0.000000e+00> : vector<128x512xf32>
    %dot_general3A_3558 = tpu.matmul %select_n3A_3344, %transpose3A_64, %dot_general3A_3557 {dimension_numbers = #tpu.dot_dimension_numbers<[1], [0], [0], [1], [0, 0, 1, 1], [], []>, transpose_lhs_hint = false} : vector<128x128xf32>, vector<128x512xf32>, vector<128x512xf32> -> vector<128x512xf32>
    %add3A_3559 = arith.addf %dot_general3A_3556, %dot_general3A_3558 : vector<128x512xf32>
    %slice3A_3560 = vector.extract_strided_slice %add3A_3559 {offsets = [0, 0], sizes = [128, 128], strides = [1, 1]} : vector<128x512xf32> to vector<128x128xf32>
    %mul3A_3561 = arith.constant 5.000000e-01 : f32
    %mul3A_3562 = vector.broadcast %mul3A_3561 : f32 to vector<128x128xf32>
    %mul3A_3563 = arith.mulf %mul3A_3562, %slice3A_3560 : vector<128x128xf32>
    %tanh3A_3564 = math.tanh %mul3A_3563 : vector<128x128xf32>
    %mul3A_3565 = arith.constant 5.000000e-01 : f32
    %mul3A_3566 = vector.broadcast %mul3A_3565 : f32 to vector<128x128xf32>
    %mul3A_3567 = arith.mulf %mul3A_3566, %tanh3A_3564 : vector<128x128xf32>
    %add3A_3568 = arith.constant 5.000000e-01 : f32
    %add3A_3569 = vector.broadcast %add3A_3568 : f32 to vector<128x128xf32>
    %add3A_3570 = arith.addf %add3A_3569, %mul3A_3567 : vector<128x128xf32>
    %slice3A_3571 = vector.extract_strided_slice %add3A_3559 {offsets = [0, 128], sizes = [128, 128], strides = [1, 1]} : vector<128x512xf32> to vector<128x128xf32>
    %mul3A_3572 = arith.constant 5.000000e-01 : f32
    %mul3A_3573 = vector.broadcast %mul3A_3572 : f32 to vector<128x128xf32>
    %mul3A_3574 = arith.mulf %mul3A_3573, %slice3A_3571 : vector<128x128xf32>
    %tanh3A_3575 = math.tanh %mul3A_3574 : vector<128x128xf32>
    %mul3A_3576 = arith.constant 5.000000e-01 : f32
    %mul3A_3577 = vector.broadcast %mul3A_3576 : f32 to vector<128x128xf32>
    %mul3A_3578 = arith.mulf %mul3A_3577, %tanh3A_3575 : vector<128x128xf32>
    %add3A_3579 = arith.constant 5.000000e-01 : f32
    %add3A_3580 = vector.broadcast %add3A_3579 : f32 to vector<128x128xf32>
    %add3A_3581 = arith.addf %add3A_3580, %mul3A_3578 : vector<128x128xf32>
    %slice3A_3582 = vector.extract_strided_slice %add3A_3559 {offsets = [0, 256], sizes = [128, 128], strides = [1, 1]} : vector<128x512xf32> to vector<128x128xf32>
    %tanh3A_3583 = math.tanh %slice3A_3582 : vector<128x128xf32>
    %slice3A_3584 = vector.extract_strided_slice %add3A_3559 {offsets = [0, 384], sizes = [128, 128], strides = [1, 1]} : vector<128x512xf32> to vector<128x128xf32>
    %mul3A_3585 = arith.constant 5.000000e-01 : f32
    %mul3A_3586 = vector.broadcast %mul3A_3585 : f32 to vector<128x128xf32>
    %mul3A_3587 = arith.mulf %mul3A_3586, %slice3A_3584 : vector<128x128xf32>
    %tanh3A_3588 = math.tanh %mul3A_3587 : vector<128x128xf32>
    %mul3A_3589 = arith.constant 5.000000e-01 : f32
    %mul3A_3590 = vector.broadcast %mul3A_3589 : f32 to vector<128x128xf32>
    %mul3A_3591 = arith.mulf %mul3A_3590, %tanh3A_3588 : vector<128x128xf32>
    %add3A_3592 = arith.constant 5.000000e-01 : f32
    %add3A_3593 = vector.broadcast %add3A_3592 : f32 to vector<128x128xf32>
    %add3A_3594 = arith.addf %add3A_3593, %mul3A_3591 : vector<128x128xf32>
    %mul3A_3595 = arith.mulf %add3A_3581, %select_n3A_3347 : vector<128x128xf32>
    %mul3A_3596 = arith.mulf %add3A_3570, %tanh3A_3583 : vector<128x128xf32>
    %add3A_3597 = arith.addf %mul3A_3595, %mul3A_3596 : vector<128x128xf32>
    %tanh3A_3598 = math.tanh %add3A_3597 : vector<128x128xf32>
    %mul3A_3599 = arith.mulf %add3A_3594, %tanh3A_3598 : vector<128x128xf32>
    %broadcast_in_dim3A_3600 = vector.shape_cast %gt3A_3546 : vector<128x1xi1> to vector<128x1xi1>
    %broadcast_in_dim3A_3601 = vector.broadcast %broadcast_in_dim3A_3600 : vector<128x1xi1> to vector<128x128xi1>
    %select_n3A_3602 = arith.select %broadcast_in_dim3A_3601, %mul3A_3599, %select_n3A_3344 : vector<128x128xi1>, vector<128x128xf32>
    %broadcast_in_dim3A_3603 = vector.shape_cast %gt3A_3546 : vector<128x1xi1> to vector<128x1xi1>
    %broadcast_in_dim3A_3604 = vector.broadcast %broadcast_in_dim3A_3603 : vector<128x1xi1> to vector<128x128xi1>
    %select_n3A_3605 = arith.select %broadcast_in_dim3A_3604, %add3A_3597, %select_n3A_3347 : vector<128x128xi1>, vector<128x128xf32>
    %get3A_3606 = arith.constant 13 : index
    %get3A_3607 = arith.constant 0 : index
    %get3A_3608 = arith.constant 0 : index
    %get3A_3609 = vector.load %arg1[%get3A_3606, %get3A_3607, %get3A_3608] : memref<42x128x128xf32, #tpu.memory_space<vmem>>, vector<1x128x128xf32>
    %get3A_3610 = vector.shape_cast %get3A_3609 : vector<1x128x128xf32> to vector<128x128xf32>
    %dot_general3A_3611 = arith.constant dense<0.000000e+00> : vector<128x512xf32>
    %dot_general3A_3612 = tpu.matmul %get3A_3610, %concatenate3A_35, %dot_general3A_3611 {dimension_numbers = #tpu.dot_dimension_numbers<[1], [0], [0], [1], [0, 0, 1, 1], [], []>, transpose_lhs_hint = false} : vector<128x128xf32>, vector<128x512xf32>, vector<128x512xf32> -> vector<128x512xf32>
    %dot_general3A_3613 = arith.constant dense<0.000000e+00> : vector<128x512xf32>
    %dot_general3A_3614 = tpu.matmul %select_n3A_3400, %transpose3A_68, %dot_general3A_3613 {dimension_numbers = #tpu.dot_dimension_numbers<[1], [0], [0], [1], [0, 0, 1, 1], [], []>, transpose_lhs_hint = false} : vector<128x128xf32>, vector<128x512xf32>, vector<128x512xf32> -> vector<128x512xf32>
    %add3A_3615 = arith.addf %dot_general3A_3612, %dot_general3A_3614 : vector<128x512xf32>
    %slice3A_3616 = vector.extract_strided_slice %add3A_3615 {offsets = [0, 0], sizes = [128, 128], strides = [1, 1]} : vector<128x512xf32> to vector<128x128xf32>
    %mul3A_3617 = arith.constant 5.000000e-01 : f32
    %mul3A_3618 = vector.broadcast %mul3A_3617 : f32 to vector<128x128xf32>
    %mul3A_3619 = arith.mulf %mul3A_3618, %slice3A_3616 : vector<128x128xf32>
    %tanh3A_3620 = math.tanh %mul3A_3619 : vector<128x128xf32>
    %mul3A_3621 = arith.constant 5.000000e-01 : f32
    %mul3A_3622 = vector.broadcast %mul3A_3621 : f32 to vector<128x128xf32>
    %mul3A_3623 = arith.mulf %mul3A_3622, %tanh3A_3620 : vector<128x128xf32>
    %add3A_3624 = arith.constant 5.000000e-01 : f32
    %add3A_3625 = vector.broadcast %add3A_3624 : f32 to vector<128x128xf32>
    %add3A_3626 = arith.addf %add3A_3625, %mul3A_3623 : vector<128x128xf32>
    %slice3A_3627 = vector.extract_strided_slice %add3A_3615 {offsets = [0, 128], sizes = [128, 128], strides = [1, 1]} : vector<128x512xf32> to vector<128x128xf32>
    %mul3A_3628 = arith.constant 5.000000e-01 : f32
    %mul3A_3629 = vector.broadcast %mul3A_3628 : f32 to vector<128x128xf32>
    %mul3A_3630 = arith.mulf %mul3A_3629, %slice3A_3627 : vector<128x128xf32>
    %tanh3A_3631 = math.tanh %mul3A_3630 : vector<128x128xf32>
    %mul3A_3632 = arith.constant 5.000000e-01 : f32
    %mul3A_3633 = vector.broadcast %mul3A_3632 : f32 to vector<128x128xf32>
    %mul3A_3634 = arith.mulf %mul3A_3633, %tanh3A_3631 : vector<128x128xf32>
    %add3A_3635 = arith.constant 5.000000e-01 : f32
    %add3A_3636 = vector.broadcast %add3A_3635 : f32 to vector<128x128xf32>
    %add3A_3637 = arith.addf %add3A_3636, %mul3A_3634 : vector<128x128xf32>
    %slice3A_3638 = vector.extract_strided_slice %add3A_3615 {offsets = [0, 256], sizes = [128, 128], strides = [1, 1]} : vector<128x512xf32> to vector<128x128xf32>
    %tanh3A_3639 = math.tanh %slice3A_3638 : vector<128x128xf32>
    %slice3A_3640 = vector.extract_strided_slice %add3A_3615 {offsets = [0, 384], sizes = [128, 128], strides = [1, 1]} : vector<128x512xf32> to vector<128x128xf32>
    %mul3A_3641 = arith.constant 5.000000e-01 : f32
    %mul3A_3642 = vector.broadcast %mul3A_3641 : f32 to vector<128x128xf32>
    %mul3A_3643 = arith.mulf %mul3A_3642, %slice3A_3640 : vector<128x128xf32>
    %tanh3A_3644 = math.tanh %mul3A_3643 : vector<128x128xf32>
    %mul3A_3645 = arith.constant 5.000000e-01 : f32
    %mul3A_3646 = vector.broadcast %mul3A_3645 : f32 to vector<128x128xf32>
    %mul3A_3647 = arith.mulf %mul3A_3646, %tanh3A_3644 : vector<128x128xf32>
    %add3A_3648 = arith.constant 5.000000e-01 : f32
    %add3A_3649 = vector.broadcast %add3A_3648 : f32 to vector<128x128xf32>
    %add3A_3650 = arith.addf %add3A_3649, %mul3A_3647 : vector<128x128xf32>
    %mul3A_3651 = arith.mulf %add3A_3637, %select_n3A_3403 : vector<128x128xf32>
    %mul3A_3652 = arith.mulf %add3A_3626, %tanh3A_3639 : vector<128x128xf32>
    %add3A_3653 = arith.addf %mul3A_3651, %mul3A_3652 : vector<128x128xf32>
    %tanh3A_3654 = math.tanh %add3A_3653 : vector<128x128xf32>
    %mul3A_3655 = arith.mulf %add3A_3650, %tanh3A_3654 : vector<128x128xf32>
    %broadcast_in_dim3A_3656 = vector.shape_cast %gt3A_3549 : vector<128x1xi1> to vector<128x1xi1>
    %broadcast_in_dim3A_3657 = vector.broadcast %broadcast_in_dim3A_3656 : vector<128x1xi1> to vector<128x128xi1>
    %select_n3A_3658 = arith.select %broadcast_in_dim3A_3657, %mul3A_3655, %select_n3A_3400 : vector<128x128xi1>, vector<128x128xf32>
    %broadcast_in_dim3A_3659 = vector.shape_cast %gt3A_3549 : vector<128x1xi1> to vector<128x1xi1>
    %broadcast_in_dim3A_3660 = vector.broadcast %broadcast_in_dim3A_3659 : vector<128x1xi1> to vector<128x128xi1>
    %select_n3A_3661 = arith.select %broadcast_in_dim3A_3660, %add3A_3653, %select_n3A_3403 : vector<128x128xi1>, vector<128x128xf32>
    %jit3A_3662 = arith.constant 0.000000e+00 : f32
    %broadcast_in_dim3A_3663 = vector.shape_cast %gt3A_3546 : vector<128x1xi1> to vector<128x1xi1>
    %broadcast_in_dim3A_3664 = vector.broadcast %broadcast_in_dim3A_3663 : vector<128x1xi1> to vector<128x128xi1>
    %broadcast_in_dim3A_3665 = vector.broadcast %jit3A_3662 : f32 to vector<128x128xf32>
    %select_n3A_3666 = arith.select %broadcast_in_dim3A_3664, %mul3A_3599, %broadcast_in_dim3A_3665 : vector<128x128xi1>, vector<128x128xf32>
    %swap3A_3667 = arith.constant 0 : index
    %swap3A_3668 = arith.constant 13 : index
    %swap3A_3669 = arith.constant 0 : index
    %swap3A_3670 = vector.load %arg19[%swap3A_3667, %swap3A_3668, %swap3A_3669] : memref<128x27x256xf32, #tpu.memory_space<vmem>>, vector<128x1x128xf32>
    %swap3A_3671 = vector.shape_cast %swap3A_3670 : vector<128x1x128xf32> to vector<128x128xf32>
    %swap3A_3672 = vector.shape_cast %select_n3A_3666 : vector<128x128xf32> to vector<128x1x128xf32>
    tpu.vector_store %arg19[%swap3A_3667, %swap3A_3668, %swap3A_3669], %swap3A_3672 {strides = array<i32>} : memref<128x27x256xf32, #tpu.memory_space<vmem>>, vector<128x1x128xf32>,
    %jit3A_3673 = arith.constant 0.000000e+00 : f32
    %broadcast_in_dim3A_3674 = vector.shape_cast %gt3A_3549 : vector<128x1xi1> to vector<128x1xi1>
    %broadcast_in_dim3A_3675 = vector.broadcast %broadcast_in_dim3A_3674 : vector<128x1xi1> to vector<128x128xi1>
    %broadcast_in_dim3A_3676 = vector.broadcast %jit3A_3673 : f32 to vector<128x128xf32>
    %select_n3A_3677 = arith.select %broadcast_in_dim3A_3675, %mul3A_3655, %broadcast_in_dim3A_3676 : vector<128x128xi1>, vector<128x128xf32>
    %swap3A_3678 = arith.constant 0 : index
    %swap3A_3679 = arith.constant 13 : index
    %swap3A_3680 = arith.constant 128 : index
    %swap3A_3681 = vector.load %arg19[%swap3A_3678, %swap3A_3679, %swap3A_3680] : memref<128x27x256xf32, #tpu.memory_space<vmem>>, vector<128x1x128xf32>
    %swap3A_3682 = vector.shape_cast %swap3A_3681 : vector<128x1x128xf32> to vector<128x128xf32>
    %swap3A_3683 = vector.shape_cast %select_n3A_3677 : vector<128x128xf32> to vector<128x1x128xf32>
    tpu.vector_store %arg19[%swap3A_3678, %swap3A_3679, %swap3A_3680], %swap3A_3683 {strides = array<i32>} : memref<128x27x256xf32, #tpu.memory_space<vmem>>, vector<128x1x128xf32>,
    %get3A_3684 = arith.constant 41 : index
    %get3A_3685 = arith.constant 0 : index
    %get3A_3686 = arith.constant 0 : index
    %get3A_3687 = vector.load %arg1[%get3A_3684, %get3A_3685, %get3A_3686] : memref<42x128x128xf32, #tpu.memory_space<vmem>>, vector<1x128x128xf32>
    %get3A_3688 = vector.shape_cast %get3A_3687 : vector<1x128x128xf32> to vector<128x128xf32>
    %gt3A_3689 = arith.constant 14 : i32
    %gt3A_3690 = vector.broadcast %gt3A_3689 : i32 to vector<128x1xi32>
    %gt3A_3691 = arith.cmpi sgt, %broadcast_in_dim3A_45, %gt3A_3690 : vector<128x1xi32>
    %dot_general3A_3692 = arith.constant dense<0.000000e+00> : vector<128x512xf32>
    %dot_general3A_3693 = tpu.matmul %get3A_3688, %concatenate3A, %dot_general3A_3692 {dimension_numbers = #tpu.dot_dimension_numbers<[1], [0], [0], [1], [0, 0, 1, 1], [], []>, transpose_lhs_hint = false} : vector<128x128xf32>, vector<128x512xf32>, vector<128x512xf32> -> vector<128x512xf32>
    %dot_general3A_3694 = arith.constant dense<0.000000e+00> : vector<128x512xf32>
    %dot_general3A_3695 = tpu.matmul %select_n3A_3481, %transpose3A_56, %dot_general3A_3694 {dimension_numbers = #tpu.dot_dimension_numbers<[1], [0], [0], [1], [0, 0, 1, 1], [], []>, transpose_lhs_hint = false} : vector<128x128xf32>, vector<128x512xf32>, vector<128x512xf32> -> vector<128x512xf32>
    %add3A_3696 = arith.addf %dot_general3A_3693, %dot_general3A_3695 : vector<128x512xf32>
    %slice3A_3697 = vector.extract_strided_slice %add3A_3696 {offsets = [0, 0], sizes = [128, 128], strides = [1, 1]} : vector<128x512xf32> to vector<128x128xf32>
    %mul3A_3698 = arith.constant 5.000000e-01 : f32
    %mul3A_3699 = vector.broadcast %mul3A_3698 : f32 to vector<128x128xf32>
    %mul3A_3700 = arith.mulf %mul3A_3699, %slice3A_3697 : vector<128x128xf32>
    %tanh3A_3701 = math.tanh %mul3A_3700 : vector<128x128xf32>
    %mul3A_3702 = arith.constant 5.000000e-01 : f32
    %mul3A_3703 = vector.broadcast %mul3A_3702 : f32 to vector<128x128xf32>
    %mul3A_3704 = arith.mulf %mul3A_3703, %tanh3A_3701 : vector<128x128xf32>
    %add3A_3705 = arith.constant 5.000000e-01 : f32
    %add3A_3706 = vector.broadcast %add3A_3705 : f32 to vector<128x128xf32>
    %add3A_3707 = arith.addf %add3A_3706, %mul3A_3704 : vector<128x128xf32>
    %slice3A_3708 = vector.extract_strided_slice %add3A_3696 {offsets = [0, 128], sizes = [128, 128], strides = [1, 1]} : vector<128x512xf32> to vector<128x128xf32>
    %mul3A_3709 = arith.constant 5.000000e-01 : f32
    %mul3A_3710 = vector.broadcast %mul3A_3709 : f32 to vector<128x128xf32>
    %mul3A_3711 = arith.mulf %mul3A_3710, %slice3A_3708 : vector<128x128xf32>
    %tanh3A_3712 = math.tanh %mul3A_3711 : vector<128x128xf32>
    %mul3A_3713 = arith.constant 5.000000e-01 : f32
    %mul3A_3714 = vector.broadcast %mul3A_3713 : f32 to vector<128x128xf32>
    %mul3A_3715 = arith.mulf %mul3A_3714, %tanh3A_3712 : vector<128x128xf32>
    %add3A_3716 = arith.constant 5.000000e-01 : f32
    %add3A_3717 = vector.broadcast %add3A_3716 : f32 to vector<128x128xf32>
    %add3A_3718 = arith.addf %add3A_3717, %mul3A_3715 : vector<128x128xf32>
    %slice3A_3719 = vector.extract_strided_slice %add3A_3696 {offsets = [0, 256], sizes = [128, 128], strides = [1, 1]} : vector<128x512xf32> to vector<128x128xf32>
    %tanh3A_3720 = math.tanh %slice3A_3719 : vector<128x128xf32>
    %slice3A_3721 = vector.extract_strided_slice %add3A_3696 {offsets = [0, 384], sizes = [128, 128], strides = [1, 1]} : vector<128x512xf32> to vector<128x128xf32>
    %mul3A_3722 = arith.constant 5.000000e-01 : f32
    %mul3A_3723 = vector.broadcast %mul3A_3722 : f32 to vector<128x128xf32>
    %mul3A_3724 = arith.mulf %mul3A_3723, %slice3A_3721 : vector<128x128xf32>
    %tanh3A_3725 = math.tanh %mul3A_3724 : vector<128x128xf32>
    %mul3A_3726 = arith.constant 5.000000e-01 : f32
    %mul3A_3727 = vector.broadcast %mul3A_3726 : f32 to vector<128x128xf32>
    %mul3A_3728 = arith.mulf %mul3A_3727, %tanh3A_3725 : vector<128x128xf32>
    %add3A_3729 = arith.constant 5.000000e-01 : f32
    %add3A_3730 = vector.broadcast %add3A_3729 : f32 to vector<128x128xf32>
    %add3A_3731 = arith.addf %add3A_3730, %mul3A_3728 : vector<128x128xf32>
    %mul3A_3732 = arith.mulf %add3A_3718, %select_n3A_3484 : vector<128x128xf32>
    %mul3A_3733 = arith.mulf %add3A_3707, %tanh3A_3720 : vector<128x128xf32>
    %add3A_3734 = arith.addf %mul3A_3732, %mul3A_3733 : vector<128x128xf32>
    %tanh3A_3735 = math.tanh %add3A_3734 : vector<128x128xf32>
    %mul3A_3736 = arith.mulf %add3A_3731, %tanh3A_3735 : vector<128x128xf32>
    %broadcast_in_dim3A_3737 = vector.shape_cast %gt3A_3691 : vector<128x1xi1> to vector<128x1xi1>
    %broadcast_in_dim3A_3738 = vector.broadcast %broadcast_in_dim3A_3737 : vector<128x1xi1> to vector<128x128xi1>
    %select_n3A_3739 = arith.select %broadcast_in_dim3A_3738, %mul3A_3736, %select_n3A_3481 : vector<128x128xi1>, vector<128x128xf32>
    %get3A_3740 = arith.constant 27 : index
    %get3A_3741 = arith.constant 0 : index
    %get3A_3742 = arith.constant 0 : index
    %get3A_3743 = vector.load %arg1[%get3A_3740, %get3A_3741, %get3A_3742] : memref<42x128x128xf32, #tpu.memory_space<vmem>>, vector<1x128x128xf32>
    %get3A_3744 = vector.shape_cast %get3A_3743 : vector<1x128x128xf32> to vector<128x128xf32>
    %gt3A_3745 = arith.constant 0 : i32
    %gt3A_3746 = vector.broadcast %gt3A_3745 : i32 to vector<128x1xi32>
    %gt3A_3747 = arith.cmpi sgt, %broadcast_in_dim3A_45, %gt3A_3746 : vector<128x1xi32>
    %dot_general3A_3748 = arith.constant dense<0.000000e+00> : vector<128x512xf32>
    %dot_general3A_3749 = tpu.matmul %get3A_3744, %concatenate3A_15, %dot_general3A_3748 {dimension_numbers = #tpu.dot_dimension_numbers<[1], [0], [0], [1], [0, 0, 1, 1], [], []>, transpose_lhs_hint = false} : vector<128x128xf32>, vector<128x512xf32>, vector<128x512xf32> -> vector<128x512xf32>
    %dot_general3A_3750 = arith.constant dense<0.000000e+00> : vector<128x512xf32>
    %dot_general3A_3751 = tpu.matmul %select_n3A_3540, %transpose3A_60, %dot_general3A_3750 {dimension_numbers = #tpu.dot_dimension_numbers<[1], [0], [0], [1], [0, 0, 1, 1], [], []>, transpose_lhs_hint = false} : vector<128x128xf32>, vector<128x512xf32>, vector<128x512xf32> -> vector<128x512xf32>
    %add3A_3752 = arith.addf %dot_general3A_3749, %dot_general3A_3751 : vector<128x512xf32>
    %slice3A_3753 = vector.extract_strided_slice %add3A_3752 {offsets = [0, 0], sizes = [128, 128], strides = [1, 1]} : vector<128x512xf32> to vector<128x128xf32>
    %mul3A_3754 = arith.constant 5.000000e-01 : f32
    %mul3A_3755 = vector.broadcast %mul3A_3754 : f32 to vector<128x128xf32>
    %mul3A_3756 = arith.mulf %mul3A_3755, %slice3A_3753 : vector<128x128xf32>
    %tanh3A_3757 = math.tanh %mul3A_3756 : vector<128x128xf32>
    %mul3A_3758 = arith.constant 5.000000e-01 : f32
    %mul3A_3759 = vector.broadcast %mul3A_3758 : f32 to vector<128x128xf32>
    %mul3A_3760 = arith.mulf %mul3A_3759, %tanh3A_3757 : vector<128x128xf32>
    %add3A_3761 = arith.constant 5.000000e-01 : f32
    %add3A_3762 = vector.broadcast %add3A_3761 : f32 to vector<128x128xf32>
    %add3A_3763 = arith.addf %add3A_3762, %mul3A_3760 : vector<128x128xf32>
    %slice3A_3764 = vector.extract_strided_slice %add3A_3752 {offsets = [0, 128], sizes = [128, 128], strides = [1, 1]} : vector<128x512xf32> to vector<128x128xf32>
    %mul3A_3765 = arith.constant 5.000000e-01 : f32
    %mul3A_3766 = vector.broadcast %mul3A_3765 : f32 to vector<128x128xf32>
    %mul3A_3767 = arith.mulf %mul3A_3766, %slice3A_3764 : vector<128x128xf32>
    %tanh3A_3768 = math.tanh %mul3A_3767 : vector<128x128xf32>
    %mul3A_3769 = arith.constant 5.000000e-01 : f32
    %mul3A_3770 = vector.broadcast %mul3A_3769 : f32 to vector<128x128xf32>
    %mul3A_3771 = arith.mulf %mul3A_3770, %tanh3A_3768 : vector<128x128xf32>
    %add3A_3772 = arith.constant 5.000000e-01 : f32
    %add3A_3773 = vector.broadcast %add3A_3772 : f32 to vector<128x128xf32>
    %add3A_3774 = arith.addf %add3A_3773, %mul3A_3771 : vector<128x128xf32>
    %slice3A_3775 = vector.extract_strided_slice %add3A_3752 {offsets = [0, 256], sizes = [128, 128], strides = [1, 1]} : vector<128x512xf32> to vector<128x128xf32>
    %tanh3A_3776 = math.tanh %slice3A_3775 : vector<128x128xf32>
    %slice3A_3777 = vector.extract_strided_slice %add3A_3752 {offsets = [0, 384], sizes = [128, 128], strides = [1, 1]} : vector<128x512xf32> to vector<128x128xf32>
    %mul3A_3778 = arith.constant 5.000000e-01 : f32
    %mul3A_3779 = vector.broadcast %mul3A_3778 : f32 to vector<128x128xf32>
    %mul3A_3780 = arith.mulf %mul3A_3779, %slice3A_3777 : vector<128x128xf32>
    %tanh3A_3781 = math.tanh %mul3A_3780 : vector<128x128xf32>
    %mul3A_3782 = arith.constant 5.000000e-01 : f32
    %mul3A_3783 = vector.broadcast %mul3A_3782 : f32 to vector<128x128xf32>
    %mul3A_3784 = arith.mulf %mul3A_3783, %tanh3A_3781 : vector<128x128xf32>
    %add3A_3785 = arith.constant 5.000000e-01 : f32
    %add3A_3786 = vector.broadcast %add3A_3785 : f32 to vector<128x128xf32>
    %add3A_3787 = arith.addf %add3A_3786, %mul3A_3784 : vector<128x128xf32>
    %mul3A_3788 = arith.mulf %add3A_3774, %select_n3A_3543 : vector<128x128xf32>
    %mul3A_3789 = arith.mulf %add3A_3763, %tanh3A_3776 : vector<128x128xf32>
    %add3A_3790 = arith.addf %mul3A_3788, %mul3A_3789 : vector<128x128xf32>
    %tanh3A_3791 = math.tanh %add3A_3790 : vector<128x128xf32>
    %mul3A_3792 = arith.mulf %add3A_3787, %tanh3A_3791 : vector<128x128xf32>
    %broadcast_in_dim3A_3793 = vector.shape_cast %gt3A_3747 : vector<128x1xi1> to vector<128x1xi1>
    %broadcast_in_dim3A_3794 = vector.broadcast %broadcast_in_dim3A_3793 : vector<128x1xi1> to vector<128x128xi1>
    %select_n3A_3795 = arith.select %broadcast_in_dim3A_3794, %mul3A_3792, %select_n3A_3540 : vector<128x128xi1>, vector<128x128xf32>
    %gt3A_3796 = arith.constant 14 : i32
    %gt3A_3797 = vector.broadcast %gt3A_3796 : i32 to vector<128x1xi32>
    %gt3A_3798 = arith.cmpi sgt, %broadcast_in_dim3A_52, %gt3A_3797 : vector<128x1xi32>
    %gt3A_3799 = arith.constant 12 : i32
    %gt3A_3800 = vector.broadcast %gt3A_3799 : i32 to vector<128x1xi32>
    %gt3A_3801 = arith.cmpi sgt, %broadcast_in_dim3A_52, %gt3A_3800 : vector<128x1xi32>
    %get3A_3802 = arith.constant 14 : index
    %get3A_3803 = arith.constant 0 : index
    %get3A_3804 = arith.constant 0 : index
    %get3A_3805 = vector.load %arg1[%get3A_3802, %get3A_3803, %get3A_3804] : memref<42x128x128xf32, #tpu.memory_space<vmem>>, vector<1x128x128xf32>
    %get3A_3806 = vector.shape_cast %get3A_3805 : vector<1x128x128xf32> to vector<128x128xf32>
    %dot_general3A_3807 = arith.constant dense<0.000000e+00> : vector<128x512xf32>
    %dot_general3A_3808 = tpu.matmul %get3A_3806, %concatenate3A_25, %dot_general3A_3807 {dimension_numbers = #tpu.dot_dimension_numbers<[1], [0], [0], [1], [0, 0, 1, 1], [], []>, transpose_lhs_hint = false} : vector<128x128xf32>, vector<128x512xf32>, vector<128x512xf32> -> vector<128x512xf32>
    %dot_general3A_3809 = arith.constant dense<0.000000e+00> : vector<128x512xf32>
    %dot_general3A_3810 = tpu.matmul %select_n3A_3602, %transpose3A_64, %dot_general3A_3809 {dimension_numbers = #tpu.dot_dimension_numbers<[1], [0], [0], [1], [0, 0, 1, 1], [], []>, transpose_lhs_hint = false} : vector<128x128xf32>, vector<128x512xf32>, vector<128x512xf32> -> vector<128x512xf32>
    %add3A_3811 = arith.addf %dot_general3A_3808, %dot_general3A_3810 : vector<128x512xf32>
    %slice3A_3812 = vector.extract_strided_slice %add3A_3811 {offsets = [0, 0], sizes = [128, 128], strides = [1, 1]} : vector<128x512xf32> to vector<128x128xf32>
    %mul3A_3813 = arith.constant 5.000000e-01 : f32
    %mul3A_3814 = vector.broadcast %mul3A_3813 : f32 to vector<128x128xf32>
    %mul3A_3815 = arith.mulf %mul3A_3814, %slice3A_3812 : vector<128x128xf32>
    %tanh3A_3816 = math.tanh %mul3A_3815 : vector<128x128xf32>
    %mul3A_3817 = arith.constant 5.000000e-01 : f32
    %mul3A_3818 = vector.broadcast %mul3A_3817 : f32 to vector<128x128xf32>
    %mul3A_3819 = arith.mulf %mul3A_3818, %tanh3A_3816 : vector<128x128xf32>
    %add3A_3820 = arith.constant 5.000000e-01 : f32
    %add3A_3821 = vector.broadcast %add3A_3820 : f32 to vector<128x128xf32>
    %add3A_3822 = arith.addf %add3A_3821, %mul3A_3819 : vector<128x128xf32>
    %slice3A_3823 = vector.extract_strided_slice %add3A_3811 {offsets = [0, 128], sizes = [128, 128], strides = [1, 1]} : vector<128x512xf32> to vector<128x128xf32>
    %mul3A_3824 = arith.constant 5.000000e-01 : f32
    %mul3A_3825 = vector.broadcast %mul3A_3824 : f32 to vector<128x128xf32>
    %mul3A_3826 = arith.mulf %mul3A_3825, %slice3A_3823 : vector<128x128xf32>
    %tanh3A_3827 = math.tanh %mul3A_3826 : vector<128x128xf32>
    %mul3A_3828 = arith.constant 5.000000e-01 : f32
    %mul3A_3829 = vector.broadcast %mul3A_3828 : f32 to vector<128x128xf32>
    %mul3A_3830 = arith.mulf %mul3A_3829, %tanh3A_3827 : vector<128x128xf32>
    %add3A_3831 = arith.constant 5.000000e-01 : f32
    %add3A_3832 = vector.broadcast %add3A_3831 : f32 to vector<128x128xf32>
    %add3A_3833 = arith.addf %add3A_3832, %mul3A_3830 : vector<128x128xf32>
    %slice3A_3834 = vector.extract_strided_slice %add3A_3811 {offsets = [0, 256], sizes = [128, 128], strides = [1, 1]} : vector<128x512xf32> to vector<128x128xf32>
    %tanh3A_3835 = math.tanh %slice3A_3834 : vector<128x128xf32>
    %slice3A_3836 = vector.extract_strided_slice %add3A_3811 {offsets = [0, 384], sizes = [128, 128], strides = [1, 1]} : vector<128x512xf32> to vector<128x128xf32>
    %mul3A_3837 = arith.constant 5.000000e-01 : f32
    %mul3A_3838 = vector.broadcast %mul3A_3837 : f32 to vector<128x128xf32>
    %mul3A_3839 = arith.mulf %mul3A_3838, %slice3A_3836 : vector<128x128xf32>
    %tanh3A_3840 = math.tanh %mul3A_3839 : vector<128x128xf32>
    %mul3A_3841 = arith.constant 5.000000e-01 : f32
    %mul3A_3842 = vector.broadcast %mul3A_3841 : f32 to vector<128x128xf32>
    %mul3A_3843 = arith.mulf %mul3A_3842, %tanh3A_3840 : vector<128x128xf32>
    %add3A_3844 = arith.constant 5.000000e-01 : f32
    %add3A_3845 = vector.broadcast %add3A_3844 : f32 to vector<128x128xf32>
    %add3A_3846 = arith.addf %add3A_3845, %mul3A_3843 : vector<128x128xf32>
    %mul3A_3847 = arith.mulf %add3A_3833, %select_n3A_3605 : vector<128x128xf32>
    %mul3A_3848 = arith.mulf %add3A_3822, %tanh3A_3835 : vector<128x128xf32>
    %add3A_3849 = arith.addf %mul3A_3847, %mul3A_3848 : vector<128x128xf32>
    %tanh3A_3850 = math.tanh %add3A_3849 : vector<128x128xf32>
    %mul3A_3851 = arith.mulf %add3A_3846, %tanh3A_3850 : vector<128x128xf32>
    %broadcast_in_dim3A_3852 = vector.shape_cast %gt3A_3798 : vector<128x1xi1> to vector<128x1xi1>
    %broadcast_in_dim3A_3853 = vector.broadcast %broadcast_in_dim3A_3852 : vector<128x1xi1> to vector<128x128xi1>
    %select_n3A_3854 = arith.select %broadcast_in_dim3A_3853, %mul3A_3851, %select_n3A_3602 : vector<128x128xi1>, vector<128x128xf32>
    %broadcast_in_dim3A_3855 = vector.shape_cast %gt3A_3798 : vector<128x1xi1> to vector<128x1xi1>
    %broadcast_in_dim3A_3856 = vector.broadcast %broadcast_in_dim3A_3855 : vector<128x1xi1> to vector<128x128xi1>
    %select_n3A_3857 = arith.select %broadcast_in_dim3A_3856, %add3A_3849, %select_n3A_3605 : vector<128x128xi1>, vector<128x128xf32>
    %get3A_3858 = arith.constant 12 : index
    %get3A_3859 = arith.constant 0 : index
    %get3A_3860 = arith.constant 0 : index
    %get3A_3861 = vector.load %arg1[%get3A_3858, %get3A_3859, %get3A_3860] : memref<42x128x128xf32, #tpu.memory_space<vmem>>, vector<1x128x128xf32>
    %get3A_3862 = vector.shape_cast %get3A_3861 : vector<1x128x128xf32> to vector<128x128xf32>
    %dot_general3A_3863 = arith.constant dense<0.000000e+00> : vector<128x512xf32>
    %dot_general3A_3864 = tpu.matmul %get3A_3862, %concatenate3A_35, %dot_general3A_3863 {dimension_numbers = #tpu.dot_dimension_numbers<[1], [0], [0], [1], [0, 0, 1, 1], [], []>, transpose_lhs_hint = false} : vector<128x128xf32>, vector<128x512xf32>, vector<128x512xf32> -> vector<128x512xf32>
    %dot_general3A_3865 = arith.constant dense<0.000000e+00> : vector<128x512xf32>
    %dot_general3A_3866 = tpu.matmul %select_n3A_3658, %transpose3A_68, %dot_general3A_3865 {dimension_numbers = #tpu.dot_dimension_numbers<[1], [0], [0], [1], [0, 0, 1, 1], [], []>, transpose_lhs_hint = false} : vector<128x128xf32>, vector<128x512xf32>, vector<128x512xf32> -> vector<128x512xf32>
    %add3A_3867 = arith.addf %dot_general3A_3864, %dot_general3A_3866 : vector<128x512xf32>
    %slice3A_3868 = vector.extract_strided_slice %add3A_3867 {offsets = [0, 0], sizes = [128, 128], strides = [1, 1]} : vector<128x512xf32> to vector<128x128xf32>
    %mul3A_3869 = arith.constant 5.000000e-01 : f32
    %mul3A_3870 = vector.broadcast %mul3A_3869 : f32 to vector<128x128xf32>
    %mul3A_3871 = arith.mulf %mul3A_3870, %slice3A_3868 : vector<128x128xf32>
    %tanh3A_3872 = math.tanh %mul3A_3871 : vector<128x128xf32>
    %mul3A_3873 = arith.constant 5.000000e-01 : f32
    %mul3A_3874 = vector.broadcast %mul3A_3873 : f32 to vector<128x128xf32>
    %mul3A_3875 = arith.mulf %mul3A_3874, %tanh3A_3872 : vector<128x128xf32>
    %add3A_3876 = arith.constant 5.000000e-01 : f32
    %add3A_3877 = vector.broadcast %add3A_3876 : f32 to vector<128x128xf32>
    %add3A_3878 = arith.addf %add3A_3877, %mul3A_3875 : vector<128x128xf32>
    %slice3A_3879 = vector.extract_strided_slice %add3A_3867 {offsets = [0, 128], sizes = [128, 128], strides = [1, 1]} : vector<128x512xf32> to vector<128x128xf32>
    %mul3A_3880 = arith.constant 5.000000e-01 : f32
    %mul3A_3881 = vector.broadcast %mul3A_3880 : f32 to vector<128x128xf32>
    %mul3A_3882 = arith.mulf %mul3A_3881, %slice3A_3879 : vector<128x128xf32>
    %tanh3A_3883 = math.tanh %mul3A_3882 : vector<128x128xf32>
    %mul3A_3884 = arith.constant 5.000000e-01 : f32
    %mul3A_3885 = vector.broadcast %mul3A_3884 : f32 to vector<128x128xf32>
    %mul3A_3886 = arith.mulf %mul3A_3885, %tanh3A_3883 : vector<128x128xf32>
    %add3A_3887 = arith.constant 5.000000e-01 : f32
    %add3A_3888 = vector.broadcast %add3A_3887 : f32 to vector<128x128xf32>
    %add3A_3889 = arith.addf %add3A_3888, %mul3A_3886 : vector<128x128xf32>
    %slice3A_3890 = vector.extract_strided_slice %add3A_3867 {offsets = [0, 256], sizes = [128, 128], strides = [1, 1]} : vector<128x512xf32> to vector<128x128xf32>
    %tanh3A_3891 = math.tanh %slice3A_3890 : vector<128x128xf32>
    %slice3A_3892 = vector.extract_strided_slice %add3A_3867 {offsets = [0, 384], sizes = [128, 128], strides = [1, 1]} : vector<128x512xf32> to vector<128x128xf32>
    %mul3A_3893 = arith.constant 5.000000e-01 : f32
    %mul3A_3894 = vector.broadcast %mul3A_3893 : f32 to vector<128x128xf32>
    %mul3A_3895 = arith.mulf %mul3A_3894, %slice3A_3892 : vector<128x128xf32>
    %tanh3A_3896 = math.tanh %mul3A_3895 : vector<128x128xf32>
    %mul3A_3897 = arith.constant 5.000000e-01 : f32
    %mul3A_3898 = vector.broadcast %mul3A_3897 : f32 to vector<128x128xf32>
    %mul3A_3899 = arith.mulf %mul3A_3898, %tanh3A_3896 : vector<128x128xf32>
    %add3A_3900 = arith.constant 5.000000e-01 : f32
    %add3A_3901 = vector.broadcast %add3A_3900 : f32 to vector<128x128xf32>
    %add3A_3902 = arith.addf %add3A_3901, %mul3A_3899 : vector<128x128xf32>
    %mul3A_3903 = arith.mulf %add3A_3889, %select_n3A_3661 : vector<128x128xf32>
    %mul3A_3904 = arith.mulf %add3A_3878, %tanh3A_3891 : vector<128x128xf32>
    %add3A_3905 = arith.addf %mul3A_3903, %mul3A_3904 : vector<128x128xf32>
    %tanh3A_3906 = math.tanh %add3A_3905 : vector<128x128xf32>
    %mul3A_3907 = arith.mulf %add3A_3902, %tanh3A_3906 : vector<128x128xf32>
    %broadcast_in_dim3A_3908 = vector.shape_cast %gt3A_3801 : vector<128x1xi1> to vector<128x1xi1>
    %broadcast_in_dim3A_3909 = vector.broadcast %broadcast_in_dim3A_3908 : vector<128x1xi1> to vector<128x128xi1>
    %select_n3A_3910 = arith.select %broadcast_in_dim3A_3909, %mul3A_3907, %select_n3A_3658 : vector<128x128xi1>, vector<128x128xf32>
    %broadcast_in_dim3A_3911 = vector.shape_cast %gt3A_3801 : vector<128x1xi1> to vector<128x1xi1>
    %broadcast_in_dim3A_3912 = vector.broadcast %broadcast_in_dim3A_3911 : vector<128x1xi1> to vector<128x128xi1>
    %select_n3A_3913 = arith.select %broadcast_in_dim3A_3912, %add3A_3905, %select_n3A_3661 : vector<128x128xi1>, vector<128x128xf32>
    %jit3A_3914 = arith.constant 0.000000e+00 : f32
    %broadcast_in_dim3A_3915 = vector.shape_cast %gt3A_3798 : vector<128x1xi1> to vector<128x1xi1>
    %broadcast_in_dim3A_3916 = vector.broadcast %broadcast_in_dim3A_3915 : vector<128x1xi1> to vector<128x128xi1>
    %broadcast_in_dim3A_3917 = vector.broadcast %jit3A_3914 : f32 to vector<128x128xf32>
    %select_n3A_3918 = arith.select %broadcast_in_dim3A_3916, %mul3A_3851, %broadcast_in_dim3A_3917 : vector<128x128xi1>, vector<128x128xf32>
    %swap3A_3919 = arith.constant 0 : index
    %swap3A_3920 = arith.constant 14 : index
    %swap3A_3921 = arith.constant 0 : index
    %swap3A_3922 = vector.load %arg19[%swap3A_3919, %swap3A_3920, %swap3A_3921] : memref<128x27x256xf32, #tpu.memory_space<vmem>>, vector<128x1x128xf32>
    %swap3A_3923 = vector.shape_cast %swap3A_3922 : vector<128x1x128xf32> to vector<128x128xf32>
    %swap3A_3924 = vector.shape_cast %select_n3A_3918 : vector<128x128xf32> to vector<128x1x128xf32>
    tpu.vector_store %arg19[%swap3A_3919, %swap3A_3920, %swap3A_3921], %swap3A_3924 {strides = array<i32>} : memref<128x27x256xf32, #tpu.memory_space<vmem>>, vector<128x1x128xf32>,
    %jit3A_3925 = arith.constant 0.000000e+00 : f32
    %broadcast_in_dim3A_3926 = vector.shape_cast %gt3A_3801 : vector<128x1xi1> to vector<128x1xi1>
    %broadcast_in_dim3A_3927 = vector.broadcast %broadcast_in_dim3A_3926 : vector<128x1xi1> to vector<128x128xi1>
    %broadcast_in_dim3A_3928 = vector.broadcast %jit3A_3925 : f32 to vector<128x128xf32>
    %select_n3A_3929 = arith.select %broadcast_in_dim3A_3927, %mul3A_3907, %broadcast_in_dim3A_3928 : vector<128x128xi1>, vector<128x128xf32>
    %swap3A_3930 = arith.constant 0 : index
    %swap3A_3931 = arith.constant 12 : index
    %swap3A_3932 = arith.constant 128 : index
    %swap3A_3933 = vector.load %arg19[%swap3A_3930, %swap3A_3931, %swap3A_3932] : memref<128x27x256xf32, #tpu.memory_space<vmem>>, vector<128x1x128xf32>
    %swap3A_3934 = vector.shape_cast %swap3A_3933 : vector<128x1x128xf32> to vector<128x128xf32>
    %swap3A_3935 = vector.shape_cast %select_n3A_3929 : vector<128x128xf32> to vector<128x1x128xf32>
    tpu.vector_store %arg19[%swap3A_3930, %swap3A_3931, %swap3A_3932], %swap3A_3935 {strides = array<i32>} : memref<128x27x256xf32, #tpu.memory_space<vmem>>, vector<128x1x128xf32>,
    %gt3A_3936 = arith.constant 15 : i32
    %gt3A_3937 = vector.broadcast %gt3A_3936 : i32 to vector<128x1xi32>
    %gt3A_3938 = arith.cmpi sgt, %broadcast_in_dim3A_52, %gt3A_3937 : vector<128x1xi32>
    %gt3A_3939 = arith.constant 11 : i32
    %gt3A_3940 = vector.broadcast %gt3A_3939 : i32 to vector<128x1xi32>
    %gt3A_3941 = arith.cmpi sgt, %broadcast_in_dim3A_52, %gt3A_3940 : vector<128x1xi32>
    %get3A_3942 = arith.constant 15 : index
    %get3A_3943 = arith.constant 0 : index
    %get3A_3944 = arith.constant 0 : index
    %get3A_3945 = vector.load %arg1[%get3A_3942, %get3A_3943, %get3A_3944] : memref<42x128x128xf32, #tpu.memory_space<vmem>>, vector<1x128x128xf32>
    %get3A_3946 = vector.shape_cast %get3A_3945 : vector<1x128x128xf32> to vector<128x128xf32>
    %dot_general3A_3947 = arith.constant dense<0.000000e+00> : vector<128x512xf32>
    %dot_general3A_3948 = tpu.matmul %get3A_3946, %concatenate3A_25, %dot_general3A_3947 {dimension_numbers = #tpu.dot_dimension_numbers<[1], [0], [0], [1], [0, 0, 1, 1], [], []>, transpose_lhs_hint = false} : vector<128x128xf32>, vector<128x512xf32>, vector<128x512xf32> -> vector<128x512xf32>
    %dot_general3A_3949 = arith.constant dense<0.000000e+00> : vector<128x512xf32>
    %dot_general3A_3950 = tpu.matmul %select_n3A_3854, %transpose3A_64, %dot_general3A_3949 {dimension_numbers = #tpu.dot_dimension_numbers<[1], [0], [0], [1], [0, 0, 1, 1], [], []>, transpose_lhs_hint = false} : vector<128x128xf32>, vector<128x512xf32>, vector<128x512xf32> -> vector<128x512xf32>
    %add3A_3951 = arith.addf %dot_general3A_3948, %dot_general3A_3950 : vector<128x512xf32>
    %slice3A_3952 = vector.extract_strided_slice %add3A_3951 {offsets = [0, 0], sizes = [128, 128], strides = [1, 1]} : vector<128x512xf32> to vector<128x128xf32>
    %mul3A_3953 = arith.constant 5.000000e-01 : f32
    %mul3A_3954 = vector.broadcast %mul3A_3953 : f32 to vector<128x128xf32>
    %mul3A_3955 = arith.mulf %mul3A_3954, %slice3A_3952 : vector<128x128xf32>
    %tanh3A_3956 = math.tanh %mul3A_3955 : vector<128x128xf32>
    %mul3A_3957 = arith.constant 5.000000e-01 : f32
    %mul3A_3958 = vector.broadcast %mul3A_3957 : f32 to vector<128x128xf32>
    %mul3A_3959 = arith.mulf %mul3A_3958, %tanh3A_3956 : vector<128x128xf32>
    %add3A_3960 = arith.constant 5.000000e-01 : f32
    %add3A_3961 = vector.broadcast %add3A_3960 : f32 to vector<128x128xf32>
    %add3A_3962 = arith.addf %add3A_3961, %mul3A_3959 : vector<128x128xf32>
    %slice3A_3963 = vector.extract_strided_slice %add3A_3951 {offsets = [0, 128], sizes = [128, 128], strides = [1, 1]} : vector<128x512xf32> to vector<128x128xf32>
    %mul3A_3964 = arith.constant 5.000000e-01 : f32
    %mul3A_3965 = vector.broadcast %mul3A_3964 : f32 to vector<128x128xf32>
    %mul3A_3966 = arith.mulf %mul3A_3965, %slice3A_3963 : vector<128x128xf32>
    %tanh3A_3967 = math.tanh %mul3A_3966 : vector<128x128xf32>
    %mul3A_3968 = arith.constant 5.000000e-01 : f32
    %mul3A_3969 = vector.broadcast %mul3A_3968 : f32 to vector<128x128xf32>
    %mul3A_3970 = arith.mulf %mul3A_3969, %tanh3A_3967 : vector<128x128xf32>
    %add3A_3971 = arith.constant 5.000000e-01 : f32
    %add3A_3972 = vector.broadcast %add3A_3971 : f32 to vector<128x128xf32>
    %add3A_3973 = arith.addf %add3A_3972, %mul3A_3970 : vector<128x128xf32>
    %slice3A_3974 = vector.extract_strided_slice %add3A_3951 {offsets = [0, 256], sizes = [128, 128], strides = [1, 1]} : vector<128x512xf32> to vector<128x128xf32>
    %tanh3A_3975 = math.tanh %slice3A_3974 : vector<128x128xf32>
    %slice3A_3976 = vector.extract_strided_slice %add3A_3951 {offsets = [0, 384], sizes = [128, 128], strides = [1, 1]} : vector<128x512xf32> to vector<128x128xf32>
    %mul3A_3977 = arith.constant 5.000000e-01 : f32
    %mul3A_3978 = vector.broadcast %mul3A_3977 : f32 to vector<128x128xf32>
    %mul3A_3979 = arith.mulf %mul3A_3978, %slice3A_3976 : vector<128x128xf32>
    %tanh3A_3980 = math.tanh %mul3A_3979 : vector<128x128xf32>
    %mul3A_3981 = arith.constant 5.000000e-01 : f32
    %mul3A_3982 = vector.broadcast %mul3A_3981 : f32 to vector<128x128xf32>
    %mul3A_3983 = arith.mulf %mul3A_3982, %tanh3A_3980 : vector<128x128xf32>
    %add3A_3984 = arith.constant 5.000000e-01 : f32
    %add3A_3985 = vector.broadcast %add3A_3984 : f32 to vector<128x128xf32>
    %add3A_3986 = arith.addf %add3A_3985, %mul3A_3983 : vector<128x128xf32>
    %mul3A_3987 = arith.mulf %add3A_3973, %select_n3A_3857 : vector<128x128xf32>
    %mul3A_3988 = arith.mulf %add3A_3962, %tanh3A_3975 : vector<128x128xf32>
    %add3A_3989 = arith.addf %mul3A_3987, %mul3A_3988 : vector<128x128xf32>
    %tanh3A_3990 = math.tanh %add3A_3989 : vector<128x128xf32>
    %mul3A_3991 = arith.mulf %add3A_3986, %tanh3A_3990 : vector<128x128xf32>
    %broadcast_in_dim3A_3992 = vector.shape_cast %gt3A_3938 : vector<128x1xi1> to vector<128x1xi1>
    %broadcast_in_dim3A_3993 = vector.broadcast %broadcast_in_dim3A_3992 : vector<128x1xi1> to vector<128x128xi1>
    %select_n3A_3994 = arith.select %broadcast_in_dim3A_3993, %mul3A_3991, %select_n3A_3854 : vector<128x128xi1>, vector<128x128xf32>
    %broadcast_in_dim3A_3995 = vector.shape_cast %gt3A_3938 : vector<128x1xi1> to vector<128x1xi1>
    %broadcast_in_dim3A_3996 = vector.broadcast %broadcast_in_dim3A_3995 : vector<128x1xi1> to vector<128x128xi1>
    %select_n3A_3997 = arith.select %broadcast_in_dim3A_3996, %add3A_3989, %select_n3A_3857 : vector<128x128xi1>, vector<128x128xf32>
    %get3A_3998 = arith.constant 11 : index
    %get3A_3999 = arith.constant 0 : index
    %get3A_4000 = arith.constant 0 : index
    %get3A_4001 = vector.load %arg1[%get3A_3998, %get3A_3999, %get3A_4000] : memref<42x128x128xf32, #tpu.memory_space<vmem>>, vector<1x128x128xf32>
    %get3A_4002 = vector.shape_cast %get3A_4001 : vector<1x128x128xf32> to vector<128x128xf32>
    %dot_general3A_4003 = arith.constant dense<0.000000e+00> : vector<128x512xf32>
    %dot_general3A_4004 = tpu.matmul %get3A_4002, %concatenate3A_35, %dot_general3A_4003 {dimension_numbers = #tpu.dot_dimension_numbers<[1], [0], [0], [1], [0, 0, 1, 1], [], []>, transpose_lhs_hint = false} : vector<128x128xf32>, vector<128x512xf32>, vector<128x512xf32> -> vector<128x512xf32>
    %dot_general3A_4005 = arith.constant dense<0.000000e+00> : vector<128x512xf32>
    %dot_general3A_4006 = tpu.matmul %select_n3A_3910, %transpose3A_68, %dot_general3A_4005 {dimension_numbers = #tpu.dot_dimension_numbers<[1], [0], [0], [1], [0, 0, 1, 1], [], []>, transpose_lhs_hint = false} : vector<128x128xf32>, vector<128x512xf32>, vector<128x512xf32> -> vector<128x512xf32>
    %add3A_4007 = arith.addf %dot_general3A_4004, %dot_general3A_4006 : vector<128x512xf32>
    %slice3A_4008 = vector.extract_strided_slice %add3A_4007 {offsets = [0, 0], sizes = [128, 128], strides = [1, 1]} : vector<128x512xf32> to vector<128x128xf32>
    %mul3A_4009 = arith.constant 5.000000e-01 : f32
    %mul3A_4010 = vector.broadcast %mul3A_4009 : f32 to vector<128x128xf32>
    %mul3A_4011 = arith.mulf %mul3A_4010, %slice3A_4008 : vector<128x128xf32>
    %tanh3A_4012 = math.tanh %mul3A_4011 : vector<128x128xf32>
    %mul3A_4013 = arith.constant 5.000000e-01 : f32
    %mul3A_4014 = vector.broadcast %mul3A_4013 : f32 to vector<128x128xf32>
    %mul3A_4015 = arith.mulf %mul3A_4014, %tanh3A_4012 : vector<128x128xf32>
    %add3A_4016 = arith.constant 5.000000e-01 : f32
    %add3A_4017 = vector.broadcast %add3A_4016 : f32 to vector<128x128xf32>
    %add3A_4018 = arith.addf %add3A_4017, %mul3A_4015 : vector<128x128xf32>
    %slice3A_4019 = vector.extract_strided_slice %add3A_4007 {offsets = [0, 128], sizes = [128, 128], strides = [1, 1]} : vector<128x512xf32> to vector<128x128xf32>
    %mul3A_4020 = arith.constant 5.000000e-01 : f32
    %mul3A_4021 = vector.broadcast %mul3A_4020 : f32 to vector<128x128xf32>
    %mul3A_4022 = arith.mulf %mul3A_4021, %slice3A_4019 : vector<128x128xf32>
    %tanh3A_4023 = math.tanh %mul3A_4022 : vector<128x128xf32>
    %mul3A_4024 = arith.constant 5.000000e-01 : f32
    %mul3A_4025 = vector.broadcast %mul3A_4024 : f32 to vector<128x128xf32>
    %mul3A_4026 = arith.mulf %mul3A_4025, %tanh3A_4023 : vector<128x128xf32>
    %add3A_4027 = arith.constant 5.000000e-01 : f32
    %add3A_4028 = vector.broadcast %add3A_4027 : f32 to vector<128x128xf32>
    %add3A_4029 = arith.addf %add3A_4028, %mul3A_4026 : vector<128x128xf32>
    %slice3A_4030 = vector.extract_strided_slice %add3A_4007 {offsets = [0, 256], sizes = [128, 128], strides = [1, 1]} : vector<128x512xf32> to vector<128x128xf32>
    %tanh3A_4031 = math.tanh %slice3A_4030 : vector<128x128xf32>
    %slice3A_4032 = vector.extract_strided_slice %add3A_4007 {offsets = [0, 384], sizes = [128, 128], strides = [1, 1]} : vector<128x512xf32> to vector<128x128xf32>
    %mul3A_4033 = arith.constant 5.000000e-01 : f32
    %mul3A_4034 = vector.broadcast %mul3A_4033 : f32 to vector<128x128xf32>
    %mul3A_4035 = arith.mulf %mul3A_4034, %slice3A_4032 : vector<128x128xf32>
    %tanh3A_4036 = math.tanh %mul3A_4035 : vector<128x128xf32>
    %mul3A_4037 = arith.constant 5.000000e-01 : f32
    %mul3A_4038 = vector.broadcast %mul3A_4037 : f32 to vector<128x128xf32>
    %mul3A_4039 = arith.mulf %mul3A_4038, %tanh3A_4036 : vector<128x128xf32>
    %add3A_4040 = arith.constant 5.000000e-01 : f32
    %add3A_4041 = vector.broadcast %add3A_4040 : f32 to vector<128x128xf32>
    %add3A_4042 = arith.addf %add3A_4041, %mul3A_4039 : vector<128x128xf32>
    %mul3A_4043 = arith.mulf %add3A_4029, %select_n3A_3913 : vector<128x128xf32>
    %mul3A_4044 = arith.mulf %add3A_4018, %tanh3A_4031 : vector<128x128xf32>
    %add3A_4045 = arith.addf %mul3A_4043, %mul3A_4044 : vector<128x128xf32>
    %tanh3A_4046 = math.tanh %add3A_4045 : vector<128x128xf32>
    %mul3A_4047 = arith.mulf %add3A_4042, %tanh3A_4046 : vector<128x128xf32>
    %broadcast_in_dim3A_4048 = vector.shape_cast %gt3A_3941 : vector<128x1xi1> to vector<128x1xi1>
    %broadcast_in_dim3A_4049 = vector.broadcast %broadcast_in_dim3A_4048 : vector<128x1xi1> to vector<128x128xi1>
    %select_n3A_4050 = arith.select %broadcast_in_dim3A_4049, %mul3A_4047, %select_n3A_3910 : vector<128x128xi1>, vector<128x128xf32>
    %broadcast_in_dim3A_4051 = vector.shape_cast %gt3A_3941 : vector<128x1xi1> to vector<128x1xi1>
    %broadcast_in_dim3A_4052 = vector.broadcast %broadcast_in_dim3A_4051 : vector<128x1xi1> to vector<128x128xi1>
    %select_n3A_4053 = arith.select %broadcast_in_dim3A_4052, %add3A_4045, %select_n3A_3913 : vector<128x128xi1>, vector<128x128xf32>
    %jit3A_4054 = arith.constant 0.000000e+00 : f32
    %broadcast_in_dim3A_4055 = vector.shape_cast %gt3A_3938 : vector<128x1xi1> to vector<128x1xi1>
    %broadcast_in_dim3A_4056 = vector.broadcast %broadcast_in_dim3A_4055 : vector<128x1xi1> to vector<128x128xi1>
    %broadcast_in_dim3A_4057 = vector.broadcast %jit3A_4054 : f32 to vector<128x128xf32>
    %select_n3A_4058 = arith.select %broadcast_in_dim3A_4056, %mul3A_3991, %broadcast_in_dim3A_4057 : vector<128x128xi1>, vector<128x128xf32>
    %swap3A_4059 = arith.constant 0 : index
    %swap3A_4060 = arith.constant 15 : index
    %swap3A_4061 = arith.constant 0 : index
    %swap3A_4062 = vector.load %arg19[%swap3A_4059, %swap3A_4060, %swap3A_4061] : memref<128x27x256xf32, #tpu.memory_space<vmem>>, vector<128x1x128xf32>
    %swap3A_4063 = vector.shape_cast %swap3A_4062 : vector<128x1x128xf32> to vector<128x128xf32>
    %swap3A_4064 = vector.shape_cast %select_n3A_4058 : vector<128x128xf32> to vector<128x1x128xf32>
    tpu.vector_store %arg19[%swap3A_4059, %swap3A_4060, %swap3A_4061], %swap3A_4064 {strides = array<i32>} : memref<128x27x256xf32, #tpu.memory_space<vmem>>, vector<128x1x128xf32>,
    %jit3A_4065 = arith.constant 0.000000e+00 : f32
    %broadcast_in_dim3A_4066 = vector.shape_cast %gt3A_3941 : vector<128x1xi1> to vector<128x1xi1>
    %broadcast_in_dim3A_4067 = vector.broadcast %broadcast_in_dim3A_4066 : vector<128x1xi1> to vector<128x128xi1>
    %broadcast_in_dim3A_4068 = vector.broadcast %jit3A_4065 : f32 to vector<128x128xf32>
    %select_n3A_4069 = arith.select %broadcast_in_dim3A_4067, %mul3A_4047, %broadcast_in_dim3A_4068 : vector<128x128xi1>, vector<128x128xf32>
    %swap3A_4070 = arith.constant 0 : index
    %swap3A_4071 = arith.constant 11 : index
    %swap3A_4072 = arith.constant 128 : index
    %swap3A_4073 = vector.load %arg19[%swap3A_4070, %swap3A_4071, %swap3A_4072] : memref<128x27x256xf32, #tpu.memory_space<vmem>>, vector<128x1x128xf32>
    %swap3A_4074 = vector.shape_cast %swap3A_4073 : vector<128x1x128xf32> to vector<128x128xf32>
    %swap3A_4075 = vector.shape_cast %select_n3A_4069 : vector<128x128xf32> to vector<128x1x128xf32>
    tpu.vector_store %arg19[%swap3A_4070, %swap3A_4071, %swap3A_4072], %swap3A_4075 {strides = array<i32>} : memref<128x27x256xf32, #tpu.memory_space<vmem>>, vector<128x1x128xf32>,
    %gt3A_4076 = arith.constant 16 : i32
    %gt3A_4077 = vector.broadcast %gt3A_4076 : i32 to vector<128x1xi32>
    %gt3A_4078 = arith.cmpi sgt, %broadcast_in_dim3A_52, %gt3A_4077 : vector<128x1xi32>
    %gt3A_4079 = arith.constant 10 : i32
    %gt3A_4080 = vector.broadcast %gt3A_4079 : i32 to vector<128x1xi32>
    %gt3A_4081 = arith.cmpi sgt, %broadcast_in_dim3A_52, %gt3A_4080 : vector<128x1xi32>
    %get3A_4082 = arith.constant 16 : index
    %get3A_4083 = arith.constant 0 : index
    %get3A_4084 = arith.constant 0 : index
    %get3A_4085 = vector.load %arg1[%get3A_4082, %get3A_4083, %get3A_4084] : memref<42x128x128xf32, #tpu.memory_space<vmem>>, vector<1x128x128xf32>
    %get3A_4086 = vector.shape_cast %get3A_4085 : vector<1x128x128xf32> to vector<128x128xf32>
    %dot_general3A_4087 = arith.constant dense<0.000000e+00> : vector<128x512xf32>
    %dot_general3A_4088 = tpu.matmul %get3A_4086, %concatenate3A_25, %dot_general3A_4087 {dimension_numbers = #tpu.dot_dimension_numbers<[1], [0], [0], [1], [0, 0, 1, 1], [], []>, transpose_lhs_hint = false} : vector<128x128xf32>, vector<128x512xf32>, vector<128x512xf32> -> vector<128x512xf32>
    %dot_general3A_4089 = arith.constant dense<0.000000e+00> : vector<128x512xf32>
    %dot_general3A_4090 = tpu.matmul %select_n3A_3994, %transpose3A_64, %dot_general3A_4089 {dimension_numbers = #tpu.dot_dimension_numbers<[1], [0], [0], [1], [0, 0, 1, 1], [], []>, transpose_lhs_hint = false} : vector<128x128xf32>, vector<128x512xf32>, vector<128x512xf32> -> vector<128x512xf32>
    %add3A_4091 = arith.addf %dot_general3A_4088, %dot_general3A_4090 : vector<128x512xf32>
    %slice3A_4092 = vector.extract_strided_slice %add3A_4091 {offsets = [0, 0], sizes = [128, 128], strides = [1, 1]} : vector<128x512xf32> to vector<128x128xf32>
    %mul3A_4093 = arith.constant 5.000000e-01 : f32
    %mul3A_4094 = vector.broadcast %mul3A_4093 : f32 to vector<128x128xf32>
    %mul3A_4095 = arith.mulf %mul3A_4094, %slice3A_4092 : vector<128x128xf32>
    %tanh3A_4096 = math.tanh %mul3A_4095 : vector<128x128xf32>
    %mul3A_4097 = arith.constant 5.000000e-01 : f32
    %mul3A_4098 = vector.broadcast %mul3A_4097 : f32 to vector<128x128xf32>
    %mul3A_4099 = arith.mulf %mul3A_4098, %tanh3A_4096 : vector<128x128xf32>
    %add3A_4100 = arith.constant 5.000000e-01 : f32
    %add3A_4101 = vector.broadcast %add3A_4100 : f32 to vector<128x128xf32>
    %add3A_4102 = arith.addf %add3A_4101, %mul3A_4099 : vector<128x128xf32>
    %slice3A_4103 = vector.extract_strided_slice %add3A_4091 {offsets = [0, 128], sizes = [128, 128], strides = [1, 1]} : vector<128x512xf32> to vector<128x128xf32>
    %mul3A_4104 = arith.constant 5.000000e-01 : f32
    %mul3A_4105 = vector.broadcast %mul3A_4104 : f32 to vector<128x128xf32>
    %mul3A_4106 = arith.mulf %mul3A_4105, %slice3A_4103 : vector<128x128xf32>
    %tanh3A_4107 = math.tanh %mul3A_4106 : vector<128x128xf32>
    %mul3A_4108 = arith.constant 5.000000e-01 : f32
    %mul3A_4109 = vector.broadcast %mul3A_4108 : f32 to vector<128x128xf32>
    %mul3A_4110 = arith.mulf %mul3A_4109, %tanh3A_4107 : vector<128x128xf32>
    %add3A_4111 = arith.constant 5.000000e-01 : f32
    %add3A_4112 = vector.broadcast %add3A_4111 : f32 to vector<128x128xf32>
    %add3A_4113 = arith.addf %add3A_4112, %mul3A_4110 : vector<128x128xf32>
    %slice3A_4114 = vector.extract_strided_slice %add3A_4091 {offsets = [0, 256], sizes = [128, 128], strides = [1, 1]} : vector<128x512xf32> to vector<128x128xf32>
    %tanh3A_4115 = math.tanh %slice3A_4114 : vector<128x128xf32>
    %slice3A_4116 = vector.extract_strided_slice %add3A_4091 {offsets = [0, 384], sizes = [128, 128], strides = [1, 1]} : vector<128x512xf32> to vector<128x128xf32>
    %mul3A_4117 = arith.constant 5.000000e-01 : f32
    %mul3A_4118 = vector.broadcast %mul3A_4117 : f32 to vector<128x128xf32>
    %mul3A_4119 = arith.mulf %mul3A_4118, %slice3A_4116 : vector<128x128xf32>
    %tanh3A_4120 = math.tanh %mul3A_4119 : vector<128x128xf32>
    %mul3A_4121 = arith.constant 5.000000e-01 : f32
    %mul3A_4122 = vector.broadcast %mul3A_4121 : f32 to vector<128x128xf32>
    %mul3A_4123 = arith.mulf %mul3A_4122, %tanh3A_4120 : vector<128x128xf32>
    %add3A_4124 = arith.constant 5.000000e-01 : f32
    %add3A_4125 = vector.broadcast %add3A_4124 : f32 to vector<128x128xf32>
    %add3A_4126 = arith.addf %add3A_4125, %mul3A_4123 : vector<128x128xf32>
    %mul3A_4127 = arith.mulf %add3A_4113, %select_n3A_3997 : vector<128x128xf32>
    %mul3A_4128 = arith.mulf %add3A_4102, %tanh3A_4115 : vector<128x128xf32>
    %add3A_4129 = arith.addf %mul3A_4127, %mul3A_4128 : vector<128x128xf32>
    %tanh3A_4130 = math.tanh %add3A_4129 : vector<128x128xf32>
    %mul3A_4131 = arith.mulf %add3A_4126, %tanh3A_4130 : vector<128x128xf32>
    %broadcast_in_dim3A_4132 = vector.shape_cast %gt3A_4078 : vector<128x1xi1> to vector<128x1xi1>
    %broadcast_in_dim3A_4133 = vector.broadcast %broadcast_in_dim3A_4132 : vector<128x1xi1> to vector<128x128xi1>
    %select_n3A_4134 = arith.select %broadcast_in_dim3A_4133, %mul3A_4131, %select_n3A_3994 : vector<128x128xi1>, vector<128x128xf32>
    %broadcast_in_dim3A_4135 = vector.shape_cast %gt3A_4078 : vector<128x1xi1> to vector<128x1xi1>
    %broadcast_in_dim3A_4136 = vector.broadcast %broadcast_in_dim3A_4135 : vector<128x1xi1> to vector<128x128xi1>
    %select_n3A_4137 = arith.select %broadcast_in_dim3A_4136, %add3A_4129, %select_n3A_3997 : vector<128x128xi1>, vector<128x128xf32>
    %get3A_4138 = arith.constant 10 : index
    %get3A_4139 = arith.constant 0 : index
    %get3A_4140 = arith.constant 0 : index
    %get3A_4141 = vector.load %arg1[%get3A_4138, %get3A_4139, %get3A_4140] : memref<42x128x128xf32, #tpu.memory_space<vmem>>, vector<1x128x128xf32>
    %get3A_4142 = vector.shape_cast %get3A_4141 : vector<1x128x128xf32> to vector<128x128xf32>
    %dot_general3A_4143 = arith.constant dense<0.000000e+00> : vector<128x512xf32>
    %dot_general3A_4144 = tpu.matmul %get3A_4142, %concatenate3A_35, %dot_general3A_4143 {dimension_numbers = #tpu.dot_dimension_numbers<[1], [0], [0], [1], [0, 0, 1, 1], [], []>, transpose_lhs_hint = false} : vector<128x128xf32>, vector<128x512xf32>, vector<128x512xf32> -> vector<128x512xf32>
    %dot_general3A_4145 = arith.constant dense<0.000000e+00> : vector<128x512xf32>
    %dot_general3A_4146 = tpu.matmul %select_n3A_4050, %transpose3A_68, %dot_general3A_4145 {dimension_numbers = #tpu.dot_dimension_numbers<[1], [0], [0], [1], [0, 0, 1, 1], [], []>, transpose_lhs_hint = false} : vector<128x128xf32>, vector<128x512xf32>, vector<128x512xf32> -> vector<128x512xf32>
    %add3A_4147 = arith.addf %dot_general3A_4144, %dot_general3A_4146 : vector<128x512xf32>
    %slice3A_4148 = vector.extract_strided_slice %add3A_4147 {offsets = [0, 0], sizes = [128, 128], strides = [1, 1]} : vector<128x512xf32> to vector<128x128xf32>
    %mul3A_4149 = arith.constant 5.000000e-01 : f32
    %mul3A_4150 = vector.broadcast %mul3A_4149 : f32 to vector<128x128xf32>
    %mul3A_4151 = arith.mulf %mul3A_4150, %slice3A_4148 : vector<128x128xf32>
    %tanh3A_4152 = math.tanh %mul3A_4151 : vector<128x128xf32>
    %mul3A_4153 = arith.constant 5.000000e-01 : f32
    %mul3A_4154 = vector.broadcast %mul3A_4153 : f32 to vector<128x128xf32>
    %mul3A_4155 = arith.mulf %mul3A_4154, %tanh3A_4152 : vector<128x128xf32>
    %add3A_4156 = arith.constant 5.000000e-01 : f32
    %add3A_4157 = vector.broadcast %add3A_4156 : f32 to vector<128x128xf32>
    %add3A_4158 = arith.addf %add3A_4157, %mul3A_4155 : vector<128x128xf32>
    %slice3A_4159 = vector.extract_strided_slice %add3A_4147 {offsets = [0, 128], sizes = [128, 128], strides = [1, 1]} : vector<128x512xf32> to vector<128x128xf32>
    %mul3A_4160 = arith.constant 5.000000e-01 : f32
    %mul3A_4161 = vector.broadcast %mul3A_4160 : f32 to vector<128x128xf32>
    %mul3A_4162 = arith.mulf %mul3A_4161, %slice3A_4159 : vector<128x128xf32>
    %tanh3A_4163 = math.tanh %mul3A_4162 : vector<128x128xf32>
    %mul3A_4164 = arith.constant 5.000000e-01 : f32
    %mul3A_4165 = vector.broadcast %mul3A_4164 : f32 to vector<128x128xf32>
    %mul3A_4166 = arith.mulf %mul3A_4165, %tanh3A_4163 : vector<128x128xf32>
    %add3A_4167 = arith.constant 5.000000e-01 : f32
    %add3A_4168 = vector.broadcast %add3A_4167 : f32 to vector<128x128xf32>
    %add3A_4169 = arith.addf %add3A_4168, %mul3A_4166 : vector<128x128xf32>
    %slice3A_4170 = vector.extract_strided_slice %add3A_4147 {offsets = [0, 256], sizes = [128, 128], strides = [1, 1]} : vector<128x512xf32> to vector<128x128xf32>
    %tanh3A_4171 = math.tanh %slice3A_4170 : vector<128x128xf32>
    %slice3A_4172 = vector.extract_strided_slice %add3A_4147 {offsets = [0, 384], sizes = [128, 128], strides = [1, 1]} : vector<128x512xf32> to vector<128x128xf32>
    %mul3A_4173 = arith.constant 5.000000e-01 : f32
    %mul3A_4174 = vector.broadcast %mul3A_4173 : f32 to vector<128x128xf32>
    %mul3A_4175 = arith.mulf %mul3A_4174, %slice3A_4172 : vector<128x128xf32>
    %tanh3A_4176 = math.tanh %mul3A_4175 : vector<128x128xf32>
    %mul3A_4177 = arith.constant 5.000000e-01 : f32
    %mul3A_4178 = vector.broadcast %mul3A_4177 : f32 to vector<128x128xf32>
    %mul3A_4179 = arith.mulf %mul3A_4178, %tanh3A_4176 : vector<128x128xf32>
    %add3A_4180 = arith.constant 5.000000e-01 : f32
    %add3A_4181 = vector.broadcast %add3A_4180 : f32 to vector<128x128xf32>
    %add3A_4182 = arith.addf %add3A_4181, %mul3A_4179 : vector<128x128xf32>
    %mul3A_4183 = arith.mulf %add3A_4169, %select_n3A_4053 : vector<128x128xf32>
    %mul3A_4184 = arith.mulf %add3A_4158, %tanh3A_4171 : vector<128x128xf32>
    %add3A_4185 = arith.addf %mul3A_4183, %mul3A_4184 : vector<128x128xf32>
    %tanh3A_4186 = math.tanh %add3A_4185 : vector<128x128xf32>
    %mul3A_4187 = arith.mulf %add3A_4182, %tanh3A_4186 : vector<128x128xf32>
    %broadcast_in_dim3A_4188 = vector.shape_cast %gt3A_4081 : vector<128x1xi1> to vector<128x1xi1>
    %broadcast_in_dim3A_4189 = vector.broadcast %broadcast_in_dim3A_4188 : vector<128x1xi1> to vector<128x128xi1>
    %select_n3A_4190 = arith.select %broadcast_in_dim3A_4189, %mul3A_4187, %select_n3A_4050 : vector<128x128xi1>, vector<128x128xf32>
    %broadcast_in_dim3A_4191 = vector.shape_cast %gt3A_4081 : vector<128x1xi1> to vector<128x1xi1>
    %broadcast_in_dim3A_4192 = vector.broadcast %broadcast_in_dim3A_4191 : vector<128x1xi1> to vector<128x128xi1>
    %select_n3A_4193 = arith.select %broadcast_in_dim3A_4192, %add3A_4185, %select_n3A_4053 : vector<128x128xi1>, vector<128x128xf32>
    %jit3A_4194 = arith.constant 0.000000e+00 : f32
    %broadcast_in_dim3A_4195 = vector.shape_cast %gt3A_4078 : vector<128x1xi1> to vector<128x1xi1>
    %broadcast_in_dim3A_4196 = vector.broadcast %broadcast_in_dim3A_4195 : vector<128x1xi1> to vector<128x128xi1>
    %broadcast_in_dim3A_4197 = vector.broadcast %jit3A_4194 : f32 to vector<128x128xf32>
    %select_n3A_4198 = arith.select %broadcast_in_dim3A_4196, %mul3A_4131, %broadcast_in_dim3A_4197 : vector<128x128xi1>, vector<128x128xf32>
    %swap3A_4199 = arith.constant 0 : index
    %swap3A_4200 = arith.constant 16 : index
    %swap3A_4201 = arith.constant 0 : index
    %swap3A_4202 = vector.load %arg19[%swap3A_4199, %swap3A_4200, %swap3A_4201] : memref<128x27x256xf32, #tpu.memory_space<vmem>>, vector<128x1x128xf32>
    %swap3A_4203 = vector.shape_cast %swap3A_4202 : vector<128x1x128xf32> to vector<128x128xf32>
    %swap3A_4204 = vector.shape_cast %select_n3A_4198 : vector<128x128xf32> to vector<128x1x128xf32>
    tpu.vector_store %arg19[%swap3A_4199, %swap3A_4200, %swap3A_4201], %swap3A_4204 {strides = array<i32>} : memref<128x27x256xf32, #tpu.memory_space<vmem>>, vector<128x1x128xf32>,
    %jit3A_4205 = arith.constant 0.000000e+00 : f32
    %broadcast_in_dim3A_4206 = vector.shape_cast %gt3A_4081 : vector<128x1xi1> to vector<128x1xi1>
    %broadcast_in_dim3A_4207 = vector.broadcast %broadcast_in_dim3A_4206 : vector<128x1xi1> to vector<128x128xi1>
    %broadcast_in_dim3A_4208 = vector.broadcast %jit3A_4205 : f32 to vector<128x128xf32>
    %select_n3A_4209 = arith.select %broadcast_in_dim3A_4207, %mul3A_4187, %broadcast_in_dim3A_4208 : vector<128x128xi1>, vector<128x128xf32>
    %swap3A_4210 = arith.constant 0 : index
    %swap3A_4211 = arith.constant 10 : index
    %swap3A_4212 = arith.constant 128 : index
    %swap3A_4213 = vector.load %arg19[%swap3A_4210, %swap3A_4211, %swap3A_4212] : memref<128x27x256xf32, #tpu.memory_space<vmem>>, vector<128x1x128xf32>
    %swap3A_4214 = vector.shape_cast %swap3A_4213 : vector<128x1x128xf32> to vector<128x128xf32>
    %swap3A_4215 = vector.shape_cast %select_n3A_4209 : vector<128x128xf32> to vector<128x1x128xf32>
    tpu.vector_store %arg19[%swap3A_4210, %swap3A_4211, %swap3A_4212], %swap3A_4215 {strides = array<i32>} : memref<128x27x256xf32, #tpu.memory_space<vmem>>, vector<128x1x128xf32>,
    %gt3A_4216 = arith.constant 17 : i32
    %gt3A_4217 = vector.broadcast %gt3A_4216 : i32 to vector<128x1xi32>
    %gt3A_4218 = arith.cmpi sgt, %broadcast_in_dim3A_52, %gt3A_4217 : vector<128x1xi32>
    %gt3A_4219 = arith.constant 9 : i32
    %gt3A_4220 = vector.broadcast %gt3A_4219 : i32 to vector<128x1xi32>
    %gt3A_4221 = arith.cmpi sgt, %broadcast_in_dim3A_52, %gt3A_4220 : vector<128x1xi32>
    %get3A_4222 = arith.constant 17 : index
    %get3A_4223 = arith.constant 0 : index
    %get3A_4224 = arith.constant 0 : index
    %get3A_4225 = vector.load %arg1[%get3A_4222, %get3A_4223, %get3A_4224] : memref<42x128x128xf32, #tpu.memory_space<vmem>>, vector<1x128x128xf32>
    %get3A_4226 = vector.shape_cast %get3A_4225 : vector<1x128x128xf32> to vector<128x128xf32>
    %dot_general3A_4227 = arith.constant dense<0.000000e+00> : vector<128x512xf32>
    %dot_general3A_4228 = tpu.matmul %get3A_4226, %concatenate3A_25, %dot_general3A_4227 {dimension_numbers = #tpu.dot_dimension_numbers<[1], [0], [0], [1], [0, 0, 1, 1], [], []>, transpose_lhs_hint = false} : vector<128x128xf32>, vector<128x512xf32>, vector<128x512xf32> -> vector<128x512xf32>
    %dot_general3A_4229 = arith.constant dense<0.000000e+00> : vector<128x512xf32>
    %dot_general3A_4230 = tpu.matmul %select_n3A_4134, %transpose3A_64, %dot_general3A_4229 {dimension_numbers = #tpu.dot_dimension_numbers<[1], [0], [0], [1], [0, 0, 1, 1], [], []>, transpose_lhs_hint = false} : vector<128x128xf32>, vector<128x512xf32>, vector<128x512xf32> -> vector<128x512xf32>
    %add3A_4231 = arith.addf %dot_general3A_4228, %dot_general3A_4230 : vector<128x512xf32>
    %slice3A_4232 = vector.extract_strided_slice %add3A_4231 {offsets = [0, 0], sizes = [128, 128], strides = [1, 1]} : vector<128x512xf32> to vector<128x128xf32>
    %mul3A_4233 = arith.constant 5.000000e-01 : f32
    %mul3A_4234 = vector.broadcast %mul3A_4233 : f32 to vector<128x128xf32>
    %mul3A_4235 = arith.mulf %mul3A_4234, %slice3A_4232 : vector<128x128xf32>
    %tanh3A_4236 = math.tanh %mul3A_4235 : vector<128x128xf32>
    %mul3A_4237 = arith.constant 5.000000e-01 : f32
    %mul3A_4238 = vector.broadcast %mul3A_4237 : f32 to vector<128x128xf32>
    %mul3A_4239 = arith.mulf %mul3A_4238, %tanh3A_4236 : vector<128x128xf32>
    %add3A_4240 = arith.constant 5.000000e-01 : f32
    %add3A_4241 = vector.broadcast %add3A_4240 : f32 to vector<128x128xf32>
    %add3A_4242 = arith.addf %add3A_4241, %mul3A_4239 : vector<128x128xf32>
    %slice3A_4243 = vector.extract_strided_slice %add3A_4231 {offsets = [0, 128], sizes = [128, 128], strides = [1, 1]} : vector<128x512xf32> to vector<128x128xf32>
    %mul3A_4244 = arith.constant 5.000000e-01 : f32
    %mul3A_4245 = vector.broadcast %mul3A_4244 : f32 to vector<128x128xf32>
    %mul3A_4246 = arith.mulf %mul3A_4245, %slice3A_4243 : vector<128x128xf32>
    %tanh3A_4247 = math.tanh %mul3A_4246 : vector<128x128xf32>
    %mul3A_4248 = arith.constant 5.000000e-01 : f32
    %mul3A_4249 = vector.broadcast %mul3A_4248 : f32 to vector<128x128xf32>
    %mul3A_4250 = arith.mulf %mul3A_4249, %tanh3A_4247 : vector<128x128xf32>
    %add3A_4251 = arith.constant 5.000000e-01 : f32
    %add3A_4252 = vector.broadcast %add3A_4251 : f32 to vector<128x128xf32>
    %add3A_4253 = arith.addf %add3A_4252, %mul3A_4250 : vector<128x128xf32>
    %slice3A_4254 = vector.extract_strided_slice %add3A_4231 {offsets = [0, 256], sizes = [128, 128], strides = [1, 1]} : vector<128x512xf32> to vector<128x128xf32>
    %tanh3A_4255 = math.tanh %slice3A_4254 : vector<128x128xf32>
    %slice3A_4256 = vector.extract_strided_slice %add3A_4231 {offsets = [0, 384], sizes = [128, 128], strides = [1, 1]} : vector<128x512xf32> to vector<128x128xf32>
    %mul3A_4257 = arith.constant 5.000000e-01 : f32
    %mul3A_4258 = vector.broadcast %mul3A_4257 : f32 to vector<128x128xf32>
    %mul3A_4259 = arith.mulf %mul3A_4258, %slice3A_4256 : vector<128x128xf32>
    %tanh3A_4260 = math.tanh %mul3A_4259 : vector<128x128xf32>
    %mul3A_4261 = arith.constant 5.000000e-01 : f32
    %mul3A_4262 = vector.broadcast %mul3A_4261 : f32 to vector<128x128xf32>
    %mul3A_4263 = arith.mulf %mul3A_4262, %tanh3A_4260 : vector<128x128xf32>
    %add3A_4264 = arith.constant 5.000000e-01 : f32
    %add3A_4265 = vector.broadcast %add3A_4264 : f32 to vector<128x128xf32>
    %add3A_4266 = arith.addf %add3A_4265, %mul3A_4263 : vector<128x128xf32>
    %mul3A_4267 = arith.mulf %add3A_4253, %select_n3A_4137 : vector<128x128xf32>
    %mul3A_4268 = arith.mulf %add3A_4242, %tanh3A_4255 : vector<128x128xf32>
    %add3A_4269 = arith.addf %mul3A_4267, %mul3A_4268 : vector<128x128xf32>
    %tanh3A_4270 = math.tanh %add3A_4269 : vector<128x128xf32>
    %mul3A_4271 = arith.mulf %add3A_4266, %tanh3A_4270 : vector<128x128xf32>
    %broadcast_in_dim3A_4272 = vector.shape_cast %gt3A_4218 : vector<128x1xi1> to vector<128x1xi1>
    %broadcast_in_dim3A_4273 = vector.broadcast %broadcast_in_dim3A_4272 : vector<128x1xi1> to vector<128x128xi1>
    %select_n3A_4274 = arith.select %broadcast_in_dim3A_4273, %mul3A_4271, %select_n3A_4134 : vector<128x128xi1>, vector<128x128xf32>
    %broadcast_in_dim3A_4275 = vector.shape_cast %gt3A_4218 : vector<128x1xi1> to vector<128x1xi1>
    %broadcast_in_dim3A_4276 = vector.broadcast %broadcast_in_dim3A_4275 : vector<128x1xi1> to vector<128x128xi1>
    %select_n3A_4277 = arith.select %broadcast_in_dim3A_4276, %add3A_4269, %select_n3A_4137 : vector<128x128xi1>, vector<128x128xf32>
    %get3A_4278 = arith.constant 9 : index
    %get3A_4279 = arith.constant 0 : index
    %get3A_4280 = arith.constant 0 : index
    %get3A_4281 = vector.load %arg1[%get3A_4278, %get3A_4279, %get3A_4280] : memref<42x128x128xf32, #tpu.memory_space<vmem>>, vector<1x128x128xf32>
    %get3A_4282 = vector.shape_cast %get3A_4281 : vector<1x128x128xf32> to vector<128x128xf32>
    %dot_general3A_4283 = arith.constant dense<0.000000e+00> : vector<128x512xf32>
    %dot_general3A_4284 = tpu.matmul %get3A_4282, %concatenate3A_35, %dot_general3A_4283 {dimension_numbers = #tpu.dot_dimension_numbers<[1], [0], [0], [1], [0, 0, 1, 1], [], []>, transpose_lhs_hint = false} : vector<128x128xf32>, vector<128x512xf32>, vector<128x512xf32> -> vector<128x512xf32>
    %dot_general3A_4285 = arith.constant dense<0.000000e+00> : vector<128x512xf32>
    %dot_general3A_4286 = tpu.matmul %select_n3A_4190, %transpose3A_68, %dot_general3A_4285 {dimension_numbers = #tpu.dot_dimension_numbers<[1], [0], [0], [1], [0, 0, 1, 1], [], []>, transpose_lhs_hint = false} : vector<128x128xf32>, vector<128x512xf32>, vector<128x512xf32> -> vector<128x512xf32>
    %add3A_4287 = arith.addf %dot_general3A_4284, %dot_general3A_4286 : vector<128x512xf32>
    %slice3A_4288 = vector.extract_strided_slice %add3A_4287 {offsets = [0, 0], sizes = [128, 128], strides = [1, 1]} : vector<128x512xf32> to vector<128x128xf32>
    %mul3A_4289 = arith.constant 5.000000e-01 : f32
    %mul3A_4290 = vector.broadcast %mul3A_4289 : f32 to vector<128x128xf32>
    %mul3A_4291 = arith.mulf %mul3A_4290, %slice3A_4288 : vector<128x128xf32>
    %tanh3A_4292 = math.tanh %mul3A_4291 : vector<128x128xf32>
    %mul3A_4293 = arith.constant 5.000000e-01 : f32
    %mul3A_4294 = vector.broadcast %mul3A_4293 : f32 to vector<128x128xf32>
    %mul3A_4295 = arith.mulf %mul3A_4294, %tanh3A_4292 : vector<128x128xf32>
    %add3A_4296 = arith.constant 5.000000e-01 : f32
    %add3A_4297 = vector.broadcast %add3A_4296 : f32 to vector<128x128xf32>
    %add3A_4298 = arith.addf %add3A_4297, %mul3A_4295 : vector<128x128xf32>
    %slice3A_4299 = vector.extract_strided_slice %add3A_4287 {offsets = [0, 128], sizes = [128, 128], strides = [1, 1]} : vector<128x512xf32> to vector<128x128xf32>
    %mul3A_4300 = arith.constant 5.000000e-01 : f32
    %mul3A_4301 = vector.broadcast %mul3A_4300 : f32 to vector<128x128xf32>
    %mul3A_4302 = arith.mulf %mul3A_4301, %slice3A_4299 : vector<128x128xf32>
    %tanh3A_4303 = math.tanh %mul3A_4302 : vector<128x128xf32>
    %mul3A_4304 = arith.constant 5.000000e-01 : f32
    %mul3A_4305 = vector.broadcast %mul3A_4304 : f32 to vector<128x128xf32>
    %mul3A_4306 = arith.mulf %mul3A_4305, %tanh3A_4303 : vector<128x128xf32>
    %add3A_4307 = arith.constant 5.000000e-01 : f32
    %add3A_4308 = vector.broadcast %add3A_4307 : f32 to vector<128x128xf32>
    %add3A_4309 = arith.addf %add3A_4308, %mul3A_4306 : vector<128x128xf32>
    %slice3A_4310 = vector.extract_strided_slice %add3A_4287 {offsets = [0, 256], sizes = [128, 128], strides = [1, 1]} : vector<128x512xf32> to vector<128x128xf32>
    %tanh3A_4311 = math.tanh %slice3A_4310 : vector<128x128xf32>
    %slice3A_4312 = vector.extract_strided_slice %add3A_4287 {offsets = [0, 384], sizes = [128, 128], strides = [1, 1]} : vector<128x512xf32> to vector<128x128xf32>
    %mul3A_4313 = arith.constant 5.000000e-01 : f32
    %mul3A_4314 = vector.broadcast %mul3A_4313 : f32 to vector<128x128xf32>
    %mul3A_4315 = arith.mulf %mul3A_4314, %slice3A_4312 : vector<128x128xf32>
    %tanh3A_4316 = math.tanh %mul3A_4315 : vector<128x128xf32>
    %mul3A_4317 = arith.constant 5.000000e-01 : f32
    %mul3A_4318 = vector.broadcast %mul3A_4317 : f32 to vector<128x128xf32>
    %mul3A_4319 = arith.mulf %mul3A_4318, %tanh3A_4316 : vector<128x128xf32>
    %add3A_4320 = arith.constant 5.000000e-01 : f32
    %add3A_4321 = vector.broadcast %add3A_4320 : f32 to vector<128x128xf32>
    %add3A_4322 = arith.addf %add3A_4321, %mul3A_4319 : vector<128x128xf32>
    %mul3A_4323 = arith.mulf %add3A_4309, %select_n3A_4193 : vector<128x128xf32>
    %mul3A_4324 = arith.mulf %add3A_4298, %tanh3A_4311 : vector<128x128xf32>
    %add3A_4325 = arith.addf %mul3A_4323, %mul3A_4324 : vector<128x128xf32>
    %tanh3A_4326 = math.tanh %add3A_4325 : vector<128x128xf32>
    %mul3A_4327 = arith.mulf %add3A_4322, %tanh3A_4326 : vector<128x128xf32>
    %broadcast_in_dim3A_4328 = vector.shape_cast %gt3A_4221 : vector<128x1xi1> to vector<128x1xi1>
    %broadcast_in_dim3A_4329 = vector.broadcast %broadcast_in_dim3A_4328 : vector<128x1xi1> to vector<128x128xi1>
    %select_n3A_4330 = arith.select %broadcast_in_dim3A_4329, %mul3A_4327, %select_n3A_4190 : vector<128x128xi1>, vector<128x128xf32>
    %broadcast_in_dim3A_4331 = vector.shape_cast %gt3A_4221 : vector<128x1xi1> to vector<128x1xi1>
    %broadcast_in_dim3A_4332 = vector.broadcast %broadcast_in_dim3A_4331 : vector<128x1xi1> to vector<128x128xi1>
    %select_n3A_4333 = arith.select %broadcast_in_dim3A_4332, %add3A_4325, %select_n3A_4193 : vector<128x128xi1>, vector<128x128xf32>
    %jit3A_4334 = arith.constant 0.000000e+00 : f32
    %broadcast_in_dim3A_4335 = vector.shape_cast %gt3A_4218 : vector<128x1xi1> to vector<128x1xi1>
    %broadcast_in_dim3A_4336 = vector.broadcast %broadcast_in_dim3A_4335 : vector<128x1xi1> to vector<128x128xi1>
    %broadcast_in_dim3A_4337 = vector.broadcast %jit3A_4334 : f32 to vector<128x128xf32>
    %select_n3A_4338 = arith.select %broadcast_in_dim3A_4336, %mul3A_4271, %broadcast_in_dim3A_4337 : vector<128x128xi1>, vector<128x128xf32>
    %swap3A_4339 = arith.constant 0 : index
    %swap3A_4340 = arith.constant 17 : index
    %swap3A_4341 = arith.constant 0 : index
    %swap3A_4342 = vector.load %arg19[%swap3A_4339, %swap3A_4340, %swap3A_4341] : memref<128x27x256xf32, #tpu.memory_space<vmem>>, vector<128x1x128xf32>
    %swap3A_4343 = vector.shape_cast %swap3A_4342 : vector<128x1x128xf32> to vector<128x128xf32>
    %swap3A_4344 = vector.shape_cast %select_n3A_4338 : vector<128x128xf32> to vector<128x1x128xf32>
    tpu.vector_store %arg19[%swap3A_4339, %swap3A_4340, %swap3A_4341], %swap3A_4344 {strides = array<i32>} : memref<128x27x256xf32, #tpu.memory_space<vmem>>, vector<128x1x128xf32>,
    %jit3A_4345 = arith.constant 0.000000e+00 : f32
    %broadcast_in_dim3A_4346 = vector.shape_cast %gt3A_4221 : vector<128x1xi1> to vector<128x1xi1>
    %broadcast_in_dim3A_4347 = vector.broadcast %broadcast_in_dim3A_4346 : vector<128x1xi1> to vector<128x128xi1>
    %broadcast_in_dim3A_4348 = vector.broadcast %jit3A_4345 : f32 to vector<128x128xf32>
    %select_n3A_4349 = arith.select %broadcast_in_dim3A_4347, %mul3A_4327, %broadcast_in_dim3A_4348 : vector<128x128xi1>, vector<128x128xf32>
    %swap3A_4350 = arith.constant 0 : index
    %swap3A_4351 = arith.constant 9 : index
    %swap3A_4352 = arith.constant 128 : index
    %swap3A_4353 = vector.load %arg19[%swap3A_4350, %swap3A_4351, %swap3A_4352] : memref<128x27x256xf32, #tpu.memory_space<vmem>>, vector<128x1x128xf32>
    %swap3A_4354 = vector.shape_cast %swap3A_4353 : vector<128x1x128xf32> to vector<128x128xf32>
    %swap3A_4355 = vector.shape_cast %select_n3A_4349 : vector<128x128xf32> to vector<128x1x128xf32>
    tpu.vector_store %arg19[%swap3A_4350, %swap3A_4351, %swap3A_4352], %swap3A_4355 {strides = array<i32>} : memref<128x27x256xf32, #tpu.memory_space<vmem>>, vector<128x1x128xf32>,
    %gt3A_4356 = arith.constant 18 : i32
    %gt3A_4357 = vector.broadcast %gt3A_4356 : i32 to vector<128x1xi32>
    %gt3A_4358 = arith.cmpi sgt, %broadcast_in_dim3A_52, %gt3A_4357 : vector<128x1xi32>
    %gt3A_4359 = arith.constant 8 : i32
    %gt3A_4360 = vector.broadcast %gt3A_4359 : i32 to vector<128x1xi32>
    %gt3A_4361 = arith.cmpi sgt, %broadcast_in_dim3A_52, %gt3A_4360 : vector<128x1xi32>
    %get3A_4362 = arith.constant 18 : index
    %get3A_4363 = arith.constant 0 : index
    %get3A_4364 = arith.constant 0 : index
    %get3A_4365 = vector.load %arg1[%get3A_4362, %get3A_4363, %get3A_4364] : memref<42x128x128xf32, #tpu.memory_space<vmem>>, vector<1x128x128xf32>
    %get3A_4366 = vector.shape_cast %get3A_4365 : vector<1x128x128xf32> to vector<128x128xf32>
    %dot_general3A_4367 = arith.constant dense<0.000000e+00> : vector<128x512xf32>
    %dot_general3A_4368 = tpu.matmul %get3A_4366, %concatenate3A_25, %dot_general3A_4367 {dimension_numbers = #tpu.dot_dimension_numbers<[1], [0], [0], [1], [0, 0, 1, 1], [], []>, transpose_lhs_hint = false} : vector<128x128xf32>, vector<128x512xf32>, vector<128x512xf32> -> vector<128x512xf32>
    %dot_general3A_4369 = arith.constant dense<0.000000e+00> : vector<128x512xf32>
    %dot_general3A_4370 = tpu.matmul %select_n3A_4274, %transpose3A_64, %dot_general3A_4369 {dimension_numbers = #tpu.dot_dimension_numbers<[1], [0], [0], [1], [0, 0, 1, 1], [], []>, transpose_lhs_hint = false} : vector<128x128xf32>, vector<128x512xf32>, vector<128x512xf32> -> vector<128x512xf32>
    %add3A_4371 = arith.addf %dot_general3A_4368, %dot_general3A_4370 : vector<128x512xf32>
    %slice3A_4372 = vector.extract_strided_slice %add3A_4371 {offsets = [0, 0], sizes = [128, 128], strides = [1, 1]} : vector<128x512xf32> to vector<128x128xf32>
    %mul3A_4373 = arith.constant 5.000000e-01 : f32
    %mul3A_4374 = vector.broadcast %mul3A_4373 : f32 to vector<128x128xf32>
    %mul3A_4375 = arith.mulf %mul3A_4374, %slice3A_4372 : vector<128x128xf32>
    %tanh3A_4376 = math.tanh %mul3A_4375 : vector<128x128xf32>
    %mul3A_4377 = arith.constant 5.000000e-01 : f32
    %mul3A_4378 = vector.broadcast %mul3A_4377 : f32 to vector<128x128xf32>
    %mul3A_4379 = arith.mulf %mul3A_4378, %tanh3A_4376 : vector<128x128xf32>
    %add3A_4380 = arith.constant 5.000000e-01 : f32
    %add3A_4381 = vector.broadcast %add3A_4380 : f32 to vector<128x128xf32>
    %add3A_4382 = arith.addf %add3A_4381, %mul3A_4379 : vector<128x128xf32>
    %slice3A_4383 = vector.extract_strided_slice %add3A_4371 {offsets = [0, 128], sizes = [128, 128], strides = [1, 1]} : vector<128x512xf32> to vector<128x128xf32>
    %mul3A_4384 = arith.constant 5.000000e-01 : f32
    %mul3A_4385 = vector.broadcast %mul3A_4384 : f32 to vector<128x128xf32>
    %mul3A_4386 = arith.mulf %mul3A_4385, %slice3A_4383 : vector<128x128xf32>
    %tanh3A_4387 = math.tanh %mul3A_4386 : vector<128x128xf32>
    %mul3A_4388 = arith.constant 5.000000e-01 : f32
    %mul3A_4389 = vector.broadcast %mul3A_4388 : f32 to vector<128x128xf32>
    %mul3A_4390 = arith.mulf %mul3A_4389, %tanh3A_4387 : vector<128x128xf32>
    %add3A_4391 = arith.constant 5.000000e-01 : f32
    %add3A_4392 = vector.broadcast %add3A_4391 : f32 to vector<128x128xf32>
    %add3A_4393 = arith.addf %add3A_4392, %mul3A_4390 : vector<128x128xf32>
    %slice3A_4394 = vector.extract_strided_slice %add3A_4371 {offsets = [0, 256], sizes = [128, 128], strides = [1, 1]} : vector<128x512xf32> to vector<128x128xf32>
    %tanh3A_4395 = math.tanh %slice3A_4394 : vector<128x128xf32>
    %slice3A_4396 = vector.extract_strided_slice %add3A_4371 {offsets = [0, 384], sizes = [128, 128], strides = [1, 1]} : vector<128x512xf32> to vector<128x128xf32>
    %mul3A_4397 = arith.constant 5.000000e-01 : f32
    %mul3A_4398 = vector.broadcast %mul3A_4397 : f32 to vector<128x128xf32>
    %mul3A_4399 = arith.mulf %mul3A_4398, %slice3A_4396 : vector<128x128xf32>
    %tanh3A_4400 = math.tanh %mul3A_4399 : vector<128x128xf32>
    %mul3A_4401 = arith.constant 5.000000e-01 : f32
    %mul3A_4402 = vector.broadcast %mul3A_4401 : f32 to vector<128x128xf32>
    %mul3A_4403 = arith.mulf %mul3A_4402, %tanh3A_4400 : vector<128x128xf32>
    %add3A_4404 = arith.constant 5.000000e-01 : f32
    %add3A_4405 = vector.broadcast %add3A_4404 : f32 to vector<128x128xf32>
    %add3A_4406 = arith.addf %add3A_4405, %mul3A_4403 : vector<128x128xf32>
    %mul3A_4407 = arith.mulf %add3A_4393, %select_n3A_4277 : vector<128x128xf32>
    %mul3A_4408 = arith.mulf %add3A_4382, %tanh3A_4395 : vector<128x128xf32>
    %add3A_4409 = arith.addf %mul3A_4407, %mul3A_4408 : vector<128x128xf32>
    %tanh3A_4410 = math.tanh %add3A_4409 : vector<128x128xf32>
    %mul3A_4411 = arith.mulf %add3A_4406, %tanh3A_4410 : vector<128x128xf32>
    %broadcast_in_dim3A_4412 = vector.shape_cast %gt3A_4358 : vector<128x1xi1> to vector<128x1xi1>
    %broadcast_in_dim3A_4413 = vector.broadcast %broadcast_in_dim3A_4412 : vector<128x1xi1> to vector<128x128xi1>
    %select_n3A_4414 = arith.select %broadcast_in_dim3A_4413, %mul3A_4411, %select_n3A_4274 : vector<128x128xi1>, vector<128x128xf32>
    %broadcast_in_dim3A_4415 = vector.shape_cast %gt3A_4358 : vector<128x1xi1> to vector<128x1xi1>
    %broadcast_in_dim3A_4416 = vector.broadcast %broadcast_in_dim3A_4415 : vector<128x1xi1> to vector<128x128xi1>
    %select_n3A_4417 = arith.select %broadcast_in_dim3A_4416, %add3A_4409, %select_n3A_4277 : vector<128x128xi1>, vector<128x128xf32>
    %get3A_4418 = arith.constant 8 : index
    %get3A_4419 = arith.constant 0 : index
    %get3A_4420 = arith.constant 0 : index
    %get3A_4421 = vector.load %arg1[%get3A_4418, %get3A_4419, %get3A_4420] : memref<42x128x128xf32, #tpu.memory_space<vmem>>, vector<1x128x128xf32>
    %get3A_4422 = vector.shape_cast %get3A_4421 : vector<1x128x128xf32> to vector<128x128xf32>
    %dot_general3A_4423 = arith.constant dense<0.000000e+00> : vector<128x512xf32>
    %dot_general3A_4424 = tpu.matmul %get3A_4422, %concatenate3A_35, %dot_general3A_4423 {dimension_numbers = #tpu.dot_dimension_numbers<[1], [0], [0], [1], [0, 0, 1, 1], [], []>, transpose_lhs_hint = false} : vector<128x128xf32>, vector<128x512xf32>, vector<128x512xf32> -> vector<128x512xf32>
    %dot_general3A_4425 = arith.constant dense<0.000000e+00> : vector<128x512xf32>
    %dot_general3A_4426 = tpu.matmul %select_n3A_4330, %transpose3A_68, %dot_general3A_4425 {dimension_numbers = #tpu.dot_dimension_numbers<[1], [0], [0], [1], [0, 0, 1, 1], [], []>, transpose_lhs_hint = false} : vector<128x128xf32>, vector<128x512xf32>, vector<128x512xf32> -> vector<128x512xf32>
    %add3A_4427 = arith.addf %dot_general3A_4424, %dot_general3A_4426 : vector<128x512xf32>
    %slice3A_4428 = vector.extract_strided_slice %add3A_4427 {offsets = [0, 0], sizes = [128, 128], strides = [1, 1]} : vector<128x512xf32> to vector<128x128xf32>
    %mul3A_4429 = arith.constant 5.000000e-01 : f32
    %mul3A_4430 = vector.broadcast %mul3A_4429 : f32 to vector<128x128xf32>
    %mul3A_4431 = arith.mulf %mul3A_4430, %slice3A_4428 : vector<128x128xf32>
    %tanh3A_4432 = math.tanh %mul3A_4431 : vector<128x128xf32>
    %mul3A_4433 = arith.constant 5.000000e-01 : f32
    %mul3A_4434 = vector.broadcast %mul3A_4433 : f32 to vector<128x128xf32>
    %mul3A_4435 = arith.mulf %mul3A_4434, %tanh3A_4432 : vector<128x128xf32>
    %add3A_4436 = arith.constant 5.000000e-01 : f32
    %add3A_4437 = vector.broadcast %add3A_4436 : f32 to vector<128x128xf32>
    %add3A_4438 = arith.addf %add3A_4437, %mul3A_4435 : vector<128x128xf32>
    %slice3A_4439 = vector.extract_strided_slice %add3A_4427 {offsets = [0, 128], sizes = [128, 128], strides = [1, 1]} : vector<128x512xf32> to vector<128x128xf32>
    %mul3A_4440 = arith.constant 5.000000e-01 : f32
    %mul3A_4441 = vector.broadcast %mul3A_4440 : f32 to vector<128x128xf32>
    %mul3A_4442 = arith.mulf %mul3A_4441, %slice3A_4439 : vector<128x128xf32>
    %tanh3A_4443 = math.tanh %mul3A_4442 : vector<128x128xf32>
    %mul3A_4444 = arith.constant 5.000000e-01 : f32
    %mul3A_4445 = vector.broadcast %mul3A_4444 : f32 to vector<128x128xf32>
    %mul3A_4446 = arith.mulf %mul3A_4445, %tanh3A_4443 : vector<128x128xf32>
    %add3A_4447 = arith.constant 5.000000e-01 : f32
    %add3A_4448 = vector.broadcast %add3A_4447 : f32 to vector<128x128xf32>
    %add3A_4449 = arith.addf %add3A_4448, %mul3A_4446 : vector<128x128xf32>
    %slice3A_4450 = vector.extract_strided_slice %add3A_4427 {offsets = [0, 256], sizes = [128, 128], strides = [1, 1]} : vector<128x512xf32> to vector<128x128xf32>
    %tanh3A_4451 = math.tanh %slice3A_4450 : vector<128x128xf32>
    %slice3A_4452 = vector.extract_strided_slice %add3A_4427 {offsets = [0, 384], sizes = [128, 128], strides = [1, 1]} : vector<128x512xf32> to vector<128x128xf32>
    %mul3A_4453 = arith.constant 5.000000e-01 : f32
    %mul3A_4454 = vector.broadcast %mul3A_4453 : f32 to vector<128x128xf32>
    %mul3A_4455 = arith.mulf %mul3A_4454, %slice3A_4452 : vector<128x128xf32>
    %tanh3A_4456 = math.tanh %mul3A_4455 : vector<128x128xf32>
    %mul3A_4457 = arith.constant 5.000000e-01 : f32
    %mul3A_4458 = vector.broadcast %mul3A_4457 : f32 to vector<128x128xf32>
    %mul3A_4459 = arith.mulf %mul3A_4458, %tanh3A_4456 : vector<128x128xf32>
    %add3A_4460 = arith.constant 5.000000e-01 : f32
    %add3A_4461 = vector.broadcast %add3A_4460 : f32 to vector<128x128xf32>
    %add3A_4462 = arith.addf %add3A_4461, %mul3A_4459 : vector<128x128xf32>
    %mul3A_4463 = arith.mulf %add3A_4449, %select_n3A_4333 : vector<128x128xf32>
    %mul3A_4464 = arith.mulf %add3A_4438, %tanh3A_4451 : vector<128x128xf32>
    %add3A_4465 = arith.addf %mul3A_4463, %mul3A_4464 : vector<128x128xf32>
    %tanh3A_4466 = math.tanh %add3A_4465 : vector<128x128xf32>
    %mul3A_4467 = arith.mulf %add3A_4462, %tanh3A_4466 : vector<128x128xf32>
    %broadcast_in_dim3A_4468 = vector.shape_cast %gt3A_4361 : vector<128x1xi1> to vector<128x1xi1>
    %broadcast_in_dim3A_4469 = vector.broadcast %broadcast_in_dim3A_4468 : vector<128x1xi1> to vector<128x128xi1>
    %select_n3A_4470 = arith.select %broadcast_in_dim3A_4469, %mul3A_4467, %select_n3A_4330 : vector<128x128xi1>, vector<128x128xf32>
    %broadcast_in_dim3A_4471 = vector.shape_cast %gt3A_4361 : vector<128x1xi1> to vector<128x1xi1>
    %broadcast_in_dim3A_4472 = vector.broadcast %broadcast_in_dim3A_4471 : vector<128x1xi1> to vector<128x128xi1>
    %select_n3A_4473 = arith.select %broadcast_in_dim3A_4472, %add3A_4465, %select_n3A_4333 : vector<128x128xi1>, vector<128x128xf32>
    %jit3A_4474 = arith.constant 0.000000e+00 : f32
    %broadcast_in_dim3A_4475 = vector.shape_cast %gt3A_4358 : vector<128x1xi1> to vector<128x1xi1>
    %broadcast_in_dim3A_4476 = vector.broadcast %broadcast_in_dim3A_4475 : vector<128x1xi1> to vector<128x128xi1>
    %broadcast_in_dim3A_4477 = vector.broadcast %jit3A_4474 : f32 to vector<128x128xf32>
    %select_n3A_4478 = arith.select %broadcast_in_dim3A_4476, %mul3A_4411, %broadcast_in_dim3A_4477 : vector<128x128xi1>, vector<128x128xf32>
    %swap3A_4479 = arith.constant 0 : index
    %swap3A_4480 = arith.constant 18 : index
    %swap3A_4481 = arith.constant 0 : index
    %swap3A_4482 = vector.load %arg19[%swap3A_4479, %swap3A_4480, %swap3A_4481] : memref<128x27x256xf32, #tpu.memory_space<vmem>>, vector<128x1x128xf32>
    %swap3A_4483 = vector.shape_cast %swap3A_4482 : vector<128x1x128xf32> to vector<128x128xf32>
    %swap3A_4484 = vector.shape_cast %select_n3A_4478 : vector<128x128xf32> to vector<128x1x128xf32>
    tpu.vector_store %arg19[%swap3A_4479, %swap3A_4480, %swap3A_4481], %swap3A_4484 {strides = array<i32>} : memref<128x27x256xf32, #tpu.memory_space<vmem>>, vector<128x1x128xf32>,
    %jit3A_4485 = arith.constant 0.000000e+00 : f32
    %broadcast_in_dim3A_4486 = vector.shape_cast %gt3A_4361 : vector<128x1xi1> to vector<128x1xi1>
    %broadcast_in_dim3A_4487 = vector.broadcast %broadcast_in_dim3A_4486 : vector<128x1xi1> to vector<128x128xi1>
    %broadcast_in_dim3A_4488 = vector.broadcast %jit3A_4485 : f32 to vector<128x128xf32>
    %select_n3A_4489 = arith.select %broadcast_in_dim3A_4487, %mul3A_4467, %broadcast_in_dim3A_4488 : vector<128x128xi1>, vector<128x128xf32>
    %swap3A_4490 = arith.constant 0 : index
    %swap3A_4491 = arith.constant 8 : index
    %swap3A_4492 = arith.constant 128 : index
    %swap3A_4493 = vector.load %arg19[%swap3A_4490, %swap3A_4491, %swap3A_4492] : memref<128x27x256xf32, #tpu.memory_space<vmem>>, vector<128x1x128xf32>
    %swap3A_4494 = vector.shape_cast %swap3A_4493 : vector<128x1x128xf32> to vector<128x128xf32>
    %swap3A_4495 = vector.shape_cast %select_n3A_4489 : vector<128x128xf32> to vector<128x1x128xf32>
    tpu.vector_store %arg19[%swap3A_4490, %swap3A_4491, %swap3A_4492], %swap3A_4495 {strides = array<i32>} : memref<128x27x256xf32, #tpu.memory_space<vmem>>, vector<128x1x128xf32>,
    %gt3A_4496 = arith.constant 19 : i32
    %gt3A_4497 = vector.broadcast %gt3A_4496 : i32 to vector<128x1xi32>
    %gt3A_4498 = arith.cmpi sgt, %broadcast_in_dim3A_52, %gt3A_4497 : vector<128x1xi32>
    %gt3A_4499 = arith.constant 7 : i32
    %gt3A_4500 = vector.broadcast %gt3A_4499 : i32 to vector<128x1xi32>
    %gt3A_4501 = arith.cmpi sgt, %broadcast_in_dim3A_52, %gt3A_4500 : vector<128x1xi32>
    %get3A_4502 = arith.constant 19 : index
    %get3A_4503 = arith.constant 0 : index
    %get3A_4504 = arith.constant 0 : index
    %get3A_4505 = vector.load %arg1[%get3A_4502, %get3A_4503, %get3A_4504] : memref<42x128x128xf32, #tpu.memory_space<vmem>>, vector<1x128x128xf32>
    %get3A_4506 = vector.shape_cast %get3A_4505 : vector<1x128x128xf32> to vector<128x128xf32>
    %dot_general3A_4507 = arith.constant dense<0.000000e+00> : vector<128x512xf32>
    %dot_general3A_4508 = tpu.matmul %get3A_4506, %concatenate3A_25, %dot_general3A_4507 {dimension_numbers = #tpu.dot_dimension_numbers<[1], [0], [0], [1], [0, 0, 1, 1], [], []>, transpose_lhs_hint = false} : vector<128x128xf32>, vector<128x512xf32>, vector<128x512xf32> -> vector<128x512xf32>
    %dot_general3A_4509 = arith.constant dense<0.000000e+00> : vector<128x512xf32>
    %dot_general3A_4510 = tpu.matmul %select_n3A_4414, %transpose3A_64, %dot_general3A_4509 {dimension_numbers = #tpu.dot_dimension_numbers<[1], [0], [0], [1], [0, 0, 1, 1], [], []>, transpose_lhs_hint = false} : vector<128x128xf32>, vector<128x512xf32>, vector<128x512xf32> -> vector<128x512xf32>
    %add3A_4511 = arith.addf %dot_general3A_4508, %dot_general3A_4510 : vector<128x512xf32>
    %slice3A_4512 = vector.extract_strided_slice %add3A_4511 {offsets = [0, 0], sizes = [128, 128], strides = [1, 1]} : vector<128x512xf32> to vector<128x128xf32>
    %mul3A_4513 = arith.constant 5.000000e-01 : f32
    %mul3A_4514 = vector.broadcast %mul3A_4513 : f32 to vector<128x128xf32>
    %mul3A_4515 = arith.mulf %mul3A_4514, %slice3A_4512 : vector<128x128xf32>
    %tanh3A_4516 = math.tanh %mul3A_4515 : vector<128x128xf32>
    %mul3A_4517 = arith.constant 5.000000e-01 : f32
    %mul3A_4518 = vector.broadcast %mul3A_4517 : f32 to vector<128x128xf32>
    %mul3A_4519 = arith.mulf %mul3A_4518, %tanh3A_4516 : vector<128x128xf32>
    %add3A_4520 = arith.constant 5.000000e-01 : f32
    %add3A_4521 = vector.broadcast %add3A_4520 : f32 to vector<128x128xf32>
    %add3A_4522 = arith.addf %add3A_4521, %mul3A_4519 : vector<128x128xf32>
    %slice3A_4523 = vector.extract_strided_slice %add3A_4511 {offsets = [0, 128], sizes = [128, 128], strides = [1, 1]} : vector<128x512xf32> to vector<128x128xf32>
    %mul3A_4524 = arith.constant 5.000000e-01 : f32
    %mul3A_4525 = vector.broadcast %mul3A_4524 : f32 to vector<128x128xf32>
    %mul3A_4526 = arith.mulf %mul3A_4525, %slice3A_4523 : vector<128x128xf32>
    %tanh3A_4527 = math.tanh %mul3A_4526 : vector<128x128xf32>
    %mul3A_4528 = arith.constant 5.000000e-01 : f32
    %mul3A_4529 = vector.broadcast %mul3A_4528 : f32 to vector<128x128xf32>
    %mul3A_4530 = arith.mulf %mul3A_4529, %tanh3A_4527 : vector<128x128xf32>
    %add3A_4531 = arith.constant 5.000000e-01 : f32
    %add3A_4532 = vector.broadcast %add3A_4531 : f32 to vector<128x128xf32>
    %add3A_4533 = arith.addf %add3A_4532, %mul3A_4530 : vector<128x128xf32>
    %slice3A_4534 = vector.extract_strided_slice %add3A_4511 {offsets = [0, 256], sizes = [128, 128], strides = [1, 1]} : vector<128x512xf32> to vector<128x128xf32>
    %tanh3A_4535 = math.tanh %slice3A_4534 : vector<128x128xf32>
    %slice3A_4536 = vector.extract_strided_slice %add3A_4511 {offsets = [0, 384], sizes = [128, 128], strides = [1, 1]} : vector<128x512xf32> to vector<128x128xf32>
    %mul3A_4537 = arith.constant 5.000000e-01 : f32
    %mul3A_4538 = vector.broadcast %mul3A_4537 : f32 to vector<128x128xf32>
    %mul3A_4539 = arith.mulf %mul3A_4538, %slice3A_4536 : vector<128x128xf32>
    %tanh3A_4540 = math.tanh %mul3A_4539 : vector<128x128xf32>
    %mul3A_4541 = arith.constant 5.000000e-01 : f32
    %mul3A_4542 = vector.broadcast %mul3A_4541 : f32 to vector<128x128xf32>
    %mul3A_4543 = arith.mulf %mul3A_4542, %tanh3A_4540 : vector<128x128xf32>
    %add3A_4544 = arith.constant 5.000000e-01 : f32
    %add3A_4545 = vector.broadcast %add3A_4544 : f32 to vector<128x128xf32>
    %add3A_4546 = arith.addf %add3A_4545, %mul3A_4543 : vector<128x128xf32>
    %mul3A_4547 = arith.mulf %add3A_4533, %select_n3A_4417 : vector<128x128xf32>
    %mul3A_4548 = arith.mulf %add3A_4522, %tanh3A_4535 : vector<128x128xf32>
    %add3A_4549 = arith.addf %mul3A_4547, %mul3A_4548 : vector<128x128xf32>
    %tanh3A_4550 = math.tanh %add3A_4549 : vector<128x128xf32>
    %mul3A_4551 = arith.mulf %add3A_4546, %tanh3A_4550 : vector<128x128xf32>
    %broadcast_in_dim3A_4552 = vector.shape_cast %gt3A_4498 : vector<128x1xi1> to vector<128x1xi1>
    %broadcast_in_dim3A_4553 = vector.broadcast %broadcast_in_dim3A_4552 : vector<128x1xi1> to vector<128x128xi1>
    %select_n3A_4554 = arith.select %broadcast_in_dim3A_4553, %mul3A_4551, %select_n3A_4414 : vector<128x128xi1>, vector<128x128xf32>
    %broadcast_in_dim3A_4555 = vector.shape_cast %gt3A_4498 : vector<128x1xi1> to vector<128x1xi1>
    %broadcast_in_dim3A_4556 = vector.broadcast %broadcast_in_dim3A_4555 : vector<128x1xi1> to vector<128x128xi1>
    %select_n3A_4557 = arith.select %broadcast_in_dim3A_4556, %add3A_4549, %select_n3A_4417 : vector<128x128xi1>, vector<128x128xf32>
    %get3A_4558 = arith.constant 7 : index
    %get3A_4559 = arith.constant 0 : index
    %get3A_4560 = arith.constant 0 : index
    %get3A_4561 = vector.load %arg1[%get3A_4558, %get3A_4559, %get3A_4560] : memref<42x128x128xf32, #tpu.memory_space<vmem>>, vector<1x128x128xf32>
    %get3A_4562 = vector.shape_cast %get3A_4561 : vector<1x128x128xf32> to vector<128x128xf32>
    %dot_general3A_4563 = arith.constant dense<0.000000e+00> : vector<128x512xf32>
    %dot_general3A_4564 = tpu.matmul %get3A_4562, %concatenate3A_35, %dot_general3A_4563 {dimension_numbers = #tpu.dot_dimension_numbers<[1], [0], [0], [1], [0, 0, 1, 1], [], []>, transpose_lhs_hint = false} : vector<128x128xf32>, vector<128x512xf32>, vector<128x512xf32> -> vector<128x512xf32>
    %dot_general3A_4565 = arith.constant dense<0.000000e+00> : vector<128x512xf32>
    %dot_general3A_4566 = tpu.matmul %select_n3A_4470, %transpose3A_68, %dot_general3A_4565 {dimension_numbers = #tpu.dot_dimension_numbers<[1], [0], [0], [1], [0, 0, 1, 1], [], []>, transpose_lhs_hint = false} : vector<128x128xf32>, vector<128x512xf32>, vector<128x512xf32> -> vector<128x512xf32>
    %add3A_4567 = arith.addf %dot_general3A_4564, %dot_general3A_4566 : vector<128x512xf32>
    %slice3A_4568 = vector.extract_strided_slice %add3A_4567 {offsets = [0, 0], sizes = [128, 128], strides = [1, 1]} : vector<128x512xf32> to vector<128x128xf32>
    %mul3A_4569 = arith.constant 5.000000e-01 : f32
    %mul3A_4570 = vector.broadcast %mul3A_4569 : f32 to vector<128x128xf32>
    %mul3A_4571 = arith.mulf %mul3A_4570, %slice3A_4568 : vector<128x128xf32>
    %tanh3A_4572 = math.tanh %mul3A_4571 : vector<128x128xf32>
    %mul3A_4573 = arith.constant 5.000000e-01 : f32
    %mul3A_4574 = vector.broadcast %mul3A_4573 : f32 to vector<128x128xf32>
    %mul3A_4575 = arith.mulf %mul3A_4574, %tanh3A_4572 : vector<128x128xf32>
    %add3A_4576 = arith.constant 5.000000e-01 : f32
    %add3A_4577 = vector.broadcast %add3A_4576 : f32 to vector<128x128xf32>
    %add3A_4578 = arith.addf %add3A_4577, %mul3A_4575 : vector<128x128xf32>
    %slice3A_4579 = vector.extract_strided_slice %add3A_4567 {offsets = [0, 128], sizes = [128, 128], strides = [1, 1]} : vector<128x512xf32> to vector<128x128xf32>
    %mul3A_4580 = arith.constant 5.000000e-01 : f32
    %mul3A_4581 = vector.broadcast %mul3A_4580 : f32 to vector<128x128xf32>
    %mul3A_4582 = arith.mulf %mul3A_4581, %slice3A_4579 : vector<128x128xf32>
    %tanh3A_4583 = math.tanh %mul3A_4582 : vector<128x128xf32>
    %mul3A_4584 = arith.constant 5.000000e-01 : f32
    %mul3A_4585 = vector.broadcast %mul3A_4584 : f32 to vector<128x128xf32>
    %mul3A_4586 = arith.mulf %mul3A_4585, %tanh3A_4583 : vector<128x128xf32>
    %add3A_4587 = arith.constant 5.000000e-01 : f32
    %add3A_4588 = vector.broadcast %add3A_4587 : f32 to vector<128x128xf32>
    %add3A_4589 = arith.addf %add3A_4588, %mul3A_4586 : vector<128x128xf32>
    %slice3A_4590 = vector.extract_strided_slice %add3A_4567 {offsets = [0, 256], sizes = [128, 128], strides = [1, 1]} : vector<128x512xf32> to vector<128x128xf32>
    %tanh3A_4591 = math.tanh %slice3A_4590 : vector<128x128xf32>
    %slice3A_4592 = vector.extract_strided_slice %add3A_4567 {offsets = [0, 384], sizes = [128, 128], strides = [1, 1]} : vector<128x512xf32> to vector<128x128xf32>
    %mul3A_4593 = arith.constant 5.000000e-01 : f32
    %mul3A_4594 = vector.broadcast %mul3A_4593 : f32 to vector<128x128xf32>
    %mul3A_4595 = arith.mulf %mul3A_4594, %slice3A_4592 : vector<128x128xf32>
    %tanh3A_4596 = math.tanh %mul3A_4595 : vector<128x128xf32>
    %mul3A_4597 = arith.constant 5.000000e-01 : f32
    %mul3A_4598 = vector.broadcast %mul3A_4597 : f32 to vector<128x128xf32>
    %mul3A_4599 = arith.mulf %mul3A_4598, %tanh3A_4596 : vector<128x128xf32>
    %add3A_4600 = arith.constant 5.000000e-01 : f32
    %add3A_4601 = vector.broadcast %add3A_4600 : f32 to vector<128x128xf32>
    %add3A_4602 = arith.addf %add3A_4601, %mul3A_4599 : vector<128x128xf32>
    %mul3A_4603 = arith.mulf %add3A_4589, %select_n3A_4473 : vector<128x128xf32>
    %mul3A_4604 = arith.mulf %add3A_4578, %tanh3A_4591 : vector<128x128xf32>
    %add3A_4605 = arith.addf %mul3A_4603, %mul3A_4604 : vector<128x128xf32>
    %tanh3A_4606 = math.tanh %add3A_4605 : vector<128x128xf32>
    %mul3A_4607 = arith.mulf %add3A_4602, %tanh3A_4606 : vector<128x128xf32>
    %broadcast_in_dim3A_4608 = vector.shape_cast %gt3A_4501 : vector<128x1xi1> to vector<128x1xi1>
    %broadcast_in_dim3A_4609 = vector.broadcast %broadcast_in_dim3A_4608 : vector<128x1xi1> to vector<128x128xi1>
    %select_n3A_4610 = arith.select %broadcast_in_dim3A_4609, %mul3A_4607, %select_n3A_4470 : vector<128x128xi1>, vector<128x128xf32>
    %broadcast_in_dim3A_4611 = vector.shape_cast %gt3A_4501 : vector<128x1xi1> to vector<128x1xi1>
    %broadcast_in_dim3A_4612 = vector.broadcast %broadcast_in_dim3A_4611 : vector<128x1xi1> to vector<128x128xi1>
    %select_n3A_4613 = arith.select %broadcast_in_dim3A_4612, %add3A_4605, %select_n3A_4473 : vector<128x128xi1>, vector<128x128xf32>
    %jit3A_4614 = arith.constant 0.000000e+00 : f32
    %broadcast_in_dim3A_4615 = vector.shape_cast %gt3A_4498 : vector<128x1xi1> to vector<128x1xi1>
    %broadcast_in_dim3A_4616 = vector.broadcast %broadcast_in_dim3A_4615 : vector<128x1xi1> to vector<128x128xi1>
    %broadcast_in_dim3A_4617 = vector.broadcast %jit3A_4614 : f32 to vector<128x128xf32>
    %select_n3A_4618 = arith.select %broadcast_in_dim3A_4616, %mul3A_4551, %broadcast_in_dim3A_4617 : vector<128x128xi1>, vector<128x128xf32>
    %swap3A_4619 = arith.constant 0 : index
    %swap3A_4620 = arith.constant 19 : index
    %swap3A_4621 = arith.constant 0 : index
    %swap3A_4622 = vector.load %arg19[%swap3A_4619, %swap3A_4620, %swap3A_4621] : memref<128x27x256xf32, #tpu.memory_space<vmem>>, vector<128x1x128xf32>
    %swap3A_4623 = vector.shape_cast %swap3A_4622 : vector<128x1x128xf32> to vector<128x128xf32>
    %swap3A_4624 = vector.shape_cast %select_n3A_4618 : vector<128x128xf32> to vector<128x1x128xf32>
    tpu.vector_store %arg19[%swap3A_4619, %swap3A_4620, %swap3A_4621], %swap3A_4624 {strides = array<i32>} : memref<128x27x256xf32, #tpu.memory_space<vmem>>, vector<128x1x128xf32>,
    %jit3A_4625 = arith.constant 0.000000e+00 : f32
    %broadcast_in_dim3A_4626 = vector.shape_cast %gt3A_4501 : vector<128x1xi1> to vector<128x1xi1>
    %broadcast_in_dim3A_4627 = vector.broadcast %broadcast_in_dim3A_4626 : vector<128x1xi1> to vector<128x128xi1>
    %broadcast_in_dim3A_4628 = vector.broadcast %jit3A_4625 : f32 to vector<128x128xf32>
    %select_n3A_4629 = arith.select %broadcast_in_dim3A_4627, %mul3A_4607, %broadcast_in_dim3A_4628 : vector<128x128xi1>, vector<128x128xf32>
    %swap3A_4630 = arith.constant 0 : index
    %swap3A_4631 = arith.constant 7 : index
    %swap3A_4632 = arith.constant 128 : index
    %swap3A_4633 = vector.load %arg19[%swap3A_4630, %swap3A_4631, %swap3A_4632] : memref<128x27x256xf32, #tpu.memory_space<vmem>>, vector<128x1x128xf32>
    %swap3A_4634 = vector.shape_cast %swap3A_4633 : vector<128x1x128xf32> to vector<128x128xf32>
    %swap3A_4635 = vector.shape_cast %select_n3A_4629 : vector<128x128xf32> to vector<128x1x128xf32>
    tpu.vector_store %arg19[%swap3A_4630, %swap3A_4631, %swap3A_4632], %swap3A_4635 {strides = array<i32>} : memref<128x27x256xf32, #tpu.memory_space<vmem>>, vector<128x1x128xf32>,
    %gt3A_4636 = arith.constant 20 : i32
    %gt3A_4637 = vector.broadcast %gt3A_4636 : i32 to vector<128x1xi32>
    %gt3A_4638 = arith.cmpi sgt, %broadcast_in_dim3A_52, %gt3A_4637 : vector<128x1xi32>
    %gt3A_4639 = arith.constant 6 : i32
    %gt3A_4640 = vector.broadcast %gt3A_4639 : i32 to vector<128x1xi32>
    %gt3A_4641 = arith.cmpi sgt, %broadcast_in_dim3A_52, %gt3A_4640 : vector<128x1xi32>
    %get3A_4642 = arith.constant 20 : index
    %get3A_4643 = arith.constant 0 : index
    %get3A_4644 = arith.constant 0 : index
    %get3A_4645 = vector.load %arg1[%get3A_4642, %get3A_4643, %get3A_4644] : memref<42x128x128xf32, #tpu.memory_space<vmem>>, vector<1x128x128xf32>
    %get3A_4646 = vector.shape_cast %get3A_4645 : vector<1x128x128xf32> to vector<128x128xf32>
    %dot_general3A_4647 = arith.constant dense<0.000000e+00> : vector<128x512xf32>
    %dot_general3A_4648 = tpu.matmul %get3A_4646, %concatenate3A_25, %dot_general3A_4647 {dimension_numbers = #tpu.dot_dimension_numbers<[1], [0], [0], [1], [0, 0, 1, 1], [], []>, transpose_lhs_hint = false} : vector<128x128xf32>, vector<128x512xf32>, vector<128x512xf32> -> vector<128x512xf32>
    %dot_general3A_4649 = arith.constant dense<0.000000e+00> : vector<128x512xf32>
    %dot_general3A_4650 = tpu.matmul %select_n3A_4554, %transpose3A_64, %dot_general3A_4649 {dimension_numbers = #tpu.dot_dimension_numbers<[1], [0], [0], [1], [0, 0, 1, 1], [], []>, transpose_lhs_hint = false} : vector<128x128xf32>, vector<128x512xf32>, vector<128x512xf32> -> vector<128x512xf32>
    %add3A_4651 = arith.addf %dot_general3A_4648, %dot_general3A_4650 : vector<128x512xf32>
    %slice3A_4652 = vector.extract_strided_slice %add3A_4651 {offsets = [0, 0], sizes = [128, 128], strides = [1, 1]} : vector<128x512xf32> to vector<128x128xf32>
    %mul3A_4653 = arith.constant 5.000000e-01 : f32
    %mul3A_4654 = vector.broadcast %mul3A_4653 : f32 to vector<128x128xf32>
    %mul3A_4655 = arith.mulf %mul3A_4654, %slice3A_4652 : vector<128x128xf32>
    %tanh3A_4656 = math.tanh %mul3A_4655 : vector<128x128xf32>
    %mul3A_4657 = arith.constant 5.000000e-01 : f32
    %mul3A_4658 = vector.broadcast %mul3A_4657 : f32 to vector<128x128xf32>
    %mul3A_4659 = arith.mulf %mul3A_4658, %tanh3A_4656 : vector<128x128xf32>
    %add3A_4660 = arith.constant 5.000000e-01 : f32
    %add3A_4661 = vector.broadcast %add3A_4660 : f32 to vector<128x128xf32>
    %add3A_4662 = arith.addf %add3A_4661, %mul3A_4659 : vector<128x128xf32>
    %slice3A_4663 = vector.extract_strided_slice %add3A_4651 {offsets = [0, 128], sizes = [128, 128], strides = [1, 1]} : vector<128x512xf32> to vector<128x128xf32>
    %mul3A_4664 = arith.constant 5.000000e-01 : f32
    %mul3A_4665 = vector.broadcast %mul3A_4664 : f32 to vector<128x128xf32>
    %mul3A_4666 = arith.mulf %mul3A_4665, %slice3A_4663 : vector<128x128xf32>
    %tanh3A_4667 = math.tanh %mul3A_4666 : vector<128x128xf32>
    %mul3A_4668 = arith.constant 5.000000e-01 : f32
    %mul3A_4669 = vector.broadcast %mul3A_4668 : f32 to vector<128x128xf32>
    %mul3A_4670 = arith.mulf %mul3A_4669, %tanh3A_4667 : vector<128x128xf32>
    %add3A_4671 = arith.constant 5.000000e-01 : f32
    %add3A_4672 = vector.broadcast %add3A_4671 : f32 to vector<128x128xf32>
    %add3A_4673 = arith.addf %add3A_4672, %mul3A_4670 : vector<128x128xf32>
    %slice3A_4674 = vector.extract_strided_slice %add3A_4651 {offsets = [0, 256], sizes = [128, 128], strides = [1, 1]} : vector<128x512xf32> to vector<128x128xf32>
    %tanh3A_4675 = math.tanh %slice3A_4674 : vector<128x128xf32>
    %slice3A_4676 = vector.extract_strided_slice %add3A_4651 {offsets = [0, 384], sizes = [128, 128], strides = [1, 1]} : vector<128x512xf32> to vector<128x128xf32>
    %mul3A_4677 = arith.constant 5.000000e-01 : f32
    %mul3A_4678 = vector.broadcast %mul3A_4677 : f32 to vector<128x128xf32>
    %mul3A_4679 = arith.mulf %mul3A_4678, %slice3A_4676 : vector<128x128xf32>
    %tanh3A_4680 = math.tanh %mul3A_4679 : vector<128x128xf32>
    %mul3A_4681 = arith.constant 5.000000e-01 : f32
    %mul3A_4682 = vector.broadcast %mul3A_4681 : f32 to vector<128x128xf32>
    %mul3A_4683 = arith.mulf %mul3A_4682, %tanh3A_4680 : vector<128x128xf32>
    %add3A_4684 = arith.constant 5.000000e-01 : f32
    %add3A_4685 = vector.broadcast %add3A_4684 : f32 to vector<128x128xf32>
    %add3A_4686 = arith.addf %add3A_4685, %mul3A_4683 : vector<128x128xf32>
    %mul3A_4687 = arith.mulf %add3A_4673, %select_n3A_4557 : vector<128x128xf32>
    %mul3A_4688 = arith.mulf %add3A_4662, %tanh3A_4675 : vector<128x128xf32>
    %add3A_4689 = arith.addf %mul3A_4687, %mul3A_4688 : vector<128x128xf32>
    %tanh3A_4690 = math.tanh %add3A_4689 : vector<128x128xf32>
    %mul3A_4691 = arith.mulf %add3A_4686, %tanh3A_4690 : vector<128x128xf32>
    %broadcast_in_dim3A_4692 = vector.shape_cast %gt3A_4638 : vector<128x1xi1> to vector<128x1xi1>
    %broadcast_in_dim3A_4693 = vector.broadcast %broadcast_in_dim3A_4692 : vector<128x1xi1> to vector<128x128xi1>
    %select_n3A_4694 = arith.select %broadcast_in_dim3A_4693, %mul3A_4691, %select_n3A_4554 : vector<128x128xi1>, vector<128x128xf32>
    %broadcast_in_dim3A_4695 = vector.shape_cast %gt3A_4638 : vector<128x1xi1> to vector<128x1xi1>
    %broadcast_in_dim3A_4696 = vector.broadcast %broadcast_in_dim3A_4695 : vector<128x1xi1> to vector<128x128xi1>
    %select_n3A_4697 = arith.select %broadcast_in_dim3A_4696, %add3A_4689, %select_n3A_4557 : vector<128x128xi1>, vector<128x128xf32>
    %get3A_4698 = arith.constant 6 : index
    %get3A_4699 = arith.constant 0 : index
    %get3A_4700 = arith.constant 0 : index
    %get3A_4701 = vector.load %arg1[%get3A_4698, %get3A_4699, %get3A_4700] : memref<42x128x128xf32, #tpu.memory_space<vmem>>, vector<1x128x128xf32>
    %get3A_4702 = vector.shape_cast %get3A_4701 : vector<1x128x128xf32> to vector<128x128xf32>
    %dot_general3A_4703 = arith.constant dense<0.000000e+00> : vector<128x512xf32>
    %dot_general3A_4704 = tpu.matmul %get3A_4702, %concatenate3A_35, %dot_general3A_4703 {dimension_numbers = #tpu.dot_dimension_numbers<[1], [0], [0], [1], [0, 0, 1, 1], [], []>, transpose_lhs_hint = false} : vector<128x128xf32>, vector<128x512xf32>, vector<128x512xf32> -> vector<128x512xf32>
    %dot_general3A_4705 = arith.constant dense<0.000000e+00> : vector<128x512xf32>
    %dot_general3A_4706 = tpu.matmul %select_n3A_4610, %transpose3A_68, %dot_general3A_4705 {dimension_numbers = #tpu.dot_dimension_numbers<[1], [0], [0], [1], [0, 0, 1, 1], [], []>, transpose_lhs_hint = false} : vector<128x128xf32>, vector<128x512xf32>, vector<128x512xf32> -> vector<128x512xf32>
    %add3A_4707 = arith.addf %dot_general3A_4704, %dot_general3A_4706 : vector<128x512xf32>
    %slice3A_4708 = vector.extract_strided_slice %add3A_4707 {offsets = [0, 0], sizes = [128, 128], strides = [1, 1]} : vector<128x512xf32> to vector<128x128xf32>
    %mul3A_4709 = arith.constant 5.000000e-01 : f32
    %mul3A_4710 = vector.broadcast %mul3A_4709 : f32 to vector<128x128xf32>
    %mul3A_4711 = arith.mulf %mul3A_4710, %slice3A_4708 : vector<128x128xf32>
    %tanh3A_4712 = math.tanh %mul3A_4711 : vector<128x128xf32>
    %mul3A_4713 = arith.constant 5.000000e-01 : f32
    %mul3A_4714 = vector.broadcast %mul3A_4713 : f32 to vector<128x128xf32>
    %mul3A_4715 = arith.mulf %mul3A_4714, %tanh3A_4712 : vector<128x128xf32>
    %add3A_4716 = arith.constant 5.000000e-01 : f32
    %add3A_4717 = vector.broadcast %add3A_4716 : f32 to vector<128x128xf32>
    %add3A_4718 = arith.addf %add3A_4717, %mul3A_4715 : vector<128x128xf32>
    %slice3A_4719 = vector.extract_strided_slice %add3A_4707 {offsets = [0, 128], sizes = [128, 128], strides = [1, 1]} : vector<128x512xf32> to vector<128x128xf32>
    %mul3A_4720 = arith.constant 5.000000e-01 : f32
    %mul3A_4721 = vector.broadcast %mul3A_4720 : f32 to vector<128x128xf32>
    %mul3A_4722 = arith.mulf %mul3A_4721, %slice3A_4719 : vector<128x128xf32>
    %tanh3A_4723 = math.tanh %mul3A_4722 : vector<128x128xf32>
    %mul3A_4724 = arith.constant 5.000000e-01 : f32
    %mul3A_4725 = vector.broadcast %mul3A_4724 : f32 to vector<128x128xf32>
    %mul3A_4726 = arith.mulf %mul3A_4725, %tanh3A_4723 : vector<128x128xf32>
    %add3A_4727 = arith.constant 5.000000e-01 : f32
    %add3A_4728 = vector.broadcast %add3A_4727 : f32 to vector<128x128xf32>
    %add3A_4729 = arith.addf %add3A_4728, %mul3A_4726 : vector<128x128xf32>
    %slice3A_4730 = vector.extract_strided_slice %add3A_4707 {offsets = [0, 256], sizes = [128, 128], strides = [1, 1]} : vector<128x512xf32> to vector<128x128xf32>
    %tanh3A_4731 = math.tanh %slice3A_4730 : vector<128x128xf32>
    %slice3A_4732 = vector.extract_strided_slice %add3A_4707 {offsets = [0, 384], sizes = [128, 128], strides = [1, 1]} : vector<128x512xf32> to vector<128x128xf32>
    %mul3A_4733 = arith.constant 5.000000e-01 : f32
    %mul3A_4734 = vector.broadcast %mul3A_4733 : f32 to vector<128x128xf32>
    %mul3A_4735 = arith.mulf %mul3A_4734, %slice3A_4732 : vector<128x128xf32>
    %tanh3A_4736 = math.tanh %mul3A_4735 : vector<128x128xf32>
    %mul3A_4737 = arith.constant 5.000000e-01 : f32
    %mul3A_4738 = vector.broadcast %mul3A_4737 : f32 to vector<128x128xf32>
    %mul3A_4739 = arith.mulf %mul3A_4738, %tanh3A_4736 : vector<128x128xf32>
    %add3A_4740 = arith.constant 5.000000e-01 : f32
    %add3A_4741 = vector.broadcast %add3A_4740 : f32 to vector<128x128xf32>
    %add3A_4742 = arith.addf %add3A_4741, %mul3A_4739 : vector<128x128xf32>
    %mul3A_4743 = arith.mulf %add3A_4729, %select_n3A_4613 : vector<128x128xf32>
    %mul3A_4744 = arith.mulf %add3A_4718, %tanh3A_4731 : vector<128x128xf32>
    %add3A_4745 = arith.addf %mul3A_4743, %mul3A_4744 : vector<128x128xf32>
    %tanh3A_4746 = math.tanh %add3A_4745 : vector<128x128xf32>
    %mul3A_4747 = arith.mulf %add3A_4742, %tanh3A_4746 : vector<128x128xf32>
    %broadcast_in_dim3A_4748 = vector.shape_cast %gt3A_4641 : vector<128x1xi1> to vector<128x1xi1>
    %broadcast_in_dim3A_4749 = vector.broadcast %broadcast_in_dim3A_4748 : vector<128x1xi1> to vector<128x128xi1>
    %select_n3A_4750 = arith.select %broadcast_in_dim3A_4749, %mul3A_4747, %select_n3A_4610 : vector<128x128xi1>, vector<128x128xf32>
    %broadcast_in_dim3A_4751 = vector.shape_cast %gt3A_4641 : vector<128x1xi1> to vector<128x1xi1>
    %broadcast_in_dim3A_4752 = vector.broadcast %broadcast_in_dim3A_4751 : vector<128x1xi1> to vector<128x128xi1>
    %select_n3A_4753 = arith.select %broadcast_in_dim3A_4752, %add3A_4745, %select_n3A_4613 : vector<128x128xi1>, vector<128x128xf32>
    %jit3A_4754 = arith.constant 0.000000e+00 : f32
    %broadcast_in_dim3A_4755 = vector.shape_cast %gt3A_4638 : vector<128x1xi1> to vector<128x1xi1>
    %broadcast_in_dim3A_4756 = vector.broadcast %broadcast_in_dim3A_4755 : vector<128x1xi1> to vector<128x128xi1>
    %broadcast_in_dim3A_4757 = vector.broadcast %jit3A_4754 : f32 to vector<128x128xf32>
    %select_n3A_4758 = arith.select %broadcast_in_dim3A_4756, %mul3A_4691, %broadcast_in_dim3A_4757 : vector<128x128xi1>, vector<128x128xf32>
    %swap3A_4759 = arith.constant 0 : index
    %swap3A_4760 = arith.constant 20 : index
    %swap3A_4761 = arith.constant 0 : index
    %swap3A_4762 = vector.load %arg19[%swap3A_4759, %swap3A_4760, %swap3A_4761] : memref<128x27x256xf32, #tpu.memory_space<vmem>>, vector<128x1x128xf32>
    %swap3A_4763 = vector.shape_cast %swap3A_4762 : vector<128x1x128xf32> to vector<128x128xf32>
    %swap3A_4764 = vector.shape_cast %select_n3A_4758 : vector<128x128xf32> to vector<128x1x128xf32>
    tpu.vector_store %arg19[%swap3A_4759, %swap3A_4760, %swap3A_4761], %swap3A_4764 {strides = array<i32>} : memref<128x27x256xf32, #tpu.memory_space<vmem>>, vector<128x1x128xf32>,
    %jit3A_4765 = arith.constant 0.000000e+00 : f32
    %broadcast_in_dim3A_4766 = vector.shape_cast %gt3A_4641 : vector<128x1xi1> to vector<128x1xi1>
    %broadcast_in_dim3A_4767 = vector.broadcast %broadcast_in_dim3A_4766 : vector<128x1xi1> to vector<128x128xi1>
    %broadcast_in_dim3A_4768 = vector.broadcast %jit3A_4765 : f32 to vector<128x128xf32>
    %select_n3A_4769 = arith.select %broadcast_in_dim3A_4767, %mul3A_4747, %broadcast_in_dim3A_4768 : vector<128x128xi1>, vector<128x128xf32>
    %swap3A_4770 = arith.constant 0 : index
    %swap3A_4771 = arith.constant 6 : index
    %swap3A_4772 = arith.constant 128 : index
    %swap3A_4773 = vector.load %arg19[%swap3A_4770, %swap3A_4771, %swap3A_4772] : memref<128x27x256xf32, #tpu.memory_space<vmem>>, vector<128x1x128xf32>
    %swap3A_4774 = vector.shape_cast %swap3A_4773 : vector<128x1x128xf32> to vector<128x128xf32>
    %swap3A_4775 = vector.shape_cast %select_n3A_4769 : vector<128x128xf32> to vector<128x1x128xf32>
    tpu.vector_store %arg19[%swap3A_4770, %swap3A_4771, %swap3A_4772], %swap3A_4775 {strides = array<i32>} : memref<128x27x256xf32, #tpu.memory_space<vmem>>, vector<128x1x128xf32>,
    %gt3A_4776 = arith.constant 21 : i32
    %gt3A_4777 = vector.broadcast %gt3A_4776 : i32 to vector<128x1xi32>
    %gt3A_4778 = arith.cmpi sgt, %broadcast_in_dim3A_52, %gt3A_4777 : vector<128x1xi32>
    %gt3A_4779 = arith.constant 5 : i32
    %gt3A_4780 = vector.broadcast %gt3A_4779 : i32 to vector<128x1xi32>
    %gt3A_4781 = arith.cmpi sgt, %broadcast_in_dim3A_52, %gt3A_4780 : vector<128x1xi32>
    %get3A_4782 = arith.constant 21 : index
    %get3A_4783 = arith.constant 0 : index
    %get3A_4784 = arith.constant 0 : index
    %get3A_4785 = vector.load %arg1[%get3A_4782, %get3A_4783, %get3A_4784] : memref<42x128x128xf32, #tpu.memory_space<vmem>>, vector<1x128x128xf32>
    %get3A_4786 = vector.shape_cast %get3A_4785 : vector<1x128x128xf32> to vector<128x128xf32>
    %dot_general3A_4787 = arith.constant dense<0.000000e+00> : vector<128x512xf32>
    %dot_general3A_4788 = tpu.matmul %get3A_4786, %concatenate3A_25, %dot_general3A_4787 {dimension_numbers = #tpu.dot_dimension_numbers<[1], [0], [0], [1], [0, 0, 1, 1], [], []>, transpose_lhs_hint = false} : vector<128x128xf32>, vector<128x512xf32>, vector<128x512xf32> -> vector<128x512xf32>
    %dot_general3A_4789 = arith.constant dense<0.000000e+00> : vector<128x512xf32>
    %dot_general3A_4790 = tpu.matmul %select_n3A_4694, %transpose3A_64, %dot_general3A_4789 {dimension_numbers = #tpu.dot_dimension_numbers<[1], [0], [0], [1], [0, 0, 1, 1], [], []>, transpose_lhs_hint = false} : vector<128x128xf32>, vector<128x512xf32>, vector<128x512xf32> -> vector<128x512xf32>
    %add3A_4791 = arith.addf %dot_general3A_4788, %dot_general3A_4790 : vector<128x512xf32>
    %slice3A_4792 = vector.extract_strided_slice %add3A_4791 {offsets = [0, 0], sizes = [128, 128], strides = [1, 1]} : vector<128x512xf32> to vector<128x128xf32>
    %mul3A_4793 = arith.constant 5.000000e-01 : f32
    %mul3A_4794 = vector.broadcast %mul3A_4793 : f32 to vector<128x128xf32>
    %mul3A_4795 = arith.mulf %mul3A_4794, %slice3A_4792 : vector<128x128xf32>
    %tanh3A_4796 = math.tanh %mul3A_4795 : vector<128x128xf32>
    %mul3A_4797 = arith.constant 5.000000e-01 : f32
    %mul3A_4798 = vector.broadcast %mul3A_4797 : f32 to vector<128x128xf32>
    %mul3A_4799 = arith.mulf %mul3A_4798, %tanh3A_4796 : vector<128x128xf32>
    %add3A_4800 = arith.constant 5.000000e-01 : f32
    %add3A_4801 = vector.broadcast %add3A_4800 : f32 to vector<128x128xf32>
    %add3A_4802 = arith.addf %add3A_4801, %mul3A_4799 : vector<128x128xf32>
    %slice3A_4803 = vector.extract_strided_slice %add3A_4791 {offsets = [0, 128], sizes = [128, 128], strides = [1, 1]} : vector<128x512xf32> to vector<128x128xf32>
    %mul3A_4804 = arith.constant 5.000000e-01 : f32
    %mul3A_4805 = vector.broadcast %mul3A_4804 : f32 to vector<128x128xf32>
    %mul3A_4806 = arith.mulf %mul3A_4805, %slice3A_4803 : vector<128x128xf32>
    %tanh3A_4807 = math.tanh %mul3A_4806 : vector<128x128xf32>
    %mul3A_4808 = arith.constant 5.000000e-01 : f32
    %mul3A_4809 = vector.broadcast %mul3A_4808 : f32 to vector<128x128xf32>
    %mul3A_4810 = arith.mulf %mul3A_4809, %tanh3A_4807 : vector<128x128xf32>
    %add3A_4811 = arith.constant 5.000000e-01 : f32
    %add3A_4812 = vector.broadcast %add3A_4811 : f32 to vector<128x128xf32>
    %add3A_4813 = arith.addf %add3A_4812, %mul3A_4810 : vector<128x128xf32>
    %slice3A_4814 = vector.extract_strided_slice %add3A_4791 {offsets = [0, 256], sizes = [128, 128], strides = [1, 1]} : vector<128x512xf32> to vector<128x128xf32>
    %tanh3A_4815 = math.tanh %slice3A_4814 : vector<128x128xf32>
    %slice3A_4816 = vector.extract_strided_slice %add3A_4791 {offsets = [0, 384], sizes = [128, 128], strides = [1, 1]} : vector<128x512xf32> to vector<128x128xf32>
    %mul3A_4817 = arith.constant 5.000000e-01 : f32
    %mul3A_4818 = vector.broadcast %mul3A_4817 : f32 to vector<128x128xf32>
    %mul3A_4819 = arith.mulf %mul3A_4818, %slice3A_4816 : vector<128x128xf32>
    %tanh3A_4820 = math.tanh %mul3A_4819 : vector<128x128xf32>
    %mul3A_4821 = arith.constant 5.000000e-01 : f32
    %mul3A_4822 = vector.broadcast %mul3A_4821 : f32 to vector<128x128xf32>
    %mul3A_4823 = arith.mulf %mul3A_4822, %tanh3A_4820 : vector<128x128xf32>
    %add3A_4824 = arith.constant 5.000000e-01 : f32
    %add3A_4825 = vector.broadcast %add3A_4824 : f32 to vector<128x128xf32>
    %add3A_4826 = arith.addf %add3A_4825, %mul3A_4823 : vector<128x128xf32>
    %mul3A_4827 = arith.mulf %add3A_4813, %select_n3A_4697 : vector<128x128xf32>
    %mul3A_4828 = arith.mulf %add3A_4802, %tanh3A_4815 : vector<128x128xf32>
    %add3A_4829 = arith.addf %mul3A_4827, %mul3A_4828 : vector<128x128xf32>
    %tanh3A_4830 = math.tanh %add3A_4829 : vector<128x128xf32>
    %mul3A_4831 = arith.mulf %add3A_4826, %tanh3A_4830 : vector<128x128xf32>
    %broadcast_in_dim3A_4832 = vector.shape_cast %gt3A_4778 : vector<128x1xi1> to vector<128x1xi1>
    %broadcast_in_dim3A_4833 = vector.broadcast %broadcast_in_dim3A_4832 : vector<128x1xi1> to vector<128x128xi1>
    %select_n3A_4834 = arith.select %broadcast_in_dim3A_4833, %mul3A_4831, %select_n3A_4694 : vector<128x128xi1>, vector<128x128xf32>
    %broadcast_in_dim3A_4835 = vector.shape_cast %gt3A_4778 : vector<128x1xi1> to vector<128x1xi1>
    %broadcast_in_dim3A_4836 = vector.broadcast %broadcast_in_dim3A_4835 : vector<128x1xi1> to vector<128x128xi1>
    %select_n3A_4837 = arith.select %broadcast_in_dim3A_4836, %add3A_4829, %select_n3A_4697 : vector<128x128xi1>, vector<128x128xf32>
    %get3A_4838 = arith.constant 5 : index
    %get3A_4839 = arith.constant 0 : index
    %get3A_4840 = arith.constant 0 : index
    %get3A_4841 = vector.load %arg1[%get3A_4838, %get3A_4839, %get3A_4840] : memref<42x128x128xf32, #tpu.memory_space<vmem>>, vector<1x128x128xf32>
    %get3A_4842 = vector.shape_cast %get3A_4841 : vector<1x128x128xf32> to vector<128x128xf32>
    %dot_general3A_4843 = arith.constant dense<0.000000e+00> : vector<128x512xf32>
    %dot_general3A_4844 = tpu.matmul %get3A_4842, %concatenate3A_35, %dot_general3A_4843 {dimension_numbers = #tpu.dot_dimension_numbers<[1], [0], [0], [1], [0, 0, 1, 1], [], []>, transpose_lhs_hint = false} : vector<128x128xf32>, vector<128x512xf32>, vector<128x512xf32> -> vector<128x512xf32>
    %dot_general3A_4845 = arith.constant dense<0.000000e+00> : vector<128x512xf32>
    %dot_general3A_4846 = tpu.matmul %select_n3A_4750, %transpose3A_68, %dot_general3A_4845 {dimension_numbers = #tpu.dot_dimension_numbers<[1], [0], [0], [1], [0, 0, 1, 1], [], []>, transpose_lhs_hint = false} : vector<128x128xf32>, vector<128x512xf32>, vector<128x512xf32> -> vector<128x512xf32>
    %add3A_4847 = arith.addf %dot_general3A_4844, %dot_general3A_4846 : vector<128x512xf32>
    %slice3A_4848 = vector.extract_strided_slice %add3A_4847 {offsets = [0, 0], sizes = [128, 128], strides = [1, 1]} : vector<128x512xf32> to vector<128x128xf32>
    %mul3A_4849 = arith.constant 5.000000e-01 : f32
    %mul3A_4850 = vector.broadcast %mul3A_4849 : f32 to vector<128x128xf32>
    %mul3A_4851 = arith.mulf %mul3A_4850, %slice3A_4848 : vector<128x128xf32>
    %tanh3A_4852 = math.tanh %mul3A_4851 : vector<128x128xf32>
    %mul3A_4853 = arith.constant 5.000000e-01 : f32
    %mul3A_4854 = vector.broadcast %mul3A_4853 : f32 to vector<128x128xf32>
    %mul3A_4855 = arith.mulf %mul3A_4854, %tanh3A_4852 : vector<128x128xf32>
    %add3A_4856 = arith.constant 5.000000e-01 : f32
    %add3A_4857 = vector.broadcast %add3A_4856 : f32 to vector<128x128xf32>
    %add3A_4858 = arith.addf %add3A_4857, %mul3A_4855 : vector<128x128xf32>
    %slice3A_4859 = vector.extract_strided_slice %add3A_4847 {offsets = [0, 128], sizes = [128, 128], strides = [1, 1]} : vector<128x512xf32> to vector<128x128xf32>
    %mul3A_4860 = arith.constant 5.000000e-01 : f32
    %mul3A_4861 = vector.broadcast %mul3A_4860 : f32 to vector<128x128xf32>
    %mul3A_4862 = arith.mulf %mul3A_4861, %slice3A_4859 : vector<128x128xf32>
    %tanh3A_4863 = math.tanh %mul3A_4862 : vector<128x128xf32>
    %mul3A_4864 = arith.constant 5.000000e-01 : f32
    %mul3A_4865 = vector.broadcast %mul3A_4864 : f32 to vector<128x128xf32>
    %mul3A_4866 = arith.mulf %mul3A_4865, %tanh3A_4863 : vector<128x128xf32>
    %add3A_4867 = arith.constant 5.000000e-01 : f32
    %add3A_4868 = vector.broadcast %add3A_4867 : f32 to vector<128x128xf32>
    %add3A_4869 = arith.addf %add3A_4868, %mul3A_4866 : vector<128x128xf32>
    %slice3A_4870 = vector.extract_strided_slice %add3A_4847 {offsets = [0, 256], sizes = [128, 128], strides = [1, 1]} : vector<128x512xf32> to vector<128x128xf32>
    %tanh3A_4871 = math.tanh %slice3A_4870 : vector<128x128xf32>
    %slice3A_4872 = vector.extract_strided_slice %add3A_4847 {offsets = [0, 384], sizes = [128, 128], strides = [1, 1]} : vector<128x512xf32> to vector<128x128xf32>
    %mul3A_4873 = arith.constant 5.000000e-01 : f32
    %mul3A_4874 = vector.broadcast %mul3A_4873 : f32 to vector<128x128xf32>
    %mul3A_4875 = arith.mulf %mul3A_4874, %slice3A_4872 : vector<128x128xf32>
    %tanh3A_4876 = math.tanh %mul3A_4875 : vector<128x128xf32>
    %mul3A_4877 = arith.constant 5.000000e-01 : f32
    %mul3A_4878 = vector.broadcast %mul3A_4877 : f32 to vector<128x128xf32>
    %mul3A_4879 = arith.mulf %mul3A_4878, %tanh3A_4876 : vector<128x128xf32>
    %add3A_4880 = arith.constant 5.000000e-01 : f32
    %add3A_4881 = vector.broadcast %add3A_4880 : f32 to vector<128x128xf32>
    %add3A_4882 = arith.addf %add3A_4881, %mul3A_4879 : vector<128x128xf32>
    %mul3A_4883 = arith.mulf %add3A_4869, %select_n3A_4753 : vector<128x128xf32>
    %mul3A_4884 = arith.mulf %add3A_4858, %tanh3A_4871 : vector<128x128xf32>
    %add3A_4885 = arith.addf %mul3A_4883, %mul3A_4884 : vector<128x128xf32>
    %tanh3A_4886 = math.tanh %add3A_4885 : vector<128x128xf32>
    %mul3A_4887 = arith.mulf %add3A_4882, %tanh3A_4886 : vector<128x128xf32>
    %broadcast_in_dim3A_4888 = vector.shape_cast %gt3A_4781 : vector<128x1xi1> to vector<128x1xi1>
    %broadcast_in_dim3A_4889 = vector.broadcast %broadcast_in_dim3A_4888 : vector<128x1xi1> to vector<128x128xi1>
    %select_n3A_4890 = arith.select %broadcast_in_dim3A_4889, %mul3A_4887, %select_n3A_4750 : vector<128x128xi1>, vector<128x128xf32>
    %broadcast_in_dim3A_4891 = vector.shape_cast %gt3A_4781 : vector<128x1xi1> to vector<128x1xi1>
    %broadcast_in_dim3A_4892 = vector.broadcast %broadcast_in_dim3A_4891 : vector<128x1xi1> to vector<128x128xi1>
    %select_n3A_4893 = arith.select %broadcast_in_dim3A_4892, %add3A_4885, %select_n3A_4753 : vector<128x128xi1>, vector<128x128xf32>
    %jit3A_4894 = arith.constant 0.000000e+00 : f32
    %broadcast_in_dim3A_4895 = vector.shape_cast %gt3A_4778 : vector<128x1xi1> to vector<128x1xi1>
    %broadcast_in_dim3A_4896 = vector.broadcast %broadcast_in_dim3A_4895 : vector<128x1xi1> to vector<128x128xi1>
    %broadcast_in_dim3A_4897 = vector.broadcast %jit3A_4894 : f32 to vector<128x128xf32>
    %select_n3A_4898 = arith.select %broadcast_in_dim3A_4896, %mul3A_4831, %broadcast_in_dim3A_4897 : vector<128x128xi1>, vector<128x128xf32>
    %swap3A_4899 = arith.constant 0 : index
    %swap3A_4900 = arith.constant 21 : index
    %swap3A_4901 = arith.constant 0 : index
    %swap3A_4902 = vector.load %arg19[%swap3A_4899, %swap3A_4900, %swap3A_4901] : memref<128x27x256xf32, #tpu.memory_space<vmem>>, vector<128x1x128xf32>
    %swap3A_4903 = vector.shape_cast %swap3A_4902 : vector<128x1x128xf32> to vector<128x128xf32>
    %swap3A_4904 = vector.shape_cast %select_n3A_4898 : vector<128x128xf32> to vector<128x1x128xf32>
    tpu.vector_store %arg19[%swap3A_4899, %swap3A_4900, %swap3A_4901], %swap3A_4904 {strides = array<i32>} : memref<128x27x256xf32, #tpu.memory_space<vmem>>, vector<128x1x128xf32>,
    %jit3A_4905 = arith.constant 0.000000e+00 : f32
    %broadcast_in_dim3A_4906 = vector.shape_cast %gt3A_4781 : vector<128x1xi1> to vector<128x1xi1>
    %broadcast_in_dim3A_4907 = vector.broadcast %broadcast_in_dim3A_4906 : vector<128x1xi1> to vector<128x128xi1>
    %broadcast_in_dim3A_4908 = vector.broadcast %jit3A_4905 : f32 to vector<128x128xf32>
    %select_n3A_4909 = arith.select %broadcast_in_dim3A_4907, %mul3A_4887, %broadcast_in_dim3A_4908 : vector<128x128xi1>, vector<128x128xf32>
    %swap3A_4910 = arith.constant 0 : index
    %swap3A_4911 = arith.constant 5 : index
    %swap3A_4912 = arith.constant 128 : index
    %swap3A_4913 = vector.load %arg19[%swap3A_4910, %swap3A_4911, %swap3A_4912] : memref<128x27x256xf32, #tpu.memory_space<vmem>>, vector<128x1x128xf32>
    %swap3A_4914 = vector.shape_cast %swap3A_4913 : vector<128x1x128xf32> to vector<128x128xf32>
    %swap3A_4915 = vector.shape_cast %select_n3A_4909 : vector<128x128xf32> to vector<128x1x128xf32>
    tpu.vector_store %arg19[%swap3A_4910, %swap3A_4911, %swap3A_4912], %swap3A_4915 {strides = array<i32>} : memref<128x27x256xf32, #tpu.memory_space<vmem>>, vector<128x1x128xf32>,
    %gt3A_4916 = arith.constant 22 : i32
    %gt3A_4917 = vector.broadcast %gt3A_4916 : i32 to vector<128x1xi32>
    %gt3A_4918 = arith.cmpi sgt, %broadcast_in_dim3A_52, %gt3A_4917 : vector<128x1xi32>
    %gt3A_4919 = arith.constant 4 : i32
    %gt3A_4920 = vector.broadcast %gt3A_4919 : i32 to vector<128x1xi32>
    %gt3A_4921 = arith.cmpi sgt, %broadcast_in_dim3A_52, %gt3A_4920 : vector<128x1xi32>
    %get3A_4922 = arith.constant 22 : index
    %get3A_4923 = arith.constant 0 : index
    %get3A_4924 = arith.constant 0 : index
    %get3A_4925 = vector.load %arg1[%get3A_4922, %get3A_4923, %get3A_4924] : memref<42x128x128xf32, #tpu.memory_space<vmem>>, vector<1x128x128xf32>
    %get3A_4926 = vector.shape_cast %get3A_4925 : vector<1x128x128xf32> to vector<128x128xf32>
    %dot_general3A_4927 = arith.constant dense<0.000000e+00> : vector<128x512xf32>
    %dot_general3A_4928 = tpu.matmul %get3A_4926, %concatenate3A_25, %dot_general3A_4927 {dimension_numbers = #tpu.dot_dimension_numbers<[1], [0], [0], [1], [0, 0, 1, 1], [], []>, transpose_lhs_hint = false} : vector<128x128xf32>, vector<128x512xf32>, vector<128x512xf32> -> vector<128x512xf32>
    %dot_general3A_4929 = arith.constant dense<0.000000e+00> : vector<128x512xf32>
    %dot_general3A_4930 = tpu.matmul %select_n3A_4834, %transpose3A_64, %dot_general3A_4929 {dimension_numbers = #tpu.dot_dimension_numbers<[1], [0], [0], [1], [0, 0, 1, 1], [], []>, transpose_lhs_hint = false} : vector<128x128xf32>, vector<128x512xf32>, vector<128x512xf32> -> vector<128x512xf32>
    %add3A_4931 = arith.addf %dot_general3A_4928, %dot_general3A_4930 : vector<128x512xf32>
    %slice3A_4932 = vector.extract_strided_slice %add3A_4931 {offsets = [0, 0], sizes = [128, 128], strides = [1, 1]} : vector<128x512xf32> to vector<128x128xf32>
    %mul3A_4933 = arith.constant 5.000000e-01 : f32
    %mul3A_4934 = vector.broadcast %mul3A_4933 : f32 to vector<128x128xf32>
    %mul3A_4935 = arith.mulf %mul3A_4934, %slice3A_4932 : vector<128x128xf32>
    %tanh3A_4936 = math.tanh %mul3A_4935 : vector<128x128xf32>
    %mul3A_4937 = arith.constant 5.000000e-01 : f32
    %mul3A_4938 = vector.broadcast %mul3A_4937 : f32 to vector<128x128xf32>
    %mul3A_4939 = arith.mulf %mul3A_4938, %tanh3A_4936 : vector<128x128xf32>
    %add3A_4940 = arith.constant 5.000000e-01 : f32
    %add3A_4941 = vector.broadcast %add3A_4940 : f32 to vector<128x128xf32>
    %add3A_4942 = arith.addf %add3A_4941, %mul3A_4939 : vector<128x128xf32>
    %slice3A_4943 = vector.extract_strided_slice %add3A_4931 {offsets = [0, 128], sizes = [128, 128], strides = [1, 1]} : vector<128x512xf32> to vector<128x128xf32>
    %mul3A_4944 = arith.constant 5.000000e-01 : f32
    %mul3A_4945 = vector.broadcast %mul3A_4944 : f32 to vector<128x128xf32>
    %mul3A_4946 = arith.mulf %mul3A_4945, %slice3A_4943 : vector<128x128xf32>
    %tanh3A_4947 = math.tanh %mul3A_4946 : vector<128x128xf32>
    %mul3A_4948 = arith.constant 5.000000e-01 : f32
    %mul3A_4949 = vector.broadcast %mul3A_4948 : f32 to vector<128x128xf32>
    %mul3A_4950 = arith.mulf %mul3A_4949, %tanh3A_4947 : vector<128x128xf32>
    %add3A_4951 = arith.constant 5.000000e-01 : f32
    %add3A_4952 = vector.broadcast %add3A_4951 : f32 to vector<128x128xf32>
    %add3A_4953 = arith.addf %add3A_4952, %mul3A_4950 : vector<128x128xf32>
    %slice3A_4954 = vector.extract_strided_slice %add3A_4931 {offsets = [0, 256], sizes = [128, 128], strides = [1, 1]} : vector<128x512xf32> to vector<128x128xf32>
    %tanh3A_4955 = math.tanh %slice3A_4954 : vector<128x128xf32>
    %slice3A_4956 = vector.extract_strided_slice %add3A_4931 {offsets = [0, 384], sizes = [128, 128], strides = [1, 1]} : vector<128x512xf32> to vector<128x128xf32>
    %mul3A_4957 = arith.constant 5.000000e-01 : f32
    %mul3A_4958 = vector.broadcast %mul3A_4957 : f32 to vector<128x128xf32>
    %mul3A_4959 = arith.mulf %mul3A_4958, %slice3A_4956 : vector<128x128xf32>
    %tanh3A_4960 = math.tanh %mul3A_4959 : vector<128x128xf32>
    %mul3A_4961 = arith.constant 5.000000e-01 : f32
    %mul3A_4962 = vector.broadcast %mul3A_4961 : f32 to vector<128x128xf32>
    %mul3A_4963 = arith.mulf %mul3A_4962, %tanh3A_4960 : vector<128x128xf32>
    %add3A_4964 = arith.constant 5.000000e-01 : f32
    %add3A_4965 = vector.broadcast %add3A_4964 : f32 to vector<128x128xf32>
    %add3A_4966 = arith.addf %add3A_4965, %mul3A_4963 : vector<128x128xf32>
    %mul3A_4967 = arith.mulf %add3A_4953, %select_n3A_4837 : vector<128x128xf32>
    %mul3A_4968 = arith.mulf %add3A_4942, %tanh3A_4955 : vector<128x128xf32>
    %add3A_4969 = arith.addf %mul3A_4967, %mul3A_4968 : vector<128x128xf32>
    %tanh3A_4970 = math.tanh %add3A_4969 : vector<128x128xf32>
    %mul3A_4971 = arith.mulf %add3A_4966, %tanh3A_4970 : vector<128x128xf32>
    %broadcast_in_dim3A_4972 = vector.shape_cast %gt3A_4918 : vector<128x1xi1> to vector<128x1xi1>
    %broadcast_in_dim3A_4973 = vector.broadcast %broadcast_in_dim3A_4972 : vector<128x1xi1> to vector<128x128xi1>
    %select_n3A_4974 = arith.select %broadcast_in_dim3A_4973, %mul3A_4971, %select_n3A_4834 : vector<128x128xi1>, vector<128x128xf32>
    %broadcast_in_dim3A_4975 = vector.shape_cast %gt3A_4918 : vector<128x1xi1> to vector<128x1xi1>
    %broadcast_in_dim3A_4976 = vector.broadcast %broadcast_in_dim3A_4975 : vector<128x1xi1> to vector<128x128xi1>
    %select_n3A_4977 = arith.select %broadcast_in_dim3A_4976, %add3A_4969, %select_n3A_4837 : vector<128x128xi1>, vector<128x128xf32>
    %get3A_4978 = arith.constant 4 : index
    %get3A_4979 = arith.constant 0 : index
    %get3A_4980 = arith.constant 0 : index
    %get3A_4981 = vector.load %arg1[%get3A_4978, %get3A_4979, %get3A_4980] : memref<42x128x128xf32, #tpu.memory_space<vmem>>, vector<1x128x128xf32>
    %get3A_4982 = vector.shape_cast %get3A_4981 : vector<1x128x128xf32> to vector<128x128xf32>
    %dot_general3A_4983 = arith.constant dense<0.000000e+00> : vector<128x512xf32>
    %dot_general3A_4984 = tpu.matmul %get3A_4982, %concatenate3A_35, %dot_general3A_4983 {dimension_numbers = #tpu.dot_dimension_numbers<[1], [0], [0], [1], [0, 0, 1, 1], [], []>, transpose_lhs_hint = false} : vector<128x128xf32>, vector<128x512xf32>, vector<128x512xf32> -> vector<128x512xf32>
    %dot_general3A_4985 = arith.constant dense<0.000000e+00> : vector<128x512xf32>
    %dot_general3A_4986 = tpu.matmul %select_n3A_4890, %transpose3A_68, %dot_general3A_4985 {dimension_numbers = #tpu.dot_dimension_numbers<[1], [0], [0], [1], [0, 0, 1, 1], [], []>, transpose_lhs_hint = false} : vector<128x128xf32>, vector<128x512xf32>, vector<128x512xf32> -> vector<128x512xf32>
    %add3A_4987 = arith.addf %dot_general3A_4984, %dot_general3A_4986 : vector<128x512xf32>
    %slice3A_4988 = vector.extract_strided_slice %add3A_4987 {offsets = [0, 0], sizes = [128, 128], strides = [1, 1]} : vector<128x512xf32> to vector<128x128xf32>
    %mul3A_4989 = arith.constant 5.000000e-01 : f32
    %mul3A_4990 = vector.broadcast %mul3A_4989 : f32 to vector<128x128xf32>
    %mul3A_4991 = arith.mulf %mul3A_4990, %slice3A_4988 : vector<128x128xf32>
    %tanh3A_4992 = math.tanh %mul3A_4991 : vector<128x128xf32>
    %mul3A_4993 = arith.constant 5.000000e-01 : f32
    %mul3A_4994 = vector.broadcast %mul3A_4993 : f32 to vector<128x128xf32>
    %mul3A_4995 = arith.mulf %mul3A_4994, %tanh3A_4992 : vector<128x128xf32>
    %add3A_4996 = arith.constant 5.000000e-01 : f32
    %add3A_4997 = vector.broadcast %add3A_4996 : f32 to vector<128x128xf32>
    %add3A_4998 = arith.addf %add3A_4997, %mul3A_4995 : vector<128x128xf32>
    %slice3A_4999 = vector.extract_strided_slice %add3A_4987 {offsets = [0, 128], sizes = [128, 128], strides = [1, 1]} : vector<128x512xf32> to vector<128x128xf32>
    %mul3A_5000 = arith.constant 5.000000e-01 : f32
    %mul3A_5001 = vector.broadcast %mul3A_5000 : f32 to vector<128x128xf32>
    %mul3A_5002 = arith.mulf %mul3A_5001, %slice3A_4999 : vector<128x128xf32>
    %tanh3A_5003 = math.tanh %mul3A_5002 : vector<128x128xf32>
    %mul3A_5004 = arith.constant 5.000000e-01 : f32
    %mul3A_5005 = vector.broadcast %mul3A_5004 : f32 to vector<128x128xf32>
    %mul3A_5006 = arith.mulf %mul3A_5005, %tanh3A_5003 : vector<128x128xf32>
    %add3A_5007 = arith.constant 5.000000e-01 : f32
    %add3A_5008 = vector.broadcast %add3A_5007 : f32 to vector<128x128xf32>
    %add3A_5009 = arith.addf %add3A_5008, %mul3A_5006 : vector<128x128xf32>
    %slice3A_5010 = vector.extract_strided_slice %add3A_4987 {offsets = [0, 256], sizes = [128, 128], strides = [1, 1]} : vector<128x512xf32> to vector<128x128xf32>
    %tanh3A_5011 = math.tanh %slice3A_5010 : vector<128x128xf32>
    %slice3A_5012 = vector.extract_strided_slice %add3A_4987 {offsets = [0, 384], sizes = [128, 128], strides = [1, 1]} : vector<128x512xf32> to vector<128x128xf32>
    %mul3A_5013 = arith.constant 5.000000e-01 : f32
    %mul3A_5014 = vector.broadcast %mul3A_5013 : f32 to vector<128x128xf32>
    %mul3A_5015 = arith.mulf %mul3A_5014, %slice3A_5012 : vector<128x128xf32>
    %tanh3A_5016 = math.tanh %mul3A_5015 : vector<128x128xf32>
    %mul3A_5017 = arith.constant 5.000000e-01 : f32
    %mul3A_5018 = vector.broadcast %mul3A_5017 : f32 to vector<128x128xf32>
    %mul3A_5019 = arith.mulf %mul3A_5018, %tanh3A_5016 : vector<128x128xf32>
    %add3A_5020 = arith.constant 5.000000e-01 : f32
    %add3A_5021 = vector.broadcast %add3A_5020 : f32 to vector<128x128xf32>
    %add3A_5022 = arith.addf %add3A_5021, %mul3A_5019 : vector<128x128xf32>
    %mul3A_5023 = arith.mulf %add3A_5009, %select_n3A_4893 : vector<128x128xf32>
    %mul3A_5024 = arith.mulf %add3A_4998, %tanh3A_5011 : vector<128x128xf32>
    %add3A_5025 = arith.addf %mul3A_5023, %mul3A_5024 : vector<128x128xf32>
    %tanh3A_5026 = math.tanh %add3A_5025 : vector<128x128xf32>
    %mul3A_5027 = arith.mulf %add3A_5022, %tanh3A_5026 : vector<128x128xf32>
    %broadcast_in_dim3A_5028 = vector.shape_cast %gt3A_4921 : vector<128x1xi1> to vector<128x1xi1>
    %broadcast_in_dim3A_5029 = vector.broadcast %broadcast_in_dim3A_5028 : vector<128x1xi1> to vector<128x128xi1>
    %select_n3A_5030 = arith.select %broadcast_in_dim3A_5029, %mul3A_5027, %select_n3A_4890 : vector<128x128xi1>, vector<128x128xf32>
    %broadcast_in_dim3A_5031 = vector.shape_cast %gt3A_4921 : vector<128x1xi1> to vector<128x1xi1>
    %broadcast_in_dim3A_5032 = vector.broadcast %broadcast_in_dim3A_5031 : vector<128x1xi1> to vector<128x128xi1>
    %select_n3A_5033 = arith.select %broadcast_in_dim3A_5032, %add3A_5025, %select_n3A_4893 : vector<128x128xi1>, vector<128x128xf32>
    %jit3A_5034 = arith.constant 0.000000e+00 : f32
    %broadcast_in_dim3A_5035 = vector.shape_cast %gt3A_4918 : vector<128x1xi1> to vector<128x1xi1>
    %broadcast_in_dim3A_5036 = vector.broadcast %broadcast_in_dim3A_5035 : vector<128x1xi1> to vector<128x128xi1>
    %broadcast_in_dim3A_5037 = vector.broadcast %jit3A_5034 : f32 to vector<128x128xf32>
    %select_n3A_5038 = arith.select %broadcast_in_dim3A_5036, %mul3A_4971, %broadcast_in_dim3A_5037 : vector<128x128xi1>, vector<128x128xf32>
    %swap3A_5039 = arith.constant 0 : index
    %swap3A_5040 = arith.constant 22 : index
    %swap3A_5041 = arith.constant 0 : index
    %swap3A_5042 = vector.load %arg19[%swap3A_5039, %swap3A_5040, %swap3A_5041] : memref<128x27x256xf32, #tpu.memory_space<vmem>>, vector<128x1x128xf32>
    %swap3A_5043 = vector.shape_cast %swap3A_5042 : vector<128x1x128xf32> to vector<128x128xf32>
    %swap3A_5044 = vector.shape_cast %select_n3A_5038 : vector<128x128xf32> to vector<128x1x128xf32>
    tpu.vector_store %arg19[%swap3A_5039, %swap3A_5040, %swap3A_5041], %swap3A_5044 {strides = array<i32>} : memref<128x27x256xf32, #tpu.memory_space<vmem>>, vector<128x1x128xf32>,
    %jit3A_5045 = arith.constant 0.000000e+00 : f32
    %broadcast_in_dim3A_5046 = vector.shape_cast %gt3A_4921 : vector<128x1xi1> to vector<128x1xi1>
    %broadcast_in_dim3A_5047 = vector.broadcast %broadcast_in_dim3A_5046 : vector<128x1xi1> to vector<128x128xi1>
    %broadcast_in_dim3A_5048 = vector.broadcast %jit3A_5045 : f32 to vector<128x128xf32>
    %select_n3A_5049 = arith.select %broadcast_in_dim3A_5047, %mul3A_5027, %broadcast_in_dim3A_5048 : vector<128x128xi1>, vector<128x128xf32>
    %swap3A_5050 = arith.constant 0 : index
    %swap3A_5051 = arith.constant 4 : index
    %swap3A_5052 = arith.constant 128 : index
    %swap3A_5053 = vector.load %arg19[%swap3A_5050, %swap3A_5051, %swap3A_5052] : memref<128x27x256xf32, #tpu.memory_space<vmem>>, vector<128x1x128xf32>
    %swap3A_5054 = vector.shape_cast %swap3A_5053 : vector<128x1x128xf32> to vector<128x128xf32>
    %swap3A_5055 = vector.shape_cast %select_n3A_5049 : vector<128x128xf32> to vector<128x1x128xf32>
    tpu.vector_store %arg19[%swap3A_5050, %swap3A_5051, %swap3A_5052], %swap3A_5055 {strides = array<i32>} : memref<128x27x256xf32, #tpu.memory_space<vmem>>, vector<128x1x128xf32>,
    %gt3A_5056 = arith.constant 23 : i32
    %gt3A_5057 = vector.broadcast %gt3A_5056 : i32 to vector<128x1xi32>
    %gt3A_5058 = arith.cmpi sgt, %broadcast_in_dim3A_52, %gt3A_5057 : vector<128x1xi32>
    %gt3A_5059 = arith.constant 3 : i32
    %gt3A_5060 = vector.broadcast %gt3A_5059 : i32 to vector<128x1xi32>
    %gt3A_5061 = arith.cmpi sgt, %broadcast_in_dim3A_52, %gt3A_5060 : vector<128x1xi32>
    %get3A_5062 = arith.constant 23 : index
    %get3A_5063 = arith.constant 0 : index
    %get3A_5064 = arith.constant 0 : index
    %get3A_5065 = vector.load %arg1[%get3A_5062, %get3A_5063, %get3A_5064] : memref<42x128x128xf32, #tpu.memory_space<vmem>>, vector<1x128x128xf32>
    %get3A_5066 = vector.shape_cast %get3A_5065 : vector<1x128x128xf32> to vector<128x128xf32>
    %dot_general3A_5067 = arith.constant dense<0.000000e+00> : vector<128x512xf32>
    %dot_general3A_5068 = tpu.matmul %get3A_5066, %concatenate3A_25, %dot_general3A_5067 {dimension_numbers = #tpu.dot_dimension_numbers<[1], [0], [0], [1], [0, 0, 1, 1], [], []>, transpose_lhs_hint = false} : vector<128x128xf32>, vector<128x512xf32>, vector<128x512xf32> -> vector<128x512xf32>
    %dot_general3A_5069 = arith.constant dense<0.000000e+00> : vector<128x512xf32>
    %dot_general3A_5070 = tpu.matmul %select_n3A_4974, %transpose3A_64, %dot_general3A_5069 {dimension_numbers = #tpu.dot_dimension_numbers<[1], [0], [0], [1], [0, 0, 1, 1], [], []>, transpose_lhs_hint = false} : vector<128x128xf32>, vector<128x512xf32>, vector<128x512xf32> -> vector<128x512xf32>
    %add3A_5071 = arith.addf %dot_general3A_5068, %dot_general3A_5070 : vector<128x512xf32>
    %slice3A_5072 = vector.extract_strided_slice %add3A_5071 {offsets = [0, 0], sizes = [128, 128], strides = [1, 1]} : vector<128x512xf32> to vector<128x128xf32>
    %mul3A_5073 = arith.constant 5.000000e-01 : f32
    %mul3A_5074 = vector.broadcast %mul3A_5073 : f32 to vector<128x128xf32>
    %mul3A_5075 = arith.mulf %mul3A_5074, %slice3A_5072 : vector<128x128xf32>
    %tanh3A_5076 = math.tanh %mul3A_5075 : vector<128x128xf32>
    %mul3A_5077 = arith.constant 5.000000e-01 : f32
    %mul3A_5078 = vector.broadcast %mul3A_5077 : f32 to vector<128x128xf32>
    %mul3A_5079 = arith.mulf %mul3A_5078, %tanh3A_5076 : vector<128x128xf32>
    %add3A_5080 = arith.constant 5.000000e-01 : f32
    %add3A_5081 = vector.broadcast %add3A_5080 : f32 to vector<128x128xf32>
    %add3A_5082 = arith.addf %add3A_5081, %mul3A_5079 : vector<128x128xf32>
    %slice3A_5083 = vector.extract_strided_slice %add3A_5071 {offsets = [0, 128], sizes = [128, 128], strides = [1, 1]} : vector<128x512xf32> to vector<128x128xf32>
    %mul3A_5084 = arith.constant 5.000000e-01 : f32
    %mul3A_5085 = vector.broadcast %mul3A_5084 : f32 to vector<128x128xf32>
    %mul3A_5086 = arith.mulf %mul3A_5085, %slice3A_5083 : vector<128x128xf32>
    %tanh3A_5087 = math.tanh %mul3A_5086 : vector<128x128xf32>
    %mul3A_5088 = arith.constant 5.000000e-01 : f32
    %mul3A_5089 = vector.broadcast %mul3A_5088 : f32 to vector<128x128xf32>
    %mul3A_5090 = arith.mulf %mul3A_5089, %tanh3A_5087 : vector<128x128xf32>
    %add3A_5091 = arith.constant 5.000000e-01 : f32
    %add3A_5092 = vector.broadcast %add3A_5091 : f32 to vector<128x128xf32>
    %add3A_5093 = arith.addf %add3A_5092, %mul3A_5090 : vector<128x128xf32>
    %slice3A_5094 = vector.extract_strided_slice %add3A_5071 {offsets = [0, 256], sizes = [128, 128], strides = [1, 1]} : vector<128x512xf32> to vector<128x128xf32>
    %tanh3A_5095 = math.tanh %slice3A_5094 : vector<128x128xf32>
    %slice3A_5096 = vector.extract_strided_slice %add3A_5071 {offsets = [0, 384], sizes = [128, 128], strides = [1, 1]} : vector<128x512xf32> to vector<128x128xf32>
    %mul3A_5097 = arith.constant 5.000000e-01 : f32
    %mul3A_5098 = vector.broadcast %mul3A_5097 : f32 to vector<128x128xf32>
    %mul3A_5099 = arith.mulf %mul3A_5098, %slice3A_5096 : vector<128x128xf32>
    %tanh3A_5100 = math.tanh %mul3A_5099 : vector<128x128xf32>
    %mul3A_5101 = arith.constant 5.000000e-01 : f32
    %mul3A_5102 = vector.broadcast %mul3A_5101 : f32 to vector<128x128xf32>
    %mul3A_5103 = arith.mulf %mul3A_5102, %tanh3A_5100 : vector<128x128xf32>
    %add3A_5104 = arith.constant 5.000000e-01 : f32
    %add3A_5105 = vector.broadcast %add3A_5104 : f32 to vector<128x128xf32>
    %add3A_5106 = arith.addf %add3A_5105, %mul3A_5103 : vector<128x128xf32>
    %mul3A_5107 = arith.mulf %add3A_5093, %select_n3A_4977 : vector<128x128xf32>
    %mul3A_5108 = arith.mulf %add3A_5082, %tanh3A_5095 : vector<128x128xf32>
    %add3A_5109 = arith.addf %mul3A_5107, %mul3A_5108 : vector<128x128xf32>
    %tanh3A_5110 = math.tanh %add3A_5109 : vector<128x128xf32>
    %mul3A_5111 = arith.mulf %add3A_5106, %tanh3A_5110 : vector<128x128xf32>
    %broadcast_in_dim3A_5112 = vector.shape_cast %gt3A_5058 : vector<128x1xi1> to vector<128x1xi1>
    %broadcast_in_dim3A_5113 = vector.broadcast %broadcast_in_dim3A_5112 : vector<128x1xi1> to vector<128x128xi1>
    %select_n3A_5114 = arith.select %broadcast_in_dim3A_5113, %mul3A_5111, %select_n3A_4974 : vector<128x128xi1>, vector<128x128xf32>
    %broadcast_in_dim3A_5115 = vector.shape_cast %gt3A_5058 : vector<128x1xi1> to vector<128x1xi1>
    %broadcast_in_dim3A_5116 = vector.broadcast %broadcast_in_dim3A_5115 : vector<128x1xi1> to vector<128x128xi1>
    %select_n3A_5117 = arith.select %broadcast_in_dim3A_5116, %add3A_5109, %select_n3A_4977 : vector<128x128xi1>, vector<128x128xf32>
    %get3A_5118 = arith.constant 3 : index
    %get3A_5119 = arith.constant 0 : index
    %get3A_5120 = arith.constant 0 : index
    %get3A_5121 = vector.load %arg1[%get3A_5118, %get3A_5119, %get3A_5120] : memref<42x128x128xf32, #tpu.memory_space<vmem>>, vector<1x128x128xf32>
    %get3A_5122 = vector.shape_cast %get3A_5121 : vector<1x128x128xf32> to vector<128x128xf32>
    %dot_general3A_5123 = arith.constant dense<0.000000e+00> : vector<128x512xf32>
    %dot_general3A_5124 = tpu.matmul %get3A_5122, %concatenate3A_35, %dot_general3A_5123 {dimension_numbers = #tpu.dot_dimension_numbers<[1], [0], [0], [1], [0, 0, 1, 1], [], []>, transpose_lhs_hint = false} : vector<128x128xf32>, vector<128x512xf32>, vector<128x512xf32> -> vector<128x512xf32>
    %dot_general3A_5125 = arith.constant dense<0.000000e+00> : vector<128x512xf32>
    %dot_general3A_5126 = tpu.matmul %select_n3A_5030, %transpose3A_68, %dot_general3A_5125 {dimension_numbers = #tpu.dot_dimension_numbers<[1], [0], [0], [1], [0, 0, 1, 1], [], []>, transpose_lhs_hint = false} : vector<128x128xf32>, vector<128x512xf32>, vector<128x512xf32> -> vector<128x512xf32>
    %add3A_5127 = arith.addf %dot_general3A_5124, %dot_general3A_5126 : vector<128x512xf32>
    %slice3A_5128 = vector.extract_strided_slice %add3A_5127 {offsets = [0, 0], sizes = [128, 128], strides = [1, 1]} : vector<128x512xf32> to vector<128x128xf32>
    %mul3A_5129 = arith.constant 5.000000e-01 : f32
    %mul3A_5130 = vector.broadcast %mul3A_5129 : f32 to vector<128x128xf32>
    %mul3A_5131 = arith.mulf %mul3A_5130, %slice3A_5128 : vector<128x128xf32>
    %tanh3A_5132 = math.tanh %mul3A_5131 : vector<128x128xf32>
    %mul3A_5133 = arith.constant 5.000000e-01 : f32
    %mul3A_5134 = vector.broadcast %mul3A_5133 : f32 to vector<128x128xf32>
    %mul3A_5135 = arith.mulf %mul3A_5134, %tanh3A_5132 : vector<128x128xf32>
    %add3A_5136 = arith.constant 5.000000e-01 : f32
    %add3A_5137 = vector.broadcast %add3A_5136 : f32 to vector<128x128xf32>
    %add3A_5138 = arith.addf %add3A_5137, %mul3A_5135 : vector<128x128xf32>
    %slice3A_5139 = vector.extract_strided_slice %add3A_5127 {offsets = [0, 128], sizes = [128, 128], strides = [1, 1]} : vector<128x512xf32> to vector<128x128xf32>
    %mul3A_5140 = arith.constant 5.000000e-01 : f32
    %mul3A_5141 = vector.broadcast %mul3A_5140 : f32 to vector<128x128xf32>
    %mul3A_5142 = arith.mulf %mul3A_5141, %slice3A_5139 : vector<128x128xf32>
    %tanh3A_5143 = math.tanh %mul3A_5142 : vector<128x128xf32>
    %mul3A_5144 = arith.constant 5.000000e-01 : f32
    %mul3A_5145 = vector.broadcast %mul3A_5144 : f32 to vector<128x128xf32>
    %mul3A_5146 = arith.mulf %mul3A_5145, %tanh3A_5143 : vector<128x128xf32>
    %add3A_5147 = arith.constant 5.000000e-01 : f32
    %add3A_5148 = vector.broadcast %add3A_5147 : f32 to vector<128x128xf32>
    %add3A_5149 = arith.addf %add3A_5148, %mul3A_5146 : vector<128x128xf32>
    %slice3A_5150 = vector.extract_strided_slice %add3A_5127 {offsets = [0, 256], sizes = [128, 128], strides = [1, 1]} : vector<128x512xf32> to vector<128x128xf32>
    %tanh3A_5151 = math.tanh %slice3A_5150 : vector<128x128xf32>
    %slice3A_5152 = vector.extract_strided_slice %add3A_5127 {offsets = [0, 384], sizes = [128, 128], strides = [1, 1]} : vector<128x512xf32> to vector<128x128xf32>
    %mul3A_5153 = arith.constant 5.000000e-01 : f32
    %mul3A_5154 = vector.broadcast %mul3A_5153 : f32 to vector<128x128xf32>
    %mul3A_5155 = arith.mulf %mul3A_5154, %slice3A_5152 : vector<128x128xf32>
    %tanh3A_5156 = math.tanh %mul3A_5155 : vector<128x128xf32>
    %mul3A_5157 = arith.constant 5.000000e-01 : f32
    %mul3A_5158 = vector.broadcast %mul3A_5157 : f32 to vector<128x128xf32>
    %mul3A_5159 = arith.mulf %mul3A_5158, %tanh3A_5156 : vector<128x128xf32>
    %add3A_5160 = arith.constant 5.000000e-01 : f32
    %add3A_5161 = vector.broadcast %add3A_5160 : f32 to vector<128x128xf32>
    %add3A_5162 = arith.addf %add3A_5161, %mul3A_5159 : vector<128x128xf32>
    %mul3A_5163 = arith.mulf %add3A_5149, %select_n3A_5033 : vector<128x128xf32>
    %mul3A_5164 = arith.mulf %add3A_5138, %tanh3A_5151 : vector<128x128xf32>
    %add3A_5165 = arith.addf %mul3A_5163, %mul3A_5164 : vector<128x128xf32>
    %tanh3A_5166 = math.tanh %add3A_5165 : vector<128x128xf32>
    %mul3A_5167 = arith.mulf %add3A_5162, %tanh3A_5166 : vector<128x128xf32>
    %broadcast_in_dim3A_5168 = vector.shape_cast %gt3A_5061 : vector<128x1xi1> to vector<128x1xi1>
    %broadcast_in_dim3A_5169 = vector.broadcast %broadcast_in_dim3A_5168 : vector<128x1xi1> to vector<128x128xi1>
    %select_n3A_5170 = arith.select %broadcast_in_dim3A_5169, %mul3A_5167, %select_n3A_5030 : vector<128x128xi1>, vector<128x128xf32>
    %broadcast_in_dim3A_5171 = vector.shape_cast %gt3A_5061 : vector<128x1xi1> to vector<128x1xi1>
    %broadcast_in_dim3A_5172 = vector.broadcast %broadcast_in_dim3A_5171 : vector<128x1xi1> to vector<128x128xi1>
    %select_n3A_5173 = arith.select %broadcast_in_dim3A_5172, %add3A_5165, %select_n3A_5033 : vector<128x128xi1>, vector<128x128xf32>
    %jit3A_5174 = arith.constant 0.000000e+00 : f32
    %broadcast_in_dim3A_5175 = vector.shape_cast %gt3A_5058 : vector<128x1xi1> to vector<128x1xi1>
    %broadcast_in_dim3A_5176 = vector.broadcast %broadcast_in_dim3A_5175 : vector<128x1xi1> to vector<128x128xi1>
    %broadcast_in_dim3A_5177 = vector.broadcast %jit3A_5174 : f32 to vector<128x128xf32>
    %select_n3A_5178 = arith.select %broadcast_in_dim3A_5176, %mul3A_5111, %broadcast_in_dim3A_5177 : vector<128x128xi1>, vector<128x128xf32>
    %swap3A_5179 = arith.constant 0 : index
    %swap3A_5180 = arith.constant 23 : index
    %swap3A_5181 = arith.constant 0 : index
    %swap3A_5182 = vector.load %arg19[%swap3A_5179, %swap3A_5180, %swap3A_5181] : memref<128x27x256xf32, #tpu.memory_space<vmem>>, vector<128x1x128xf32>
    %swap3A_5183 = vector.shape_cast %swap3A_5182 : vector<128x1x128xf32> to vector<128x128xf32>
    %swap3A_5184 = vector.shape_cast %select_n3A_5178 : vector<128x128xf32> to vector<128x1x128xf32>
    tpu.vector_store %arg19[%swap3A_5179, %swap3A_5180, %swap3A_5181], %swap3A_5184 {strides = array<i32>} : memref<128x27x256xf32, #tpu.memory_space<vmem>>, vector<128x1x128xf32>,
    %jit3A_5185 = arith.constant 0.000000e+00 : f32
    %broadcast_in_dim3A_5186 = vector.shape_cast %gt3A_5061 : vector<128x1xi1> to vector<128x1xi1>
    %broadcast_in_dim3A_5187 = vector.broadcast %broadcast_in_dim3A_5186 : vector<128x1xi1> to vector<128x128xi1>
    %broadcast_in_dim3A_5188 = vector.broadcast %jit3A_5185 : f32 to vector<128x128xf32>
    %select_n3A_5189 = arith.select %broadcast_in_dim3A_5187, %mul3A_5167, %broadcast_in_dim3A_5188 : vector<128x128xi1>, vector<128x128xf32>
    %swap3A_5190 = arith.constant 0 : index
    %swap3A_5191 = arith.constant 3 : index
    %swap3A_5192 = arith.constant 128 : index
    %swap3A_5193 = vector.load %arg19[%swap3A_5190, %swap3A_5191, %swap3A_5192] : memref<128x27x256xf32, #tpu.memory_space<vmem>>, vector<128x1x128xf32>
    %swap3A_5194 = vector.shape_cast %swap3A_5193 : vector<128x1x128xf32> to vector<128x128xf32>
    %swap3A_5195 = vector.shape_cast %select_n3A_5189 : vector<128x128xf32> to vector<128x1x128xf32>
    tpu.vector_store %arg19[%swap3A_5190, %swap3A_5191, %swap3A_5192], %swap3A_5195 {strides = array<i32>} : memref<128x27x256xf32, #tpu.memory_space<vmem>>, vector<128x1x128xf32>,
    %gt3A_5196 = arith.constant 24 : i32
    %gt3A_5197 = vector.broadcast %gt3A_5196 : i32 to vector<128x1xi32>
    %gt3A_5198 = arith.cmpi sgt, %broadcast_in_dim3A_52, %gt3A_5197 : vector<128x1xi32>
    %gt3A_5199 = arith.constant 2 : i32
    %gt3A_5200 = vector.broadcast %gt3A_5199 : i32 to vector<128x1xi32>
    %gt3A_5201 = arith.cmpi sgt, %broadcast_in_dim3A_52, %gt3A_5200 : vector<128x1xi32>
    %get3A_5202 = arith.constant 24 : index
    %get3A_5203 = arith.constant 0 : index
    %get3A_5204 = arith.constant 0 : index
    %get3A_5205 = vector.load %arg1[%get3A_5202, %get3A_5203, %get3A_5204] : memref<42x128x128xf32, #tpu.memory_space<vmem>>, vector<1x128x128xf32>
    %get3A_5206 = vector.shape_cast %get3A_5205 : vector<1x128x128xf32> to vector<128x128xf32>
    %dot_general3A_5207 = arith.constant dense<0.000000e+00> : vector<128x512xf32>
    %dot_general3A_5208 = tpu.matmul %get3A_5206, %concatenate3A_25, %dot_general3A_5207 {dimension_numbers = #tpu.dot_dimension_numbers<[1], [0], [0], [1], [0, 0, 1, 1], [], []>, transpose_lhs_hint = false} : vector<128x128xf32>, vector<128x512xf32>, vector<128x512xf32> -> vector<128x512xf32>
    %dot_general3A_5209 = arith.constant dense<0.000000e+00> : vector<128x512xf32>
    %dot_general3A_5210 = tpu.matmul %select_n3A_5114, %transpose3A_64, %dot_general3A_5209 {dimension_numbers = #tpu.dot_dimension_numbers<[1], [0], [0], [1], [0, 0, 1, 1], [], []>, transpose_lhs_hint = false} : vector<128x128xf32>, vector<128x512xf32>, vector<128x512xf32> -> vector<128x512xf32>
    %add3A_5211 = arith.addf %dot_general3A_5208, %dot_general3A_5210 : vector<128x512xf32>
    %slice3A_5212 = vector.extract_strided_slice %add3A_5211 {offsets = [0, 0], sizes = [128, 128], strides = [1, 1]} : vector<128x512xf32> to vector<128x128xf32>
    %mul3A_5213 = arith.constant 5.000000e-01 : f32
    %mul3A_5214 = vector.broadcast %mul3A_5213 : f32 to vector<128x128xf32>
    %mul3A_5215 = arith.mulf %mul3A_5214, %slice3A_5212 : vector<128x128xf32>
    %tanh3A_5216 = math.tanh %mul3A_5215 : vector<128x128xf32>
    %mul3A_5217 = arith.constant 5.000000e-01 : f32
    %mul3A_5218 = vector.broadcast %mul3A_5217 : f32 to vector<128x128xf32>
    %mul3A_5219 = arith.mulf %mul3A_5218, %tanh3A_5216 : vector<128x128xf32>
    %add3A_5220 = arith.constant 5.000000e-01 : f32
    %add3A_5221 = vector.broadcast %add3A_5220 : f32 to vector<128x128xf32>
    %add3A_5222 = arith.addf %add3A_5221, %mul3A_5219 : vector<128x128xf32>
    %slice3A_5223 = vector.extract_strided_slice %add3A_5211 {offsets = [0, 128], sizes = [128, 128], strides = [1, 1]} : vector<128x512xf32> to vector<128x128xf32>
    %mul3A_5224 = arith.constant 5.000000e-01 : f32
    %mul3A_5225 = vector.broadcast %mul3A_5224 : f32 to vector<128x128xf32>
    %mul3A_5226 = arith.mulf %mul3A_5225, %slice3A_5223 : vector<128x128xf32>
    %tanh3A_5227 = math.tanh %mul3A_5226 : vector<128x128xf32>
    %mul3A_5228 = arith.constant 5.000000e-01 : f32
    %mul3A_5229 = vector.broadcast %mul3A_5228 : f32 to vector<128x128xf32>
    %mul3A_5230 = arith.mulf %mul3A_5229, %tanh3A_5227 : vector<128x128xf32>
    %add3A_5231 = arith.constant 5.000000e-01 : f32
    %add3A_5232 = vector.broadcast %add3A_5231 : f32 to vector<128x128xf32>
    %add3A_5233 = arith.addf %add3A_5232, %mul3A_5230 : vector<128x128xf32>
    %slice3A_5234 = vector.extract_strided_slice %add3A_5211 {offsets = [0, 256], sizes = [128, 128], strides = [1, 1]} : vector<128x512xf32> to vector<128x128xf32>
    %tanh3A_5235 = math.tanh %slice3A_5234 : vector<128x128xf32>
    %slice3A_5236 = vector.extract_strided_slice %add3A_5211 {offsets = [0, 384], sizes = [128, 128], strides = [1, 1]} : vector<128x512xf32> to vector<128x128xf32>
    %mul3A_5237 = arith.constant 5.000000e-01 : f32
    %mul3A_5238 = vector.broadcast %mul3A_5237 : f32 to vector<128x128xf32>
    %mul3A_5239 = arith.mulf %mul3A_5238, %slice3A_5236 : vector<128x128xf32>
    %tanh3A_5240 = math.tanh %mul3A_5239 : vector<128x128xf32>
    %mul3A_5241 = arith.constant 5.000000e-01 : f32
    %mul3A_5242 = vector.broadcast %mul3A_5241 : f32 to vector<128x128xf32>
    %mul3A_5243 = arith.mulf %mul3A_5242, %tanh3A_5240 : vector<128x128xf32>
    %add3A_5244 = arith.constant 5.000000e-01 : f32
    %add3A_5245 = vector.broadcast %add3A_5244 : f32 to vector<128x128xf32>
    %add3A_5246 = arith.addf %add3A_5245, %mul3A_5243 : vector<128x128xf32>
    %mul3A_5247 = arith.mulf %add3A_5233, %select_n3A_5117 : vector<128x128xf32>
    %mul3A_5248 = arith.mulf %add3A_5222, %tanh3A_5235 : vector<128x128xf32>
    %add3A_5249 = arith.addf %mul3A_5247, %mul3A_5248 : vector<128x128xf32>
    %tanh3A_5250 = math.tanh %add3A_5249 : vector<128x128xf32>
    %mul3A_5251 = arith.mulf %add3A_5246, %tanh3A_5250 : vector<128x128xf32>
    %broadcast_in_dim3A_5252 = vector.shape_cast %gt3A_5198 : vector<128x1xi1> to vector<128x1xi1>
    %broadcast_in_dim3A_5253 = vector.broadcast %broadcast_in_dim3A_5252 : vector<128x1xi1> to vector<128x128xi1>
    %select_n3A_5254 = arith.select %broadcast_in_dim3A_5253, %mul3A_5251, %select_n3A_5114 : vector<128x128xi1>, vector<128x128xf32>
    %broadcast_in_dim3A_5255 = vector.shape_cast %gt3A_5198 : vector<128x1xi1> to vector<128x1xi1>
    %broadcast_in_dim3A_5256 = vector.broadcast %broadcast_in_dim3A_5255 : vector<128x1xi1> to vector<128x128xi1>
    %select_n3A_5257 = arith.select %broadcast_in_dim3A_5256, %add3A_5249, %select_n3A_5117 : vector<128x128xi1>, vector<128x128xf32>
    %get3A_5258 = arith.constant 2 : index
    %get3A_5259 = arith.constant 0 : index
    %get3A_5260 = arith.constant 0 : index
    %get3A_5261 = vector.load %arg1[%get3A_5258, %get3A_5259, %get3A_5260] : memref<42x128x128xf32, #tpu.memory_space<vmem>>, vector<1x128x128xf32>
    %get3A_5262 = vector.shape_cast %get3A_5261 : vector<1x128x128xf32> to vector<128x128xf32>
    %dot_general3A_5263 = arith.constant dense<0.000000e+00> : vector<128x512xf32>
    %dot_general3A_5264 = tpu.matmul %get3A_5262, %concatenate3A_35, %dot_general3A_5263 {dimension_numbers = #tpu.dot_dimension_numbers<[1], [0], [0], [1], [0, 0, 1, 1], [], []>, transpose_lhs_hint = false} : vector<128x128xf32>, vector<128x512xf32>, vector<128x512xf32> -> vector<128x512xf32>
    %dot_general3A_5265 = arith.constant dense<0.000000e+00> : vector<128x512xf32>
    %dot_general3A_5266 = tpu.matmul %select_n3A_5170, %transpose3A_68, %dot_general3A_5265 {dimension_numbers = #tpu.dot_dimension_numbers<[1], [0], [0], [1], [0, 0, 1, 1], [], []>, transpose_lhs_hint = false} : vector<128x128xf32>, vector<128x512xf32>, vector<128x512xf32> -> vector<128x512xf32>
    %add3A_5267 = arith.addf %dot_general3A_5264, %dot_general3A_5266 : vector<128x512xf32>
    %slice3A_5268 = vector.extract_strided_slice %add3A_5267 {offsets = [0, 0], sizes = [128, 128], strides = [1, 1]} : vector<128x512xf32> to vector<128x128xf32>
    %mul3A_5269 = arith.constant 5.000000e-01 : f32
    %mul3A_5270 = vector.broadcast %mul3A_5269 : f32 to vector<128x128xf32>
    %mul3A_5271 = arith.mulf %mul3A_5270, %slice3A_5268 : vector<128x128xf32>
    %tanh3A_5272 = math.tanh %mul3A_5271 : vector<128x128xf32>
    %mul3A_5273 = arith.constant 5.000000e-01 : f32
    %mul3A_5274 = vector.broadcast %mul3A_5273 : f32 to vector<128x128xf32>
    %mul3A_5275 = arith.mulf %mul3A_5274, %tanh3A_5272 : vector<128x128xf32>
    %add3A_5276 = arith.constant 5.000000e-01 : f32
    %add3A_5277 = vector.broadcast %add3A_5276 : f32 to vector<128x128xf32>
    %add3A_5278 = arith.addf %add3A_5277, %mul3A_5275 : vector<128x128xf32>
    %slice3A_5279 = vector.extract_strided_slice %add3A_5267 {offsets = [0, 128], sizes = [128, 128], strides = [1, 1]} : vector<128x512xf32> to vector<128x128xf32>
    %mul3A_5280 = arith.constant 5.000000e-01 : f32
    %mul3A_5281 = vector.broadcast %mul3A_5280 : f32 to vector<128x128xf32>
    %mul3A_5282 = arith.mulf %mul3A_5281, %slice3A_5279 : vector<128x128xf32>
    %tanh3A_5283 = math.tanh %mul3A_5282 : vector<128x128xf32>
    %mul3A_5284 = arith.constant 5.000000e-01 : f32
    %mul3A_5285 = vector.broadcast %mul3A_5284 : f32 to vector<128x128xf32>
    %mul3A_5286 = arith.mulf %mul3A_5285, %tanh3A_5283 : vector<128x128xf32>
    %add3A_5287 = arith.constant 5.000000e-01 : f32
    %add3A_5288 = vector.broadcast %add3A_5287 : f32 to vector<128x128xf32>
    %add3A_5289 = arith.addf %add3A_5288, %mul3A_5286 : vector<128x128xf32>
    %slice3A_5290 = vector.extract_strided_slice %add3A_5267 {offsets = [0, 256], sizes = [128, 128], strides = [1, 1]} : vector<128x512xf32> to vector<128x128xf32>
    %tanh3A_5291 = math.tanh %slice3A_5290 : vector<128x128xf32>
    %slice3A_5292 = vector.extract_strided_slice %add3A_5267 {offsets = [0, 384], sizes = [128, 128], strides = [1, 1]} : vector<128x512xf32> to vector<128x128xf32>
    %mul3A_5293 = arith.constant 5.000000e-01 : f32
    %mul3A_5294 = vector.broadcast %mul3A_5293 : f32 to vector<128x128xf32>
    %mul3A_5295 = arith.mulf %mul3A_5294, %slice3A_5292 : vector<128x128xf32>
    %tanh3A_5296 = math.tanh %mul3A_5295 : vector<128x128xf32>
    %mul3A_5297 = arith.constant 5.000000e-01 : f32
    %mul3A_5298 = vector.broadcast %mul3A_5297 : f32 to vector<128x128xf32>
    %mul3A_5299 = arith.mulf %mul3A_5298, %tanh3A_5296 : vector<128x128xf32>
    %add3A_5300 = arith.constant 5.000000e-01 : f32
    %add3A_5301 = vector.broadcast %add3A_5300 : f32 to vector<128x128xf32>
    %add3A_5302 = arith.addf %add3A_5301, %mul3A_5299 : vector<128x128xf32>
    %mul3A_5303 = arith.mulf %add3A_5289, %select_n3A_5173 : vector<128x128xf32>
    %mul3A_5304 = arith.mulf %add3A_5278, %tanh3A_5291 : vector<128x128xf32>
    %add3A_5305 = arith.addf %mul3A_5303, %mul3A_5304 : vector<128x128xf32>
    %tanh3A_5306 = math.tanh %add3A_5305 : vector<128x128xf32>
    %mul3A_5307 = arith.mulf %add3A_5302, %tanh3A_5306 : vector<128x128xf32>
    %broadcast_in_dim3A_5308 = vector.shape_cast %gt3A_5201 : vector<128x1xi1> to vector<128x1xi1>
    %broadcast_in_dim3A_5309 = vector.broadcast %broadcast_in_dim3A_5308 : vector<128x1xi1> to vector<128x128xi1>
    %select_n3A_5310 = arith.select %broadcast_in_dim3A_5309, %mul3A_5307, %select_n3A_5170 : vector<128x128xi1>, vector<128x128xf32>
    %broadcast_in_dim3A_5311 = vector.shape_cast %gt3A_5201 : vector<128x1xi1> to vector<128x1xi1>
    %broadcast_in_dim3A_5312 = vector.broadcast %broadcast_in_dim3A_5311 : vector<128x1xi1> to vector<128x128xi1>
    %select_n3A_5313 = arith.select %broadcast_in_dim3A_5312, %add3A_5305, %select_n3A_5173 : vector<128x128xi1>, vector<128x128xf32>
    %jit3A_5314 = arith.constant 0.000000e+00 : f32
    %broadcast_in_dim3A_5315 = vector.shape_cast %gt3A_5198 : vector<128x1xi1> to vector<128x1xi1>
    %broadcast_in_dim3A_5316 = vector.broadcast %broadcast_in_dim3A_5315 : vector<128x1xi1> to vector<128x128xi1>
    %broadcast_in_dim3A_5317 = vector.broadcast %jit3A_5314 : f32 to vector<128x128xf32>
    %select_n3A_5318 = arith.select %broadcast_in_dim3A_5316, %mul3A_5251, %broadcast_in_dim3A_5317 : vector<128x128xi1>, vector<128x128xf32>
    %swap3A_5319 = arith.constant 0 : index
    %swap3A_5320 = arith.constant 24 : index
    %swap3A_5321 = arith.constant 0 : index
    %swap3A_5322 = vector.load %arg19[%swap3A_5319, %swap3A_5320, %swap3A_5321] : memref<128x27x256xf32, #tpu.memory_space<vmem>>, vector<128x1x128xf32>
    %swap3A_5323 = vector.shape_cast %swap3A_5322 : vector<128x1x128xf32> to vector<128x128xf32>
    %swap3A_5324 = vector.shape_cast %select_n3A_5318 : vector<128x128xf32> to vector<128x1x128xf32>
    tpu.vector_store %arg19[%swap3A_5319, %swap3A_5320, %swap3A_5321], %swap3A_5324 {strides = array<i32>} : memref<128x27x256xf32, #tpu.memory_space<vmem>>, vector<128x1x128xf32>,
    %jit3A_5325 = arith.constant 0.000000e+00 : f32
    %broadcast_in_dim3A_5326 = vector.shape_cast %gt3A_5201 : vector<128x1xi1> to vector<128x1xi1>
    %broadcast_in_dim3A_5327 = vector.broadcast %broadcast_in_dim3A_5326 : vector<128x1xi1> to vector<128x128xi1>
    %broadcast_in_dim3A_5328 = vector.broadcast %jit3A_5325 : f32 to vector<128x128xf32>
    %select_n3A_5329 = arith.select %broadcast_in_dim3A_5327, %mul3A_5307, %broadcast_in_dim3A_5328 : vector<128x128xi1>, vector<128x128xf32>
    %swap3A_5330 = arith.constant 0 : index
    %swap3A_5331 = arith.constant 2 : index
    %swap3A_5332 = arith.constant 128 : index
    %swap3A_5333 = vector.load %arg19[%swap3A_5330, %swap3A_5331, %swap3A_5332] : memref<128x27x256xf32, #tpu.memory_space<vmem>>, vector<128x1x128xf32>
    %swap3A_5334 = vector.shape_cast %swap3A_5333 : vector<128x1x128xf32> to vector<128x128xf32>
    %swap3A_5335 = vector.shape_cast %select_n3A_5329 : vector<128x128xf32> to vector<128x1x128xf32>
    tpu.vector_store %arg19[%swap3A_5330, %swap3A_5331, %swap3A_5332], %swap3A_5335 {strides = array<i32>} : memref<128x27x256xf32, #tpu.memory_space<vmem>>, vector<128x1x128xf32>,
    %gt3A_5336 = arith.constant 25 : i32
    %gt3A_5337 = vector.broadcast %gt3A_5336 : i32 to vector<128x1xi32>
    %gt3A_5338 = arith.cmpi sgt, %broadcast_in_dim3A_52, %gt3A_5337 : vector<128x1xi32>
    %gt3A_5339 = arith.constant 1 : i32
    %gt3A_5340 = vector.broadcast %gt3A_5339 : i32 to vector<128x1xi32>
    %gt3A_5341 = arith.cmpi sgt, %broadcast_in_dim3A_52, %gt3A_5340 : vector<128x1xi32>
    %get3A_5342 = arith.constant 25 : index
    %get3A_5343 = arith.constant 0 : index
    %get3A_5344 = arith.constant 0 : index
    %get3A_5345 = vector.load %arg1[%get3A_5342, %get3A_5343, %get3A_5344] : memref<42x128x128xf32, #tpu.memory_space<vmem>>, vector<1x128x128xf32>
    %get3A_5346 = vector.shape_cast %get3A_5345 : vector<1x128x128xf32> to vector<128x128xf32>
    %dot_general3A_5347 = arith.constant dense<0.000000e+00> : vector<128x512xf32>
    %dot_general3A_5348 = tpu.matmul %get3A_5346, %concatenate3A_25, %dot_general3A_5347 {dimension_numbers = #tpu.dot_dimension_numbers<[1], [0], [0], [1], [0, 0, 1, 1], [], []>, transpose_lhs_hint = false} : vector<128x128xf32>, vector<128x512xf32>, vector<128x512xf32> -> vector<128x512xf32>
    %dot_general3A_5349 = arith.constant dense<0.000000e+00> : vector<128x512xf32>
    %dot_general3A_5350 = tpu.matmul %select_n3A_5254, %transpose3A_64, %dot_general3A_5349 {dimension_numbers = #tpu.dot_dimension_numbers<[1], [0], [0], [1], [0, 0, 1, 1], [], []>, transpose_lhs_hint = false} : vector<128x128xf32>, vector<128x512xf32>, vector<128x512xf32> -> vector<128x512xf32>
    %add3A_5351 = arith.addf %dot_general3A_5348, %dot_general3A_5350 : vector<128x512xf32>
    %slice3A_5352 = vector.extract_strided_slice %add3A_5351 {offsets = [0, 0], sizes = [128, 128], strides = [1, 1]} : vector<128x512xf32> to vector<128x128xf32>
    %mul3A_5353 = arith.constant 5.000000e-01 : f32
    %mul3A_5354 = vector.broadcast %mul3A_5353 : f32 to vector<128x128xf32>
    %mul3A_5355 = arith.mulf %mul3A_5354, %slice3A_5352 : vector<128x128xf32>
    %tanh3A_5356 = math.tanh %mul3A_5355 : vector<128x128xf32>
    %mul3A_5357 = arith.constant 5.000000e-01 : f32
    %mul3A_5358 = vector.broadcast %mul3A_5357 : f32 to vector<128x128xf32>
    %mul3A_5359 = arith.mulf %mul3A_5358, %tanh3A_5356 : vector<128x128xf32>
    %add3A_5360 = arith.constant 5.000000e-01 : f32
    %add3A_5361 = vector.broadcast %add3A_5360 : f32 to vector<128x128xf32>
    %add3A_5362 = arith.addf %add3A_5361, %mul3A_5359 : vector<128x128xf32>
    %slice3A_5363 = vector.extract_strided_slice %add3A_5351 {offsets = [0, 128], sizes = [128, 128], strides = [1, 1]} : vector<128x512xf32> to vector<128x128xf32>
    %mul3A_5364 = arith.constant 5.000000e-01 : f32
    %mul3A_5365 = vector.broadcast %mul3A_5364 : f32 to vector<128x128xf32>
    %mul3A_5366 = arith.mulf %mul3A_5365, %slice3A_5363 : vector<128x128xf32>
    %tanh3A_5367 = math.tanh %mul3A_5366 : vector<128x128xf32>
    %mul3A_5368 = arith.constant 5.000000e-01 : f32
    %mul3A_5369 = vector.broadcast %mul3A_5368 : f32 to vector<128x128xf32>
    %mul3A_5370 = arith.mulf %mul3A_5369, %tanh3A_5367 : vector<128x128xf32>
    %add3A_5371 = arith.constant 5.000000e-01 : f32
    %add3A_5372 = vector.broadcast %add3A_5371 : f32 to vector<128x128xf32>
    %add3A_5373 = arith.addf %add3A_5372, %mul3A_5370 : vector<128x128xf32>
    %slice3A_5374 = vector.extract_strided_slice %add3A_5351 {offsets = [0, 256], sizes = [128, 128], strides = [1, 1]} : vector<128x512xf32> to vector<128x128xf32>
    %tanh3A_5375 = math.tanh %slice3A_5374 : vector<128x128xf32>
    %slice3A_5376 = vector.extract_strided_slice %add3A_5351 {offsets = [0, 384], sizes = [128, 128], strides = [1, 1]} : vector<128x512xf32> to vector<128x128xf32>
    %mul3A_5377 = arith.constant 5.000000e-01 : f32
    %mul3A_5378 = vector.broadcast %mul3A_5377 : f32 to vector<128x128xf32>
    %mul3A_5379 = arith.mulf %mul3A_5378, %slice3A_5376 : vector<128x128xf32>
    %tanh3A_5380 = math.tanh %mul3A_5379 : vector<128x128xf32>
    %mul3A_5381 = arith.constant 5.000000e-01 : f32
    %mul3A_5382 = vector.broadcast %mul3A_5381 : f32 to vector<128x128xf32>
    %mul3A_5383 = arith.mulf %mul3A_5382, %tanh3A_5380 : vector<128x128xf32>
    %add3A_5384 = arith.constant 5.000000e-01 : f32
    %add3A_5385 = vector.broadcast %add3A_5384 : f32 to vector<128x128xf32>
    %add3A_5386 = arith.addf %add3A_5385, %mul3A_5383 : vector<128x128xf32>
    %mul3A_5387 = arith.mulf %add3A_5373, %select_n3A_5257 : vector<128x128xf32>
    %mul3A_5388 = arith.mulf %add3A_5362, %tanh3A_5375 : vector<128x128xf32>
    %add3A_5389 = arith.addf %mul3A_5387, %mul3A_5388 : vector<128x128xf32>
    %tanh3A_5390 = math.tanh %add3A_5389 : vector<128x128xf32>
    %mul3A_5391 = arith.mulf %add3A_5386, %tanh3A_5390 : vector<128x128xf32>
    %broadcast_in_dim3A_5392 = vector.shape_cast %gt3A_5338 : vector<128x1xi1> to vector<128x1xi1>
    %broadcast_in_dim3A_5393 = vector.broadcast %broadcast_in_dim3A_5392 : vector<128x1xi1> to vector<128x128xi1>
    %select_n3A_5394 = arith.select %broadcast_in_dim3A_5393, %mul3A_5391, %select_n3A_5254 : vector<128x128xi1>, vector<128x128xf32>
    %broadcast_in_dim3A_5395 = vector.shape_cast %gt3A_5338 : vector<128x1xi1> to vector<128x1xi1>
    %broadcast_in_dim3A_5396 = vector.broadcast %broadcast_in_dim3A_5395 : vector<128x1xi1> to vector<128x128xi1>
    %select_n3A_5397 = arith.select %broadcast_in_dim3A_5396, %add3A_5389, %select_n3A_5257 : vector<128x128xi1>, vector<128x128xf32>
    %get3A_5398 = arith.constant 1 : index
    %get3A_5399 = arith.constant 0 : index
    %get3A_5400 = arith.constant 0 : index
    %get3A_5401 = vector.load %arg1[%get3A_5398, %get3A_5399, %get3A_5400] : memref<42x128x128xf32, #tpu.memory_space<vmem>>, vector<1x128x128xf32>
    %get3A_5402 = vector.shape_cast %get3A_5401 : vector<1x128x128xf32> to vector<128x128xf32>
    %dot_general3A_5403 = arith.constant dense<0.000000e+00> : vector<128x512xf32>
    %dot_general3A_5404 = tpu.matmul %get3A_5402, %concatenate3A_35, %dot_general3A_5403 {dimension_numbers = #tpu.dot_dimension_numbers<[1], [0], [0], [1], [0, 0, 1, 1], [], []>, transpose_lhs_hint = false} : vector<128x128xf32>, vector<128x512xf32>, vector<128x512xf32> -> vector<128x512xf32>
    %dot_general3A_5405 = arith.constant dense<0.000000e+00> : vector<128x512xf32>
    %dot_general3A_5406 = tpu.matmul %select_n3A_5310, %transpose3A_68, %dot_general3A_5405 {dimension_numbers = #tpu.dot_dimension_numbers<[1], [0], [0], [1], [0, 0, 1, 1], [], []>, transpose_lhs_hint = false} : vector<128x128xf32>, vector<128x512xf32>, vector<128x512xf32> -> vector<128x512xf32>
    %add3A_5407 = arith.addf %dot_general3A_5404, %dot_general3A_5406 : vector<128x512xf32>
    %slice3A_5408 = vector.extract_strided_slice %add3A_5407 {offsets = [0, 0], sizes = [128, 128], strides = [1, 1]} : vector<128x512xf32> to vector<128x128xf32>
    %mul3A_5409 = arith.constant 5.000000e-01 : f32
    %mul3A_5410 = vector.broadcast %mul3A_5409 : f32 to vector<128x128xf32>
    %mul3A_5411 = arith.mulf %mul3A_5410, %slice3A_5408 : vector<128x128xf32>
    %tanh3A_5412 = math.tanh %mul3A_5411 : vector<128x128xf32>
    %mul3A_5413 = arith.constant 5.000000e-01 : f32
    %mul3A_5414 = vector.broadcast %mul3A_5413 : f32 to vector<128x128xf32>
    %mul3A_5415 = arith.mulf %mul3A_5414, %tanh3A_5412 : vector<128x128xf32>
    %add3A_5416 = arith.constant 5.000000e-01 : f32
    %add3A_5417 = vector.broadcast %add3A_5416 : f32 to vector<128x128xf32>
    %add3A_5418 = arith.addf %add3A_5417, %mul3A_5415 : vector<128x128xf32>
    %slice3A_5419 = vector.extract_strided_slice %add3A_5407 {offsets = [0, 128], sizes = [128, 128], strides = [1, 1]} : vector<128x512xf32> to vector<128x128xf32>
    %mul3A_5420 = arith.constant 5.000000e-01 : f32
    %mul3A_5421 = vector.broadcast %mul3A_5420 : f32 to vector<128x128xf32>
    %mul3A_5422 = arith.mulf %mul3A_5421, %slice3A_5419 : vector<128x128xf32>
    %tanh3A_5423 = math.tanh %mul3A_5422 : vector<128x128xf32>
    %mul3A_5424 = arith.constant 5.000000e-01 : f32
    %mul3A_5425 = vector.broadcast %mul3A_5424 : f32 to vector<128x128xf32>
    %mul3A_5426 = arith.mulf %mul3A_5425, %tanh3A_5423 : vector<128x128xf32>
    %add3A_5427 = arith.constant 5.000000e-01 : f32
    %add3A_5428 = vector.broadcast %add3A_5427 : f32 to vector<128x128xf32>
    %add3A_5429 = arith.addf %add3A_5428, %mul3A_5426 : vector<128x128xf32>
    %slice3A_5430 = vector.extract_strided_slice %add3A_5407 {offsets = [0, 256], sizes = [128, 128], strides = [1, 1]} : vector<128x512xf32> to vector<128x128xf32>
    %tanh3A_5431 = math.tanh %slice3A_5430 : vector<128x128xf32>
    %slice3A_5432 = vector.extract_strided_slice %add3A_5407 {offsets = [0, 384], sizes = [128, 128], strides = [1, 1]} : vector<128x512xf32> to vector<128x128xf32>
    %mul3A_5433 = arith.constant 5.000000e-01 : f32
    %mul3A_5434 = vector.broadcast %mul3A_5433 : f32 to vector<128x128xf32>
    %mul3A_5435 = arith.mulf %mul3A_5434, %slice3A_5432 : vector<128x128xf32>
    %tanh3A_5436 = math.tanh %mul3A_5435 : vector<128x128xf32>
    %mul3A_5437 = arith.constant 5.000000e-01 : f32
    %mul3A_5438 = vector.broadcast %mul3A_5437 : f32 to vector<128x128xf32>
    %mul3A_5439 = arith.mulf %mul3A_5438, %tanh3A_5436 : vector<128x128xf32>
    %add3A_5440 = arith.constant 5.000000e-01 : f32
    %add3A_5441 = vector.broadcast %add3A_5440 : f32 to vector<128x128xf32>
    %add3A_5442 = arith.addf %add3A_5441, %mul3A_5439 : vector<128x128xf32>
    %mul3A_5443 = arith.mulf %add3A_5429, %select_n3A_5313 : vector<128x128xf32>
    %mul3A_5444 = arith.mulf %add3A_5418, %tanh3A_5431 : vector<128x128xf32>
    %add3A_5445 = arith.addf %mul3A_5443, %mul3A_5444 : vector<128x128xf32>
    %tanh3A_5446 = math.tanh %add3A_5445 : vector<128x128xf32>
    %mul3A_5447 = arith.mulf %add3A_5442, %tanh3A_5446 : vector<128x128xf32>
    %broadcast_in_dim3A_5448 = vector.shape_cast %gt3A_5341 : vector<128x1xi1> to vector<128x1xi1>
    %broadcast_in_dim3A_5449 = vector.broadcast %broadcast_in_dim3A_5448 : vector<128x1xi1> to vector<128x128xi1>
    %select_n3A_5450 = arith.select %broadcast_in_dim3A_5449, %mul3A_5447, %select_n3A_5310 : vector<128x128xi1>, vector<128x128xf32>
    %broadcast_in_dim3A_5451 = vector.shape_cast %gt3A_5341 : vector<128x1xi1> to vector<128x1xi1>
    %broadcast_in_dim3A_5452 = vector.broadcast %broadcast_in_dim3A_5451 : vector<128x1xi1> to vector<128x128xi1>
    %select_n3A_5453 = arith.select %broadcast_in_dim3A_5452, %add3A_5445, %select_n3A_5313 : vector<128x128xi1>, vector<128x128xf32>
    %jit3A_5454 = arith.constant 0.000000e+00 : f32
    %broadcast_in_dim3A_5455 = vector.shape_cast %gt3A_5338 : vector<128x1xi1> to vector<128x1xi1>
    %broadcast_in_dim3A_5456 = vector.broadcast %broadcast_in_dim3A_5455 : vector<128x1xi1> to vector<128x128xi1>
    %broadcast_in_dim3A_5457 = vector.broadcast %jit3A_5454 : f32 to vector<128x128xf32>
    %select_n3A_5458 = arith.select %broadcast_in_dim3A_5456, %mul3A_5391, %broadcast_in_dim3A_5457 : vector<128x128xi1>, vector<128x128xf32>
    %swap3A_5459 = arith.constant 0 : index
    %swap3A_5460 = arith.constant 25 : index
    %swap3A_5461 = arith.constant 0 : index
    %swap3A_5462 = vector.load %arg19[%swap3A_5459, %swap3A_5460, %swap3A_5461] : memref<128x27x256xf32, #tpu.memory_space<vmem>>, vector<128x1x128xf32>
    %swap3A_5463 = vector.shape_cast %swap3A_5462 : vector<128x1x128xf32> to vector<128x128xf32>
    %swap3A_5464 = vector.shape_cast %select_n3A_5458 : vector<128x128xf32> to vector<128x1x128xf32>
    tpu.vector_store %arg19[%swap3A_5459, %swap3A_5460, %swap3A_5461], %swap3A_5464 {strides = array<i32>} : memref<128x27x256xf32, #tpu.memory_space<vmem>>, vector<128x1x128xf32>,
    %jit3A_5465 = arith.constant 0.000000e+00 : f32
    %broadcast_in_dim3A_5466 = vector.shape_cast %gt3A_5341 : vector<128x1xi1> to vector<128x1xi1>
    %broadcast_in_dim3A_5467 = vector.broadcast %broadcast_in_dim3A_5466 : vector<128x1xi1> to vector<128x128xi1>
    %broadcast_in_dim3A_5468 = vector.broadcast %jit3A_5465 : f32 to vector<128x128xf32>
    %select_n3A_5469 = arith.select %broadcast_in_dim3A_5467, %mul3A_5447, %broadcast_in_dim3A_5468 : vector<128x128xi1>, vector<128x128xf32>
    %swap3A_5470 = arith.constant 0 : index
    %swap3A_5471 = arith.constant 1 : index
    %swap3A_5472 = arith.constant 128 : index
    %swap3A_5473 = vector.load %arg19[%swap3A_5470, %swap3A_5471, %swap3A_5472] : memref<128x27x256xf32, #tpu.memory_space<vmem>>, vector<128x1x128xf32>
    %swap3A_5474 = vector.shape_cast %swap3A_5473 : vector<128x1x128xf32> to vector<128x128xf32>
    %swap3A_5475 = vector.shape_cast %select_n3A_5469 : vector<128x128xf32> to vector<128x1x128xf32>
    tpu.vector_store %arg19[%swap3A_5470, %swap3A_5471, %swap3A_5472], %swap3A_5475 {strides = array<i32>} : memref<128x27x256xf32, #tpu.memory_space<vmem>>, vector<128x1x128xf32>,
    %gt3A_5476 = arith.constant 26 : i32
    %gt3A_5477 = vector.broadcast %gt3A_5476 : i32 to vector<128x1xi32>
    %gt3A_5478 = arith.cmpi sgt, %broadcast_in_dim3A_52, %gt3A_5477 : vector<128x1xi32>
    %gt3A_5479 = arith.constant 0 : i32
    %gt3A_5480 = vector.broadcast %gt3A_5479 : i32 to vector<128x1xi32>
    %gt3A_5481 = arith.cmpi sgt, %broadcast_in_dim3A_52, %gt3A_5480 : vector<128x1xi32>
    %get3A_5482 = arith.constant 26 : index
    %get3A_5483 = arith.constant 0 : index
    %get3A_5484 = arith.constant 0 : index
    %get3A_5485 = vector.load %arg1[%get3A_5482, %get3A_5483, %get3A_5484] : memref<42x128x128xf32, #tpu.memory_space<vmem>>, vector<1x128x128xf32>
    %get3A_5486 = vector.shape_cast %get3A_5485 : vector<1x128x128xf32> to vector<128x128xf32>
    %dot_general3A_5487 = arith.constant dense<0.000000e+00> : vector<128x512xf32>
    %dot_general3A_5488 = tpu.matmul %get3A_5486, %concatenate3A_25, %dot_general3A_5487 {dimension_numbers = #tpu.dot_dimension_numbers<[1], [0], [0], [1], [0, 0, 1, 1], [], []>, transpose_lhs_hint = false} : vector<128x128xf32>, vector<128x512xf32>, vector<128x512xf32> -> vector<128x512xf32>
    %dot_general3A_5489 = arith.constant dense<0.000000e+00> : vector<128x512xf32>
    %dot_general3A_5490 = tpu.matmul %select_n3A_5394, %transpose3A_64, %dot_general3A_5489 {dimension_numbers = #tpu.dot_dimension_numbers<[1], [0], [0], [1], [0, 0, 1, 1], [], []>, transpose_lhs_hint = false} : vector<128x128xf32>, vector<128x512xf32>, vector<128x512xf32> -> vector<128x512xf32>
    %add3A_5491 = arith.addf %dot_general3A_5488, %dot_general3A_5490 : vector<128x512xf32>
    %slice3A_5492 = vector.extract_strided_slice %add3A_5491 {offsets = [0, 0], sizes = [128, 128], strides = [1, 1]} : vector<128x512xf32> to vector<128x128xf32>
    %mul3A_5493 = arith.constant 5.000000e-01 : f32
    %mul3A_5494 = vector.broadcast %mul3A_5493 : f32 to vector<128x128xf32>
    %mul3A_5495 = arith.mulf %mul3A_5494, %slice3A_5492 : vector<128x128xf32>
    %tanh3A_5496 = math.tanh %mul3A_5495 : vector<128x128xf32>
    %mul3A_5497 = arith.constant 5.000000e-01 : f32
    %mul3A_5498 = vector.broadcast %mul3A_5497 : f32 to vector<128x128xf32>
    %mul3A_5499 = arith.mulf %mul3A_5498, %tanh3A_5496 : vector<128x128xf32>
    %add3A_5500 = arith.constant 5.000000e-01 : f32
    %add3A_5501 = vector.broadcast %add3A_5500 : f32 to vector<128x128xf32>
    %add3A_5502 = arith.addf %add3A_5501, %mul3A_5499 : vector<128x128xf32>
    %slice3A_5503 = vector.extract_strided_slice %add3A_5491 {offsets = [0, 128], sizes = [128, 128], strides = [1, 1]} : vector<128x512xf32> to vector<128x128xf32>
    %mul3A_5504 = arith.constant 5.000000e-01 : f32
    %mul3A_5505 = vector.broadcast %mul3A_5504 : f32 to vector<128x128xf32>
    %mul3A_5506 = arith.mulf %mul3A_5505, %slice3A_5503 : vector<128x128xf32>
    %tanh3A_5507 = math.tanh %mul3A_5506 : vector<128x128xf32>
    %mul3A_5508 = arith.constant 5.000000e-01 : f32
    %mul3A_5509 = vector.broadcast %mul3A_5508 : f32 to vector<128x128xf32>
    %mul3A_5510 = arith.mulf %mul3A_5509, %tanh3A_5507 : vector<128x128xf32>
    %add3A_5511 = arith.constant 5.000000e-01 : f32
    %add3A_5512 = vector.broadcast %add3A_5511 : f32 to vector<128x128xf32>
    %add3A_5513 = arith.addf %add3A_5512, %mul3A_5510 : vector<128x128xf32>
    %slice3A_5514 = vector.extract_strided_slice %add3A_5491 {offsets = [0, 256], sizes = [128, 128], strides = [1, 1]} : vector<128x512xf32> to vector<128x128xf32>
    %tanh3A_5515 = math.tanh %slice3A_5514 : vector<128x128xf32>
    %slice3A_5516 = vector.extract_strided_slice %add3A_5491 {offsets = [0, 384], sizes = [128, 128], strides = [1, 1]} : vector<128x512xf32> to vector<128x128xf32>
    %mul3A_5517 = arith.constant 5.000000e-01 : f32
    %mul3A_5518 = vector.broadcast %mul3A_5517 : f32 to vector<128x128xf32>
    %mul3A_5519 = arith.mulf %mul3A_5518, %slice3A_5516 : vector<128x128xf32>
    %tanh3A_5520 = math.tanh %mul3A_5519 : vector<128x128xf32>
    %mul3A_5521 = arith.constant 5.000000e-01 : f32
    %mul3A_5522 = vector.broadcast %mul3A_5521 : f32 to vector<128x128xf32>
    %mul3A_5523 = arith.mulf %mul3A_5522, %tanh3A_5520 : vector<128x128xf32>
    %add3A_5524 = arith.constant 5.000000e-01 : f32
    %add3A_5525 = vector.broadcast %add3A_5524 : f32 to vector<128x128xf32>
    %add3A_5526 = arith.addf %add3A_5525, %mul3A_5523 : vector<128x128xf32>
    %mul3A_5527 = arith.mulf %add3A_5513, %select_n3A_5397 : vector<128x128xf32>
    %mul3A_5528 = arith.mulf %add3A_5502, %tanh3A_5515 : vector<128x128xf32>
    %add3A_5529 = arith.addf %mul3A_5527, %mul3A_5528 : vector<128x128xf32>
    %tanh3A_5530 = math.tanh %add3A_5529 : vector<128x128xf32>
    %mul3A_5531 = arith.mulf %add3A_5526, %tanh3A_5530 : vector<128x128xf32>
    %broadcast_in_dim3A_5532 = vector.shape_cast %gt3A_5478 : vector<128x1xi1> to vector<128x1xi1>
    %broadcast_in_dim3A_5533 = vector.broadcast %broadcast_in_dim3A_5532 : vector<128x1xi1> to vector<128x128xi1>
    %select_n3A_5534 = arith.select %broadcast_in_dim3A_5533, %mul3A_5531, %select_n3A_5394 : vector<128x128xi1>, vector<128x128xf32>
    %get3A_5535 = arith.constant 0 : index
    %get3A_5536 = arith.constant 0 : index
    %get3A_5537 = arith.constant 0 : index
    %get3A_5538 = vector.load %arg1[%get3A_5535, %get3A_5536, %get3A_5537] : memref<42x128x128xf32, #tpu.memory_space<vmem>>, vector<1x128x128xf32>
    %get3A_5539 = vector.shape_cast %get3A_5538 : vector<1x128x128xf32> to vector<128x128xf32>
    %dot_general3A_5540 = arith.constant dense<0.000000e+00> : vector<128x512xf32>
    %dot_general3A_5541 = tpu.matmul %get3A_5539, %concatenate3A_35, %dot_general3A_5540 {dimension_numbers = #tpu.dot_dimension_numbers<[1], [0], [0], [1], [0, 0, 1, 1], [], []>, transpose_lhs_hint = false} : vector<128x128xf32>, vector<128x512xf32>, vector<128x512xf32> -> vector<128x512xf32>
    %dot_general3A_5542 = arith.constant dense<0.000000e+00> : vector<128x512xf32>
    %dot_general3A_5543 = tpu.matmul %select_n3A_5450, %transpose3A_68, %dot_general3A_5542 {dimension_numbers = #tpu.dot_dimension_numbers<[1], [0], [0], [1], [0, 0, 1, 1], [], []>, transpose_lhs_hint = false} : vector<128x128xf32>, vector<128x512xf32>, vector<128x512xf32> -> vector<128x512xf32>
    %add3A_5544 = arith.addf %dot_general3A_5541, %dot_general3A_5543 : vector<128x512xf32>
    %slice3A_5545 = vector.extract_strided_slice %add3A_5544 {offsets = [0, 0], sizes = [128, 128], strides = [1, 1]} : vector<128x512xf32> to vector<128x128xf32>
    %mul3A_5546 = arith.constant 5.000000e-01 : f32
    %mul3A_5547 = vector.broadcast %mul3A_5546 : f32 to vector<128x128xf32>
    %mul3A_5548 = arith.mulf %mul3A_5547, %slice3A_5545 : vector<128x128xf32>
    %tanh3A_5549 = math.tanh %mul3A_5548 : vector<128x128xf32>
    %mul3A_5550 = arith.constant 5.000000e-01 : f32
    %mul3A_5551 = vector.broadcast %mul3A_5550 : f32 to vector<128x128xf32>
    %mul3A_5552 = arith.mulf %mul3A_5551, %tanh3A_5549 : vector<128x128xf32>
    %add3A_5553 = arith.constant 5.000000e-01 : f32
    %add3A_5554 = vector.broadcast %add3A_5553 : f32 to vector<128x128xf32>
    %add3A_5555 = arith.addf %add3A_5554, %mul3A_5552 : vector<128x128xf32>
    %slice3A_5556 = vector.extract_strided_slice %add3A_5544 {offsets = [0, 128], sizes = [128, 128], strides = [1, 1]} : vector<128x512xf32> to vector<128x128xf32>
    %mul3A_5557 = arith.constant 5.000000e-01 : f32
    %mul3A_5558 = vector.broadcast %mul3A_5557 : f32 to vector<128x128xf32>
    %mul3A_5559 = arith.mulf %mul3A_5558, %slice3A_5556 : vector<128x128xf32>
    %tanh3A_5560 = math.tanh %mul3A_5559 : vector<128x128xf32>
    %mul3A_5561 = arith.constant 5.000000e-01 : f32
    %mul3A_5562 = vector.broadcast %mul3A_5561 : f32 to vector<128x128xf32>
    %mul3A_5563 = arith.mulf %mul3A_5562, %tanh3A_5560 : vector<128x128xf32>
    %add3A_5564 = arith.constant 5.000000e-01 : f32
    %add3A_5565 = vector.broadcast %add3A_5564 : f32 to vector<128x128xf32>
    %add3A_5566 = arith.addf %add3A_5565, %mul3A_5563 : vector<128x128xf32>
    %slice3A_5567 = vector.extract_strided_slice %add3A_5544 {offsets = [0, 256], sizes = [128, 128], strides = [1, 1]} : vector<128x512xf32> to vector<128x128xf32>
    %tanh3A_5568 = math.tanh %slice3A_5567 : vector<128x128xf32>
    %slice3A_5569 = vector.extract_strided_slice %add3A_5544 {offsets = [0, 384], sizes = [128, 128], strides = [1, 1]} : vector<128x512xf32> to vector<128x128xf32>
    %mul3A_5570 = arith.constant 5.000000e-01 : f32
    %mul3A_5571 = vector.broadcast %mul3A_5570 : f32 to vector<128x128xf32>
    %mul3A_5572 = arith.mulf %mul3A_5571, %slice3A_5569 : vector<128x128xf32>
    %tanh3A_5573 = math.tanh %mul3A_5572 : vector<128x128xf32>
    %mul3A_5574 = arith.constant 5.000000e-01 : f32
    %mul3A_5575 = vector.broadcast %mul3A_5574 : f32 to vector<128x128xf32>
    %mul3A_5576 = arith.mulf %mul3A_5575, %tanh3A_5573 : vector<128x128xf32>
    %add3A_5577 = arith.constant 5.000000e-01 : f32
    %add3A_5578 = vector.broadcast %add3A_5577 : f32 to vector<128x128xf32>
    %add3A_5579 = arith.addf %add3A_5578, %mul3A_5576 : vector<128x128xf32>
    %mul3A_5580 = arith.mulf %add3A_5566, %select_n3A_5453 : vector<128x128xf32>
    %mul3A_5581 = arith.mulf %add3A_5555, %tanh3A_5568 : vector<128x128xf32>
    %add3A_5582 = arith.addf %mul3A_5580, %mul3A_5581 : vector<128x128xf32>
    %tanh3A_5583 = math.tanh %add3A_5582 : vector<128x128xf32>
    %mul3A_5584 = arith.mulf %add3A_5579, %tanh3A_5583 : vector<128x128xf32>
    %broadcast_in_dim3A_5585 = vector.shape_cast %gt3A_5481 : vector<128x1xi1> to vector<128x1xi1>
    %broadcast_in_dim3A_5586 = vector.broadcast %broadcast_in_dim3A_5585 : vector<128x1xi1> to vector<128x128xi1>
    %select_n3A_5587 = arith.select %broadcast_in_dim3A_5586, %mul3A_5584, %select_n3A_5450 : vector<128x128xi1>, vector<128x128xf32>
    %jit3A_5588 = arith.constant 0.000000e+00 : f32
    %broadcast_in_dim3A_5589 = vector.shape_cast %gt3A_5478 : vector<128x1xi1> to vector<128x1xi1>
    %broadcast_in_dim3A_5590 = vector.broadcast %broadcast_in_dim3A_5589 : vector<128x1xi1> to vector<128x128xi1>
    %broadcast_in_dim3A_5591 = vector.broadcast %jit3A_5588 : f32 to vector<128x128xf32>
    %select_n3A_5592 = arith.select %broadcast_in_dim3A_5590, %mul3A_5531, %broadcast_in_dim3A_5591 : vector<128x128xi1>, vector<128x128xf32>
    %swap3A_5593 = arith.constant 0 : index
    %swap3A_5594 = arith.constant 26 : index
    %swap3A_5595 = arith.constant 0 : index
    %swap3A_5596 = vector.load %arg19[%swap3A_5593, %swap3A_5594, %swap3A_5595] : memref<128x27x256xf32, #tpu.memory_space<vmem>>, vector<128x1x128xf32>
    %swap3A_5597 = vector.shape_cast %swap3A_5596 : vector<128x1x128xf32> to vector<128x128xf32>
    %swap3A_5598 = vector.shape_cast %select_n3A_5592 : vector<128x128xf32> to vector<128x1x128xf32>
    tpu.vector_store %arg19[%swap3A_5593, %swap3A_5594, %swap3A_5595], %swap3A_5598 {strides = array<i32>} : memref<128x27x256xf32, #tpu.memory_space<vmem>>, vector<128x1x128xf32>,
    %jit3A_5599 = arith.constant 0.000000e+00 : f32
    %broadcast_in_dim3A_5600 = vector.shape_cast %gt3A_5481 : vector<128x1xi1> to vector<128x1xi1>
    %broadcast_in_dim3A_5601 = vector.broadcast %broadcast_in_dim3A_5600 : vector<128x1xi1> to vector<128x128xi1>
    %broadcast_in_dim3A_5602 = vector.broadcast %jit3A_5599 : f32 to vector<128x128xf32>
    %select_n3A_5603 = arith.select %broadcast_in_dim3A_5601, %mul3A_5584, %broadcast_in_dim3A_5602 : vector<128x128xi1>, vector<128x128xf32>
    %swap3A_5604 = arith.constant 0 : index
    %swap3A_5605 = arith.constant 0 : index
    %swap3A_5606 = arith.constant 128 : index
    %swap3A_5607 = vector.load %arg19[%swap3A_5604, %swap3A_5605, %swap3A_5606] : memref<128x27x256xf32, #tpu.memory_space<vmem>>, vector<128x1x128xf32>
    %swap3A_5608 = vector.shape_cast %swap3A_5607 : vector<128x1x128xf32> to vector<128x128xf32>
    %swap3A_5609 = vector.shape_cast %select_n3A_5603 : vector<128x128xf32> to vector<128x1x128xf32>
    tpu.vector_store %arg19[%swap3A_5604, %swap3A_5605, %swap3A_5606], %swap3A_5609 {strides = array<i32>} : memref<128x27x256xf32, #tpu.memory_space<vmem>>, vector<128x1x128xf32>,
    %swap3A_5610 = arith.constant 0 : index
    %swap3A_5611 = arith.constant 0 : index
    %swap3A_5612 = vector.load %arg21[%swap3A_5610, %swap3A_5611] : memref<128x256xf32, #tpu.memory_space<vmem>>, vector<128x128xf32>
    tpu.vector_store %arg21[%swap3A_5610, %swap3A_5611], %select_n3A_3739 {strides = array<i32>} : memref<128x256xf32, #tpu.memory_space<vmem>>, vector<128x128xf32>,
    %swap3A_5613 = arith.constant 0 : index
    %swap3A_5614 = arith.constant 128 : index
    %swap3A_5615 = vector.load %arg21[%swap3A_5613, %swap3A_5614] : memref<128x256xf32, #tpu.memory_space<vmem>>, vector<128x128xf32>
    tpu.vector_store %arg21[%swap3A_5613, %swap3A_5614], %select_n3A_3795 {strides = array<i32>} : memref<128x256xf32, #tpu.memory_space<vmem>>, vector<128x128xf32>,
    %swap3A_5616 = arith.constant 0 : index
    %swap3A_5617 = arith.constant 0 : index
    %swap3A_5618 = arith.constant 0 : index
    %swap3A_5619 = vector.load %arg20[%swap3A_5616, %swap3A_5617, %swap3A_5618] : memref<2x128x128xf32, #tpu.memory_space<vmem>>, vector<1x128x128xf32>
    %swap3A_5620 = vector.shape_cast %swap3A_5619 : vector<1x128x128xf32> to vector<128x128xf32>
    %swap3A_5621 = vector.shape_cast %select_n3A_5534 : vector<128x128xf32> to vector<1x128x128xf32>
    tpu.vector_store %arg20[%swap3A_5616, %swap3A_5617, %swap3A_5618], %swap3A_5621 {strides = array<i32>} : memref<2x128x128xf32, #tpu.memory_space<vmem>>, vector<1x128x128xf32>,
    %swap3A_5622 = arith.constant 1 : index
    %swap3A_5623 = arith.constant 0 : index
    %swap3A_5624 = arith.constant 0 : index
    %swap3A_5625 = vector.load %arg20[%swap3A_5622, %swap3A_5623, %swap3A_5624] : memref<2x128x128xf32, #tpu.memory_space<vmem>>, vector<1x128x128xf32>
    %swap3A_5626 = vector.shape_cast %swap3A_5625 : vector<1x128x128xf32> to vector<128x128xf32>
    %swap3A_5627 = vector.shape_cast %select_n3A_5587 : vector<128x128xf32> to vector<1x128x128xf32>
    tpu.vector_store %arg20[%swap3A_5622, %swap3A_5623, %swap3A_5624], %swap3A_5627 {strides = array<i32>} : memref<2x128x128xf32, #tpu.memory_space<vmem>>, vector<1x128x128xf32>,
    return
  }
  func.func @transform_0(%arg0: i32) -> (i32, i32, i32) {
    %c0_i32 = arith.constant 0 : i32
    %c0_i32_0 = arith.constant 0 : i32
    %c0_i32_1 = arith.constant 0 : i32
    return %c0_i32, %arg0, %c0_i32_0 : i32, i32, i32
  }
  func.func @transform_1(%arg0: i32) -> (i32, i32) {
    %c0_i32 = arith.constant 0 : i32
    %c0_i32_0 = arith.constant 0 : i32
    return %arg0, %c0_i32 : i32, i32
  }
  func.func @transform_2(%arg0: i32) -> (i32, i32) {
    %c0_i32 = arith.constant 0 : i32
    %c0_i32_0 = arith.constant 0 : i32
    %c0_i32_1 = arith.constant 0 : i32
    return %c0_i32, %c0_i32_0 : i32, i32
  }
  func.func @transform_3(%arg0: i32) -> (i32, i32) {
    %c0_i32 = arith.constant 0 : i32
    %c0_i32_0 = arith.constant 0 : i32
    %c0_i32_1 = arith.constant 0 : i32
    return %c0_i32, %c0_i32_0 : i32, i32
  }
  func.func @transform_4(%arg0: i32) -> (i32, i32) {
    %c0_i32 = arith.constant 0 : i32
    %c0_i32_0 = arith.constant 0 : i32
    %c0_i32_1 = arith.constant 0 : i32
    return %c0_i32, %c0_i32_0 : i32, i32
  }
  func.func @transform_5(%arg0: i32) -> (i32, i32) {
    %c0_i32 = arith.constant 0 : i32
    %c0_i32_0 = arith.constant 0 : i32
    %c0_i32_1 = arith.constant 0 : i32
    return %c0_i32, %c0_i32_0 : i32, i32
  }
  func.func @transform_6(%arg0: i32) -> (i32, i32) {
    %c0_i32 = arith.constant 0 : i32
    %c0_i32_0 = arith.constant 0 : i32
    %c0_i32_1 = arith.constant 0 : i32
    return %c0_i32, %c0_i32_0 : i32, i32
  }
  func.func @transform_7(%arg0: i32) -> (i32, i32) {
    %c0_i32 = arith.constant 0 : i32
    %c0_i32_0 = arith.constant 0 : i32
    %c0_i32_1 = arith.constant 0 : i32
    return %c0_i32, %c0_i32_0 : i32, i32
  }
  func.func @transform_8(%arg0: i32) -> (i32, i32) {
    %c0_i32 = arith.constant 0 : i32
    %c0_i32_0 = arith.constant 0 : i32
    %c0_i32_1 = arith.constant 0 : i32
    return %c0_i32, %c0_i32_0 : i32, i32
  }
  func.func @transform_9(%arg0: i32) -> (i32, i32) {
    %c0_i32 = arith.constant 0 : i32
    %c0_i32_0 = arith.constant 0 : i32
    %c0_i32_1 = arith.constant 0 : i32
    return %c0_i32, %c0_i32_0 : i32, i32
  }
  func.func @transform_10(%arg0: i32) -> (i32, i32) {
    %c0_i32 = arith.constant 0 : i32
    %c0_i32_0 = arith.constant 0 : i32
    %c0_i32_1 = arith.constant 0 : i32
    return %c0_i32, %c0_i32_0 : i32, i32
  }
  func.func @transform_11(%arg0: i32) -> (i32, i32) {
    %c0_i32 = arith.constant 0 : i32
    %c0_i32_0 = arith.constant 0 : i32
    %c0_i32_1 = arith.constant 0 : i32
    return %c0_i32, %c0_i32_0 : i32, i32
  }
  func.func @transform_12(%arg0: i32) -> (i32, i32) {
    %c0_i32 = arith.constant 0 : i32
    %c0_i32_0 = arith.constant 0 : i32
    %c0_i32_1 = arith.constant 0 : i32
    return %c0_i32, %c0_i32_0 : i32, i32
  }
  func.func @transform_13(%arg0: i32) -> (i32, i32) {
    %c0_i32 = arith.constant 0 : i32
    %c0_i32_0 = arith.constant 0 : i32
    %c0_i32_1 = arith.constant 0 : i32
    return %c0_i32, %c0_i32_0 : i32, i32
  }
  func.func @transform_14(%arg0: i32) -> (i32, i32) {
    %c0_i32 = arith.constant 0 : i32
    %c0_i32_0 = arith.constant 0 : i32
    return %arg0, %c0_i32 : i32, i32
  }
  func.func @transform_15(%arg0: i32) -> (i32, i32) {
    %c0_i32 = arith.constant 0 : i32
    %c0_i32_0 = arith.constant 0 : i32
    return %arg0, %c0_i32 : i32, i32
  }
  func.func @transform_16(%arg0: i32) -> (i32, i32) {
    %c0_i32 = arith.constant 0 : i32
    %c0_i32_0 = arith.constant 0 : i32
    return %arg0, %c0_i32 : i32, i32
  }
  func.func @transform_17(%arg0: i32) -> (i32, i32) {
    %c0_i32 = arith.constant 0 : i32
    %c0_i32_0 = arith.constant 0 : i32
    return %arg0, %c0_i32 : i32, i32
  }
  func.func @transform_18(%arg0: i32) -> (i32, i32, i32) {
    %c0_i32 = arith.constant 0 : i32
    %c0_i32_0 = arith.constant 0 : i32
    %c0_i32_1 = arith.constant 0 : i32
    return %arg0, %c0_i32, %c0_i32_0 : i32, i32, i32
  }
  func.func @transform_19(%arg0: i32) -> (i32, i32, i32) {
    %c0_i32 = arith.constant 0 : i32
    %c0_i32_0 = arith.constant 0 : i32
    %c0_i32_1 = arith.constant 0 : i32
    return %c0_i32, %arg0, %c0_i32_0 : i32, i32, i32
  }
  func.func @transform_20(%arg0: i32) -> (i32, i32) {
    %c0_i32 = arith.constant 0 : i32
    %c0_i32_0 = arith.constant 0 : i32
    return %arg0, %c0_i32 : i32, i32
  }
}

</mosaic_0001>

<sc_bundles>
// kernel: kernel.4.cloned.1.call-start
scs
__scs_entry_jumppad:
0x0: {  	(pc) =	sbr.rel $0x88, $3  }
0x1: {  	(tag) =	ssettag $0x0;
	lr =	simm.s32 $0x1  }
0x2: {  	[smem:$0x3F8E] =	sst lr;
	_ =	strace $0xD0000000  }
0x3: {  	_ = 	snop  }
0x4: {  	_ = 	snop  }
0x5: {  	_ = 	snop  }
0x6: {  	_ = 	snop  }
0x7: {  	_ = 	snop  }
__scs_overlays_trampoline_lowered:
0x8: {  	[smem:$0x3F9D] =	sst s0  }
0x9: {  	[smem:$0x3F9E] =	sst s1  }
0xa: {  	[smem:$0x3F9F] =	sst s2  }
0xb: {  	[smem:$0x3FA0] =	sst s3  }
0xc: {  	[smem:$0x3FA1] =	sst s4  }
0xd: {  	[smem:$0x3FA2] =	sst s5  }
0xe: {  	[smem:$0x3FA3] =	sst s6  }
0xf: {  	[smem:$0x3FA4] =	sst s7  }
0x10: {  	[smem:$0x3FA5] =	sst s8  }
0x11: {  	[smem:$0x3FA6] =	sst s9;
	s0 =	simm.s32 @!p0 $0x0  }
0x12: {  	s1 =	sld [smem:$0x3F8C];
	s0 =	simm.s32 @p0 $0x1  }
0x13: {  	[smem:$0x3FA7] =	sst s0;
	s0 =	simm.s32 @!p1 $0x0  }
0x14: {  	s2 =	sld [smem:$0x3F8B];
	s0 =	simm.s32 @p1 $0x1  }
0x15: {  	[smem:$0x3FA8] =	sst s0;
	s0 =	simm.s32 @!p2 $0x0  }
0x16: {  	s3 =	sld [smem:$0x3FDB];
	s0 =	simm.s32 @p2 $0x1  }
0x17: {  	s4 =	simm.s32 $0x1BF5;
	[smem:$0x3FAA] =	sst s0  }
0x18: {  	s0 =	sld [smem:$0x3F8D];
	_ =	swait.ge [sflag:s4], $0x0  }
0x19: {  	s7 =	sld [smem:$0x3F8E]  }
0x1a: {  	s8 =	sadd.s32 $0xFFFFE003, lr  }
0x1b: {  	s9 =	sadd.s32 $0xFFFFFEF7, lr;
	s5 =	simm.s32 $0xFFFFFFFF;
	p2 =	slt.u32 s8, $0xFFFFF086  }
0x1c: {  	p1 =	slt.u32 s9, $0xF7A;
	s5 =	simm.s32 @!p2 $0x0  }
0x1d: {  	s5 =	simm.s32 @p1 $0x1;
	p0 =	seq.s32 s7, s2  }
0x1e: {  	s7 =	smul.u32 @!p0 $0xF7A, s2;
	p2 =	seq.s32 @!p0 s5, $0x0  }
0x1f: {  	s9 =	smul.u32 $0xF7A, s1;
	s8 =	simm.s32 @!p0 $0x1BF5;
	p2 =	por !p2, p0  }
0x20: {  	[sflag:s8] =	ssyncset.s32 @!p0 $0xFFFFF086;
	s6 =	sadd.s32 @!p0 s3, s7;
	s7 =	simm.s32 @!p0 $0x108  }
0x21: {  	s3 =	sadd.s32 s3, s9;
	s6 =	sadd.s32 @!p0 $0x88, s6;
	s7 =	simm.s32 @p2 $0x1082  }
0x22: {  	[simem:s7], [sflag:s8] =	dma.local @!p0 [hbm:s6], $0xF7A  }
0x23: {  	s9 =	sor.u32 $0xD0000000, s2;
	s6 =	simm.s32 $0x108;
	_ =	swait.ge @!p0 [sflag:s8], $0x0  }
0x24: {  	s3 =	sadd.s32 $0x88, s3;
	s6 =	simm.s32 @!p1 $0x1082;
	[sflag:s4] =	ssyncset.s32 $0xFFFFF086  }
0x25: {  	[simem:s6], [sflag:s4] =	dma.local [hbm:s3], $0xF7A  }
0x26: {  	[smem:$0x3F8E] =	sst s1;
	(tag) =	ssettag s2;
	_ =	strace s9  }
0x27: {  	s1 =	sld [smem:$0x3F9E]  }
0x28: {  	s2 =	sld [smem:$0x3F9F]  }
0x29: {  	s4 =	sld [smem:$0x3FA1]  }
0x2a: {  	p0 =	seq.s32 s5, $0x0;
	s5 =	sld [smem:$0x3FA2]  }
0x2b: {  	s6 =	sld [smem:$0x3FA3]  }
0x2c: {  	s7 =	sld [smem:$0x3FA4]  }
0x2d: {  	s3 =	simm.s32 $0x108;
	s8 =	sld [smem:$0x3FA5]  }
0x2e: {  	s3 =	simm.s32 @!p0 $0x1082;
	s9 =	sld [smem:$0x3FA6]  }
0x2f: {  	lr =	sadd.s32 s0, s3;
	s0 =	sld [smem:$0x3F9D]  }
0x30: {  	s3 =	sld [smem:$0x3FA0]  }
0x31: {  	[smem:$0x3FA9] =	sst s10  }
0x32: {  	s10 =	sld [smem:$0x3FA7];
	_ =	sdelay $0x3  }
0x33: {  	p0 =	seq.s32 s10, $0x1;
	s10 =	sld [smem:$0x3FA9];
	_ =	sdelay $0x3  }
0x34: {  	[smem:$0x3FA9] =	sst s10  }
0x35: {  	s10 =	sld [smem:$0x3FA8];
	_ =	sdelay $0x3  }
0x36: {  	p1 =	seq.s32 s10, $0x1;
	s10 =	sld [smem:$0x3FA9];
	_ =	sdelay $0x3  }
0x37: {  	[smem:$0x3FA9] =	sst s10  }
0x38: {  	s10 =	sld [smem:$0x3FAA]  }
0x39: {  	_ = 	snop;
	(pc) =	sbr.ind lr, $3  }
0x3a: {  	_ = 	snop  }
0x3b: {  	_ = 	snop  }
0x3c: {  	p2 =	seq.s32 s10, $0x1;
	s10 =	sld [smem:$0x3FA9]  }
0x3d: {  	_ =	shalt  }
0x3e: {  	_ =	shalt  }
0x3f: {  	_ =	shalt  }
0x40: {  	_ =	shalt  }
0x41: {  	_ =	shalt  }
0x42: {  	_ =	shalt  }
0x43: {  	_ =	shalt  }
0x44: {  	_ =	shalt  }
0x45: {  	_ =	shalt  }
0x46: {  	_ =	shalt  }
0x47: {  	_ =	shalt  }
0x48: {  	_ =	shalt  }
0x49: {  	_ =	shalt  }
0x4a: {  	_ =	shalt  }
0x4b: {  	_ =	shalt  }
0x4c: {  	_ =	shalt  }
0x4d: {  	_ =	shalt  }
0x4e: {  	_ =	shalt  }
0x4f: {  	_ =	shalt  }
0x50: {  	_ =	shalt  }
0x51: {  	_ =	shalt  }
0x52: {  	_ =	shalt  }
0x53: {  	_ =	shalt  }
0x54: {  	_ =	shalt  }
0x55: {  	_ =	shalt  }
0x56: {  	_ =	shalt  }
0x57: {  	_ =	shalt  }
0x58: {  	_ =	shalt  }
0x59: {  	_ =	shalt  }
0x5a: {  	_ =	shalt  }
0x5b: {  	_ =	shalt  }
0x5c: {  	_ =	shalt  }
0x5d: {  	_ =	shalt  }
0x5e: {  	_ =	shalt  }
0x5f: {  	_ =	shalt  }
0x60: {  	_ =	shalt  }
0x61: {  	_ =	shalt  }
0x62: {  	_ =	shalt  }
0x63: {  	_ =	shalt  }
0x64: {  	_ =	shalt  }
0x65: {  	_ =	shalt  }
0x66: {  	_ =	shalt  }
0x67: {  	_ =	shalt  }
0x68: {  	_ =	shalt  }
0x69: {  	_ =	shalt  }
0x6a: {  	_ =	shalt  }
0x6b: {  	_ =	shalt  }
0x6c: {  	_ =	shalt  }
0x6d: {  	_ =	shalt  }
0x6e: {  	_ =	shalt  }
0x6f: {  	_ =	shalt  }
0x70: {  	_ =	shalt  }
0x71: {  	_ =	shalt  }
0x72: {  	_ =	shalt  }
0x73: {  	_ =	shalt  }
0x74: {  	_ =	shalt  }
0x75: {  	_ =	shalt  }
0x76: {  	_ =	shalt  }
0x77: {  	_ =	shalt  }
0x78: {  	_ =	shalt  }
0x79: {  	_ =	shalt  }
0x7a: {  	_ =	shalt  }
0x7b: {  	_ =	shalt  }
0x7c: {  	_ =	shalt  }
0x7d: {  	_ =	shalt  }
0x7e: {  	_ =	shalt  }
0x7f: {  	_ =	shalt  }
0x80: {  	_ =	shalt  }
0x81: {  	_ =	shalt  }
0x82: {  	_ =	shalt  }
0x83: {  	_ =	shalt  }
0x84: {  	_ =	shalt  }
0x85: {  	_ =	shalt  }
0x86: {  	_ =	shalt  }
0x87: {  	_ =	shalt  }
.Lfunc_end0:
.L_simem_size_0:
called_computation_lowered:
.L_overlay_start_0:
0x88: {  	s2 =	sld [smem:$0x3FD9]  }
0x89: {  	s3 =	sld [smem:$0x3FFE];
	_ =	sdelay $0x1  }
0x8a: {  	s1 =	srdreg.scid  }
0x8b: {  	s0 =	sand.u32 $0x1, s1  }
0x8c: {  	s15 =	sshll.u32 s0, $0xA;
	s2 =	sadd.s32 s3, s2  }
0x8d: {  	s2 =	sadd.s32 s2, s15  }
0x8e: {  	[smem:$0x3FB5] =	sst s2  }
0x8f: {  	_ = 	snop  }
0x90: {  	s2 =	sld [smem:$0x3FD0];
	_ =	sdelay $0x2  }
0x91: {  	s16 =	simm.s32 $0xA;
	s4 =	simm.s32 $0x10  }
0x92: {  	[smem:s4], [sflag:s16] =	dma.local [hbm:s2], $0x1  }
0x93: {  	_ =	swait.eq [sflag:s16], $0x1  }
0x94: {  	s17 =	sld [smem:$0x10];
	[sflag:s16] =	ssyncset.done $0x0  }
0x95: {  	s18 =	sld [smem:$0x11];
	[sflag:s16] =	ssyncadd.s32 $0xFFFFFFFF  }
0x96: {  	s19 =	sld [smem:$0x12];
	(tm) =	ssettm $0x1  }
0x97: {  	s5 =	sld [smem:$0x3FFB];
	_ =	sdelay $0x3  }
0x98: {  	_ =	strace s5  }
0x99: {  	s5 =	sld [smem:$0x3FFC];
	_ =	sdelay $0x3  }
0x9a: {  	_ =	strace s5  }
0x9b: {  	s5 =	sld [smem:$0x3FFD];
	_ =	sdelay $0x3  }
0x9c: {  	_ =	strace s5  }
0x9d: {  	_ =	strace $0x8FFFFFFF  }
0x9e: {  	s20 =	sld [smem:$0x3FDB];
	_ =	sdelay $0x1  }
0x9f: {  	s6 =	simm.s32 $_scs_section_size  }
0xa0: {  	s7 =	simm.s32 $_size__tile_overlayer_lowered;
	s8 =	simm.s32 $_tile_overlayer_lowered  }
0xa1: {  	s23 =	simm.s32 $0x1BFF;
	s22 =	sshll.u32 s8, $0x1;
	s5 =	sadd.s32 s6, s20  }
0xa2: {  	s9 =	simm.s32 $0x0;
	s21 =	sshll.u32 s7, $0x1;
	s7 =	sadd.s32 s22, s5  }
0xa3: {  	[timem:s9], [sflag:s23] =	dma.local [hbm:s7], s21  }
0xa4: {  	_ =	swait.ge [sflag:s23], s21  }
0xa5: {  	s6 =	ssub.s32 $0x0, s21;
	[sflag:s23] =	ssyncset.done $0x0  }
0xa6: {  	[sflag:s23] =	ssyncadd.s32 s6;
	_ =	sdelay $0x1  }
0xa7: {  	s24 =	simm.s32 $0x1B8B  }
0xa8: {  	_ =	swait.ge [sflag:s24], $0x1  }
0xa9: {  	[sflag:s24] =	ssyncset.done $0x0  }
0xaa: {  	s25 =	simm.s32 $0x1B8E;
	[sflag:s24] =	ssyncadd.s32 $0xFFFFFFFF  }
0xab: {  	s26 =	simm.s32 $execute0_lowered;
	[smem:$0x3FD2] =	sst s25  }
0xac: {  	s6 =	sshll.u32 s26, $0x1;
	_ =	strace $0x80000046;
	[dreg:$0x1] =	wrdreg $0xFFFFFFFF  }
0xad: {  	s28 =	simm.s32 $_size_execute0_lowered;
	s5 =	sadd.s32 s5, s6;
	[dreg:$0x0] =	wrdreg $0x0  }
0xae: {  	s6 =	sshll.u32 s28, $0x1;
	[dreg:$0x2] =	wrdreg s5  }
0xaf: {  	[dreg:$0x3] =	wrdreg s6  }
0xb0: {  	[dreg:$0x4] =	wrdreg $0xC0  }
0xb1: {  	_ =	task [dreg:s9], $0x5FFFF  }
0xb2: {  	[dreg:$0x1] =	wrdreg $0xFFFFFFFF  }
0xb3: {  	[dreg:$0x0] =	wrdreg $0x60  }
0xb4: {  	[dreg:$0x2] =	wrdreg s18  }
0xb5: {  	[dreg:$0x3] =	wrdreg s19  }
0xb6: {  	[dreg:$0x4] =	wrdreg s17  }
0xb7: {  	[dreg:$0x5] =	wrdreg $0x9  }
0xb8: {  	_ =	task.clear_ibuf [dreg:s9], $0x6FFFF;
	_ =	strace $0x90000046  }
0xb9: {  	s29 =	simm.s32 $0x9;
	_ =	strace $0x80000048  }
0xba: {  	_ =	swait.ge [sflag:s29], $0x1  }
0xbb: {  	[sflag:s29] =	ssyncadd.s32 $0xFFFFFFFF  }
0xbc: {  	_ =	strace $0x90000048  }
0xbd: {  	_ =	sfence  }
0xbe: {  	s30 =	sld [smem:$0x0];
	_ =	sdelay $0x2  }
0xbf: {  	s31 =	sshll.u32 s1, $0xD;
	s1 =	sshrl.u32 s1, $0x2  }
0xc0: {  	s3 =	sand.u32 $0x4000, s31;
	s1 =	sadd.s32 s1, s30  }
0xc1: {  	s0 =	sor.u32 s3, s0;
	s1 =	sshll.u32 s1, $0x11  }
0xc2: {  	s0 =	sor.u32 s1, s0  }
0xc3: {  	s0 =	sadd.s32 $0x8F2B, s0  }
0xc4: {  	[sflag:s0] =	ssyncadd.remote.s32 $0x1  }
0xc5: {  	_ =	sfence.sel $0xFFFF  }
0xc6: {  	[dreg:$0x0] =	wrdreg $0xFFFFFFFF;
	(pc) =	sbr.abs _section_cstart, $3  }
0xc7: {  	[dreg:$0x1] =	wrdreg $0xFFFFFFFF  }
0xc8: {  	_ =	task.clear_ibuf [dreg:s9], $0x2FFFF;
	_ =	strace $0x9FFFFFFF  }
0xc9: {  	(tm) =	ssettm $0x7FFFFFFF  }
tec
execute0_lowered:
.L_overlay_start_1:
0x0: {  	(tag) =	ssettag $0x1  }
0x1: {  	s1 =	srdreg.scid;
	s0 =	stileid.u32  }
0x2: {  	s2 =	rddreg [dreg:$0x0];
	s11 =	sand.u32 $0x1, s1;
	s28 =	sshll.u32 s0, $0x1  }
0x3: {  	s10 =	rddreg [dreg:$0x1];
	s9 =	sor.u32 s11, s28  }
0x4: {  	s12 =	rddreg [dreg:$0x2];
	s13 =	smul.u32 $0x540, s9  }
0x5: {  	s3 =	simm.s32 $0x0;
	s1 =	rddreg [dreg:$0x3]  }
0x6: {  	[smem:$0x7FF] =	sst s3;
	s4 =	sshrl.u32 s13, $0x3  }
0x7: {  	_ =	strace $0x80000047;
	s5 =	sadd.s32 s10, s4;
	s4 =	simm.s32 $0x2  }
0x8: {  	[tilespmem:s3], [sflag:$0x2] =	stream.linear.gather [hbm4b:s5+s3], $0x2A0, $0x38;
	[tilespmem:$0x15300] =	vst v63  }
0x9: {  	_ =	swait.ge [sflag:s4], $0x2A0  }
0xa: {  	s6 =	simm.s32 $0x2A0;
	[sflag:s4] =	ssyncset.done $0x0  }
0xb: {  	s7 =	simm.s32 $0x300;
	s8 =	simm.s32 $0x1;
	[sflag:s4] =	ssyncadd.s32 $0xFFFFFD60  }
0xc: {  	[tilespmem:s7], [sflag:$0x1] =	stream.indirect.gather [hbm4b:s2+s6], $0x80, s3, s6, $0xb8;
	[tilespmem:$0x15300] =	vst v63  }
0xd: {  	s9 =	smul.u32 $0x5400, s9;
	_ =	swait.ge [sflag:s8], $0x15000  }
0xe: {  	[sflag:s8] =	ssyncset.done $0x0  }
0xf: {  	s9 =	sadd.s32 s12, s9;
	[sflag:s8] =	ssyncadd.s32 $0xFFFEB000  }
0x10: {  	[hbm4b:s9+s3] =	stream.linear.scatter [tilespmem:s7], [sflag:$0x2], $0x15000, $0x38;
	[tilespmem:$0x15300] =	vst v63  }
0x11: {  	s13 =	sadd.s32 $0x2A0, s13;
	_ =	swait.ge [sflag:s4], $0x15000  }
0x12: {  	s14 =	sshrl.u32 s13, $0x3;
	[sflag:s4] =	ssyncset.done $0x0  }
0x13: {  	s11 =	ssub.s32 $0x2, s11;
	s10 =	sadd.s32 s10, s14;
	[sflag:s4] =	ssyncadd.s32 $0xFFFEB000  }
0x14: {  	[tilespmem:s3], [sflag:$0x2] =	stream.linear.gather [hbm4b:s10+s3], $0x2A0, $0x38;
	[tilespmem:$0x15300] =	vst v63  }
0x15: {  	s29 =	sshrl.u32 s11, $0x1;
	_ =	swait.ge [sflag:s4], $0x2A0  }
0x16: {  	s14 =	ssub.s32 s11, s29;
	[sflag:s4] =	ssyncset.done $0x0  }
0x17: {  	s31 =	smax.u32 s14, $0x1;
	[sflag:s4] =	ssyncadd.s32 $0xFFFFFD60  }
0x18: {  	[tilespmem:s7], [sflag:$0x1] =	stream.indirect.gather [hbm4b:s2+s6], $0x80, s3, s6, $0xb8;
	[tilespmem:$0x15300] =	vst v63  }
0x19: {  	p0 =	sne.s32 s31, $0x1;
	_ =	swait.ge [sflag:s8], $0x15000  }
.Ltmp0:
0x1a: {  	s30 =	sshll.u32 s13, $0x4;
	[sflag:s8] =	ssyncset.done $0x0;
	(pc) =	sbr.rel @!p0 .LBB2_2-.Ltmp0, $4  }
0x1b: {  	s11 =	sadd.s32 s12, s30;
	[sflag:s8] =	ssyncadd.s32 $0xFFFEB000  }
0x1c: {  	[hbm4b:s11+s3] =	stream.linear.scatter [tilespmem:s7], [sflag:$0x2], $0x15000, $0x38;
	[tilespmem:$0x15300] =	vst v63  }
0x1d: {  	_ =	swait.ge [sflag:s4], $0x15000  }
0x1e: {  	s12 =	sadd.s32 $0xFFFFFFFF, s31;
	[sflag:s4] =	ssyncset.done $0x0  }
.LBB2_1:
0x1f: {  	p0 =	sne.s32 s12, $0x1;
	s12 =	sadd.s32 $0xFFFFFFFF, s12;
	[sflag:s4] =	ssyncadd.s32 $0xFFFEB000  }
0x20: {  	[tilespmem:s3], [sflag:$0x2] =	stream.linear.gather [hbm4b:s5+s3], $0x2A0, $0x38;
	[tilespmem:$0x15300] =	vst v63  }
0x21: {  	_ =	swait.ge [sflag:s4], $0x2A0  }
0x22: {  	[sflag:s4] =	ssyncset.done $0x0  }
0x23: {  	[sflag:s4] =	ssyncadd.s32 $0xFFFFFD60  }
0x24: {  	[tilespmem:s7], [sflag:$0x1] =	stream.indirect.gather [hbm4b:s2+s6], $0x80, s3, s6, $0xb8;
	[tilespmem:$0x15300] =	vst v63  }
0x25: {  	_ =	swait.ge [sflag:s8], $0x15000  }
0x26: {  	[sflag:s8] =	ssyncset.done $0x0  }
0x27: {  	[sflag:s8] =	ssyncadd.s32 $0xFFFEB000  }
0x28: {  	[hbm4b:s9+s3] =	stream.linear.scatter [tilespmem:s7], [sflag:$0x2], $0x15000, $0x38;
	[tilespmem:$0x15300] =	vst v63  }
0x29: {  	_ =	swait.ge [sflag:s4], $0x15000  }
0x2a: {  	[sflag:s4] =	ssyncset.done $0x0  }
0x2b: {  	[sflag:s4] =	ssyncadd.s32 $0xFFFEB000  }
0x2c: {  	[tilespmem:s3], [sflag:$0x2] =	stream.linear.gather [hbm4b:s10+s3], $0x2A0, $0x38;
	[tilespmem:$0x15300] =	vst v63  }
0x2d: {  	_ =	swait.ge [sflag:s4], $0x2A0  }
0x2e: {  	[sflag:s4] =	ssyncset.done $0x0  }
0x2f: {  	[sflag:s4] =	ssyncadd.s32 $0xFFFFFD60  }
0x30: {  	[tilespmem:s7], [sflag:$0x1] =	stream.indirect.gather [hbm4b:s2+s6], $0x80, s3, s6, $0xb8;
	[tilespmem:$0x15300] =	vst v63  }
0x31: {  	_ =	swait.ge [sflag:s8], $0x15000  }
.Ltmp1:
0x32: {  	[sflag:s8] =	ssyncset.done $0x0;
	(pc) =	sbr.rel @p0 .LBB2_1-.Ltmp1, $4  }
0x33: {  	[sflag:s8] =	ssyncadd.s32 $0xFFFEB000  }
0x34: {  	[hbm4b:s11+s3] =	stream.linear.scatter [tilespmem:s7], [sflag:$0x2], $0x15000, $0x38;
	[tilespmem:$0x15300] =	vst v63  }
0x35: {  	_ =	swait.ge [sflag:s4], $0x15000  }
0x36: {  	[sflag:s4] =	ssyncset.done $0x0  }
.LBB2_2:
0x37: {  	[sflag:s4] =	ssyncadd.s32 $0xFFFEB000  }
0x38: {  	_ =	sfence.sel $0x180000  }
0x39: {  	[bflag:$0x0] =	sbarrier.arrive $0xFFFF  }
0x3a: {  	p0 =	sne.s32 s0, $0x0;
	_ =	strace $0x90000047  }
0x3b: {  	s0 =	sadd.s32 @!p0 $0x100000, s1;
	[bflag:$0x2] =	sbarrier.arrive $0xFFFF  }
0x3c: {  	[sflag:s0] =	ssyncadd.tile.s32 @!p0 $0x1;
	_ =	shalt  }
.Lfunc_end2:
_tile_overlayer_lowered:
.L_overlay_start_2:
0x3d: {  	(tag) =	ssettag $0x2  }
0x3e: {  	s0 =	rddreg [dreg:$0x0];
	s2 =	stileid.u32  }
0x3f: {  	s1 =	rddreg [dreg:$0x1];
	p0 =	sne.s32 s2, $0x0  }
0x40: {  	s3 =	rddreg [dreg:$0x2];
	[bflag:$0x3] =	sbarrier.arrive $0xFFFF;
	s2 =	simm.s32 @!p0 $0x1C02  }
0x41: {  	[timem:s3], [sflag:s2] =	dma.local @!p0 [hbm:s0], s1  }
0x42: {  	s0 =	simm.s32 @!p0 $0x2  }
0x43: {  	_ =	swait.ge @!p0 [sflag:s0], s1  }
0x44: {  	s1 =	ssub.s32 @!p0 $0x0, s1;
	[sflag:s0] =	ssyncset.done @!p0 $0x0  }
0x45: {  	[sflag:s0] =	ssyncadd.s32 @!p0 s1  }
0x46: {  	[bflag:$0x3] =	sbarrier.arrive $0xFFFF  }
0x47: {  	_ =	shalt  }

</sc_bundles>
